<compile_context>
chip_gen: v7x
topology: tpu7x:2x2x1
jax: 0.10.2.dev20260603
libtpu: 0.0.44.dev20260713+nightly
codegen_flags: <defaults>
</compile_context>

<pallas_src>
import dataclasses
import functools

import jax
import jax.numpy as jnp
from jax import lax
from jax.experimental import pallas as pl
from jax.experimental.pallas import tpu as pltpu
from jax.experimental.pallas import tpu_sc as plsc

NC = 2
NS = 16
LANES = 16
NW = NC * NS
CHUNK = 128


def _mesh():
    return plsc.VectorSubcoreMesh(core_axis_name="c", subcore_axis_name="s")


def _sc_params():
    cp = pltpu.CompilerParams()
    fields = pltpu.CompilerParams.__dataclass_fields__
    if "needs_layout_passes" in fields:
        cp = dataclasses.replace(cp, needs_layout_passes=False)
    return cp


def _sc_deg(edata, n_pad):
    ec = edata.shape[1]
    rpt = n_pad // NS

    @functools.partial(
        pl.kernel,
        out_type=jax.ShapeDtypeStruct((NC, n_pad), jnp.float32),
        mesh=_mesh(),
        compiler_params=_sc_params(),
        scratch_types=[
            pltpu.VMEM((ec, 2, CHUNK), jnp.int32),
            pltpu.VMEM((n_pad,), jnp.float32),
            pltpu.VMEM((rpt,), jnp.float32),
            pltpu.VMEM((rpt,), jnp.float32),
            pltpu.VMEM_SHARED((NS, n_pad), jnp.float32),
        ],
    )
    def k(edata_hbm, out_hbm, ed_v, deg_v, acc_v, tmp_v, shared):
        cid = lax.axis_index("c")
        sid = lax.axis_index("s")
        wid = cid * NS + sid
        pltpu.sync_copy(edata_hbm.at[wid], ed_v)

        z16 = jnp.zeros((LANES,), jnp.float32)

        @pl.loop(0, n_pad // LANES)
        def _(i):
            deg_v[pl.ds(i * LANES, LANES)] = z16

        @pl.loop(0, ec)
        def _(j):
            for kk in range(CHUNK // LANES):
                idx = ed_v[j, 0, pl.ds(kk * LANES, LANES)]
                val = plsc.bitcast(ed_v[j, 1, pl.ds(kk * LANES, LANES)],
                                   jnp.float32)
                plsc.addupdate_scatter(deg_v, [idx], val)

        pltpu.sync_copy(deg_v, shared.at[sid])
        plsc.subcore_barrier()
        base = sid * rpt
        pltpu.sync_copy(shared.at[0, pl.ds(base, rpt)], acc_v)
        for t in range(1, NS):
            pltpu.sync_copy(shared.at[t, pl.ds(base, rpt)], tmp_v)

            @pl.loop(0, rpt // LANES)
            def _(i):
                sl = pl.ds(i * LANES, LANES)
                acc_v[sl] = acc_v[sl] + tmp_v[sl]

        pltpu.sync_copy(acc_v, out_hbm.at[cid, pl.ds(base, rpt)])

    return k(edata)


def _sc_agg(y, src_sh, dst_sh, ew_sh, n_pad, ec0, ec1):
    ec = src_sh.shape[1]
    d = y.shape[1]
    rpt = n_pad // NS
    nblk = rpt // CHUNK

    @functools.partial(
        pl.kernel,
        out_type=jax.ShapeDtypeStruct((NC, n_pad, d), jnp.float32),
        mesh=_mesh(),
        compiler_params=_sc_params(),
        scratch_types=[
            pltpu.VMEM((ec, CHUNK), jnp.int32),
            pltpu.VMEM((ec, CHUNK), jnp.int32),
            pltpu.VMEM((CHUNK,), jnp.float32),
            pltpu.VMEM((CHUNK,), jnp.float32),
            pltpu.VMEM((CHUNK, d), jnp.float32),
            pltpu.VMEM_SHARED((n_pad, d), jnp.float32),
            pltpu.SemaphoreType.DMA,
            pltpu.SemaphoreType.DMA,
            pltpu.SemaphoreType.DMA,
        ],
    )
    def k(y_hbm, src_hbm, dst_hbm, ew_hbm, out_hbm,
          src_v, dst_v, ew_a, ew_b, rows_v, acc, sem, sem_ea, sem_eb):
        cid = lax.axis_index("c")
        sid = lax.axis_index("s")
        wid = cid * NS + sid
        pltpu.sync_copy(src_hbm.at[wid], src_v)
        pltpu.sync_copy(dst_hbm.at[wid], dst_v)
        pltpu.async_copy(ew_hbm.at[wid, 0], ew_a, sem_ea)

        z16 = jnp.zeros((LANES,), jnp.float32)

        @pl.loop(0, CHUNK)
        def _(r):
            for s in range(d // LANES):
                rows_v[r, pl.ds(s * LANES, LANES)] = z16

        base = sid * rpt
        for b in range(nblk):
            pltpu.sync_copy(rows_v, acc.at[pl.ds(base + b * CHUNK, CHUNK)])
        plsc.subcore_barrier()

        ecb = jnp.where(cid == 0, ec0, ec1)

        @pl.loop(0, ecb, step=2)
        def _(j0):
            for half in range(2):
                j = j0 + half
                ew_cur = ew_a if half == 0 else ew_b
                ew_nxt = ew_b if half == 0 else ew_a
                se_cur = sem_ea if half == 0 else sem_eb
                se_nxt = sem_eb if half == 0 else sem_ea

                pltpu.async_copy(y_hbm.at[src_v.at[j]], rows_v, sem).wait()

                @pl.when(j + 1 < ecb)
                def _():
                    pltpu.async_copy(ew_hbm.at[wid, j + 1], ew_nxt, se_nxt)

                pltpu.make_async_copy(ew_hbm.at[wid, j], ew_cur, se_cur).wait()

                @pl.loop(0, CHUNK)
                def _(r):
                    rv = jnp.full((LANES,), r, jnp.int32)
                    ewb = plsc.load_gather(ew_cur, [rv])
                    for s in range(d // LANES):
                        sl = pl.ds(s * LANES, LANES)
                        rows_v[r, sl] = rows_v[r, sl] * ewb

                pltpu.sync_copy(rows_v, acc.at[dst_v.at[j]], add=True)

        plsc.subcore_barrier()
        for b in range(nblk):
            st = base + b * CHUNK
            pltpu.sync_copy(acc.at[pl.ds(st, CHUNK)],
                            out_hbm.at[cid, pl.ds(st, CHUNK)])

    return k(y, src_sh, dst_sh, ew_sh)


_BLK = 512


def _dot(a, b):
    return jnp.dot(a, b, preferred_element_type=jnp.float32,
                   precision=lax.Precision.HIGHEST)


def _tc_first(x_pad, w1, degp_t):
    n_pad, d = x_pad.shape

    def body(x_ref, w_ref, dp_ref, y_ref, dinv_ref):
        deg = 1.0 + dp_ref[:, 0] + dp_ref[:, 1]
        dinv = jnp.where(deg > 0, lax.rsqrt(deg), 0.0)
        y_ref[...] = dinv[:, None] * _dot(x_ref[...], w_ref[...])
        dinv_ref[...] = dinv

    return pl.pallas_call(
        body,
        grid=(n_pad // _BLK,),
        in_specs=[
            pl.BlockSpec((_BLK, d), lambda i: (i, 0)),
            pl.BlockSpec((d, d), lambda i: (0, 0)),
            pl.BlockSpec((_BLK, 2), lambda i: (i, 0)),
        ],
        out_specs=[
            pl.BlockSpec((_BLK, d), lambda i: (i, 0)),
            pl.BlockSpec((_BLK,), lambda i: (i,)),
        ],
        out_shape=[
            jax.ShapeDtypeStruct((n_pad, d), jnp.float32),
            jax.ShapeDtypeStruct((n_pad,), jnp.float32),
        ],
    )(x_pad, w1, degp_t)


def _tc_mid(pagg, y_prev, dinv, b_prev, w_next):
    n_pad, d = y_prev.shape

    def body(p_ref, y_ref, dinv_ref, b_ref, w_ref, o_ref):
        dv = dinv_ref[...]
        t = p_ref[0] + p_ref[1] + y_ref[...]
        h = jnp.maximum(dv[:, None] * t + b_ref[...], 0.0)
        o_ref[...] = dv[:, None] * _dot(h, w_ref[...])

    return pl.pallas_call(
        body,
        grid=(n_pad // _BLK,),
        in_specs=[
            pl.BlockSpec((NC, _BLK, d), lambda i: (0, i, 0)),
            pl.BlockSpec((_BLK, d), lambda i: (i, 0)),
            pl.BlockSpec((_BLK,), lambda i: (i,)),
            pl.BlockSpec((d,), lambda i: (0,)),
            pl.BlockSpec((d, d), lambda i: (0, 0)),
        ],
        out_specs=pl.BlockSpec((_BLK, d), lambda i: (i, 0)),
        out_shape=jax.ShapeDtypeStruct((n_pad, d), jnp.float32),
    )(pagg, y_prev, dinv, b_prev, w_next)


def _tc_final(pagg, y_prev, dinv, b_prev, wl, bl):
    n_pad, d = y_prev.shape
    c = wl.shape[1]

    def body(p_ref, y_ref, dinv_ref, b_ref, wl_ref, bl_ref, o_ref):
        dv = dinv_ref[...]
        t = p_ref[0] + p_ref[1] + y_ref[...]
        h = jnp.maximum(dv[:, None] * t + b_ref[...], 0.0)
        o = _dot(h, wl_ref[...]) + bl_ref[...]
        m = jnp.max(o, axis=-1, keepdims=True)
        lse = jnp.log(jnp.sum(jnp.exp(o - m), axis=-1, keepdims=True)) + m
        o_ref[...] = o - lse

    return pl.pallas_call(
        body,
        grid=(n_pad // _BLK,),
        in_specs=[
            pl.BlockSpec((NC, _BLK, d), lambda i: (0, i, 0)),
            pl.BlockSpec((_BLK, d), lambda i: (i, 0)),
            pl.BlockSpec((_BLK,), lambda i: (i,)),
            pl.BlockSpec((d,), lambda i: (0,)),
            pl.BlockSpec((d, c), lambda i: (0, 0)),
            pl.BlockSpec((c,), lambda i: (0,)),
        ],
        out_specs=pl.BlockSpec((_BLK, c), lambda i: (i, 0)),
        out_shape=jax.ShapeDtypeStruct((n_pad, c), jnp.float32),
    )(pagg, y_prev, dinv, b_prev, wl, bl)


def kernel(x, edge_index, edge_weight, W1, b1, W2, b2, W3, b3, Wl, bl):
    n, d = x.shape
    e = edge_index.shape[1]
    n_pad = -(-n // (NS * CHUNK)) * NS * CHUNK

    t = -(-e // (NS * CHUNK))
    ec0 = max(2, (int(t * 0.65) // 2) * 2)
    ec1 = -(-(t - ec0) // 2) * 2
    cap = NS * (ec0 + ec1) * CHUNK

    def shard(a):
        ap = jnp.concatenate([a, jnp.zeros((cap - e,), a.dtype)])
        c0 = ap[: NS * ec0 * CHUNK].reshape(NS, ec0, CHUNK)
        c1 = ap[NS * ec0 * CHUNK:].reshape(NS, ec1, CHUNK)
        c1 = jnp.pad(c1, ((0, 0), (0, ec0 - ec1), (0, 0)))
        return jnp.concatenate([c0, c1], axis=0)

    src = shard(edge_index[0])
    dst = shard(edge_index[1])
    ew = shard(edge_weight)
    ew_bits = lax.bitcast_convert_type(ew, jnp.int32)
    edata = jnp.stack([dst, ew_bits], axis=2)
    x_pad = jnp.pad(x, ((0, n_pad - n), (0, 0)))

    degp = _sc_deg(edata, n_pad)
    y1, dinv = _tc_first(x_pad, W1, degp.T)
    p1 = _sc_agg(y1, src, dst, ew, n_pad, ec0, ec1)
    y2 = _tc_mid(p1, y1, dinv, b1, W2)
    p2 = _sc_agg(y2, src, dst, ew, n_pad, ec0, ec1)
    y3 = _tc_mid(p2, y2, dinv, b2, W3)
    p3 = _sc_agg(y3, src, dst, ew, n_pad, ec0, ec1)
    out = _tc_final(p3, y3, dinv, b3, Wl, bl)
    return out[:n]

# --- scband reference (transcript-rebuilt; emitter-appended) ---
"""Pipeline reference for scband-gcn-352187318590 (READ-ONLY COPY).

The authoritative reference and input builder live on the scoring server;
editing this copy changes nothing except your own understanding.
"""

import jax, jax.numpy as jnp
import numpy as np

N = 10000
E = 320000
D = 128
H = 128
C = 64


def setup_inputs(seed: int = 0) -> dict:
    key = jax.random.key(seed)
    ks = jax.random.split(key, 12)
    x = jax.random.normal(ks[0], (N, D), dtype=jnp.float32)
    edge_index = jax.random.randint(ks[1], (2, E), 0, N, dtype=jnp.int32)
    edge_weight = jax.random.uniform(ks[2], (E,), dtype=jnp.float32)
    W1 = jax.random.normal(ks[3], (D, H), dtype=jnp.float32) * (1.0 / np.sqrt(D))
    b1 = jnp.zeros((H,), dtype=jnp.float32)
    W2 = jax.random.normal(ks[4], (H, H), dtype=jnp.float32) * (1.0 / np.sqrt(H))
    b2 = jnp.zeros((H,), dtype=jnp.float32)
    W3 = jax.random.normal(ks[5], (H, H), dtype=jnp.float32) * (1.0 / np.sqrt(H))
    b3 = jnp.zeros((H,), dtype=jnp.float32)
    Wl = jax.random.normal(ks[6], (H, C), dtype=jnp.float32) * (1.0 / np.sqrt(H))
    bl = jnp.zeros((C,), dtype=jnp.float32)
    return {"x": x, "edge_index": edge_index, "edge_weight": edge_weight,
            "W1": W1, "b1": b1, "W2": W2, "b2": b2, "W3": W3, "b3": b3,
            "Wl": Wl, "bl": bl}


def _gcn_conv(x, src, dst, ew, W, b, n):
    # x @ W then symmetric-normalized aggregation (PyG GCNConv semantics,
    # with self-loops already appended to src/dst/ew by the caller)
    xw = x @ W
    deg = jax.ops.segment_sum(ew, dst, num_segments=n)
    dinv = jnp.where(deg > 0, deg ** -0.5, 0.0)
    norm = dinv[src] * ew * dinv[dst]
    out = jax.ops.segment_sum(norm[:, None] * xw[src], dst, num_segments=n)
    return out + b


def reference(x, edge_index, edge_weight, W1, b1, W2, b2, W3, b3, Wl, bl):
    n = x.shape[0]
    loop = jnp.arange(n, dtype=edge_index.dtype)
    src = jnp.concatenate([edge_index[0], loop])
    dst = jnp.concatenate([edge_index[1], loop])
    ew = jnp.concatenate([edge_weight, jnp.ones((n,), dtype=edge_weight.dtype)])
    h = jax.nn.relu(_gcn_conv(x, src, dst, ew, W1, b1, n))
    # dropout p=0.2 is identity in eval mode
    h = jax.nn.relu(_gcn_conv(h, src, dst, ew, W2, b2, n))
    h = jax.nn.relu(_gcn_conv(h, src, dst, ew, W3, b3, n))
    out = h @ Wl + bl
    return jax.nn.log_softmax(out, axis=-1)

if __name__ == "__main__":
    import jax
    _d = setup_inputs()
    print(jax.jit(kernel)(*tuple(_d.values())))

</pallas_src>

<mosaic_0001>
#map = affine_map<(d0, d1) -> (0, 0)>
#map1 = affine_map<(d0, d1) -> (0, 0, 0)>
module attributes {stable_mosaic.version = 14 : i64} {
  func.func @k(%arg0: i32, %arg1: i32, %arg2: memref<10240x128xf32, #tpu.memory_space<hbm>>, %arg3: memref<32x102x128xi32, #tpu.memory_space<hbm>>, %arg4: memref<32x102x128xi32, #tpu.memory_space<hbm>>, %arg5: memref<32x102x128xf32, #tpu.memory_space<hbm>>, %arg6: memref<2x10240x128xf32, #tpu.memory_space<hbm>>, %arg7: memref<102x128xi32, #tpu.memory_space<vmem>>, %arg8: memref<102x128xi32, #tpu.memory_space<vmem>>, %arg9: memref<128xf32, #tpu.memory_space<vmem>>, %arg10: memref<128xf32, #tpu.memory_space<vmem>>, %arg11: memref<128x128xf32, #tpu.memory_space<vmem>>, %arg12: memref<10240x128xf32, #tpu.memory_space<vmem_shared>>, %arg13: memref<!tpu.dma_semaphore, #tpu.memory_space<semaphore_mem>>, %arg14: memref<!tpu.dma_semaphore, #tpu.memory_space<semaphore_mem>>, %arg15: memref<!tpu.dma_semaphore, #tpu.memory_space<semaphore_mem>>) attributes {dimension_semantics = [#tpu.dimension_semantics<core_parallel>, #tpu.dimension_semantics<subcore_parallel>], iteration_bounds = array<i64: 2, 16>, scalar_prefetch = 0 : i64, scratch_operands = 9 : i64, tpu.core_type = #tpu.core_type<sc_vector_subcore>, window_params = [{transform_indices = #map}, {transform_indices = #map1}, {transform_indices = #map1}, {transform_indices = #map1}, {transform_indices = #map1}]} {
    %mul3A = arith.constant 16 : i32
    %mul3A_0 = arith.muli %arg0, %mul3A : i32
    %add3A = arith.addi %mul3A_0, %arg1 : i32
    "tpu.region"() ({
      %run_scoped3A = tpu.sem_alloc : memref<!tpu.dma_semaphore, #tpu.memory_space<semaphore_mem>>
      %dma_start3A_53 = arith.constant 0 : i32
      %dma_start3A_54 = arith.constant 0 : i32
      %dma_start3A_55 = tpu.memref_slice %arg3[%add3A, %dma_start3A_53, %dma_start3A_54] : memref<32x102x128xi32, #tpu.memory_space<hbm>> -> memref<1x102x128xi32, #tpu.memory_space<hbm>>
      %dma_start3A_56 = tpu.memref_squeeze %dma_start3A_55 : memref<1x102x128xi32, #tpu.memory_space<hbm>> -> memref<102x128xi32, #tpu.memory_space<hbm>>
      %dma_start3A_57 = arith.constant 0 : i32
      %dma_start3A_58 = arith.constant 0 : i32
      %dma_start3A_59 = tpu.memref_slice %arg3[%add3A, %dma_start3A_57, %dma_start3A_58] : memref<32x102x128xi32, #tpu.memory_space<hbm>> -> memref<1x102x128xi32, #tpu.memory_space<hbm>>
      %dma_start3A_60 = tpu.memref_squeeze %dma_start3A_59 : memref<1x102x128xi32, #tpu.memory_space<hbm>> -> memref<102x128xi32, #tpu.memory_space<hbm>>
      tpu.enqueue_dma source(%dma_start3A_60 : memref<102x128xi32, #tpu.memory_space<hbm>>) target(%arg7 : memref<102x128xi32, #tpu.memory_space<vmem>>) target_semaphore(%run_scoped3A : memref<!tpu.dma_semaphore, #tpu.memory_space<semaphore_mem>>)
      %dma_wait3A = arith.constant 0 : i32
      %dma_wait3A_61 = arith.constant 0 : i32
      %dma_wait3A_62 = tpu.memref_slice %arg3[%add3A, %dma_wait3A, %dma_wait3A_61] : memref<32x102x128xi32, #tpu.memory_space<hbm>> -> memref<1x102x128xi32, #tpu.memory_space<hbm>>
      %dma_wait3A_63 = tpu.memref_squeeze %dma_wait3A_62 : memref<1x102x128xi32, #tpu.memory_space<hbm>> -> memref<102x128xi32, #tpu.memory_space<hbm>>
      %dma_wait3A_64 = arith.constant 0 : i32
      %dma_wait3A_65 = arith.constant 0 : i32
      %dma_wait3A_66 = tpu.memref_slice %arg3[%add3A, %dma_wait3A_64, %dma_wait3A_65] : memref<32x102x128xi32, #tpu.memory_space<hbm>> -> memref<1x102x128xi32, #tpu.memory_space<hbm>>
      %dma_wait3A_67 = tpu.memref_squeeze %dma_wait3A_66 : memref<1x102x128xi32, #tpu.memory_space<hbm>> -> memref<102x128xi32, #tpu.memory_space<hbm>>
      tpu.wait_dma2 semaphore(%run_scoped3A : memref<!tpu.dma_semaphore, #tpu.memory_space<semaphore_mem>>) src(%dma_wait3A_67 : memref<102x128xi32, #tpu.memory_space<hbm>>) dst(%arg7 : memref<102x128xi32, #tpu.memory_space<vmem>>)
      tpu.yield
    }) : () -> ()
    "tpu.region"() ({
      %run_scoped3A = tpu.sem_alloc : memref<!tpu.dma_semaphore, #tpu.memory_space<semaphore_mem>>
      %dma_start3A_53 = arith.constant 0 : i32
      %dma_start3A_54 = arith.constant 0 : i32
      %dma_start3A_55 = tpu.memref_slice %arg4[%add3A, %dma_start3A_53, %dma_start3A_54] : memref<32x102x128xi32, #tpu.memory_space<hbm>> -> memref<1x102x128xi32, #tpu.memory_space<hbm>>
      %dma_start3A_56 = tpu.memref_squeeze %dma_start3A_55 : memref<1x102x128xi32, #tpu.memory_space<hbm>> -> memref<102x128xi32, #tpu.memory_space<hbm>>
      %dma_start3A_57 = arith.constant 0 : i32
      %dma_start3A_58 = arith.constant 0 : i32
      %dma_start3A_59 = tpu.memref_slice %arg4[%add3A, %dma_start3A_57, %dma_start3A_58] : memref<32x102x128xi32, #tpu.memory_space<hbm>> -> memref<1x102x128xi32, #tpu.memory_space<hbm>>
      %dma_start3A_60 = tpu.memref_squeeze %dma_start3A_59 : memref<1x102x128xi32, #tpu.memory_space<hbm>> -> memref<102x128xi32, #tpu.memory_space<hbm>>
      tpu.enqueue_dma source(%dma_start3A_60 : memref<102x128xi32, #tpu.memory_space<hbm>>) target(%arg8 : memref<102x128xi32, #tpu.memory_space<vmem>>) target_semaphore(%run_scoped3A : memref<!tpu.dma_semaphore, #tpu.memory_space<semaphore_mem>>)
      %dma_wait3A = arith.constant 0 : i32
      %dma_wait3A_61 = arith.constant 0 : i32
      %dma_wait3A_62 = tpu.memref_slice %arg4[%add3A, %dma_wait3A, %dma_wait3A_61] : memref<32x102x128xi32, #tpu.memory_space<hbm>> -> memref<1x102x128xi32, #tpu.memory_space<hbm>>
      %dma_wait3A_63 = tpu.memref_squeeze %dma_wait3A_62 : memref<1x102x128xi32, #tpu.memory_space<hbm>> -> memref<102x128xi32, #tpu.memory_space<hbm>>
      %dma_wait3A_64 = arith.constant 0 : i32
      %dma_wait3A_65 = arith.constant 0 : i32
      %dma_wait3A_66 = tpu.memref_slice %arg4[%add3A, %dma_wait3A_64, %dma_wait3A_65] : memref<32x102x128xi32, #tpu.memory_space<hbm>> -> memref<1x102x128xi32, #tpu.memory_space<hbm>>
      %dma_wait3A_67 = tpu.memref_squeeze %dma_wait3A_66 : memref<1x102x128xi32, #tpu.memory_space<hbm>> -> memref<102x128xi32, #tpu.memory_space<hbm>>
      tpu.wait_dma2 semaphore(%run_scoped3A : memref<!tpu.dma_semaphore, #tpu.memory_space<semaphore_mem>>) src(%dma_wait3A_67 : memref<102x128xi32, #tpu.memory_space<hbm>>) dst(%arg8 : memref<102x128xi32, #tpu.memory_space<vmem>>)
      tpu.yield
    }) : () -> ()
    %dma_start3A = arith.constant 0 : i32
    %dma_start3A_1 = arith.constant 0 : i32
    %dma_start3A_2 = tpu.memref_slice %arg5[%add3A, %dma_start3A, %dma_start3A_1] : memref<32x102x128xf32, #tpu.memory_space<hbm>> -> memref<1x1x128xf32, #tpu.memory_space<hbm>>
    %dma_start3A_3 = tpu.memref_squeeze %dma_start3A_2 : memref<1x1x128xf32, #tpu.memory_space<hbm>> -> memref<128xf32, #tpu.memory_space<hbm>>
    %dma_start3A_4 = arith.constant 0 : i32
    %dma_start3A_5 = tpu.memref_slice %arg5[%add3A, %dma_start3A, %dma_start3A_4] : memref<32x102x128xf32, #tpu.memory_space<hbm>> -> memref<1x1x128xf32, #tpu.memory_space<hbm>>
    %dma_start3A_6 = tpu.memref_squeeze %dma_start3A_5 : memref<1x1x128xf32, #tpu.memory_space<hbm>> -> memref<128xf32, #tpu.memory_space<hbm>>
    tpu.enqueue_dma source(%dma_start3A_6 : memref<128xf32, #tpu.memory_space<hbm>>) target(%arg9 : memref<128xf32, #tpu.memory_space<vmem>>) target_semaphore(%arg14 : memref<!tpu.dma_semaphore, #tpu.memory_space<semaphore_mem>>)
    %broadcast_in_dim3A = arith.constant 0.000000e+00 : f32
    %broadcast_in_dim3A_7 = vector.broadcast %broadcast_in_dim3A : f32 to vector<16xf32>
    %scan3A = arith.constant 0 : i32
    %scan3A_8 = arith.constant 128 : i32
    %scan3A_9 = arith.addi %scan3A, %scan3A_8 : i32
    %scan3A_10 = arith.constant 1 : i32
    scf.for %scan3A_53 = %scan3A to %scan3A_9 step %scan3A_10  : i32 {
      %mul3A_54 = arith.constant 1 : i32
      %mul3A_55 = arith.muli %scan3A_53, %mul3A_54 : i32
      %add3A_56 = arith.constant 0 : i32
      %add3A_57 = arith.addi %add3A_56, %mul3A_55 : i32
      %swap3A = arith.index_cast %add3A_57 : i32 to index
      %swap3A_58 = arith.constant 0 : index
      %swap3A_59 = tpu.vector_load %arg11[%swap3A, %swap3A_58] {strides = array<i32>} : memref<128x128xf32, #tpu.memory_space<vmem>>, vector<16xf32>,
      tpu.vector_store %arg11[%swap3A, %swap3A_58], %broadcast_in_dim3A_7 {strides = array<i32>} : memref<128x128xf32, #tpu.memory_space<vmem>>, vector<16xf32>,
      %swap3A_60 = arith.index_cast %add3A_57 : i32 to index
      %swap3A_61 = arith.constant 16 : index
      %swap3A_62 = tpu.vector_load %arg11[%swap3A_60, %swap3A_61] {strides = array<i32>} : memref<128x128xf32, #tpu.memory_space<vmem>>, vector<16xf32>,
      tpu.vector_store %arg11[%swap3A_60, %swap3A_61], %broadcast_in_dim3A_7 {strides = array<i32>} : memref<128x128xf32, #tpu.memory_space<vmem>>, vector<16xf32>,
      %swap3A_63 = arith.index_cast %add3A_57 : i32 to index
      %swap3A_64 = arith.constant 32 : index
      %swap3A_65 = tpu.vector_load %arg11[%swap3A_63, %swap3A_64] {strides = array<i32>} : memref<128x128xf32, #tpu.memory_space<vmem>>, vector<16xf32>,
      tpu.vector_store %arg11[%swap3A_63, %swap3A_64], %broadcast_in_dim3A_7 {strides = array<i32>} : memref<128x128xf32, #tpu.memory_space<vmem>>, vector<16xf32>,
      %swap3A_66 = arith.index_cast %add3A_57 : i32 to index
      %swap3A_67 = arith.constant 48 : index
      %swap3A_68 = tpu.vector_load %arg11[%swap3A_66, %swap3A_67] {strides = array<i32>} : memref<128x128xf32, #tpu.memory_space<vmem>>, vector<16xf32>,
      tpu.vector_store %arg11[%swap3A_66, %swap3A_67], %broadcast_in_dim3A_7 {strides = array<i32>} : memref<128x128xf32, #tpu.memory_space<vmem>>, vector<16xf32>,
      %swap3A_69 = arith.index_cast %add3A_57 : i32 to index
      %swap3A_70 = arith.constant 64 : index
      %swap3A_71 = tpu.vector_load %arg11[%swap3A_69, %swap3A_70] {strides = array<i32>} : memref<128x128xf32, #tpu.memory_space<vmem>>, vector<16xf32>,
      tpu.vector_store %arg11[%swap3A_69, %swap3A_70], %broadcast_in_dim3A_7 {strides = array<i32>} : memref<128x128xf32, #tpu.memory_space<vmem>>, vector<16xf32>,
      %swap3A_72 = arith.index_cast %add3A_57 : i32 to index
      %swap3A_73 = arith.constant 80 : index
      %swap3A_74 = tpu.vector_load %arg11[%swap3A_72, %swap3A_73] {strides = array<i32>} : memref<128x128xf32, #tpu.memory_space<vmem>>, vector<16xf32>,
      tpu.vector_store %arg11[%swap3A_72, %swap3A_73], %broadcast_in_dim3A_7 {strides = array<i32>} : memref<128x128xf32, #tpu.memory_space<vmem>>, vector<16xf32>,
      %swap3A_75 = arith.index_cast %add3A_57 : i32 to index
      %swap3A_76 = arith.constant 96 : index
      %swap3A_77 = tpu.vector_load %arg11[%swap3A_75, %swap3A_76] {strides = array<i32>} : memref<128x128xf32, #tpu.memory_space<vmem>>, vector<16xf32>,
      tpu.vector_store %arg11[%swap3A_75, %swap3A_76], %broadcast_in_dim3A_7 {strides = array<i32>} : memref<128x128xf32, #tpu.memory_space<vmem>>, vector<16xf32>,
      %swap3A_78 = arith.index_cast %add3A_57 : i32 to index
      %swap3A_79 = arith.constant 112 : index
      %swap3A_80 = tpu.vector_load %arg11[%swap3A_78, %swap3A_79] {strides = array<i32>} : memref<128x128xf32, #tpu.memory_space<vmem>>, vector<16xf32>,
      tpu.vector_store %arg11[%swap3A_78, %swap3A_79], %broadcast_in_dim3A_7 {strides = array<i32>} : memref<128x128xf32, #tpu.memory_space<vmem>>, vector<16xf32>,
    }
    %scan3A_11 = arith.constant 128 : i32
    %mul3A_12 = arith.constant 640 : i32
    %mul3A_13 = arith.muli %arg1, %mul3A_12 : i32
    %add3A_14 = arith.constant 0 : i32
    %add3A_15 = arith.addi %mul3A_13, %add3A_14 : i32
    "tpu.region"() ({
      %run_scoped3A = tpu.sem_alloc : memref<!tpu.dma_semaphore, #tpu.memory_space<semaphore_mem>>
      %dma_start3A_53 = arith.constant 0 : i32
      %dma_start3A_54 = tpu.memref_slice %arg12[%add3A_15, %dma_start3A_53] : memref<10240x128xf32, #tpu.memory_space<vmem_shared>> -> memref<128x128xf32, #tpu.memory_space<vmem_shared>>
      %dma_start3A_55 = arith.constant 0 : i32
      %dma_start3A_56 = tpu.memref_slice %arg12[%add3A_15, %dma_start3A_55] : memref<10240x128xf32, #tpu.memory_space<vmem_shared>> -> memref<128x128xf32, #tpu.memory_space<vmem_shared>>
      tpu.enqueue_dma source(%arg11 : memref<128x128xf32, #tpu.memory_space<vmem>>) target(%dma_start3A_56 : memref<128x128xf32, #tpu.memory_space<vmem_shared>>) target_semaphore(%run_scoped3A : memref<!tpu.dma_semaphore, #tpu.memory_space<semaphore_mem>>)
      %dma_wait3A = arith.constant 0 : i32
      %dma_wait3A_57 = tpu.memref_slice %arg12[%add3A_15, %dma_wait3A] : memref<10240x128xf32, #tpu.memory_space<vmem_shared>> -> memref<128x128xf32, #tpu.memory_space<vmem_shared>>
      %dma_wait3A_58 = arith.constant 0 : i32
      %dma_wait3A_59 = tpu.memref_slice %arg12[%add3A_15, %dma_wait3A_58] : memref<10240x128xf32, #tpu.memory_space<vmem_shared>> -> memref<128x128xf32, #tpu.memory_space<vmem_shared>>
      tpu.wait_dma2 semaphore(%run_scoped3A : memref<!tpu.dma_semaphore, #tpu.memory_space<semaphore_mem>>) src(%arg11 : memref<128x128xf32, #tpu.memory_space<vmem>>) dst(%dma_wait3A_59 : memref<128x128xf32, #tpu.memory_space<vmem_shared>>)
      tpu.yield
    }) : () -> ()
    %add3A_16 = arith.constant 128 : i32
    %add3A_17 = arith.addi %mul3A_13, %add3A_16 : i32
    "tpu.region"() ({
      %run_scoped3A = tpu.sem_alloc : memref<!tpu.dma_semaphore, #tpu.memory_space<semaphore_mem>>
      %dma_start3A_53 = arith.constant 0 : i32
      %dma_start3A_54 = tpu.memref_slice %arg12[%add3A_17, %dma_start3A_53] : memref<10240x128xf32, #tpu.memory_space<vmem_shared>> -> memref<128x128xf32, #tpu.memory_space<vmem_shared>>
      %dma_start3A_55 = arith.constant 0 : i32
      %dma_start3A_56 = tpu.memref_slice %arg12[%add3A_17, %dma_start3A_55] : memref<10240x128xf32, #tpu.memory_space<vmem_shared>> -> memref<128x128xf32, #tpu.memory_space<vmem_shared>>
      tpu.enqueue_dma source(%arg11 : memref<128x128xf32, #tpu.memory_space<vmem>>) target(%dma_start3A_56 : memref<128x128xf32, #tpu.memory_space<vmem_shared>>) target_semaphore(%run_scoped3A : memref<!tpu.dma_semaphore, #tpu.memory_space<semaphore_mem>>)
      %dma_wait3A = arith.constant 0 : i32
      %dma_wait3A_57 = tpu.memref_slice %arg12[%add3A_17, %dma_wait3A] : memref<10240x128xf32, #tpu.memory_space<vmem_shared>> -> memref<128x128xf32, #tpu.memory_space<vmem_shared>>
      %dma_wait3A_58 = arith.constant 0 : i32
      %dma_wait3A_59 = tpu.memref_slice %arg12[%add3A_17, %dma_wait3A_58] : memref<10240x128xf32, #tpu.memory_space<vmem_shared>> -> memref<128x128xf32, #tpu.memory_space<vmem_shared>>
      tpu.wait_dma2 semaphore(%run_scoped3A : memref<!tpu.dma_semaphore, #tpu.memory_space<semaphore_mem>>) src(%arg11 : memref<128x128xf32, #tpu.memory_space<vmem>>) dst(%dma_wait3A_59 : memref<128x128xf32, #tpu.memory_space<vmem_shared>>)
      tpu.yield
    }) : () -> ()
    %add3A_18 = arith.constant 256 : i32
    %add3A_19 = arith.addi %mul3A_13, %add3A_18 : i32
    "tpu.region"() ({
      %run_scoped3A = tpu.sem_alloc : memref<!tpu.dma_semaphore, #tpu.memory_space<semaphore_mem>>
      %dma_start3A_53 = arith.constant 0 : i32
      %dma_start3A_54 = tpu.memref_slice %arg12[%add3A_19, %dma_start3A_53] : memref<10240x128xf32, #tpu.memory_space<vmem_shared>> -> memref<128x128xf32, #tpu.memory_space<vmem_shared>>
      %dma_start3A_55 = arith.constant 0 : i32
      %dma_start3A_56 = tpu.memref_slice %arg12[%add3A_19, %dma_start3A_55] : memref<10240x128xf32, #tpu.memory_space<vmem_shared>> -> memref<128x128xf32, #tpu.memory_space<vmem_shared>>
      tpu.enqueue_dma source(%arg11 : memref<128x128xf32, #tpu.memory_space<vmem>>) target(%dma_start3A_56 : memref<128x128xf32, #tpu.memory_space<vmem_shared>>) target_semaphore(%run_scoped3A : memref<!tpu.dma_semaphore, #tpu.memory_space<semaphore_mem>>)
      %dma_wait3A = arith.constant 0 : i32
      %dma_wait3A_57 = tpu.memref_slice %arg12[%add3A_19, %dma_wait3A] : memref<10240x128xf32, #tpu.memory_space<vmem_shared>> -> memref<128x128xf32, #tpu.memory_space<vmem_shared>>
      %dma_wait3A_58 = arith.constant 0 : i32
      %dma_wait3A_59 = tpu.memref_slice %arg12[%add3A_19, %dma_wait3A_58] : memref<10240x128xf32, #tpu.memory_space<vmem_shared>> -> memref<128x128xf32, #tpu.memory_space<vmem_shared>>
      tpu.wait_dma2 semaphore(%run_scoped3A : memref<!tpu.dma_semaphore, #tpu.memory_space<semaphore_mem>>) src(%arg11 : memref<128x128xf32, #tpu.memory_space<vmem>>) dst(%dma_wait3A_59 : memref<128x128xf32, #tpu.memory_space<vmem_shared>>)
      tpu.yield
    }) : () -> ()
    %add3A_20 = arith.constant 384 : i32
    %add3A_21 = arith.addi %mul3A_13, %add3A_20 : i32
    "tpu.region"() ({
      %run_scoped3A = tpu.sem_alloc : memref<!tpu.dma_semaphore, #tpu.memory_space<semaphore_mem>>
      %dma_start3A_53 = arith.constant 0 : i32
      %dma_start3A_54 = tpu.memref_slice %arg12[%add3A_21, %dma_start3A_53] : memref<10240x128xf32, #tpu.memory_space<vmem_shared>> -> memref<128x128xf32, #tpu.memory_space<vmem_shared>>
      %dma_start3A_55 = arith.constant 0 : i32
      %dma_start3A_56 = tpu.memref_slice %arg12[%add3A_21, %dma_start3A_55] : memref<10240x128xf32, #tpu.memory_space<vmem_shared>> -> memref<128x128xf32, #tpu.memory_space<vmem_shared>>
      tpu.enqueue_dma source(%arg11 : memref<128x128xf32, #tpu.memory_space<vmem>>) target(%dma_start3A_56 : memref<128x128xf32, #tpu.memory_space<vmem_shared>>) target_semaphore(%run_scoped3A : memref<!tpu.dma_semaphore, #tpu.memory_space<semaphore_mem>>)
      %dma_wait3A = arith.constant 0 : i32
      %dma_wait3A_57 = tpu.memref_slice %arg12[%add3A_21, %dma_wait3A] : memref<10240x128xf32, #tpu.memory_space<vmem_shared>> -> memref<128x128xf32, #tpu.memory_space<vmem_shared>>
      %dma_wait3A_58 = arith.constant 0 : i32
      %dma_wait3A_59 = tpu.memref_slice %arg12[%add3A_21, %dma_wait3A_58] : memref<10240x128xf32, #tpu.memory_space<vmem_shared>> -> memref<128x128xf32, #tpu.memory_space<vmem_shared>>
      tpu.wait_dma2 semaphore(%run_scoped3A : memref<!tpu.dma_semaphore, #tpu.memory_space<semaphore_mem>>) src(%arg11 : memref<128x128xf32, #tpu.memory_space<vmem>>) dst(%dma_wait3A_59 : memref<128x128xf32, #tpu.memory_space<vmem_shared>>)
      tpu.yield
    }) : () -> ()
    %add3A_22 = arith.constant 512 : i32
    %add3A_23 = arith.addi %mul3A_13, %add3A_22 : i32
    "tpu.region"() ({
      %run_scoped3A = tpu.sem_alloc : memref<!tpu.dma_semaphore, #tpu.memory_space<semaphore_mem>>
      %dma_start3A_53 = arith.constant 0 : i32
      %dma_start3A_54 = tpu.memref_slice %arg12[%add3A_23, %dma_start3A_53] : memref<10240x128xf32, #tpu.memory_space<vmem_shared>> -> memref<128x128xf32, #tpu.memory_space<vmem_shared>>
      %dma_start3A_55 = arith.constant 0 : i32
      %dma_start3A_56 = tpu.memref_slice %arg12[%add3A_23, %dma_start3A_55] : memref<10240x128xf32, #tpu.memory_space<vmem_shared>> -> memref<128x128xf32, #tpu.memory_space<vmem_shared>>
      tpu.enqueue_dma source(%arg11 : memref<128x128xf32, #tpu.memory_space<vmem>>) target(%dma_start3A_56 : memref<128x128xf32, #tpu.memory_space<vmem_shared>>) target_semaphore(%run_scoped3A : memref<!tpu.dma_semaphore, #tpu.memory_space<semaphore_mem>>)
      %dma_wait3A = arith.constant 0 : i32
      %dma_wait3A_57 = tpu.memref_slice %arg12[%add3A_23, %dma_wait3A] : memref<10240x128xf32, #tpu.memory_space<vmem_shared>> -> memref<128x128xf32, #tpu.memory_space<vmem_shared>>
      %dma_wait3A_58 = arith.constant 0 : i32
      %dma_wait3A_59 = tpu.memref_slice %arg12[%add3A_23, %dma_wait3A_58] : memref<10240x128xf32, #tpu.memory_space<vmem_shared>> -> memref<128x128xf32, #tpu.memory_space<vmem_shared>>
      tpu.wait_dma2 semaphore(%run_scoped3A : memref<!tpu.dma_semaphore, #tpu.memory_space<semaphore_mem>>) src(%arg11 : memref<128x128xf32, #tpu.memory_space<vmem>>) dst(%dma_wait3A_59 : memref<128x128xf32, #tpu.memory_space<vmem_shared>>)
      tpu.yield
    }) : () -> ()
    %barrier3A = arith.constant 0 : index
    tpu.barrier barrier_id(%barrier3A)
    %eq3A = arith.constant 0 : i32
    %eq3A_24 = arith.cmpi eq, %arg0, %eq3A : i32
    %jit3A = arith.constant 102 : i32
    %jit3A_25 = arith.constant 56 : i32
    %select_n3A = arith.select %eq3A_24, %jit3A, %jit3A_25 : i32
    %sub3A = arith.constant 0 : i32
    %sub3A_26 = arith.subi %select_n3A, %sub3A : i32
    %sub3A_27 = arith.constant 2 : i32
    %sub3A_28 = arith.constant 1 : i32
    %sub3A_29 = arith.subi %sub3A_27, %sub3A_28 : i32
    %add3A_30 = arith.addi %sub3A_26, %sub3A_29 : i32
    %div3A = arith.constant 2 : i32
    %div3A_31 = arith.divsi %add3A_30, %div3A : i32
    %while3A = arith.constant 2 : i32
    %while3A_32 = arith.constant 0 : i32
    %while3A_33 = arith.constant 0 : i32
    %while3A_34 = arith.subi %div3A_31, %while3A_33 : i32
    %while3A_35 = arith.addi %while3A_33, %while3A_34 : i32
    %while3A_36 = arith.constant 1 : i32
    %while3A_37 = arith.divsi %while3A_34, %while3A_36 : i32
    %while3A_38 = arith.muli %while3A_37, %while3A_36 : i32
    %while3A_39 = arith.addi %while3A_33, %while3A_38 : i32
    %while3A_40 = arith.constant 1 : i32
    scf.for %while3A_53 = %while3A_33 to %while3A_39 step %while3A_40  : i32 {
      %mul3A_54 = arith.muli %while3A_53, %while3A : i32
      %add3A_55 = arith.addi %while3A_32, %mul3A_54 : i32
      %add3A_56 = arith.constant 0 : i32
      %add3A_57 = arith.addi %add3A_55, %add3A_56 : i32
      %dma_start3A_58 = arith.constant 0 : i32
      %dma_start3A_59 = tpu.memref_slice %arg7[%add3A_57, %dma_start3A_58] : memref<102x128xi32, #tpu.memory_space<vmem>> -> memref<1x128xi32, #tpu.memory_space<vmem>>
      %dma_start3A_60 = tpu.memref_squeeze %dma_start3A_59 : memref<1x128xi32, #tpu.memory_space<vmem>> -> memref<128xi32, #tpu.memory_space<vmem>>
      %dma_start3A_61 = arith.constant 0 : i32
      %dma_start3A_62 = arith.constant 0 : i32
      %dma_start3A_63 = tpu.memref_slice %arg2[%dma_start3A_61, %dma_start3A_62] : memref<10240x128xf32, #tpu.memory_space<hbm>> -> memref<10240x128xf32, #tpu.memory_space<hbm>>
      tpu.enqueue_indirect_dma source(%dma_start3A_63 : memref<10240x128xf32, #tpu.memory_space<hbm>>) target(%arg11 : memref<128x128xf32, #tpu.memory_space<vmem>>) offsets(%dma_start3A_60 : memref<128xi32, #tpu.memory_space<vmem>>) semaphore(%arg13 : memref<!tpu.dma_semaphore, #tpu.memory_space<semaphore_mem>>)
      %dma_wait3A = arith.constant 0 : i32
      %dma_wait3A_64 = tpu.memref_slice %arg7[%add3A_57, %dma_wait3A] : memref<102x128xi32, #tpu.memory_space<vmem>> -> memref<1x128xi32, #tpu.memory_space<vmem>>
      %dma_wait3A_65 = tpu.memref_squeeze %dma_wait3A_64 : memref<1x128xi32, #tpu.memory_space<vmem>> -> memref<128xi32, #tpu.memory_space<vmem>>
      %dma_wait3A_66 = arith.constant 0 : i32
      %dma_wait3A_67 = arith.constant 0 : i32
      %dma_wait3A_68 = tpu.memref_slice %arg2[%dma_wait3A_66, %dma_wait3A_67] : memref<10240x128xf32, #tpu.memory_space<hbm>> -> memref<10240x128xf32, #tpu.memory_space<hbm>>
      tpu.wait_indirect_dma semaphore(%arg13 : memref<!tpu.dma_semaphore, #tpu.memory_space<semaphore_mem>>) src(%dma_wait3A_68 : memref<10240x128xf32, #tpu.memory_space<hbm>>) dst(%arg11 : memref<128x128xf32, #tpu.memory_space<vmem>>)
      %add3A_69 = arith.constant 1 : i32
      %add3A_70 = arith.addi %add3A_57, %add3A_69 : i32
      %lt3A = arith.cmpi slt, %add3A_70, %select_n3A : i32
      %convert_element_type3A = arith.extui %lt3A : i1 to i32
      %cond3A = arith.constant 0 : i32
      %cond3A_71 = arith.cmpi ne, %convert_element_type3A, %cond3A : i32
      scf.if %cond3A_71 {
        %add3A_114 = arith.constant 1 : i32
        %add3A_115 = arith.addi %add3A_57, %add3A_114 : i32
        %dma_start3A_116 = arith.constant 0 : i32
        %dma_start3A_117 = tpu.memref_slice %arg5[%add3A, %add3A_115, %dma_start3A_116] : memref<32x102x128xf32, #tpu.memory_space<hbm>> -> memref<1x1x128xf32, #tpu.memory_space<hbm>>
        %dma_start3A_118 = tpu.memref_squeeze %dma_start3A_117 : memref<1x1x128xf32, #tpu.memory_space<hbm>> -> memref<128xf32, #tpu.memory_space<hbm>>
        %dma_start3A_119 = arith.constant 0 : i32
        %dma_start3A_120 = tpu.memref_slice %arg5[%add3A, %add3A_115, %dma_start3A_119] : memref<32x102x128xf32, #tpu.memory_space<hbm>> -> memref<1x1x128xf32, #tpu.memory_space<hbm>>
        %dma_start3A_121 = tpu.memref_squeeze %dma_start3A_120 : memref<1x1x128xf32, #tpu.memory_space<hbm>> -> memref<128xf32, #tpu.memory_space<hbm>>
        tpu.enqueue_dma source(%dma_start3A_121 : memref<128xf32, #tpu.memory_space<hbm>>) target(%arg10 : memref<128xf32, #tpu.memory_space<vmem>>) target_semaphore(%arg15 : memref<!tpu.dma_semaphore, #tpu.memory_space<semaphore_mem>>)
      } else {
      }
      %dma_wait3A_72 = arith.constant 0 : i32
      %dma_wait3A_73 = tpu.memref_slice %arg5[%add3A, %add3A_57, %dma_wait3A_72] : memref<32x102x128xf32, #tpu.memory_space<hbm>> -> memref<1x1x128xf32, #tpu.memory_space<hbm>>
      %dma_wait3A_74 = tpu.memref_squeeze %dma_wait3A_73 : memref<1x1x128xf32, #tpu.memory_space<hbm>> -> memref<128xf32, #tpu.memory_space<hbm>>
      %dma_wait3A_75 = arith.constant 0 : i32
      %dma_wait3A_76 = tpu.memref_slice %arg5[%add3A, %add3A_57, %dma_wait3A_75] : memref<32x102x128xf32, #tpu.memory_space<hbm>> -> memref<1x1x128xf32, #tpu.memory_space<hbm>>
      %dma_wait3A_77 = tpu.memref_squeeze %dma_wait3A_76 : memref<1x1x128xf32, #tpu.memory_space<hbm>> -> memref<128xf32, #tpu.memory_space<hbm>>
      tpu.wait_dma2 semaphore(%arg14 : memref<!tpu.dma_semaphore, #tpu.memory_space<semaphore_mem>>) src(%dma_wait3A_77 : memref<128xf32, #tpu.memory_space<hbm>>) dst(%arg9 : memref<128xf32, #tpu.memory_space<vmem>>)
      %scan3A_78 = arith.constant 0 : i32
      %scan3A_79 = arith.constant 128 : i32
      %scan3A_80 = arith.addi %scan3A_78, %scan3A_79 : i32
      %scan3A_81 = arith.constant 1 : i32
      scf.for %scan3A_114 = %scan3A_78 to %scan3A_80 step %scan3A_81  : i32 {
        %mul3A_115 = arith.constant 1 : i32
        %mul3A_116 = arith.muli %scan3A_114, %mul3A_115 : i32
        %add3A_117 = arith.constant 0 : i32
        %add3A_118 = arith.addi %add3A_117, %mul3A_116 : i32
        %broadcast_in_dim3A_119 = vector.broadcast %add3A_118 : i32 to vector<16xi32>
        %gather3A = tpu.vector_load_idx %arg9[%broadcast_in_dim3A_119] : memref<128xf32, #tpu.memory_space<vmem>>[vector<16xi32>], vector<16xf32>,
        %get3A = arith.index_cast %add3A_118 : i32 to index
        %get3A_120 = arith.constant 0 : index
        %get3A_121 = tpu.vector_load %arg11[%get3A, %get3A_120] {strides = array<i32>} : memref<128x128xf32, #tpu.memory_space<vmem>>, vector<16xf32>,
        %mul3A_122 = arith.mulf %get3A_121, %gather3A : vector<16xf32>
        %swap3A = arith.index_cast %add3A_118 : i32 to index
        %swap3A_123 = arith.constant 0 : index
        %swap3A_124 = tpu.vector_load %arg11[%swap3A, %swap3A_123] {strides = array<i32>} : memref<128x128xf32, #tpu.memory_space<vmem>>, vector<16xf32>,
        tpu.vector_store %arg11[%swap3A, %swap3A_123], %mul3A_122 {strides = array<i32>} : memref<128x128xf32, #tpu.memory_space<vmem>>, vector<16xf32>,
        %get3A_125 = arith.index_cast %add3A_118 : i32 to index
        %get3A_126 = arith.constant 16 : index
        %get3A_127 = tpu.vector_load %arg11[%get3A_125, %get3A_126] {strides = array<i32>} : memref<128x128xf32, #tpu.memory_space<vmem>>, vector<16xf32>,
        %mul3A_128 = arith.mulf %get3A_127, %gather3A : vector<16xf32>
        %swap3A_129 = arith.index_cast %add3A_118 : i32 to index
        %swap3A_130 = arith.constant 16 : index
        %swap3A_131 = tpu.vector_load %arg11[%swap3A_129, %swap3A_130] {strides = array<i32>} : memref<128x128xf32, #tpu.memory_space<vmem>>, vector<16xf32>,
        tpu.vector_store %arg11[%swap3A_129, %swap3A_130], %mul3A_128 {strides = array<i32>} : memref<128x128xf32, #tpu.memory_space<vmem>>, vector<16xf32>,
        %get3A_132 = arith.index_cast %add3A_118 : i32 to index
        %get3A_133 = arith.constant 32 : index
        %get3A_134 = tpu.vector_load %arg11[%get3A_132, %get3A_133] {strides = array<i32>} : memref<128x128xf32, #tpu.memory_space<vmem>>, vector<16xf32>,
        %mul3A_135 = arith.mulf %get3A_134, %gather3A : vector<16xf32>
        %swap3A_136 = arith.index_cast %add3A_118 : i32 to index
        %swap3A_137 = arith.constant 32 : index
        %swap3A_138 = tpu.vector_load %arg11[%swap3A_136, %swap3A_137] {strides = array<i32>} : memref<128x128xf32, #tpu.memory_space<vmem>>, vector<16xf32>,
        tpu.vector_store %arg11[%swap3A_136, %swap3A_137], %mul3A_135 {strides = array<i32>} : memref<128x128xf32, #tpu.memory_space<vmem>>, vector<16xf32>,
        %get3A_139 = arith.index_cast %add3A_118 : i32 to index
        %get3A_140 = arith.constant 48 : index
        %get3A_141 = tpu.vector_load %arg11[%get3A_139, %get3A_140] {strides = array<i32>} : memref<128x128xf32, #tpu.memory_space<vmem>>, vector<16xf32>,
        %mul3A_142 = arith.mulf %get3A_141, %gather3A : vector<16xf32>
        %swap3A_143 = arith.index_cast %add3A_118 : i32 to index
        %swap3A_144 = arith.constant 48 : index
        %swap3A_145 = tpu.vector_load %arg11[%swap3A_143, %swap3A_144] {strides = array<i32>} : memref<128x128xf32, #tpu.memory_space<vmem>>, vector<16xf32>,
        tpu.vector_store %arg11[%swap3A_143, %swap3A_144], %mul3A_142 {strides = array<i32>} : memref<128x128xf32, #tpu.memory_space<vmem>>, vector<16xf32>,
        %get3A_146 = arith.index_cast %add3A_118 : i32 to index
        %get3A_147 = arith.constant 64 : index
        %get3A_148 = tpu.vector_load %arg11[%get3A_146, %get3A_147] {strides = array<i32>} : memref<128x128xf32, #tpu.memory_space<vmem>>, vector<16xf32>,
        %mul3A_149 = arith.mulf %get3A_148, %gather3A : vector<16xf32>
        %swap3A_150 = arith.index_cast %add3A_118 : i32 to index
        %swap3A_151 = arith.constant 64 : index
        %swap3A_152 = tpu.vector_load %arg11[%swap3A_150, %swap3A_151] {strides = array<i32>} : memref<128x128xf32, #tpu.memory_space<vmem>>, vector<16xf32>,
        tpu.vector_store %arg11[%swap3A_150, %swap3A_151], %mul3A_149 {strides = array<i32>} : memref<128x128xf32, #tpu.memory_space<vmem>>, vector<16xf32>,
        %get3A_153 = arith.index_cast %add3A_118 : i32 to index
        %get3A_154 = arith.constant 80 : index
        %get3A_155 = tpu.vector_load %arg11[%get3A_153, %get3A_154] {strides = array<i32>} : memref<128x128xf32, #tpu.memory_space<vmem>>, vector<16xf32>,
        %mul3A_156 = arith.mulf %get3A_155, %gather3A : vector<16xf32>
        %swap3A_157 = arith.index_cast %add3A_118 : i32 to index
        %swap3A_158 = arith.constant 80 : index
        %swap3A_159 = tpu.vector_load %arg11[%swap3A_157, %swap3A_158] {strides = array<i32>} : memref<128x128xf32, #tpu.memory_space<vmem>>, vector<16xf32>,
        tpu.vector_store %arg11[%swap3A_157, %swap3A_158], %mul3A_156 {strides = array<i32>} : memref<128x128xf32, #tpu.memory_space<vmem>>, vector<16xf32>,
        %get3A_160 = arith.index_cast %add3A_118 : i32 to index
        %get3A_161 = arith.constant 96 : index
        %get3A_162 = tpu.vector_load %arg11[%get3A_160, %get3A_161] {strides = array<i32>} : memref<128x128xf32, #tpu.memory_space<vmem>>, vector<16xf32>,
        %mul3A_163 = arith.mulf %get3A_162, %gather3A : vector<16xf32>
        %swap3A_164 = arith.index_cast %add3A_118 : i32 to index
        %swap3A_165 = arith.constant 96 : index
        %swap3A_166 = tpu.vector_load %arg11[%swap3A_164, %swap3A_165] {strides = array<i32>} : memref<128x128xf32, #tpu.memory_space<vmem>>, vector<16xf32>,
        tpu.vector_store %arg11[%swap3A_164, %swap3A_165], %mul3A_163 {strides = array<i32>} : memref<128x128xf32, #tpu.memory_space<vmem>>, vector<16xf32>,
        %get3A_167 = arith.index_cast %add3A_118 : i32 to index
        %get3A_168 = arith.constant 112 : index
        %get3A_169 = tpu.vector_load %arg11[%get3A_167, %get3A_168] {strides = array<i32>} : memref<128x128xf32, #tpu.memory_space<vmem>>, vector<16xf32>,
        %mul3A_170 = arith.mulf %get3A_169, %gather3A : vector<16xf32>
        %swap3A_171 = arith.index_cast %add3A_118 : i32 to index
        %swap3A_172 = arith.constant 112 : index
        %swap3A_173 = tpu.vector_load %arg11[%swap3A_171, %swap3A_172] {strides = array<i32>} : memref<128x128xf32, #tpu.memory_space<vmem>>, vector<16xf32>,
        tpu.vector_store %arg11[%swap3A_171, %swap3A_172], %mul3A_170 {strides = array<i32>} : memref<128x128xf32, #tpu.memory_space<vmem>>, vector<16xf32>,
      }
      %scan3A_82 = arith.constant 128 : i32
      "tpu.region"() ({
        %run_scoped3A = tpu.sem_alloc : memref<!tpu.dma_semaphore, #tpu.memory_space<semaphore_mem>>
        %dma_start3A_114 = arith.constant 0 : i32
        %dma_start3A_115 = tpu.memref_slice %arg8[%add3A_57, %dma_start3A_114] : memref<102x128xi32, #tpu.memory_space<vmem>> -> memref<1x128xi32, #tpu.memory_space<vmem>>
        %dma_start3A_116 = tpu.memref_squeeze %dma_start3A_115 : memref<1x128xi32, #tpu.memory_space<vmem>> -> memref<128xi32, #tpu.memory_space<vmem>>
        %dma_start3A_117 = arith.constant 0 : i32
        %dma_start3A_118 = arith.constant 0 : i32
        %dma_start3A_119 = tpu.memref_slice %arg12[%dma_start3A_117, %dma_start3A_118] : memref<10240x128xf32, #tpu.memory_space<vmem_shared>> -> memref<10240x128xf32, #tpu.memory_space<vmem_shared>>
        tpu.enqueue_indirect_dma source(%arg11 : memref<128x128xf32, #tpu.memory_space<vmem>>) target(%dma_start3A_119 : memref<10240x128xf32, #tpu.memory_space<vmem_shared>>) offsets(%dma_start3A_116 : memref<128xi32, #tpu.memory_space<vmem>>) semaphore(%run_scoped3A : memref<!tpu.dma_semaphore, #tpu.memory_space<semaphore_mem>>) {add = true}
        %dma_wait3A_120 = arith.constant 0 : i32
        %dma_wait3A_121 = tpu.memref_slice %arg8[%add3A_57, %dma_wait3A_120] : memref<102x128xi32, #tpu.memory_space<vmem>> -> memref<1x128xi32, #tpu.memory_space<vmem>>
        %dma_wait3A_122 = tpu.memref_squeeze %dma_wait3A_121 : memref<1x128xi32, #tpu.memory_space<vmem>> -> memref<128xi32, #tpu.memory_space<vmem>>
        %dma_wait3A_123 = arith.constant 0 : i32
        %dma_wait3A_124 = arith.constant 0 : i32
        %dma_wait3A_125 = tpu.memref_slice %arg12[%dma_wait3A_123, %dma_wait3A_124] : memref<10240x128xf32, #tpu.memory_space<vmem_shared>> -> memref<10240x128xf32, #tpu.memory_space<vmem_shared>>
        tpu.wait_indirect_dma semaphore(%run_scoped3A : memref<!tpu.dma_semaphore, #tpu.memory_space<semaphore_mem>>) src(%arg11 : memref<128x128xf32, #tpu.memory_space<vmem>>) dst(%dma_wait3A_125 : memref<10240x128xf32, #tpu.memory_space<vmem_shared>>)
        tpu.yield
      }) : () -> ()
      %add3A_83 = arith.constant 1 : i32
      %add3A_84 = arith.addi %add3A_55, %add3A_83 : i32
      %dma_start3A_85 = arith.constant 0 : i32
      %dma_start3A_86 = tpu.memref_slice %arg7[%add3A_84, %dma_start3A_85] : memref<102x128xi32, #tpu.memory_space<vmem>> -> memref<1x128xi32, #tpu.memory_space<vmem>>
      %dma_start3A_87 = tpu.memref_squeeze %dma_start3A_86 : memref<1x128xi32, #tpu.memory_space<vmem>> -> memref<128xi32, #tpu.memory_space<vmem>>
      %dma_start3A_88 = arith.constant 0 : i32
      %dma_start3A_89 = arith.constant 0 : i32
      %dma_start3A_90 = tpu.memref_slice %arg2[%dma_start3A_88, %dma_start3A_89] : memref<10240x128xf32, #tpu.memory_space<hbm>> -> memref<10240x128xf32, #tpu.memory_space<hbm>>
      tpu.enqueue_indirect_dma source(%dma_start3A_90 : memref<10240x128xf32, #tpu.memory_space<hbm>>) target(%arg11 : memref<128x128xf32, #tpu.memory_space<vmem>>) offsets(%dma_start3A_87 : memref<128xi32, #tpu.memory_space<vmem>>) semaphore(%arg13 : memref<!tpu.dma_semaphore, #tpu.memory_space<semaphore_mem>>)
      %dma_wait3A_91 = arith.constant 0 : i32
      %dma_wait3A_92 = tpu.memref_slice %arg7[%add3A_84, %dma_wait3A_91] : memref<102x128xi32, #tpu.memory_space<vmem>> -> memref<1x128xi32, #tpu.memory_space<vmem>>
      %dma_wait3A_93 = tpu.memref_squeeze %dma_wait3A_92 : memref<1x128xi32, #tpu.memory_space<vmem>> -> memref<128xi32, #tpu.memory_space<vmem>>
      %dma_wait3A_94 = arith.constant 0 : i32
      %dma_wait3A_95 = arith.constant 0 : i32
      %dma_wait3A_96 = tpu.memref_slice %arg2[%dma_wait3A_94, %dma_wait3A_95] : memref<10240x128xf32, #tpu.memory_space<hbm>> -> memref<10240x128xf32, #tpu.memory_space<hbm>>
      tpu.wait_indirect_dma semaphore(%arg13 : memref<!tpu.dma_semaphore, #tpu.memory_space<semaphore_mem>>) src(%dma_wait3A_96 : memref<10240x128xf32, #tpu.memory_space<hbm>>) dst(%arg11 : memref<128x128xf32, #tpu.memory_space<vmem>>)
      %add3A_97 = arith.constant 1 : i32
      %add3A_98 = arith.addi %add3A_84, %add3A_97 : i32
      %lt3A_99 = arith.cmpi slt, %add3A_98, %select_n3A : i32
      %convert_element_type3A_100 = arith.extui %lt3A_99 : i1 to i32
      %cond3A_101 = arith.constant 0 : i32
      %cond3A_102 = arith.cmpi ne, %convert_element_type3A_100, %cond3A_101 : i32
      scf.if %cond3A_102 {
        %add3A_114 = arith.constant 1 : i32
        %add3A_115 = arith.addi %add3A_84, %add3A_114 : i32
        %dma_start3A_116 = arith.constant 0 : i32
        %dma_start3A_117 = tpu.memref_slice %arg5[%add3A, %add3A_115, %dma_start3A_116] : memref<32x102x128xf32, #tpu.memory_space<hbm>> -> memref<1x1x128xf32, #tpu.memory_space<hbm>>
        %dma_start3A_118 = tpu.memref_squeeze %dma_start3A_117 : memref<1x1x128xf32, #tpu.memory_space<hbm>> -> memref<128xf32, #tpu.memory_space<hbm>>
        %dma_start3A_119 = arith.constant 0 : i32
        %dma_start3A_120 = tpu.memref_slice %arg5[%add3A, %add3A_115, %dma_start3A_119] : memref<32x102x128xf32, #tpu.memory_space<hbm>> -> memref<1x1x128xf32, #tpu.memory_space<hbm>>
        %dma_start3A_121 = tpu.memref_squeeze %dma_start3A_120 : memref<1x1x128xf32, #tpu.memory_space<hbm>> -> memref<128xf32, #tpu.memory_space<hbm>>
        tpu.enqueue_dma source(%dma_start3A_121 : memref<128xf32, #tpu.memory_space<hbm>>) target(%arg9 : memref<128xf32, #tpu.memory_space<vmem>>) target_semaphore(%arg14 : memref<!tpu.dma_semaphore, #tpu.memory_space<semaphore_mem>>)
      } else {
      }
      %dma_wait3A_103 = arith.constant 0 : i32
      %dma_wait3A_104 = tpu.memref_slice %arg5[%add3A, %add3A_84, %dma_wait3A_103] : memref<32x102x128xf32, #tpu.memory_space<hbm>> -> memref<1x1x128xf32, #tpu.memory_space<hbm>>
      %dma_wait3A_105 = tpu.memref_squeeze %dma_wait3A_104 : memref<1x1x128xf32, #tpu.memory_space<hbm>> -> memref<128xf32, #tpu.memory_space<hbm>>
      %dma_wait3A_106 = arith.constant 0 : i32
      %dma_wait3A_107 = tpu.memref_slice %arg5[%add3A, %add3A_84, %dma_wait3A_106] : memref<32x102x128xf32, #tpu.memory_space<hbm>> -> memref<1x1x128xf32, #tpu.memory_space<hbm>>
      %dma_wait3A_108 = tpu.memref_squeeze %dma_wait3A_107 : memref<1x1x128xf32, #tpu.memory_space<hbm>> -> memref<128xf32, #tpu.memory_space<hbm>>
      tpu.wait_dma2 semaphore(%arg15 : memref<!tpu.dma_semaphore, #tpu.memory_space<semaphore_mem>>) src(%dma_wait3A_108 : memref<128xf32, #tpu.memory_space<hbm>>) dst(%arg10 : memref<128xf32, #tpu.memory_space<vmem>>)
      %scan3A_109 = arith.constant 0 : i32
      %scan3A_110 = arith.constant 128 : i32
      %scan3A_111 = arith.addi %scan3A_109, %scan3A_110 : i32
      %scan3A_112 = arith.constant 1 : i32
      scf.for %scan3A_114 = %scan3A_109 to %scan3A_111 step %scan3A_112  : i32 {
        %mul3A_115 = arith.constant 1 : i32
        %mul3A_116 = arith.muli %scan3A_114, %mul3A_115 : i32
        %add3A_117 = arith.constant 0 : i32
        %add3A_118 = arith.addi %add3A_117, %mul3A_116 : i32
        %broadcast_in_dim3A_119 = vector.broadcast %add3A_118 : i32 to vector<16xi32>
        %gather3A = tpu.vector_load_idx %arg10[%broadcast_in_dim3A_119] : memref<128xf32, #tpu.memory_space<vmem>>[vector<16xi32>], vector<16xf32>,
        %get3A = arith.index_cast %add3A_118 : i32 to index
        %get3A_120 = arith.constant 0 : index
        %get3A_121 = tpu.vector_load %arg11[%get3A, %get3A_120] {strides = array<i32>} : memref<128x128xf32, #tpu.memory_space<vmem>>, vector<16xf32>,
        %mul3A_122 = arith.mulf %get3A_121, %gather3A : vector<16xf32>
        %swap3A = arith.index_cast %add3A_118 : i32 to index
        %swap3A_123 = arith.constant 0 : index
        %swap3A_124 = tpu.vector_load %arg11[%swap3A, %swap3A_123] {strides = array<i32>} : memref<128x128xf32, #tpu.memory_space<vmem>>, vector<16xf32>,
        tpu.vector_store %arg11[%swap3A, %swap3A_123], %mul3A_122 {strides = array<i32>} : memref<128x128xf32, #tpu.memory_space<vmem>>, vector<16xf32>,
        %get3A_125 = arith.index_cast %add3A_118 : i32 to index
        %get3A_126 = arith.constant 16 : index
        %get3A_127 = tpu.vector_load %arg11[%get3A_125, %get3A_126] {strides = array<i32>} : memref<128x128xf32, #tpu.memory_space<vmem>>, vector<16xf32>,
        %mul3A_128 = arith.mulf %get3A_127, %gather3A : vector<16xf32>
        %swap3A_129 = arith.index_cast %add3A_118 : i32 to index
        %swap3A_130 = arith.constant 16 : index
        %swap3A_131 = tpu.vector_load %arg11[%swap3A_129, %swap3A_130] {strides = array<i32>} : memref<128x128xf32, #tpu.memory_space<vmem>>, vector<16xf32>,
        tpu.vector_store %arg11[%swap3A_129, %swap3A_130], %mul3A_128 {strides = array<i32>} : memref<128x128xf32, #tpu.memory_space<vmem>>, vector<16xf32>,
        %get3A_132 = arith.index_cast %add3A_118 : i32 to index
        %get3A_133 = arith.constant 32 : index
        %get3A_134 = tpu.vector_load %arg11[%get3A_132, %get3A_133] {strides = array<i32>} : memref<128x128xf32, #tpu.memory_space<vmem>>, vector<16xf32>,
        %mul3A_135 = arith.mulf %get3A_134, %gather3A : vector<16xf32>
        %swap3A_136 = arith.index_cast %add3A_118 : i32 to index
        %swap3A_137 = arith.constant 32 : index
        %swap3A_138 = tpu.vector_load %arg11[%swap3A_136, %swap3A_137] {strides = array<i32>} : memref<128x128xf32, #tpu.memory_space<vmem>>, vector<16xf32>,
        tpu.vector_store %arg11[%swap3A_136, %swap3A_137], %mul3A_135 {strides = array<i32>} : memref<128x128xf32, #tpu.memory_space<vmem>>, vector<16xf32>,
        %get3A_139 = arith.index_cast %add3A_118 : i32 to index
        %get3A_140 = arith.constant 48 : index
        %get3A_141 = tpu.vector_load %arg11[%get3A_139, %get3A_140] {strides = array<i32>} : memref<128x128xf32, #tpu.memory_space<vmem>>, vector<16xf32>,
        %mul3A_142 = arith.mulf %get3A_141, %gather3A : vector<16xf32>
        %swap3A_143 = arith.index_cast %add3A_118 : i32 to index
        %swap3A_144 = arith.constant 48 : index
        %swap3A_145 = tpu.vector_load %arg11[%swap3A_143, %swap3A_144] {strides = array<i32>} : memref<128x128xf32, #tpu.memory_space<vmem>>, vector<16xf32>,
        tpu.vector_store %arg11[%swap3A_143, %swap3A_144], %mul3A_142 {strides = array<i32>} : memref<128x128xf32, #tpu.memory_space<vmem>>, vector<16xf32>,
        %get3A_146 = arith.index_cast %add3A_118 : i32 to index
        %get3A_147 = arith.constant 64 : index
        %get3A_148 = tpu.vector_load %arg11[%get3A_146, %get3A_147] {strides = array<i32>} : memref<128x128xf32, #tpu.memory_space<vmem>>, vector<16xf32>,
        %mul3A_149 = arith.mulf %get3A_148, %gather3A : vector<16xf32>
        %swap3A_150 = arith.index_cast %add3A_118 : i32 to index
        %swap3A_151 = arith.constant 64 : index
        %swap3A_152 = tpu.vector_load %arg11[%swap3A_150, %swap3A_151] {strides = array<i32>} : memref<128x128xf32, #tpu.memory_space<vmem>>, vector<16xf32>,
        tpu.vector_store %arg11[%swap3A_150, %swap3A_151], %mul3A_149 {strides = array<i32>} : memref<128x128xf32, #tpu.memory_space<vmem>>, vector<16xf32>,
        %get3A_153 = arith.index_cast %add3A_118 : i32 to index
        %get3A_154 = arith.constant 80 : index
        %get3A_155 = tpu.vector_load %arg11[%get3A_153, %get3A_154] {strides = array<i32>} : memref<128x128xf32, #tpu.memory_space<vmem>>, vector<16xf32>,
        %mul3A_156 = arith.mulf %get3A_155, %gather3A : vector<16xf32>
        %swap3A_157 = arith.index_cast %add3A_118 : i32 to index
        %swap3A_158 = arith.constant 80 : index
        %swap3A_159 = tpu.vector_load %arg11[%swap3A_157, %swap3A_158] {strides = array<i32>} : memref<128x128xf32, #tpu.memory_space<vmem>>, vector<16xf32>,
        tpu.vector_store %arg11[%swap3A_157, %swap3A_158], %mul3A_156 {strides = array<i32>} : memref<128x128xf32, #tpu.memory_space<vmem>>, vector<16xf32>,
        %get3A_160 = arith.index_cast %add3A_118 : i32 to index
        %get3A_161 = arith.constant 96 : index
        %get3A_162 = tpu.vector_load %arg11[%get3A_160, %get3A_161] {strides = array<i32>} : memref<128x128xf32, #tpu.memory_space<vmem>>, vector<16xf32>,
        %mul3A_163 = arith.mulf %get3A_162, %gather3A : vector<16xf32>
        %swap3A_164 = arith.index_cast %add3A_118 : i32 to index
        %swap3A_165 = arith.constant 96 : index
        %swap3A_166 = tpu.vector_load %arg11[%swap3A_164, %swap3A_165] {strides = array<i32>} : memref<128x128xf32, #tpu.memory_space<vmem>>, vector<16xf32>,
        tpu.vector_store %arg11[%swap3A_164, %swap3A_165], %mul3A_163 {strides = array<i32>} : memref<128x128xf32, #tpu.memory_space<vmem>>, vector<16xf32>,
        %get3A_167 = arith.index_cast %add3A_118 : i32 to index
        %get3A_168 = arith.constant 112 : index
        %get3A_169 = tpu.vector_load %arg11[%get3A_167, %get3A_168] {strides = array<i32>} : memref<128x128xf32, #tpu.memory_space<vmem>>, vector<16xf32>,
        %mul3A_170 = arith.mulf %get3A_169, %gather3A : vector<16xf32>
        %swap3A_171 = arith.index_cast %add3A_118 : i32 to index
        %swap3A_172 = arith.constant 112 : index
        %swap3A_173 = tpu.vector_load %arg11[%swap3A_171, %swap3A_172] {strides = array<i32>} : memref<128x128xf32, #tpu.memory_space<vmem>>, vector<16xf32>,
        tpu.vector_store %arg11[%swap3A_171, %swap3A_172], %mul3A_170 {strides = array<i32>} : memref<128x128xf32, #tpu.memory_space<vmem>>, vector<16xf32>,
      }
      %scan3A_113 = arith.constant 128 : i32
      "tpu.region"() ({
        %run_scoped3A = tpu.sem_alloc : memref<!tpu.dma_semaphore, #tpu.memory_space<semaphore_mem>>
        %dma_start3A_114 = arith.constant 0 : i32
        %dma_start3A_115 = tpu.memref_slice %arg8[%add3A_84, %dma_start3A_114] : memref<102x128xi32, #tpu.memory_space<vmem>> -> memref<1x128xi32, #tpu.memory_space<vmem>>
        %dma_start3A_116 = tpu.memref_squeeze %dma_start3A_115 : memref<1x128xi32, #tpu.memory_space<vmem>> -> memref<128xi32, #tpu.memory_space<vmem>>
        %dma_start3A_117 = arith.constant 0 : i32
        %dma_start3A_118 = arith.constant 0 : i32
        %dma_start3A_119 = tpu.memref_slice %arg12[%dma_start3A_117, %dma_start3A_118] : memref<10240x128xf32, #tpu.memory_space<vmem_shared>> -> memref<10240x128xf32, #tpu.memory_space<vmem_shared>>
        tpu.enqueue_indirect_dma source(%arg11 : memref<128x128xf32, #tpu.memory_space<vmem>>) target(%dma_start3A_119 : memref<10240x128xf32, #tpu.memory_space<vmem_shared>>) offsets(%dma_start3A_116 : memref<128xi32, #tpu.memory_space<vmem>>) semaphore(%run_scoped3A : memref<!tpu.dma_semaphore, #tpu.memory_space<semaphore_mem>>) {add = true}
        %dma_wait3A_120 = arith.constant 0 : i32
        %dma_wait3A_121 = tpu.memref_slice %arg8[%add3A_84, %dma_wait3A_120] : memref<102x128xi32, #tpu.memory_space<vmem>> -> memref<1x128xi32, #tpu.memory_space<vmem>>
        %dma_wait3A_122 = tpu.memref_squeeze %dma_wait3A_121 : memref<1x128xi32, #tpu.memory_space<vmem>> -> memref<128xi32, #tpu.memory_space<vmem>>
        %dma_wait3A_123 = arith.constant 0 : i32
        %dma_wait3A_124 = arith.constant 0 : i32
        %dma_wait3A_125 = tpu.memref_slice %arg12[%dma_wait3A_123, %dma_wait3A_124] : memref<10240x128xf32, #tpu.memory_space<vmem_shared>> -> memref<10240x128xf32, #tpu.memory_space<vmem_shared>>
        tpu.wait_indirect_dma semaphore(%run_scoped3A : memref<!tpu.dma_semaphore, #tpu.memory_space<semaphore_mem>>) src(%arg11 : memref<128x128xf32, #tpu.memory_space<vmem>>) dst(%dma_wait3A_125 : memref<10240x128xf32, #tpu.memory_space<vmem_shared>>)
        tpu.yield
      }) : () -> ()
    }
    %while3A_41 = arith.constant 1 : i32
    scf.for %while3A_53 = %while3A_39 to %while3A_35 step %while3A_41  : i32 {
      %mul3A_54 = arith.muli %while3A_53, %while3A : i32
      %add3A_55 = arith.addi %while3A_32, %mul3A_54 : i32
      %add3A_56 = arith.constant 0 : i32
      %add3A_57 = arith.addi %add3A_55, %add3A_56 : i32
      %dma_start3A_58 = arith.constant 0 : i32
      %dma_start3A_59 = tpu.memref_slice %arg7[%add3A_57, %dma_start3A_58] : memref<102x128xi32, #tpu.memory_space<vmem>> -> memref<1x128xi32, #tpu.memory_space<vmem>>
      %dma_start3A_60 = tpu.memref_squeeze %dma_start3A_59 : memref<1x128xi32, #tpu.memory_space<vmem>> -> memref<128xi32, #tpu.memory_space<vmem>>
      %dma_start3A_61 = arith.constant 0 : i32
      %dma_start3A_62 = arith.constant 0 : i32
      %dma_start3A_63 = tpu.memref_slice %arg2[%dma_start3A_61, %dma_start3A_62] : memref<10240x128xf32, #tpu.memory_space<hbm>> -> memref<10240x128xf32, #tpu.memory_space<hbm>>
      tpu.enqueue_indirect_dma source(%dma_start3A_63 : memref<10240x128xf32, #tpu.memory_space<hbm>>) target(%arg11 : memref<128x128xf32, #tpu.memory_space<vmem>>) offsets(%dma_start3A_60 : memref<128xi32, #tpu.memory_space<vmem>>) semaphore(%arg13 : memref<!tpu.dma_semaphore, #tpu.memory_space<semaphore_mem>>)
      %dma_wait3A = arith.constant 0 : i32
      %dma_wait3A_64 = tpu.memref_slice %arg7[%add3A_57, %dma_wait3A] : memref<102x128xi32, #tpu.memory_space<vmem>> -> memref<1x128xi32, #tpu.memory_space<vmem>>
      %dma_wait3A_65 = tpu.memref_squeeze %dma_wait3A_64 : memref<1x128xi32, #tpu.memory_space<vmem>> -> memref<128xi32, #tpu.memory_space<vmem>>
      %dma_wait3A_66 = arith.constant 0 : i32
      %dma_wait3A_67 = arith.constant 0 : i32
      %dma_wait3A_68 = tpu.memref_slice %arg2[%dma_wait3A_66, %dma_wait3A_67] : memref<10240x128xf32, #tpu.memory_space<hbm>> -> memref<10240x128xf32, #tpu.memory_space<hbm>>
      tpu.wait_indirect_dma semaphore(%arg13 : memref<!tpu.dma_semaphore, #tpu.memory_space<semaphore_mem>>) src(%dma_wait3A_68 : memref<10240x128xf32, #tpu.memory_space<hbm>>) dst(%arg11 : memref<128x128xf32, #tpu.memory_space<vmem>>)
      %add3A_69 = arith.constant 1 : i32
      %add3A_70 = arith.addi %add3A_57, %add3A_69 : i32
      %lt3A = arith.cmpi slt, %add3A_70, %select_n3A : i32
      %convert_element_type3A = arith.extui %lt3A : i1 to i32
      %cond3A = arith.constant 0 : i32
      %cond3A_71 = arith.cmpi ne, %convert_element_type3A, %cond3A : i32
      scf.if %cond3A_71 {
        %add3A_114 = arith.constant 1 : i32
        %add3A_115 = arith.addi %add3A_57, %add3A_114 : i32
        %dma_start3A_116 = arith.constant 0 : i32
        %dma_start3A_117 = tpu.memref_slice %arg5[%add3A, %add3A_115, %dma_start3A_116] : memref<32x102x128xf32, #tpu.memory_space<hbm>> -> memref<1x1x128xf32, #tpu.memory_space<hbm>>
        %dma_start3A_118 = tpu.memref_squeeze %dma_start3A_117 : memref<1x1x128xf32, #tpu.memory_space<hbm>> -> memref<128xf32, #tpu.memory_space<hbm>>
        %dma_start3A_119 = arith.constant 0 : i32
        %dma_start3A_120 = tpu.memref_slice %arg5[%add3A, %add3A_115, %dma_start3A_119] : memref<32x102x128xf32, #tpu.memory_space<hbm>> -> memref<1x1x128xf32, #tpu.memory_space<hbm>>
        %dma_start3A_121 = tpu.memref_squeeze %dma_start3A_120 : memref<1x1x128xf32, #tpu.memory_space<hbm>> -> memref<128xf32, #tpu.memory_space<hbm>>
        tpu.enqueue_dma source(%dma_start3A_121 : memref<128xf32, #tpu.memory_space<hbm>>) target(%arg10 : memref<128xf32, #tpu.memory_space<vmem>>) target_semaphore(%arg15 : memref<!tpu.dma_semaphore, #tpu.memory_space<semaphore_mem>>)
      } else {
      }
      %dma_wait3A_72 = arith.constant 0 : i32
      %dma_wait3A_73 = tpu.memref_slice %arg5[%add3A, %add3A_57, %dma_wait3A_72] : memref<32x102x128xf32, #tpu.memory_space<hbm>> -> memref<1x1x128xf32, #tpu.memory_space<hbm>>
      %dma_wait3A_74 = tpu.memref_squeeze %dma_wait3A_73 : memref<1x1x128xf32, #tpu.memory_space<hbm>> -> memref<128xf32, #tpu.memory_space<hbm>>
      %dma_wait3A_75 = arith.constant 0 : i32
      %dma_wait3A_76 = tpu.memref_slice %arg5[%add3A, %add3A_57, %dma_wait3A_75] : memref<32x102x128xf32, #tpu.memory_space<hbm>> -> memref<1x1x128xf32, #tpu.memory_space<hbm>>
      %dma_wait3A_77 = tpu.memref_squeeze %dma_wait3A_76 : memref<1x1x128xf32, #tpu.memory_space<hbm>> -> memref<128xf32, #tpu.memory_space<hbm>>
      tpu.wait_dma2 semaphore(%arg14 : memref<!tpu.dma_semaphore, #tpu.memory_space<semaphore_mem>>) src(%dma_wait3A_77 : memref<128xf32, #tpu.memory_space<hbm>>) dst(%arg9 : memref<128xf32, #tpu.memory_space<vmem>>)
      %scan3A_78 = arith.constant 0 : i32
      %scan3A_79 = arith.constant 128 : i32
      %scan3A_80 = arith.addi %scan3A_78, %scan3A_79 : i32
      %scan3A_81 = arith.constant 1 : i32
      scf.for %scan3A_114 = %scan3A_78 to %scan3A_80 step %scan3A_81  : i32 {
        %mul3A_115 = arith.constant 1 : i32
        %mul3A_116 = arith.muli %scan3A_114, %mul3A_115 : i32
        %add3A_117 = arith.constant 0 : i32
        %add3A_118 = arith.addi %add3A_117, %mul3A_116 : i32
        %broadcast_in_dim3A_119 = vector.broadcast %add3A_118 : i32 to vector<16xi32>
        %gather3A = tpu.vector_load_idx %arg9[%broadcast_in_dim3A_119] : memref<128xf32, #tpu.memory_space<vmem>>[vector<16xi32>], vector<16xf32>,
        %get3A = arith.index_cast %add3A_118 : i32 to index
        %get3A_120 = arith.constant 0 : index
        %get3A_121 = tpu.vector_load %arg11[%get3A, %get3A_120] {strides = array<i32>} : memref<128x128xf32, #tpu.memory_space<vmem>>, vector<16xf32>,
        %mul3A_122 = arith.mulf %get3A_121, %gather3A : vector<16xf32>
        %swap3A = arith.index_cast %add3A_118 : i32 to index
        %swap3A_123 = arith.constant 0 : index
        %swap3A_124 = tpu.vector_load %arg11[%swap3A, %swap3A_123] {strides = array<i32>} : memref<128x128xf32, #tpu.memory_space<vmem>>, vector<16xf32>,
        tpu.vector_store %arg11[%swap3A, %swap3A_123], %mul3A_122 {strides = array<i32>} : memref<128x128xf32, #tpu.memory_space<vmem>>, vector<16xf32>,
        %get3A_125 = arith.index_cast %add3A_118 : i32 to index
        %get3A_126 = arith.constant 16 : index
        %get3A_127 = tpu.vector_load %arg11[%get3A_125, %get3A_126] {strides = array<i32>} : memref<128x128xf32, #tpu.memory_space<vmem>>, vector<16xf32>,
        %mul3A_128 = arith.mulf %get3A_127, %gather3A : vector<16xf32>
        %swap3A_129 = arith.index_cast %add3A_118 : i32 to index
        %swap3A_130 = arith.constant 16 : index
        %swap3A_131 = tpu.vector_load %arg11[%swap3A_129, %swap3A_130] {strides = array<i32>} : memref<128x128xf32, #tpu.memory_space<vmem>>, vector<16xf32>,
        tpu.vector_store %arg11[%swap3A_129, %swap3A_130], %mul3A_128 {strides = array<i32>} : memref<128x128xf32, #tpu.memory_space<vmem>>, vector<16xf32>,
        %get3A_132 = arith.index_cast %add3A_118 : i32 to index
        %get3A_133 = arith.constant 32 : index
        %get3A_134 = tpu.vector_load %arg11[%get3A_132, %get3A_133] {strides = array<i32>} : memref<128x128xf32, #tpu.memory_space<vmem>>, vector<16xf32>,
        %mul3A_135 = arith.mulf %get3A_134, %gather3A : vector<16xf32>
        %swap3A_136 = arith.index_cast %add3A_118 : i32 to index
        %swap3A_137 = arith.constant 32 : index
        %swap3A_138 = tpu.vector_load %arg11[%swap3A_136, %swap3A_137] {strides = array<i32>} : memref<128x128xf32, #tpu.memory_space<vmem>>, vector<16xf32>,
        tpu.vector_store %arg11[%swap3A_136, %swap3A_137], %mul3A_135 {strides = array<i32>} : memref<128x128xf32, #tpu.memory_space<vmem>>, vector<16xf32>,
        %get3A_139 = arith.index_cast %add3A_118 : i32 to index
        %get3A_140 = arith.constant 48 : index
        %get3A_141 = tpu.vector_load %arg11[%get3A_139, %get3A_140] {strides = array<i32>} : memref<128x128xf32, #tpu.memory_space<vmem>>, vector<16xf32>,
        %mul3A_142 = arith.mulf %get3A_141, %gather3A : vector<16xf32>
        %swap3A_143 = arith.index_cast %add3A_118 : i32 to index
        %swap3A_144 = arith.constant 48 : index
        %swap3A_145 = tpu.vector_load %arg11[%swap3A_143, %swap3A_144] {strides = array<i32>} : memref<128x128xf32, #tpu.memory_space<vmem>>, vector<16xf32>,
        tpu.vector_store %arg11[%swap3A_143, %swap3A_144], %mul3A_142 {strides = array<i32>} : memref<128x128xf32, #tpu.memory_space<vmem>>, vector<16xf32>,
        %get3A_146 = arith.index_cast %add3A_118 : i32 to index
        %get3A_147 = arith.constant 64 : index
        %get3A_148 = tpu.vector_load %arg11[%get3A_146, %get3A_147] {strides = array<i32>} : memref<128x128xf32, #tpu.memory_space<vmem>>, vector<16xf32>,
        %mul3A_149 = arith.mulf %get3A_148, %gather3A : vector<16xf32>
        %swap3A_150 = arith.index_cast %add3A_118 : i32 to index
        %swap3A_151 = arith.constant 64 : index
        %swap3A_152 = tpu.vector_load %arg11[%swap3A_150, %swap3A_151] {strides = array<i32>} : memref<128x128xf32, #tpu.memory_space<vmem>>, vector<16xf32>,
        tpu.vector_store %arg11[%swap3A_150, %swap3A_151], %mul3A_149 {strides = array<i32>} : memref<128x128xf32, #tpu.memory_space<vmem>>, vector<16xf32>,
        %get3A_153 = arith.index_cast %add3A_118 : i32 to index
        %get3A_154 = arith.constant 80 : index
        %get3A_155 = tpu.vector_load %arg11[%get3A_153, %get3A_154] {strides = array<i32>} : memref<128x128xf32, #tpu.memory_space<vmem>>, vector<16xf32>,
        %mul3A_156 = arith.mulf %get3A_155, %gather3A : vector<16xf32>
        %swap3A_157 = arith.index_cast %add3A_118 : i32 to index
        %swap3A_158 = arith.constant 80 : index
        %swap3A_159 = tpu.vector_load %arg11[%swap3A_157, %swap3A_158] {strides = array<i32>} : memref<128x128xf32, #tpu.memory_space<vmem>>, vector<16xf32>,
        tpu.vector_store %arg11[%swap3A_157, %swap3A_158], %mul3A_156 {strides = array<i32>} : memref<128x128xf32, #tpu.memory_space<vmem>>, vector<16xf32>,
        %get3A_160 = arith.index_cast %add3A_118 : i32 to index
        %get3A_161 = arith.constant 96 : index
        %get3A_162 = tpu.vector_load %arg11[%get3A_160, %get3A_161] {strides = array<i32>} : memref<128x128xf32, #tpu.memory_space<vmem>>, vector<16xf32>,
        %mul3A_163 = arith.mulf %get3A_162, %gather3A : vector<16xf32>
        %swap3A_164 = arith.index_cast %add3A_118 : i32 to index
        %swap3A_165 = arith.constant 96 : index
        %swap3A_166 = tpu.vector_load %arg11[%swap3A_164, %swap3A_165] {strides = array<i32>} : memref<128x128xf32, #tpu.memory_space<vmem>>, vector<16xf32>,
        tpu.vector_store %arg11[%swap3A_164, %swap3A_165], %mul3A_163 {strides = array<i32>} : memref<128x128xf32, #tpu.memory_space<vmem>>, vector<16xf32>,
        %get3A_167 = arith.index_cast %add3A_118 : i32 to index
        %get3A_168 = arith.constant 112 : index
        %get3A_169 = tpu.vector_load %arg11[%get3A_167, %get3A_168] {strides = array<i32>} : memref<128x128xf32, #tpu.memory_space<vmem>>, vector<16xf32>,
        %mul3A_170 = arith.mulf %get3A_169, %gather3A : vector<16xf32>
        %swap3A_171 = arith.index_cast %add3A_118 : i32 to index
        %swap3A_172 = arith.constant 112 : index
        %swap3A_173 = tpu.vector_load %arg11[%swap3A_171, %swap3A_172] {strides = array<i32>} : memref<128x128xf32, #tpu.memory_space<vmem>>, vector<16xf32>,
        tpu.vector_store %arg11[%swap3A_171, %swap3A_172], %mul3A_170 {strides = array<i32>} : memref<128x128xf32, #tpu.memory_space<vmem>>, vector<16xf32>,
      }
      %scan3A_82 = arith.constant 128 : i32
      "tpu.region"() ({
        %run_scoped3A = tpu.sem_alloc : memref<!tpu.dma_semaphore, #tpu.memory_space<semaphore_mem>>
        %dma_start3A_114 = arith.constant 0 : i32
        %dma_start3A_115 = tpu.memref_slice %arg8[%add3A_57, %dma_start3A_114] : memref<102x128xi32, #tpu.memory_space<vmem>> -> memref<1x128xi32, #tpu.memory_space<vmem>>
        %dma_start3A_116 = tpu.memref_squeeze %dma_start3A_115 : memref<1x128xi32, #tpu.memory_space<vmem>> -> memref<128xi32, #tpu.memory_space<vmem>>
        %dma_start3A_117 = arith.constant 0 : i32
        %dma_start3A_118 = arith.constant 0 : i32
        %dma_start3A_119 = tpu.memref_slice %arg12[%dma_start3A_117, %dma_start3A_118] : memref<10240x128xf32, #tpu.memory_space<vmem_shared>> -> memref<10240x128xf32, #tpu.memory_space<vmem_shared>>
        tpu.enqueue_indirect_dma source(%arg11 : memref<128x128xf32, #tpu.memory_space<vmem>>) target(%dma_start3A_119 : memref<10240x128xf32, #tpu.memory_space<vmem_shared>>) offsets(%dma_start3A_116 : memref<128xi32, #tpu.memory_space<vmem>>) semaphore(%run_scoped3A : memref<!tpu.dma_semaphore, #tpu.memory_space<semaphore_mem>>) {add = true}
        %dma_wait3A_120 = arith.constant 0 : i32
        %dma_wait3A_121 = tpu.memref_slice %arg8[%add3A_57, %dma_wait3A_120] : memref<102x128xi32, #tpu.memory_space<vmem>> -> memref<1x128xi32, #tpu.memory_space<vmem>>
        %dma_wait3A_122 = tpu.memref_squeeze %dma_wait3A_121 : memref<1x128xi32, #tpu.memory_space<vmem>> -> memref<128xi32, #tpu.memory_space<vmem>>
        %dma_wait3A_123 = arith.constant 0 : i32
        %dma_wait3A_124 = arith.constant 0 : i32
        %dma_wait3A_125 = tpu.memref_slice %arg12[%dma_wait3A_123, %dma_wait3A_124] : memref<10240x128xf32, #tpu.memory_space<vmem_shared>> -> memref<10240x128xf32, #tpu.memory_space<vmem_shared>>
        tpu.wait_indirect_dma semaphore(%run_scoped3A : memref<!tpu.dma_semaphore, #tpu.memory_space<semaphore_mem>>) src(%arg11 : memref<128x128xf32, #tpu.memory_space<vmem>>) dst(%dma_wait3A_125 : memref<10240x128xf32, #tpu.memory_space<vmem_shared>>)
        tpu.yield
      }) : () -> ()
      %add3A_83 = arith.constant 1 : i32
      %add3A_84 = arith.addi %add3A_55, %add3A_83 : i32
      %dma_start3A_85 = arith.constant 0 : i32
      %dma_start3A_86 = tpu.memref_slice %arg7[%add3A_84, %dma_start3A_85] : memref<102x128xi32, #tpu.memory_space<vmem>> -> memref<1x128xi32, #tpu.memory_space<vmem>>
      %dma_start3A_87 = tpu.memref_squeeze %dma_start3A_86 : memref<1x128xi32, #tpu.memory_space<vmem>> -> memref<128xi32, #tpu.memory_space<vmem>>
      %dma_start3A_88 = arith.constant 0 : i32
      %dma_start3A_89 = arith.constant 0 : i32
      %dma_start3A_90 = tpu.memref_slice %arg2[%dma_start3A_88, %dma_start3A_89] : memref<10240x128xf32, #tpu.memory_space<hbm>> -> memref<10240x128xf32, #tpu.memory_space<hbm>>
      tpu.enqueue_indirect_dma source(%dma_start3A_90 : memref<10240x128xf32, #tpu.memory_space<hbm>>) target(%arg11 : memref<128x128xf32, #tpu.memory_space<vmem>>) offsets(%dma_start3A_87 : memref<128xi32, #tpu.memory_space<vmem>>) semaphore(%arg13 : memref<!tpu.dma_semaphore, #tpu.memory_space<semaphore_mem>>)
      %dma_wait3A_91 = arith.constant 0 : i32
      %dma_wait3A_92 = tpu.memref_slice %arg7[%add3A_84, %dma_wait3A_91] : memref<102x128xi32, #tpu.memory_space<vmem>> -> memref<1x128xi32, #tpu.memory_space<vmem>>
      %dma_wait3A_93 = tpu.memref_squeeze %dma_wait3A_92 : memref<1x128xi32, #tpu.memory_space<vmem>> -> memref<128xi32, #tpu.memory_space<vmem>>
      %dma_wait3A_94 = arith.constant 0 : i32
      %dma_wait3A_95 = arith.constant 0 : i32
      %dma_wait3A_96 = tpu.memref_slice %arg2[%dma_wait3A_94, %dma_wait3A_95] : memref<10240x128xf32, #tpu.memory_space<hbm>> -> memref<10240x128xf32, #tpu.memory_space<hbm>>
      tpu.wait_indirect_dma semaphore(%arg13 : memref<!tpu.dma_semaphore, #tpu.memory_space<semaphore_mem>>) src(%dma_wait3A_96 : memref<10240x128xf32, #tpu.memory_space<hbm>>) dst(%arg11 : memref<128x128xf32, #tpu.memory_space<vmem>>)
      %add3A_97 = arith.constant 1 : i32
      %add3A_98 = arith.addi %add3A_84, %add3A_97 : i32
      %lt3A_99 = arith.cmpi slt, %add3A_98, %select_n3A : i32
      %convert_element_type3A_100 = arith.extui %lt3A_99 : i1 to i32
      %cond3A_101 = arith.constant 0 : i32
      %cond3A_102 = arith.cmpi ne, %convert_element_type3A_100, %cond3A_101 : i32
      scf.if %cond3A_102 {
        %add3A_114 = arith.constant 1 : i32
        %add3A_115 = arith.addi %add3A_84, %add3A_114 : i32
        %dma_start3A_116 = arith.constant 0 : i32
        %dma_start3A_117 = tpu.memref_slice %arg5[%add3A, %add3A_115, %dma_start3A_116] : memref<32x102x128xf32, #tpu.memory_space<hbm>> -> memref<1x1x128xf32, #tpu.memory_space<hbm>>
        %dma_start3A_118 = tpu.memref_squeeze %dma_start3A_117 : memref<1x1x128xf32, #tpu.memory_space<hbm>> -> memref<128xf32, #tpu.memory_space<hbm>>
        %dma_start3A_119 = arith.constant 0 : i32
        %dma_start3A_120 = tpu.memref_slice %arg5[%add3A, %add3A_115, %dma_start3A_119] : memref<32x102x128xf32, #tpu.memory_space<hbm>> -> memref<1x1x128xf32, #tpu.memory_space<hbm>>
        %dma_start3A_121 = tpu.memref_squeeze %dma_start3A_120 : memref<1x1x128xf32, #tpu.memory_space<hbm>> -> memref<128xf32, #tpu.memory_space<hbm>>
        tpu.enqueue_dma source(%dma_start3A_121 : memref<128xf32, #tpu.memory_space<hbm>>) target(%arg9 : memref<128xf32, #tpu.memory_space<vmem>>) target_semaphore(%arg14 : memref<!tpu.dma_semaphore, #tpu.memory_space<semaphore_mem>>)
      } else {
      }
      %dma_wait3A_103 = arith.constant 0 : i32
      %dma_wait3A_104 = tpu.memref_slice %arg5[%add3A, %add3A_84, %dma_wait3A_103] : memref<32x102x128xf32, #tpu.memory_space<hbm>> -> memref<1x1x128xf32, #tpu.memory_space<hbm>>
      %dma_wait3A_105 = tpu.memref_squeeze %dma_wait3A_104 : memref<1x1x128xf32, #tpu.memory_space<hbm>> -> memref<128xf32, #tpu.memory_space<hbm>>
      %dma_wait3A_106 = arith.constant 0 : i32
      %dma_wait3A_107 = tpu.memref_slice %arg5[%add3A, %add3A_84, %dma_wait3A_106] : memref<32x102x128xf32, #tpu.memory_space<hbm>> -> memref<1x1x128xf32, #tpu.memory_space<hbm>>
      %dma_wait3A_108 = tpu.memref_squeeze %dma_wait3A_107 : memref<1x1x128xf32, #tpu.memory_space<hbm>> -> memref<128xf32, #tpu.memory_space<hbm>>
      tpu.wait_dma2 semaphore(%arg15 : memref<!tpu.dma_semaphore, #tpu.memory_space<semaphore_mem>>) src(%dma_wait3A_108 : memref<128xf32, #tpu.memory_space<hbm>>) dst(%arg10 : memref<128xf32, #tpu.memory_space<vmem>>)
      %scan3A_109 = arith.constant 0 : i32
      %scan3A_110 = arith.constant 128 : i32
      %scan3A_111 = arith.addi %scan3A_109, %scan3A_110 : i32
      %scan3A_112 = arith.constant 1 : i32
      scf.for %scan3A_114 = %scan3A_109 to %scan3A_111 step %scan3A_112  : i32 {
        %mul3A_115 = arith.constant 1 : i32
        %mul3A_116 = arith.muli %scan3A_114, %mul3A_115 : i32
        %add3A_117 = arith.constant 0 : i32
        %add3A_118 = arith.addi %add3A_117, %mul3A_116 : i32
        %broadcast_in_dim3A_119 = vector.broadcast %add3A_118 : i32 to vector<16xi32>
        %gather3A = tpu.vector_load_idx %arg10[%broadcast_in_dim3A_119] : memref<128xf32, #tpu.memory_space<vmem>>[vector<16xi32>], vector<16xf32>,
        %get3A = arith.index_cast %add3A_118 : i32 to index
        %get3A_120 = arith.constant 0 : index
        %get3A_121 = tpu.vector_load %arg11[%get3A, %get3A_120] {strides = array<i32>} : memref<128x128xf32, #tpu.memory_space<vmem>>, vector<16xf32>,
        %mul3A_122 = arith.mulf %get3A_121, %gather3A : vector<16xf32>
        %swap3A = arith.index_cast %add3A_118 : i32 to index
        %swap3A_123 = arith.constant 0 : index
        %swap3A_124 = tpu.vector_load %arg11[%swap3A, %swap3A_123] {strides = array<i32>} : memref<128x128xf32, #tpu.memory_space<vmem>>, vector<16xf32>,
        tpu.vector_store %arg11[%swap3A, %swap3A_123], %mul3A_122 {strides = array<i32>} : memref<128x128xf32, #tpu.memory_space<vmem>>, vector<16xf32>,
        %get3A_125 = arith.index_cast %add3A_118 : i32 to index
        %get3A_126 = arith.constant 16 : index
        %get3A_127 = tpu.vector_load %arg11[%get3A_125, %get3A_126] {strides = array<i32>} : memref<128x128xf32, #tpu.memory_space<vmem>>, vector<16xf32>,
        %mul3A_128 = arith.mulf %get3A_127, %gather3A : vector<16xf32>
        %swap3A_129 = arith.index_cast %add3A_118 : i32 to index
        %swap3A_130 = arith.constant 16 : index
        %swap3A_131 = tpu.vector_load %arg11[%swap3A_129, %swap3A_130] {strides = array<i32>} : memref<128x128xf32, #tpu.memory_space<vmem>>, vector<16xf32>,
        tpu.vector_store %arg11[%swap3A_129, %swap3A_130], %mul3A_128 {strides = array<i32>} : memref<128x128xf32, #tpu.memory_space<vmem>>, vector<16xf32>,
        %get3A_132 = arith.index_cast %add3A_118 : i32 to index
        %get3A_133 = arith.constant 32 : index
        %get3A_134 = tpu.vector_load %arg11[%get3A_132, %get3A_133] {strides = array<i32>} : memref<128x128xf32, #tpu.memory_space<vmem>>, vector<16xf32>,
        %mul3A_135 = arith.mulf %get3A_134, %gather3A : vector<16xf32>
        %swap3A_136 = arith.index_cast %add3A_118 : i32 to index
        %swap3A_137 = arith.constant 32 : index
        %swap3A_138 = tpu.vector_load %arg11[%swap3A_136, %swap3A_137] {strides = array<i32>} : memref<128x128xf32, #tpu.memory_space<vmem>>, vector<16xf32>,
        tpu.vector_store %arg11[%swap3A_136, %swap3A_137], %mul3A_135 {strides = array<i32>} : memref<128x128xf32, #tpu.memory_space<vmem>>, vector<16xf32>,
        %get3A_139 = arith.index_cast %add3A_118 : i32 to index
        %get3A_140 = arith.constant 48 : index
        %get3A_141 = tpu.vector_load %arg11[%get3A_139, %get3A_140] {strides = array<i32>} : memref<128x128xf32, #tpu.memory_space<vmem>>, vector<16xf32>,
        %mul3A_142 = arith.mulf %get3A_141, %gather3A : vector<16xf32>
        %swap3A_143 = arith.index_cast %add3A_118 : i32 to index
        %swap3A_144 = arith.constant 48 : index
        %swap3A_145 = tpu.vector_load %arg11[%swap3A_143, %swap3A_144] {strides = array<i32>} : memref<128x128xf32, #tpu.memory_space<vmem>>, vector<16xf32>,
        tpu.vector_store %arg11[%swap3A_143, %swap3A_144], %mul3A_142 {strides = array<i32>} : memref<128x128xf32, #tpu.memory_space<vmem>>, vector<16xf32>,
        %get3A_146 = arith.index_cast %add3A_118 : i32 to index
        %get3A_147 = arith.constant 64 : index
        %get3A_148 = tpu.vector_load %arg11[%get3A_146, %get3A_147] {strides = array<i32>} : memref<128x128xf32, #tpu.memory_space<vmem>>, vector<16xf32>,
        %mul3A_149 = arith.mulf %get3A_148, %gather3A : vector<16xf32>
        %swap3A_150 = arith.index_cast %add3A_118 : i32 to index
        %swap3A_151 = arith.constant 64 : index
        %swap3A_152 = tpu.vector_load %arg11[%swap3A_150, %swap3A_151] {strides = array<i32>} : memref<128x128xf32, #tpu.memory_space<vmem>>, vector<16xf32>,
        tpu.vector_store %arg11[%swap3A_150, %swap3A_151], %mul3A_149 {strides = array<i32>} : memref<128x128xf32, #tpu.memory_space<vmem>>, vector<16xf32>,
        %get3A_153 = arith.index_cast %add3A_118 : i32 to index
        %get3A_154 = arith.constant 80 : index
        %get3A_155 = tpu.vector_load %arg11[%get3A_153, %get3A_154] {strides = array<i32>} : memref<128x128xf32, #tpu.memory_space<vmem>>, vector<16xf32>,
        %mul3A_156 = arith.mulf %get3A_155, %gather3A : vector<16xf32>
        %swap3A_157 = arith.index_cast %add3A_118 : i32 to index
        %swap3A_158 = arith.constant 80 : index
        %swap3A_159 = tpu.vector_load %arg11[%swap3A_157, %swap3A_158] {strides = array<i32>} : memref<128x128xf32, #tpu.memory_space<vmem>>, vector<16xf32>,
        tpu.vector_store %arg11[%swap3A_157, %swap3A_158], %mul3A_156 {strides = array<i32>} : memref<128x128xf32, #tpu.memory_space<vmem>>, vector<16xf32>,
        %get3A_160 = arith.index_cast %add3A_118 : i32 to index
        %get3A_161 = arith.constant 96 : index
        %get3A_162 = tpu.vector_load %arg11[%get3A_160, %get3A_161] {strides = array<i32>} : memref<128x128xf32, #tpu.memory_space<vmem>>, vector<16xf32>,
        %mul3A_163 = arith.mulf %get3A_162, %gather3A : vector<16xf32>
        %swap3A_164 = arith.index_cast %add3A_118 : i32 to index
        %swap3A_165 = arith.constant 96 : index
        %swap3A_166 = tpu.vector_load %arg11[%swap3A_164, %swap3A_165] {strides = array<i32>} : memref<128x128xf32, #tpu.memory_space<vmem>>, vector<16xf32>,
        tpu.vector_store %arg11[%swap3A_164, %swap3A_165], %mul3A_163 {strides = array<i32>} : memref<128x128xf32, #tpu.memory_space<vmem>>, vector<16xf32>,
        %get3A_167 = arith.index_cast %add3A_118 : i32 to index
        %get3A_168 = arith.constant 112 : index
        %get3A_169 = tpu.vector_load %arg11[%get3A_167, %get3A_168] {strides = array<i32>} : memref<128x128xf32, #tpu.memory_space<vmem>>, vector<16xf32>,
        %mul3A_170 = arith.mulf %get3A_169, %gather3A : vector<16xf32>
        %swap3A_171 = arith.index_cast %add3A_118 : i32 to index
        %swap3A_172 = arith.constant 112 : index
        %swap3A_173 = tpu.vector_load %arg11[%swap3A_171, %swap3A_172] {strides = array<i32>} : memref<128x128xf32, #tpu.memory_space<vmem>>, vector<16xf32>,
        tpu.vector_store %arg11[%swap3A_171, %swap3A_172], %mul3A_170 {strides = array<i32>} : memref<128x128xf32, #tpu.memory_space<vmem>>, vector<16xf32>,
      }
      %scan3A_113 = arith.constant 128 : i32
      "tpu.region"() ({
        %run_scoped3A = tpu.sem_alloc : memref<!tpu.dma_semaphore, #tpu.memory_space<semaphore_mem>>
        %dma_start3A_114 = arith.constant 0 : i32
        %dma_start3A_115 = tpu.memref_slice %arg8[%add3A_84, %dma_start3A_114] : memref<102x128xi32, #tpu.memory_space<vmem>> -> memref<1x128xi32, #tpu.memory_space<vmem>>
        %dma_start3A_116 = tpu.memref_squeeze %dma_start3A_115 : memref<1x128xi32, #tpu.memory_space<vmem>> -> memref<128xi32, #tpu.memory_space<vmem>>
        %dma_start3A_117 = arith.constant 0 : i32
        %dma_start3A_118 = arith.constant 0 : i32
        %dma_start3A_119 = tpu.memref_slice %arg12[%dma_start3A_117, %dma_start3A_118] : memref<10240x128xf32, #tpu.memory_space<vmem_shared>> -> memref<10240x128xf32, #tpu.memory_space<vmem_shared>>
        tpu.enqueue_indirect_dma source(%arg11 : memref<128x128xf32, #tpu.memory_space<vmem>>) target(%dma_start3A_119 : memref<10240x128xf32, #tpu.memory_space<vmem_shared>>) offsets(%dma_start3A_116 : memref<128xi32, #tpu.memory_space<vmem>>) semaphore(%run_scoped3A : memref<!tpu.dma_semaphore, #tpu.memory_space<semaphore_mem>>) {add = true}
        %dma_wait3A_120 = arith.constant 0 : i32
        %dma_wait3A_121 = tpu.memref_slice %arg8[%add3A_84, %dma_wait3A_120] : memref<102x128xi32, #tpu.memory_space<vmem>> -> memref<1x128xi32, #tpu.memory_space<vmem>>
        %dma_wait3A_122 = tpu.memref_squeeze %dma_wait3A_121 : memref<1x128xi32, #tpu.memory_space<vmem>> -> memref<128xi32, #tpu.memory_space<vmem>>
        %dma_wait3A_123 = arith.constant 0 : i32
        %dma_wait3A_124 = arith.constant 0 : i32
        %dma_wait3A_125 = tpu.memref_slice %arg12[%dma_wait3A_123, %dma_wait3A_124] : memref<10240x128xf32, #tpu.memory_space<vmem_shared>> -> memref<10240x128xf32, #tpu.memory_space<vmem_shared>>
        tpu.wait_indirect_dma semaphore(%run_scoped3A : memref<!tpu.dma_semaphore, #tpu.memory_space<semaphore_mem>>) src(%arg11 : memref<128x128xf32, #tpu.memory_space<vmem>>) dst(%dma_wait3A_125 : memref<10240x128xf32, #tpu.memory_space<vmem_shared>>)
        tpu.yield
      }) : () -> ()
    }
    %barrier3A_42 = arith.constant 0 : index
    tpu.barrier barrier_id(%barrier3A_42)
    %add3A_43 = arith.constant 0 : i32
    %add3A_44 = arith.addi %mul3A_13, %add3A_43 : i32
    "tpu.region"() ({
      %run_scoped3A = tpu.sem_alloc : memref<!tpu.dma_semaphore, #tpu.memory_space<semaphore_mem>>
      %dma_start3A_53 = arith.constant 0 : i32
      %dma_start3A_54 = tpu.memref_slice %arg6[%arg0, %add3A_44, %dma_start3A_53] : memref<2x10240x128xf32, #tpu.memory_space<hbm>> -> memref<1x128x128xf32, #tpu.memory_space<hbm>>
      %dma_start3A_55 = tpu.memref_squeeze %dma_start3A_54 : memref<1x128x128xf32, #tpu.memory_space<hbm>> -> memref<128x128xf32, #tpu.memory_space<hbm>>
      %dma_start3A_56 = arith.constant 0 : i32
      %dma_start3A_57 = tpu.memref_slice %arg12[%add3A_44, %dma_start3A_56] : memref<10240x128xf32, #tpu.memory_space<vmem_shared>> -> memref<128x128xf32, #tpu.memory_space<vmem_shared>>
      tpu.enqueue_dma source(%dma_start3A_57 : memref<128x128xf32, #tpu.memory_space<vmem_shared>>) target(%dma_start3A_55 : memref<128x128xf32, #tpu.memory_space<hbm>>) target_semaphore(%run_scoped3A : memref<!tpu.dma_semaphore, #tpu.memory_space<semaphore_mem>>)
      %dma_wait3A = arith.constant 0 : i32
      %dma_wait3A_58 = tpu.memref_slice %arg6[%arg0, %add3A_44, %dma_wait3A] : memref<2x10240x128xf32, #tpu.memory_space<hbm>> -> memref<1x128x128xf32, #tpu.memory_space<hbm>>
      %dma_wait3A_59 = tpu.memref_squeeze %dma_wait3A_58 : memref<1x128x128xf32, #tpu.memory_space<hbm>> -> memref<128x128xf32, #tpu.memory_space<hbm>>
      %dma_wait3A_60 = arith.constant 0 : i32
      %dma_wait3A_61 = tpu.memref_slice %arg12[%add3A_44, %dma_wait3A_60] : memref<10240x128xf32, #tpu.memory_space<vmem_shared>> -> memref<128x128xf32, #tpu.memory_space<vmem_shared>>
      tpu.wait_dma2 semaphore(%run_scoped3A : memref<!tpu.dma_semaphore, #tpu.memory_space<semaphore_mem>>) src(%dma_wait3A_61 : memref<128x128xf32, #tpu.memory_space<vmem_shared>>) dst(%dma_wait3A_59 : memref<128x128xf32, #tpu.memory_space<hbm>>)
      tpu.yield
    }) : () -> ()
    %add3A_45 = arith.constant 128 : i32
    %add3A_46 = arith.addi %mul3A_13, %add3A_45 : i32
    "tpu.region"() ({
      %run_scoped3A = tpu.sem_alloc : memref<!tpu.dma_semaphore, #tpu.memory_space<semaphore_mem>>
      %dma_start3A_53 = arith.constant 0 : i32
      %dma_start3A_54 = tpu.memref_slice %arg6[%arg0, %add3A_46, %dma_start3A_53] : memref<2x10240x128xf32, #tpu.memory_space<hbm>> -> memref<1x128x128xf32, #tpu.memory_space<hbm>>
      %dma_start3A_55 = tpu.memref_squeeze %dma_start3A_54 : memref<1x128x128xf32, #tpu.memory_space<hbm>> -> memref<128x128xf32, #tpu.memory_space<hbm>>
      %dma_start3A_56 = arith.constant 0 : i32
      %dma_start3A_57 = tpu.memref_slice %arg12[%add3A_46, %dma_start3A_56] : memref<10240x128xf32, #tpu.memory_space<vmem_shared>> -> memref<128x128xf32, #tpu.memory_space<vmem_shared>>
      tpu.enqueue_dma source(%dma_start3A_57 : memref<128x128xf32, #tpu.memory_space<vmem_shared>>) target(%dma_start3A_55 : memref<128x128xf32, #tpu.memory_space<hbm>>) target_semaphore(%run_scoped3A : memref<!tpu.dma_semaphore, #tpu.memory_space<semaphore_mem>>)
      %dma_wait3A = arith.constant 0 : i32
      %dma_wait3A_58 = tpu.memref_slice %arg6[%arg0, %add3A_46, %dma_wait3A] : memref<2x10240x128xf32, #tpu.memory_space<hbm>> -> memref<1x128x128xf32, #tpu.memory_space<hbm>>
      %dma_wait3A_59 = tpu.memref_squeeze %dma_wait3A_58 : memref<1x128x128xf32, #tpu.memory_space<hbm>> -> memref<128x128xf32, #tpu.memory_space<hbm>>
      %dma_wait3A_60 = arith.constant 0 : i32
      %dma_wait3A_61 = tpu.memref_slice %arg12[%add3A_46, %dma_wait3A_60] : memref<10240x128xf32, #tpu.memory_space<vmem_shared>> -> memref<128x128xf32, #tpu.memory_space<vmem_shared>>
      tpu.wait_dma2 semaphore(%run_scoped3A : memref<!tpu.dma_semaphore, #tpu.memory_space<semaphore_mem>>) src(%dma_wait3A_61 : memref<128x128xf32, #tpu.memory_space<vmem_shared>>) dst(%dma_wait3A_59 : memref<128x128xf32, #tpu.memory_space<hbm>>)
      tpu.yield
    }) : () -> ()
    %add3A_47 = arith.constant 256 : i32
    %add3A_48 = arith.addi %mul3A_13, %add3A_47 : i32
    "tpu.region"() ({
      %run_scoped3A = tpu.sem_alloc : memref<!tpu.dma_semaphore, #tpu.memory_space<semaphore_mem>>
      %dma_start3A_53 = arith.constant 0 : i32
      %dma_start3A_54 = tpu.memref_slice %arg6[%arg0, %add3A_48, %dma_start3A_53] : memref<2x10240x128xf32, #tpu.memory_space<hbm>> -> memref<1x128x128xf32, #tpu.memory_space<hbm>>
      %dma_start3A_55 = tpu.memref_squeeze %dma_start3A_54 : memref<1x128x128xf32, #tpu.memory_space<hbm>> -> memref<128x128xf32, #tpu.memory_space<hbm>>
      %dma_start3A_56 = arith.constant 0 : i32
      %dma_start3A_57 = tpu.memref_slice %arg12[%add3A_48, %dma_start3A_56] : memref<10240x128xf32, #tpu.memory_space<vmem_shared>> -> memref<128x128xf32, #tpu.memory_space<vmem_shared>>
      tpu.enqueue_dma source(%dma_start3A_57 : memref<128x128xf32, #tpu.memory_space<vmem_shared>>) target(%dma_start3A_55 : memref<128x128xf32, #tpu.memory_space<hbm>>) target_semaphore(%run_scoped3A : memref<!tpu.dma_semaphore, #tpu.memory_space<semaphore_mem>>)
      %dma_wait3A = arith.constant 0 : i32
      %dma_wait3A_58 = tpu.memref_slice %arg6[%arg0, %add3A_48, %dma_wait3A] : memref<2x10240x128xf32, #tpu.memory_space<hbm>> -> memref<1x128x128xf32, #tpu.memory_space<hbm>>
      %dma_wait3A_59 = tpu.memref_squeeze %dma_wait3A_58 : memref<1x128x128xf32, #tpu.memory_space<hbm>> -> memref<128x128xf32, #tpu.memory_space<hbm>>
      %dma_wait3A_60 = arith.constant 0 : i32
      %dma_wait3A_61 = tpu.memref_slice %arg12[%add3A_48, %dma_wait3A_60] : memref<10240x128xf32, #tpu.memory_space<vmem_shared>> -> memref<128x128xf32, #tpu.memory_space<vmem_shared>>
      tpu.wait_dma2 semaphore(%run_scoped3A : memref<!tpu.dma_semaphore, #tpu.memory_space<semaphore_mem>>) src(%dma_wait3A_61 : memref<128x128xf32, #tpu.memory_space<vmem_shared>>) dst(%dma_wait3A_59 : memref<128x128xf32, #tpu.memory_space<hbm>>)
      tpu.yield
    }) : () -> ()
    %add3A_49 = arith.constant 384 : i32
    %add3A_50 = arith.addi %mul3A_13, %add3A_49 : i32
    "tpu.region"() ({
      %run_scoped3A = tpu.sem_alloc : memref<!tpu.dma_semaphore, #tpu.memory_space<semaphore_mem>>
      %dma_start3A_53 = arith.constant 0 : i32
      %dma_start3A_54 = tpu.memref_slice %arg6[%arg0, %add3A_50, %dma_start3A_53] : memref<2x10240x128xf32, #tpu.memory_space<hbm>> -> memref<1x128x128xf32, #tpu.memory_space<hbm>>
      %dma_start3A_55 = tpu.memref_squeeze %dma_start3A_54 : memref<1x128x128xf32, #tpu.memory_space<hbm>> -> memref<128x128xf32, #tpu.memory_space<hbm>>
      %dma_start3A_56 = arith.constant 0 : i32
      %dma_start3A_57 = tpu.memref_slice %arg12[%add3A_50, %dma_start3A_56] : memref<10240x128xf32, #tpu.memory_space<vmem_shared>> -> memref<128x128xf32, #tpu.memory_space<vmem_shared>>
      tpu.enqueue_dma source(%dma_start3A_57 : memref<128x128xf32, #tpu.memory_space<vmem_shared>>) target(%dma_start3A_55 : memref<128x128xf32, #tpu.memory_space<hbm>>) target_semaphore(%run_scoped3A : memref<!tpu.dma_semaphore, #tpu.memory_space<semaphore_mem>>)
      %dma_wait3A = arith.constant 0 : i32
      %dma_wait3A_58 = tpu.memref_slice %arg6[%arg0, %add3A_50, %dma_wait3A] : memref<2x10240x128xf32, #tpu.memory_space<hbm>> -> memref<1x128x128xf32, #tpu.memory_space<hbm>>
      %dma_wait3A_59 = tpu.memref_squeeze %dma_wait3A_58 : memref<1x128x128xf32, #tpu.memory_space<hbm>> -> memref<128x128xf32, #tpu.memory_space<hbm>>
      %dma_wait3A_60 = arith.constant 0 : i32
      %dma_wait3A_61 = tpu.memref_slice %arg12[%add3A_50, %dma_wait3A_60] : memref<10240x128xf32, #tpu.memory_space<vmem_shared>> -> memref<128x128xf32, #tpu.memory_space<vmem_shared>>
      tpu.wait_dma2 semaphore(%run_scoped3A : memref<!tpu.dma_semaphore, #tpu.memory_space<semaphore_mem>>) src(%dma_wait3A_61 : memref<128x128xf32, #tpu.memory_space<vmem_shared>>) dst(%dma_wait3A_59 : memref<128x128xf32, #tpu.memory_space<hbm>>)
      tpu.yield
    }) : () -> ()
    %add3A_51 = arith.constant 512 : i32
    %add3A_52 = arith.addi %mul3A_13, %add3A_51 : i32
    "tpu.region"() ({
      %run_scoped3A = tpu.sem_alloc : memref<!tpu.dma_semaphore, #tpu.memory_space<semaphore_mem>>
      %dma_start3A_53 = arith.constant 0 : i32
      %dma_start3A_54 = tpu.memref_slice %arg6[%arg0, %add3A_52, %dma_start3A_53] : memref<2x10240x128xf32, #tpu.memory_space<hbm>> -> memref<1x128x128xf32, #tpu.memory_space<hbm>>
      %dma_start3A_55 = tpu.memref_squeeze %dma_start3A_54 : memref<1x128x128xf32, #tpu.memory_space<hbm>> -> memref<128x128xf32, #tpu.memory_space<hbm>>
      %dma_start3A_56 = arith.constant 0 : i32
      %dma_start3A_57 = tpu.memref_slice %arg12[%add3A_52, %dma_start3A_56] : memref<10240x128xf32, #tpu.memory_space<vmem_shared>> -> memref<128x128xf32, #tpu.memory_space<vmem_shared>>
      tpu.enqueue_dma source(%dma_start3A_57 : memref<128x128xf32, #tpu.memory_space<vmem_shared>>) target(%dma_start3A_55 : memref<128x128xf32, #tpu.memory_space<hbm>>) target_semaphore(%run_scoped3A : memref<!tpu.dma_semaphore, #tpu.memory_space<semaphore_mem>>)
      %dma_wait3A = arith.constant 0 : i32
      %dma_wait3A_58 = tpu.memref_slice %arg6[%arg0, %add3A_52, %dma_wait3A] : memref<2x10240x128xf32, #tpu.memory_space<hbm>> -> memref<1x128x128xf32, #tpu.memory_space<hbm>>
      %dma_wait3A_59 = tpu.memref_squeeze %dma_wait3A_58 : memref<1x128x128xf32, #tpu.memory_space<hbm>> -> memref<128x128xf32, #tpu.memory_space<hbm>>
      %dma_wait3A_60 = arith.constant 0 : i32
      %dma_wait3A_61 = tpu.memref_slice %arg12[%add3A_52, %dma_wait3A_60] : memref<10240x128xf32, #tpu.memory_space<vmem_shared>> -> memref<128x128xf32, #tpu.memory_space<vmem_shared>>
      tpu.wait_dma2 semaphore(%run_scoped3A : memref<!tpu.dma_semaphore, #tpu.memory_space<semaphore_mem>>) src(%dma_wait3A_61 : memref<128x128xf32, #tpu.memory_space<vmem_shared>>) dst(%dma_wait3A_59 : memref<128x128xf32, #tpu.memory_space<hbm>>)
      tpu.yield
    }) : () -> ()
    return
  }
}

#map = affine_map<(d0, d1) -> (0, 0, 0, 0)>
#map1 = affine_map<(d0, d1) -> (0, 0)>
module attributes {stable_mosaic.version = 14 : i64} {
  func.func @k(%arg0: i32, %arg1: i32, %arg2: memref<32x102x2x128xi32, #tpu.memory_space<hbm>>, %arg3: memref<2x10240xf32, #tpu.memory_space<hbm>>, %arg4: memref<102x2x128xi32, #tpu.memory_space<vmem>>, %arg5: memref<10240xf32, #tpu.memory_space<vmem>>, %arg6: memref<640xf32, #tpu.memory_space<vmem>>, %arg7: memref<640xf32, #tpu.memory_space<vmem>>, %arg8: memref<16x10240xf32, #tpu.memory_space<vmem_shared>>) attributes {dimension_semantics = [#tpu.dimension_semantics<core_parallel>, #tpu.dimension_semantics<subcore_parallel>], iteration_bounds = array<i64: 2, 16>, scalar_prefetch = 0 : i64, scratch_operands = 5 : i64, tpu.core_type = #tpu.core_type<sc_vector_subcore>, window_params = [{transform_indices = #map}, {transform_indices = #map1}]} {
    %mul3A = arith.constant 16 : i32
    %mul3A_0 = arith.muli %arg0, %mul3A : i32
    %add3A = arith.addi %mul3A_0, %arg1 : i32
    "tpu.region"() ({
      %run_scoped3A_103 = tpu.sem_alloc : memref<!tpu.dma_semaphore, #tpu.memory_space<semaphore_mem>>
      %dma_start3A = arith.constant 0 : i32
      %dma_start3A_104 = arith.constant 0 : i32
      %dma_start3A_105 = arith.constant 0 : i32
      %dma_start3A_106 = tpu.memref_slice %arg2[%add3A, %dma_start3A, %dma_start3A_104, %dma_start3A_105] : memref<32x102x2x128xi32, #tpu.memory_space<hbm>> -> memref<1x102x2x128xi32, #tpu.memory_space<hbm>>
      %dma_start3A_107 = tpu.memref_squeeze %dma_start3A_106 : memref<1x102x2x128xi32, #tpu.memory_space<hbm>> -> memref<102x2x128xi32, #tpu.memory_space<hbm>>
      %dma_start3A_108 = arith.constant 0 : i32
      %dma_start3A_109 = arith.constant 0 : i32
      %dma_start3A_110 = arith.constant 0 : i32
      %dma_start3A_111 = tpu.memref_slice %arg2[%add3A, %dma_start3A_108, %dma_start3A_109, %dma_start3A_110] : memref<32x102x2x128xi32, #tpu.memory_space<hbm>> -> memref<1x102x2x128xi32, #tpu.memory_space<hbm>>
      %dma_start3A_112 = tpu.memref_squeeze %dma_start3A_111 : memref<1x102x2x128xi32, #tpu.memory_space<hbm>> -> memref<102x2x128xi32, #tpu.memory_space<hbm>>
      tpu.enqueue_dma source(%dma_start3A_112 : memref<102x2x128xi32, #tpu.memory_space<hbm>>) target(%arg4 : memref<102x2x128xi32, #tpu.memory_space<vmem>>) target_semaphore(%run_scoped3A_103 : memref<!tpu.dma_semaphore, #tpu.memory_space<semaphore_mem>>)
      %dma_wait3A = arith.constant 0 : i32
      %dma_wait3A_113 = arith.constant 0 : i32
      %dma_wait3A_114 = arith.constant 0 : i32
      %dma_wait3A_115 = tpu.memref_slice %arg2[%add3A, %dma_wait3A, %dma_wait3A_113, %dma_wait3A_114] : memref<32x102x2x128xi32, #tpu.memory_space<hbm>> -> memref<1x102x2x128xi32, #tpu.memory_space<hbm>>
      %dma_wait3A_116 = tpu.memref_squeeze %dma_wait3A_115 : memref<1x102x2x128xi32, #tpu.memory_space<hbm>> -> memref<102x2x128xi32, #tpu.memory_space<hbm>>
      %dma_wait3A_117 = arith.constant 0 : i32
      %dma_wait3A_118 = arith.constant 0 : i32
      %dma_wait3A_119 = arith.constant 0 : i32
      %dma_wait3A_120 = tpu.memref_slice %arg2[%add3A, %dma_wait3A_117, %dma_wait3A_118, %dma_wait3A_119] : memref<32x102x2x128xi32, #tpu.memory_space<hbm>> -> memref<1x102x2x128xi32, #tpu.memory_space<hbm>>
      %dma_wait3A_121 = tpu.memref_squeeze %dma_wait3A_120 : memref<1x102x2x128xi32, #tpu.memory_space<hbm>> -> memref<102x2x128xi32, #tpu.memory_space<hbm>>
      tpu.wait_dma2 semaphore(%run_scoped3A_103 : memref<!tpu.dma_semaphore, #tpu.memory_space<semaphore_mem>>) src(%dma_wait3A_121 : memref<102x2x128xi32, #tpu.memory_space<hbm>>) dst(%arg4 : memref<102x2x128xi32, #tpu.memory_space<vmem>>)
      tpu.yield
    }) : () -> ()
    %broadcast_in_dim3A = arith.constant 0.000000e+00 : f32
    %broadcast_in_dim3A_1 = vector.broadcast %broadcast_in_dim3A : f32 to vector<16xf32>
    %scan3A = arith.constant 0 : i32
    %scan3A_2 = arith.constant 640 : i32
    %scan3A_3 = arith.addi %scan3A, %scan3A_2 : i32
    %scan3A_4 = arith.constant 1 : i32
    scf.for %scan3A_103 = %scan3A to %scan3A_3 step %scan3A_4  : i32 {
      %mul3A_104 = arith.constant 1 : i32
      %mul3A_105 = arith.muli %scan3A_103, %mul3A_104 : i32
      %add3A_106 = arith.constant 0 : i32
      %add3A_107 = arith.addi %add3A_106, %mul3A_105 : i32
      %mul3A_108 = arith.constant 16 : i32
      %mul3A_109 = arith.muli %add3A_107, %mul3A_108 : i32
      %swap3A = arith.index_cast %mul3A_109 : i32 to index
      %swap3A_110 = tpu.vector_load %arg5[%swap3A] {strides = array<i32>} : memref<10240xf32, #tpu.memory_space<vmem>>, vector<16xf32>,
      tpu.vector_store %arg5[%swap3A], %broadcast_in_dim3A_1 {strides = array<i32>} : memref<10240xf32, #tpu.memory_space<vmem>>, vector<16xf32>,
    }
    %scan3A_5 = arith.constant 640 : i32
    %scan3A_6 = arith.constant 0 : i32
    %scan3A_7 = arith.constant 102 : i32
    %scan3A_8 = arith.addi %scan3A_6, %scan3A_7 : i32
    %scan3A_9 = arith.constant 1 : i32
    scf.for %scan3A_103 = %scan3A_6 to %scan3A_8 step %scan3A_9  : i32 {
      %mul3A_104 = arith.constant 1 : i32
      %mul3A_105 = arith.muli %scan3A_103, %mul3A_104 : i32
      %add3A_106 = arith.constant 0 : i32
      %add3A_107 = arith.addi %add3A_106, %mul3A_105 : i32
      %get3A = arith.constant 0 : i32
      %get3A_108 = arith.index_cast %add3A_107 : i32 to index
      %get3A_109 = arith.index_cast %get3A : i32 to index
      %get3A_110 = arith.constant 0 : index
      %get3A_111 = tpu.vector_load %arg4[%get3A_108, %get3A_109, %get3A_110] {strides = array<i32>} : memref<102x2x128xi32, #tpu.memory_space<vmem>>, vector<16xi32>,
      %get3A_112 = arith.constant 1 : i32
      %get3A_113 = arith.index_cast %add3A_107 : i32 to index
      %get3A_114 = arith.index_cast %get3A_112 : i32 to index
      %get3A_115 = arith.constant 0 : index
      %get3A_116 = tpu.vector_load %arg4[%get3A_113, %get3A_114, %get3A_115] {strides = array<i32>} : memref<102x2x128xi32, #tpu.memory_space<vmem>>, vector<16xi32>,
      %bitcast3A = vector.bitcast %get3A_116 : vector<16xi32> to vector<16xf32>
      tpu.vector_store_idx %arg5[%get3A_111], %bitcast3A {add = true} : memref<10240xf32, #tpu.memory_space<vmem>>[vector<16xi32>], vector<16xf32>,
      %get3A_117 = arith.constant 0 : i32
      %get3A_118 = arith.index_cast %add3A_107 : i32 to index
      %get3A_119 = arith.index_cast %get3A_117 : i32 to index
      %get3A_120 = arith.constant 16 : index
      %get3A_121 = tpu.vector_load %arg4[%get3A_118, %get3A_119, %get3A_120] {strides = array<i32>} : memref<102x2x128xi32, #tpu.memory_space<vmem>>, vector<16xi32>,
      %get3A_122 = arith.constant 1 : i32
      %get3A_123 = arith.index_cast %add3A_107 : i32 to index
      %get3A_124 = arith.index_cast %get3A_122 : i32 to index
      %get3A_125 = arith.constant 16 : index
      %get3A_126 = tpu.vector_load %arg4[%get3A_123, %get3A_124, %get3A_125] {strides = array<i32>} : memref<102x2x128xi32, #tpu.memory_space<vmem>>, vector<16xi32>,
      %bitcast3A_127 = vector.bitcast %get3A_126 : vector<16xi32> to vector<16xf32>
      tpu.vector_store_idx %arg5[%get3A_121], %bitcast3A_127 {add = true} : memref<10240xf32, #tpu.memory_space<vmem>>[vector<16xi32>], vector<16xf32>,
      %get3A_128 = arith.constant 0 : i32
      %get3A_129 = arith.index_cast %add3A_107 : i32 to index
      %get3A_130 = arith.index_cast %get3A_128 : i32 to index
      %get3A_131 = arith.constant 32 : index
      %get3A_132 = tpu.vector_load %arg4[%get3A_129, %get3A_130, %get3A_131] {strides = array<i32>} : memref<102x2x128xi32, #tpu.memory_space<vmem>>, vector<16xi32>,
      %get3A_133 = arith.constant 1 : i32
      %get3A_134 = arith.index_cast %add3A_107 : i32 to index
      %get3A_135 = arith.index_cast %get3A_133 : i32 to index
      %get3A_136 = arith.constant 32 : index
      %get3A_137 = tpu.vector_load %arg4[%get3A_134, %get3A_135, %get3A_136] {strides = array<i32>} : memref<102x2x128xi32, #tpu.memory_space<vmem>>, vector<16xi32>,
      %bitcast3A_138 = vector.bitcast %get3A_137 : vector<16xi32> to vector<16xf32>
      tpu.vector_store_idx %arg5[%get3A_132], %bitcast3A_138 {add = true} : memref<10240xf32, #tpu.memory_space<vmem>>[vector<16xi32>], vector<16xf32>,
      %get3A_139 = arith.constant 0 : i32
      %get3A_140 = arith.index_cast %add3A_107 : i32 to index
      %get3A_141 = arith.index_cast %get3A_139 : i32 to index
      %get3A_142 = arith.constant 48 : index
      %get3A_143 = tpu.vector_load %arg4[%get3A_140, %get3A_141, %get3A_142] {strides = array<i32>} : memref<102x2x128xi32, #tpu.memory_space<vmem>>, vector<16xi32>,
      %get3A_144 = arith.constant 1 : i32
      %get3A_145 = arith.index_cast %add3A_107 : i32 to index
      %get3A_146 = arith.index_cast %get3A_144 : i32 to index
      %get3A_147 = arith.constant 48 : index
      %get3A_148 = tpu.vector_load %arg4[%get3A_145, %get3A_146, %get3A_147] {strides = array<i32>} : memref<102x2x128xi32, #tpu.memory_space<vmem>>, vector<16xi32>,
      %bitcast3A_149 = vector.bitcast %get3A_148 : vector<16xi32> to vector<16xf32>
      tpu.vector_store_idx %arg5[%get3A_143], %bitcast3A_149 {add = true} : memref<10240xf32, #tpu.memory_space<vmem>>[vector<16xi32>], vector<16xf32>,
      %get3A_150 = arith.constant 0 : i32
      %get3A_151 = arith.index_cast %add3A_107 : i32 to index
      %get3A_152 = arith.index_cast %get3A_150 : i32 to index
      %get3A_153 = arith.constant 64 : index
      %get3A_154 = tpu.vector_load %arg4[%get3A_151, %get3A_152, %get3A_153] {strides = array<i32>} : memref<102x2x128xi32, #tpu.memory_space<vmem>>, vector<16xi32>,
      %get3A_155 = arith.constant 1 : i32
      %get3A_156 = arith.index_cast %add3A_107 : i32 to index
      %get3A_157 = arith.index_cast %get3A_155 : i32 to index
      %get3A_158 = arith.constant 64 : index
      %get3A_159 = tpu.vector_load %arg4[%get3A_156, %get3A_157, %get3A_158] {strides = array<i32>} : memref<102x2x128xi32, #tpu.memory_space<vmem>>, vector<16xi32>,
      %bitcast3A_160 = vector.bitcast %get3A_159 : vector<16xi32> to vector<16xf32>
      tpu.vector_store_idx %arg5[%get3A_154], %bitcast3A_160 {add = true} : memref<10240xf32, #tpu.memory_space<vmem>>[vector<16xi32>], vector<16xf32>,
      %get3A_161 = arith.constant 0 : i32
      %get3A_162 = arith.index_cast %add3A_107 : i32 to index
      %get3A_163 = arith.index_cast %get3A_161 : i32 to index
      %get3A_164 = arith.constant 80 : index
      %get3A_165 = tpu.vector_load %arg4[%get3A_162, %get3A_163, %get3A_164] {strides = array<i32>} : memref<102x2x128xi32, #tpu.memory_space<vmem>>, vector<16xi32>,
      %get3A_166 = arith.constant 1 : i32
      %get3A_167 = arith.index_cast %add3A_107 : i32 to index
      %get3A_168 = arith.index_cast %get3A_166 : i32 to index
      %get3A_169 = arith.constant 80 : index
      %get3A_170 = tpu.vector_load %arg4[%get3A_167, %get3A_168, %get3A_169] {strides = array<i32>} : memref<102x2x128xi32, #tpu.memory_space<vmem>>, vector<16xi32>,
      %bitcast3A_171 = vector.bitcast %get3A_170 : vector<16xi32> to vector<16xf32>
      tpu.vector_store_idx %arg5[%get3A_165], %bitcast3A_171 {add = true} : memref<10240xf32, #tpu.memory_space<vmem>>[vector<16xi32>], vector<16xf32>,
      %get3A_172 = arith.constant 0 : i32
      %get3A_173 = arith.index_cast %add3A_107 : i32 to index
      %get3A_174 = arith.index_cast %get3A_172 : i32 to index
      %get3A_175 = arith.constant 96 : index
      %get3A_176 = tpu.vector_load %arg4[%get3A_173, %get3A_174, %get3A_175] {strides = array<i32>} : memref<102x2x128xi32, #tpu.memory_space<vmem>>, vector<16xi32>,
      %get3A_177 = arith.constant 1 : i32
      %get3A_178 = arith.index_cast %add3A_107 : i32 to index
      %get3A_179 = arith.index_cast %get3A_177 : i32 to index
      %get3A_180 = arith.constant 96 : index
      %get3A_181 = tpu.vector_load %arg4[%get3A_178, %get3A_179, %get3A_180] {strides = array<i32>} : memref<102x2x128xi32, #tpu.memory_space<vmem>>, vector<16xi32>,
      %bitcast3A_182 = vector.bitcast %get3A_181 : vector<16xi32> to vector<16xf32>
      tpu.vector_store_idx %arg5[%get3A_176], %bitcast3A_182 {add = true} : memref<10240xf32, #tpu.memory_space<vmem>>[vector<16xi32>], vector<16xf32>,
      %get3A_183 = arith.constant 0 : i32
      %get3A_184 = arith.index_cast %add3A_107 : i32 to index
      %get3A_185 = arith.index_cast %get3A_183 : i32 to index
      %get3A_186 = arith.constant 112 : index
      %get3A_187 = tpu.vector_load %arg4[%get3A_184, %get3A_185, %get3A_186] {strides = array<i32>} : memref<102x2x128xi32, #tpu.memory_space<vmem>>, vector<16xi32>,
      %get3A_188 = arith.constant 1 : i32
      %get3A_189 = arith.index_cast %add3A_107 : i32 to index
      %get3A_190 = arith.index_cast %get3A_188 : i32 to index
      %get3A_191 = arith.constant 112 : index
      %get3A_192 = tpu.vector_load %arg4[%get3A_189, %get3A_190, %get3A_191] {strides = array<i32>} : memref<102x2x128xi32, #tpu.memory_space<vmem>>, vector<16xi32>,
      %bitcast3A_193 = vector.bitcast %get3A_192 : vector<16xi32> to vector<16xf32>
      tpu.vector_store_idx %arg5[%get3A_187], %bitcast3A_193 {add = true} : memref<10240xf32, #tpu.memory_space<vmem>>[vector<16xi32>], vector<16xf32>,
    }
    %scan3A_10 = arith.constant 102 : i32
    "tpu.region"() ({
      %run_scoped3A_103 = tpu.sem_alloc : memref<!tpu.dma_semaphore, #tpu.memory_space<semaphore_mem>>
      %dma_start3A = arith.constant 0 : i32
      %dma_start3A_104 = tpu.memref_slice %arg8[%arg1, %dma_start3A] : memref<16x10240xf32, #tpu.memory_space<vmem_shared>> -> memref<1x10240xf32, #tpu.memory_space<vmem_shared>>
      %dma_start3A_105 = tpu.memref_squeeze %dma_start3A_104 : memref<1x10240xf32, #tpu.memory_space<vmem_shared>> -> memref<10240xf32, #tpu.memory_space<vmem_shared>>
      %dma_start3A_106 = arith.constant 0 : i32
      %dma_start3A_107 = tpu.memref_slice %arg8[%arg1, %dma_start3A_106] : memref<16x10240xf32, #tpu.memory_space<vmem_shared>> -> memref<1x10240xf32, #tpu.memory_space<vmem_shared>>
      %dma_start3A_108 = tpu.memref_squeeze %dma_start3A_107 : memref<1x10240xf32, #tpu.memory_space<vmem_shared>> -> memref<10240xf32, #tpu.memory_space<vmem_shared>>
      tpu.enqueue_dma source(%arg5 : memref<10240xf32, #tpu.memory_space<vmem>>) target(%dma_start3A_108 : memref<10240xf32, #tpu.memory_space<vmem_shared>>) target_semaphore(%run_scoped3A_103 : memref<!tpu.dma_semaphore, #tpu.memory_space<semaphore_mem>>)
      %dma_wait3A = arith.constant 0 : i32
      %dma_wait3A_109 = tpu.memref_slice %arg8[%arg1, %dma_wait3A] : memref<16x10240xf32, #tpu.memory_space<vmem_shared>> -> memref<1x10240xf32, #tpu.memory_space<vmem_shared>>
      %dma_wait3A_110 = tpu.memref_squeeze %dma_wait3A_109 : memref<1x10240xf32, #tpu.memory_space<vmem_shared>> -> memref<10240xf32, #tpu.memory_space<vmem_shared>>
      %dma_wait3A_111 = arith.constant 0 : i32
      %dma_wait3A_112 = tpu.memref_slice %arg8[%arg1, %dma_wait3A_111] : memref<16x10240xf32, #tpu.memory_space<vmem_shared>> -> memref<1x10240xf32, #tpu.memory_space<vmem_shared>>
      %dma_wait3A_113 = tpu.memref_squeeze %dma_wait3A_112 : memref<1x10240xf32, #tpu.memory_space<vmem_shared>> -> memref<10240xf32, #tpu.memory_space<vmem_shared>>
      tpu.wait_dma2 semaphore(%run_scoped3A_103 : memref<!tpu.dma_semaphore, #tpu.memory_space<semaphore_mem>>) src(%arg5 : memref<10240xf32, #tpu.memory_space<vmem>>) dst(%dma_wait3A_113 : memref<10240xf32, #tpu.memory_space<vmem_shared>>)
      tpu.yield
    }) : () -> ()
    %barrier3A = arith.constant 0 : index
    tpu.barrier barrier_id(%barrier3A)
    %mul3A_11 = arith.constant 640 : i32
    %mul3A_12 = arith.muli %arg1, %mul3A_11 : i32
    %run_scoped3A = arith.constant 0 : i32
    "tpu.region"() ({
      %run_scoped3A_103 = tpu.sem_alloc : memref<!tpu.dma_semaphore, #tpu.memory_space<semaphore_mem>>
      %dma_start3A = tpu.memref_slice %arg8[%run_scoped3A, %mul3A_12] : memref<16x10240xf32, #tpu.memory_space<vmem_shared>> -> memref<1x640xf32, #tpu.memory_space<vmem_shared>>
      %dma_start3A_104 = tpu.memref_squeeze %dma_start3A : memref<1x640xf32, #tpu.memory_space<vmem_shared>> -> memref<640xf32, #tpu.memory_space<vmem_shared>>
      %dma_start3A_105 = tpu.memref_slice %arg8[%run_scoped3A, %mul3A_12] : memref<16x10240xf32, #tpu.memory_space<vmem_shared>> -> memref<1x640xf32, #tpu.memory_space<vmem_shared>>
      %dma_start3A_106 = tpu.memref_squeeze %dma_start3A_105 : memref<1x640xf32, #tpu.memory_space<vmem_shared>> -> memref<640xf32, #tpu.memory_space<vmem_shared>>
      tpu.enqueue_dma source(%dma_start3A_106 : memref<640xf32, #tpu.memory_space<vmem_shared>>) target(%arg6 : memref<640xf32, #tpu.memory_space<vmem>>) target_semaphore(%run_scoped3A_103 : memref<!tpu.dma_semaphore, #tpu.memory_space<semaphore_mem>>)
      %dma_wait3A = tpu.memref_slice %arg8[%run_scoped3A, %mul3A_12] : memref<16x10240xf32, #tpu.memory_space<vmem_shared>> -> memref<1x640xf32, #tpu.memory_space<vmem_shared>>
      %dma_wait3A_107 = tpu.memref_squeeze %dma_wait3A : memref<1x640xf32, #tpu.memory_space<vmem_shared>> -> memref<640xf32, #tpu.memory_space<vmem_shared>>
      %dma_wait3A_108 = tpu.memref_slice %arg8[%run_scoped3A, %mul3A_12] : memref<16x10240xf32, #tpu.memory_space<vmem_shared>> -> memref<1x640xf32, #tpu.memory_space<vmem_shared>>
      %dma_wait3A_109 = tpu.memref_squeeze %dma_wait3A_108 : memref<1x640xf32, #tpu.memory_space<vmem_shared>> -> memref<640xf32, #tpu.memory_space<vmem_shared>>
      tpu.wait_dma2 semaphore(%run_scoped3A_103 : memref<!tpu.dma_semaphore, #tpu.memory_space<semaphore_mem>>) src(%dma_wait3A_109 : memref<640xf32, #tpu.memory_space<vmem_shared>>) dst(%arg6 : memref<640xf32, #tpu.memory_space<vmem>>)
      tpu.yield
    }) : () -> ()
    %run_scoped3A_13 = arith.constant 1 : i32
    "tpu.region"() ({
      %run_scoped3A_103 = tpu.sem_alloc : memref<!tpu.dma_semaphore, #tpu.memory_space<semaphore_mem>>
      %dma_start3A = tpu.memref_slice %arg8[%run_scoped3A_13, %mul3A_12] : memref<16x10240xf32, #tpu.memory_space<vmem_shared>> -> memref<1x640xf32, #tpu.memory_space<vmem_shared>>
      %dma_start3A_104 = tpu.memref_squeeze %dma_start3A : memref<1x640xf32, #tpu.memory_space<vmem_shared>> -> memref<640xf32, #tpu.memory_space<vmem_shared>>
      %dma_start3A_105 = tpu.memref_slice %arg8[%run_scoped3A_13, %mul3A_12] : memref<16x10240xf32, #tpu.memory_space<vmem_shared>> -> memref<1x640xf32, #tpu.memory_space<vmem_shared>>
      %dma_start3A_106 = tpu.memref_squeeze %dma_start3A_105 : memref<1x640xf32, #tpu.memory_space<vmem_shared>> -> memref<640xf32, #tpu.memory_space<vmem_shared>>
      tpu.enqueue_dma source(%dma_start3A_106 : memref<640xf32, #tpu.memory_space<vmem_shared>>) target(%arg7 : memref<640xf32, #tpu.memory_space<vmem>>) target_semaphore(%run_scoped3A_103 : memref<!tpu.dma_semaphore, #tpu.memory_space<semaphore_mem>>)
      %dma_wait3A = tpu.memref_slice %arg8[%run_scoped3A_13, %mul3A_12] : memref<16x10240xf32, #tpu.memory_space<vmem_shared>> -> memref<1x640xf32, #tpu.memory_space<vmem_shared>>
      %dma_wait3A_107 = tpu.memref_squeeze %dma_wait3A : memref<1x640xf32, #tpu.memory_space<vmem_shared>> -> memref<640xf32, #tpu.memory_space<vmem_shared>>
      %dma_wait3A_108 = tpu.memref_slice %arg8[%run_scoped3A_13, %mul3A_12] : memref<16x10240xf32, #tpu.memory_space<vmem_shared>> -> memref<1x640xf32, #tpu.memory_space<vmem_shared>>
      %dma_wait3A_109 = tpu.memref_squeeze %dma_wait3A_108 : memref<1x640xf32, #tpu.memory_space<vmem_shared>> -> memref<640xf32, #tpu.memory_space<vmem_shared>>
      tpu.wait_dma2 semaphore(%run_scoped3A_103 : memref<!tpu.dma_semaphore, #tpu.memory_space<semaphore_mem>>) src(%dma_wait3A_109 : memref<640xf32, #tpu.memory_space<vmem_shared>>) dst(%arg7 : memref<640xf32, #tpu.memory_space<vmem>>)
      tpu.yield
    }) : () -> ()
    %scan3A_14 = arith.constant 0 : i32
    %scan3A_15 = arith.constant 40 : i32
    %scan3A_16 = arith.addi %scan3A_14, %scan3A_15 : i32
    %scan3A_17 = arith.constant 1 : i32
    scf.for %scan3A_103 = %scan3A_14 to %scan3A_16 step %scan3A_17  : i32 {
      %mul3A_104 = arith.constant 1 : i32
      %mul3A_105 = arith.muli %scan3A_103, %mul3A_104 : i32
      %add3A_106 = arith.constant 0 : i32
      %add3A_107 = arith.addi %add3A_106, %mul3A_105 : i32
      %mul3A_108 = arith.constant 16 : i32
      %mul3A_109 = arith.muli %add3A_107, %mul3A_108 : i32
      %get3A = arith.index_cast %mul3A_109 : i32 to index
      %get3A_110 = tpu.vector_load %arg6[%get3A] {strides = array<i32>} : memref<640xf32, #tpu.memory_space<vmem>>, vector<16xf32>,
      %get3A_111 = arith.index_cast %mul3A_109 : i32 to index
      %get3A_112 = tpu.vector_load %arg7[%get3A_111] {strides = array<i32>} : memref<640xf32, #tpu.memory_space<vmem>>, vector<16xf32>,
      %add3A_113 = arith.addf %get3A_110, %get3A_112 : vector<16xf32>
      %swap3A = arith.index_cast %mul3A_109 : i32 to index
      %swap3A_114 = tpu.vector_load %arg6[%swap3A] {strides = array<i32>} : memref<640xf32, #tpu.memory_space<vmem>>, vector<16xf32>,
      tpu.vector_store %arg6[%swap3A], %add3A_113 {strides = array<i32>} : memref<640xf32, #tpu.memory_space<vmem>>, vector<16xf32>,
    }
    %scan3A_18 = arith.constant 40 : i32
    %run_scoped3A_19 = arith.constant 2 : i32
    "tpu.region"() ({
      %run_scoped3A_103 = tpu.sem_alloc : memref<!tpu.dma_semaphore, #tpu.memory_space<semaphore_mem>>
      %dma_start3A = tpu.memref_slice %arg8[%run_scoped3A_19, %mul3A_12] : memref<16x10240xf32, #tpu.memory_space<vmem_shared>> -> memref<1x640xf32, #tpu.memory_space<vmem_shared>>
      %dma_start3A_104 = tpu.memref_squeeze %dma_start3A : memref<1x640xf32, #tpu.memory_space<vmem_shared>> -> memref<640xf32, #tpu.memory_space<vmem_shared>>
      %dma_start3A_105 = tpu.memref_slice %arg8[%run_scoped3A_19, %mul3A_12] : memref<16x10240xf32, #tpu.memory_space<vmem_shared>> -> memref<1x640xf32, #tpu.memory_space<vmem_shared>>
      %dma_start3A_106 = tpu.memref_squeeze %dma_start3A_105 : memref<1x640xf32, #tpu.memory_space<vmem_shared>> -> memref<640xf32, #tpu.memory_space<vmem_shared>>
      tpu.enqueue_dma source(%dma_start3A_106 : memref<640xf32, #tpu.memory_space<vmem_shared>>) target(%arg7 : memref<640xf32, #tpu.memory_space<vmem>>) target_semaphore(%run_scoped3A_103 : memref<!tpu.dma_semaphore, #tpu.memory_space<semaphore_mem>>)
      %dma_wait3A = tpu.memref_slice %arg8[%run_scoped3A_19, %mul3A_12] : memref<16x10240xf32, #tpu.memory_space<vmem_shared>> -> memref<1x640xf32, #tpu.memory_space<vmem_shared>>
      %dma_wait3A_107 = tpu.memref_squeeze %dma_wait3A : memref<1x640xf32, #tpu.memory_space<vmem_shared>> -> memref<640xf32, #tpu.memory_space<vmem_shared>>
      %dma_wait3A_108 = tpu.memref_slice %arg8[%run_scoped3A_19, %mul3A_12] : memref<16x10240xf32, #tpu.memory_space<vmem_shared>> -> memref<1x640xf32, #tpu.memory_space<vmem_shared>>
      %dma_wait3A_109 = tpu.memref_squeeze %dma_wait3A_108 : memref<1x640xf32, #tpu.memory_space<vmem_shared>> -> memref<640xf32, #tpu.memory_space<vmem_shared>>
      tpu.wait_dma2 semaphore(%run_scoped3A_103 : memref<!tpu.dma_semaphore, #tpu.memory_space<semaphore_mem>>) src(%dma_wait3A_109 : memref<640xf32, #tpu.memory_space<vmem_shared>>) dst(%arg7 : memref<640xf32, #tpu.memory_space<vmem>>)
      tpu.yield
    }) : () -> ()
    %scan3A_20 = arith.constant 0 : i32
    %scan3A_21 = arith.constant 40 : i32
    %scan3A_22 = arith.addi %scan3A_20, %scan3A_21 : i32
    %scan3A_23 = arith.constant 1 : i32
    scf.for %scan3A_103 = %scan3A_20 to %scan3A_22 step %scan3A_23  : i32 {
      %mul3A_104 = arith.constant 1 : i32
      %mul3A_105 = arith.muli %scan3A_103, %mul3A_104 : i32
      %add3A_106 = arith.constant 0 : i32
      %add3A_107 = arith.addi %add3A_106, %mul3A_105 : i32
      %mul3A_108 = arith.constant 16 : i32
      %mul3A_109 = arith.muli %add3A_107, %mul3A_108 : i32
      %get3A = arith.index_cast %mul3A_109 : i32 to index
      %get3A_110 = tpu.vector_load %arg6[%get3A] {strides = array<i32>} : memref<640xf32, #tpu.memory_space<vmem>>, vector<16xf32>,
      %get3A_111 = arith.index_cast %mul3A_109 : i32 to index
      %get3A_112 = tpu.vector_load %arg7[%get3A_111] {strides = array<i32>} : memref<640xf32, #tpu.memory_space<vmem>>, vector<16xf32>,
      %add3A_113 = arith.addf %get3A_110, %get3A_112 : vector<16xf32>
      %swap3A = arith.index_cast %mul3A_109 : i32 to index
      %swap3A_114 = tpu.vector_load %arg6[%swap3A] {strides = array<i32>} : memref<640xf32, #tpu.memory_space<vmem>>, vector<16xf32>,
      tpu.vector_store %arg6[%swap3A], %add3A_113 {strides = array<i32>} : memref<640xf32, #tpu.memory_space<vmem>>, vector<16xf32>,
    }
    %scan3A_24 = arith.constant 40 : i32
    %run_scoped3A_25 = arith.constant 3 : i32
    "tpu.region"() ({
      %run_scoped3A_103 = tpu.sem_alloc : memref<!tpu.dma_semaphore, #tpu.memory_space<semaphore_mem>>
      %dma_start3A = tpu.memref_slice %arg8[%run_scoped3A_25, %mul3A_12] : memref<16x10240xf32, #tpu.memory_space<vmem_shared>> -> memref<1x640xf32, #tpu.memory_space<vmem_shared>>
      %dma_start3A_104 = tpu.memref_squeeze %dma_start3A : memref<1x640xf32, #tpu.memory_space<vmem_shared>> -> memref<640xf32, #tpu.memory_space<vmem_shared>>
      %dma_start3A_105 = tpu.memref_slice %arg8[%run_scoped3A_25, %mul3A_12] : memref<16x10240xf32, #tpu.memory_space<vmem_shared>> -> memref<1x640xf32, #tpu.memory_space<vmem_shared>>
      %dma_start3A_106 = tpu.memref_squeeze %dma_start3A_105 : memref<1x640xf32, #tpu.memory_space<vmem_shared>> -> memref<640xf32, #tpu.memory_space<vmem_shared>>
      tpu.enqueue_dma source(%dma_start3A_106 : memref<640xf32, #tpu.memory_space<vmem_shared>>) target(%arg7 : memref<640xf32, #tpu.memory_space<vmem>>) target_semaphore(%run_scoped3A_103 : memref<!tpu.dma_semaphore, #tpu.memory_space<semaphore_mem>>)
      %dma_wait3A = tpu.memref_slice %arg8[%run_scoped3A_25, %mul3A_12] : memref<16x10240xf32, #tpu.memory_space<vmem_shared>> -> memref<1x640xf32, #tpu.memory_space<vmem_shared>>
      %dma_wait3A_107 = tpu.memref_squeeze %dma_wait3A : memref<1x640xf32, #tpu.memory_space<vmem_shared>> -> memref<640xf32, #tpu.memory_space<vmem_shared>>
      %dma_wait3A_108 = tpu.memref_slice %arg8[%run_scoped3A_25, %mul3A_12] : memref<16x10240xf32, #tpu.memory_space<vmem_shared>> -> memref<1x640xf32, #tpu.memory_space<vmem_shared>>
      %dma_wait3A_109 = tpu.memref_squeeze %dma_wait3A_108 : memref<1x640xf32, #tpu.memory_space<vmem_shared>> -> memref<640xf32, #tpu.memory_space<vmem_shared>>
      tpu.wait_dma2 semaphore(%run_scoped3A_103 : memref<!tpu.dma_semaphore, #tpu.memory_space<semaphore_mem>>) src(%dma_wait3A_109 : memref<640xf32, #tpu.memory_space<vmem_shared>>) dst(%arg7 : memref<640xf32, #tpu.memory_space<vmem>>)
      tpu.yield
    }) : () -> ()
    %scan3A_26 = arith.constant 0 : i32
    %scan3A_27 = arith.constant 40 : i32
    %scan3A_28 = arith.addi %scan3A_26, %scan3A_27 : i32
    %scan3A_29 = arith.constant 1 : i32
    scf.for %scan3A_103 = %scan3A_26 to %scan3A_28 step %scan3A_29  : i32 {
      %mul3A_104 = arith.constant 1 : i32
      %mul3A_105 = arith.muli %scan3A_103, %mul3A_104 : i32
      %add3A_106 = arith.constant 0 : i32
      %add3A_107 = arith.addi %add3A_106, %mul3A_105 : i32
      %mul3A_108 = arith.constant 16 : i32
      %mul3A_109 = arith.muli %add3A_107, %mul3A_108 : i32
      %get3A = arith.index_cast %mul3A_109 : i32 to index
      %get3A_110 = tpu.vector_load %arg6[%get3A] {strides = array<i32>} : memref<640xf32, #tpu.memory_space<vmem>>, vector<16xf32>,
      %get3A_111 = arith.index_cast %mul3A_109 : i32 to index
      %get3A_112 = tpu.vector_load %arg7[%get3A_111] {strides = array<i32>} : memref<640xf32, #tpu.memory_space<vmem>>, vector<16xf32>,
      %add3A_113 = arith.addf %get3A_110, %get3A_112 : vector<16xf32>
      %swap3A = arith.index_cast %mul3A_109 : i32 to index
      %swap3A_114 = tpu.vector_load %arg6[%swap3A] {strides = array<i32>} : memref<640xf32, #tpu.memory_space<vmem>>, vector<16xf32>,
      tpu.vector_store %arg6[%swap3A], %add3A_113 {strides = array<i32>} : memref<640xf32, #tpu.memory_space<vmem>>, vector<16xf32>,
    }
    %scan3A_30 = arith.constant 40 : i32
    %run_scoped3A_31 = arith.constant 4 : i32
    "tpu.region"() ({
      %run_scoped3A_103 = tpu.sem_alloc : memref<!tpu.dma_semaphore, #tpu.memory_space<semaphore_mem>>
      %dma_start3A = tpu.memref_slice %arg8[%run_scoped3A_31, %mul3A_12] : memref<16x10240xf32, #tpu.memory_space<vmem_shared>> -> memref<1x640xf32, #tpu.memory_space<vmem_shared>>
      %dma_start3A_104 = tpu.memref_squeeze %dma_start3A : memref<1x640xf32, #tpu.memory_space<vmem_shared>> -> memref<640xf32, #tpu.memory_space<vmem_shared>>
      %dma_start3A_105 = tpu.memref_slice %arg8[%run_scoped3A_31, %mul3A_12] : memref<16x10240xf32, #tpu.memory_space<vmem_shared>> -> memref<1x640xf32, #tpu.memory_space<vmem_shared>>
      %dma_start3A_106 = tpu.memref_squeeze %dma_start3A_105 : memref<1x640xf32, #tpu.memory_space<vmem_shared>> -> memref<640xf32, #tpu.memory_space<vmem_shared>>
      tpu.enqueue_dma source(%dma_start3A_106 : memref<640xf32, #tpu.memory_space<vmem_shared>>) target(%arg7 : memref<640xf32, #tpu.memory_space<vmem>>) target_semaphore(%run_scoped3A_103 : memref<!tpu.dma_semaphore, #tpu.memory_space<semaphore_mem>>)
      %dma_wait3A = tpu.memref_slice %arg8[%run_scoped3A_31, %mul3A_12] : memref<16x10240xf32, #tpu.memory_space<vmem_shared>> -> memref<1x640xf32, #tpu.memory_space<vmem_shared>>
      %dma_wait3A_107 = tpu.memref_squeeze %dma_wait3A : memref<1x640xf32, #tpu.memory_space<vmem_shared>> -> memref<640xf32, #tpu.memory_space<vmem_shared>>
      %dma_wait3A_108 = tpu.memref_slice %arg8[%run_scoped3A_31, %mul3A_12] : memref<16x10240xf32, #tpu.memory_space<vmem_shared>> -> memref<1x640xf32, #tpu.memory_space<vmem_shared>>
      %dma_wait3A_109 = tpu.memref_squeeze %dma_wait3A_108 : memref<1x640xf32, #tpu.memory_space<vmem_shared>> -> memref<640xf32, #tpu.memory_space<vmem_shared>>
      tpu.wait_dma2 semaphore(%run_scoped3A_103 : memref<!tpu.dma_semaphore, #tpu.memory_space<semaphore_mem>>) src(%dma_wait3A_109 : memref<640xf32, #tpu.memory_space<vmem_shared>>) dst(%arg7 : memref<640xf32, #tpu.memory_space<vmem>>)
      tpu.yield
    }) : () -> ()
    %scan3A_32 = arith.constant 0 : i32
    %scan3A_33 = arith.constant 40 : i32
    %scan3A_34 = arith.addi %scan3A_32, %scan3A_33 : i32
    %scan3A_35 = arith.constant 1 : i32
    scf.for %scan3A_103 = %scan3A_32 to %scan3A_34 step %scan3A_35  : i32 {
      %mul3A_104 = arith.constant 1 : i32
      %mul3A_105 = arith.muli %scan3A_103, %mul3A_104 : i32
      %add3A_106 = arith.constant 0 : i32
      %add3A_107 = arith.addi %add3A_106, %mul3A_105 : i32
      %mul3A_108 = arith.constant 16 : i32
      %mul3A_109 = arith.muli %add3A_107, %mul3A_108 : i32
      %get3A = arith.index_cast %mul3A_109 : i32 to index
      %get3A_110 = tpu.vector_load %arg6[%get3A] {strides = array<i32>} : memref<640xf32, #tpu.memory_space<vmem>>, vector<16xf32>,
      %get3A_111 = arith.index_cast %mul3A_109 : i32 to index
      %get3A_112 = tpu.vector_load %arg7[%get3A_111] {strides = array<i32>} : memref<640xf32, #tpu.memory_space<vmem>>, vector<16xf32>,
      %add3A_113 = arith.addf %get3A_110, %get3A_112 : vector<16xf32>
      %swap3A = arith.index_cast %mul3A_109 : i32 to index
      %swap3A_114 = tpu.vector_load %arg6[%swap3A] {strides = array<i32>} : memref<640xf32, #tpu.memory_space<vmem>>, vector<16xf32>,
      tpu.vector_store %arg6[%swap3A], %add3A_113 {strides = array<i32>} : memref<640xf32, #tpu.memory_space<vmem>>, vector<16xf32>,
    }
    %scan3A_36 = arith.constant 40 : i32
    %run_scoped3A_37 = arith.constant 5 : i32
    "tpu.region"() ({
      %run_scoped3A_103 = tpu.sem_alloc : memref<!tpu.dma_semaphore, #tpu.memory_space<semaphore_mem>>
      %dma_start3A = tpu.memref_slice %arg8[%run_scoped3A_37, %mul3A_12] : memref<16x10240xf32, #tpu.memory_space<vmem_shared>> -> memref<1x640xf32, #tpu.memory_space<vmem_shared>>
      %dma_start3A_104 = tpu.memref_squeeze %dma_start3A : memref<1x640xf32, #tpu.memory_space<vmem_shared>> -> memref<640xf32, #tpu.memory_space<vmem_shared>>
      %dma_start3A_105 = tpu.memref_slice %arg8[%run_scoped3A_37, %mul3A_12] : memref<16x10240xf32, #tpu.memory_space<vmem_shared>> -> memref<1x640xf32, #tpu.memory_space<vmem_shared>>
      %dma_start3A_106 = tpu.memref_squeeze %dma_start3A_105 : memref<1x640xf32, #tpu.memory_space<vmem_shared>> -> memref<640xf32, #tpu.memory_space<vmem_shared>>
      tpu.enqueue_dma source(%dma_start3A_106 : memref<640xf32, #tpu.memory_space<vmem_shared>>) target(%arg7 : memref<640xf32, #tpu.memory_space<vmem>>) target_semaphore(%run_scoped3A_103 : memref<!tpu.dma_semaphore, #tpu.memory_space<semaphore_mem>>)
      %dma_wait3A = tpu.memref_slice %arg8[%run_scoped3A_37, %mul3A_12] : memref<16x10240xf32, #tpu.memory_space<vmem_shared>> -> memref<1x640xf32, #tpu.memory_space<vmem_shared>>
      %dma_wait3A_107 = tpu.memref_squeeze %dma_wait3A : memref<1x640xf32, #tpu.memory_space<vmem_shared>> -> memref<640xf32, #tpu.memory_space<vmem_shared>>
      %dma_wait3A_108 = tpu.memref_slice %arg8[%run_scoped3A_37, %mul3A_12] : memref<16x10240xf32, #tpu.memory_space<vmem_shared>> -> memref<1x640xf32, #tpu.memory_space<vmem_shared>>
      %dma_wait3A_109 = tpu.memref_squeeze %dma_wait3A_108 : memref<1x640xf32, #tpu.memory_space<vmem_shared>> -> memref<640xf32, #tpu.memory_space<vmem_shared>>
      tpu.wait_dma2 semaphore(%run_scoped3A_103 : memref<!tpu.dma_semaphore, #tpu.memory_space<semaphore_mem>>) src(%dma_wait3A_109 : memref<640xf32, #tpu.memory_space<vmem_shared>>) dst(%arg7 : memref<640xf32, #tpu.memory_space<vmem>>)
      tpu.yield
    }) : () -> ()
    %scan3A_38 = arith.constant 0 : i32
    %scan3A_39 = arith.constant 40 : i32
    %scan3A_40 = arith.addi %scan3A_38, %scan3A_39 : i32
    %scan3A_41 = arith.constant 1 : i32
    scf.for %scan3A_103 = %scan3A_38 to %scan3A_40 step %scan3A_41  : i32 {
      %mul3A_104 = arith.constant 1 : i32
      %mul3A_105 = arith.muli %scan3A_103, %mul3A_104 : i32
      %add3A_106 = arith.constant 0 : i32
      %add3A_107 = arith.addi %add3A_106, %mul3A_105 : i32
      %mul3A_108 = arith.constant 16 : i32
      %mul3A_109 = arith.muli %add3A_107, %mul3A_108 : i32
      %get3A = arith.index_cast %mul3A_109 : i32 to index
      %get3A_110 = tpu.vector_load %arg6[%get3A] {strides = array<i32>} : memref<640xf32, #tpu.memory_space<vmem>>, vector<16xf32>,
      %get3A_111 = arith.index_cast %mul3A_109 : i32 to index
      %get3A_112 = tpu.vector_load %arg7[%get3A_111] {strides = array<i32>} : memref<640xf32, #tpu.memory_space<vmem>>, vector<16xf32>,
      %add3A_113 = arith.addf %get3A_110, %get3A_112 : vector<16xf32>
      %swap3A = arith.index_cast %mul3A_109 : i32 to index
      %swap3A_114 = tpu.vector_load %arg6[%swap3A] {strides = array<i32>} : memref<640xf32, #tpu.memory_space<vmem>>, vector<16xf32>,
      tpu.vector_store %arg6[%swap3A], %add3A_113 {strides = array<i32>} : memref<640xf32, #tpu.memory_space<vmem>>, vector<16xf32>,
    }
    %scan3A_42 = arith.constant 40 : i32
    %run_scoped3A_43 = arith.constant 6 : i32
    "tpu.region"() ({
      %run_scoped3A_103 = tpu.sem_alloc : memref<!tpu.dma_semaphore, #tpu.memory_space<semaphore_mem>>
      %dma_start3A = tpu.memref_slice %arg8[%run_scoped3A_43, %mul3A_12] : memref<16x10240xf32, #tpu.memory_space<vmem_shared>> -> memref<1x640xf32, #tpu.memory_space<vmem_shared>>
      %dma_start3A_104 = tpu.memref_squeeze %dma_start3A : memref<1x640xf32, #tpu.memory_space<vmem_shared>> -> memref<640xf32, #tpu.memory_space<vmem_shared>>
      %dma_start3A_105 = tpu.memref_slice %arg8[%run_scoped3A_43, %mul3A_12] : memref<16x10240xf32, #tpu.memory_space<vmem_shared>> -> memref<1x640xf32, #tpu.memory_space<vmem_shared>>
      %dma_start3A_106 = tpu.memref_squeeze %dma_start3A_105 : memref<1x640xf32, #tpu.memory_space<vmem_shared>> -> memref<640xf32, #tpu.memory_space<vmem_shared>>
      tpu.enqueue_dma source(%dma_start3A_106 : memref<640xf32, #tpu.memory_space<vmem_shared>>) target(%arg7 : memref<640xf32, #tpu.memory_space<vmem>>) target_semaphore(%run_scoped3A_103 : memref<!tpu.dma_semaphore, #tpu.memory_space<semaphore_mem>>)
      %dma_wait3A = tpu.memref_slice %arg8[%run_scoped3A_43, %mul3A_12] : memref<16x10240xf32, #tpu.memory_space<vmem_shared>> -> memref<1x640xf32, #tpu.memory_space<vmem_shared>>
      %dma_wait3A_107 = tpu.memref_squeeze %dma_wait3A : memref<1x640xf32, #tpu.memory_space<vmem_shared>> -> memref<640xf32, #tpu.memory_space<vmem_shared>>
      %dma_wait3A_108 = tpu.memref_slice %arg8[%run_scoped3A_43, %mul3A_12] : memref<16x10240xf32, #tpu.memory_space<vmem_shared>> -> memref<1x640xf32, #tpu.memory_space<vmem_shared>>
      %dma_wait3A_109 = tpu.memref_squeeze %dma_wait3A_108 : memref<1x640xf32, #tpu.memory_space<vmem_shared>> -> memref<640xf32, #tpu.memory_space<vmem_shared>>
      tpu.wait_dma2 semaphore(%run_scoped3A_103 : memref<!tpu.dma_semaphore, #tpu.memory_space<semaphore_mem>>) src(%dma_wait3A_109 : memref<640xf32, #tpu.memory_space<vmem_shared>>) dst(%arg7 : memref<640xf32, #tpu.memory_space<vmem>>)
      tpu.yield
    }) : () -> ()
    %scan3A_44 = arith.constant 0 : i32
    %scan3A_45 = arith.constant 40 : i32
    %scan3A_46 = arith.addi %scan3A_44, %scan3A_45 : i32
    %scan3A_47 = arith.constant 1 : i32
    scf.for %scan3A_103 = %scan3A_44 to %scan3A_46 step %scan3A_47  : i32 {
      %mul3A_104 = arith.constant 1 : i32
      %mul3A_105 = arith.muli %scan3A_103, %mul3A_104 : i32
      %add3A_106 = arith.constant 0 : i32
      %add3A_107 = arith.addi %add3A_106, %mul3A_105 : i32
      %mul3A_108 = arith.constant 16 : i32
      %mul3A_109 = arith.muli %add3A_107, %mul3A_108 : i32
      %get3A = arith.index_cast %mul3A_109 : i32 to index
      %get3A_110 = tpu.vector_load %arg6[%get3A] {strides = array<i32>} : memref<640xf32, #tpu.memory_space<vmem>>, vector<16xf32>,
      %get3A_111 = arith.index_cast %mul3A_109 : i32 to index
      %get3A_112 = tpu.vector_load %arg7[%get3A_111] {strides = array<i32>} : memref<640xf32, #tpu.memory_space<vmem>>, vector<16xf32>,
      %add3A_113 = arith.addf %get3A_110, %get3A_112 : vector<16xf32>
      %swap3A = arith.index_cast %mul3A_109 : i32 to index
      %swap3A_114 = tpu.vector_load %arg6[%swap3A] {strides = array<i32>} : memref<640xf32, #tpu.memory_space<vmem>>, vector<16xf32>,
      tpu.vector_store %arg6[%swap3A], %add3A_113 {strides = array<i32>} : memref<640xf32, #tpu.memory_space<vmem>>, vector<16xf32>,
    }
    %scan3A_48 = arith.constant 40 : i32
    %run_scoped3A_49 = arith.constant 7 : i32
    "tpu.region"() ({
      %run_scoped3A_103 = tpu.sem_alloc : memref<!tpu.dma_semaphore, #tpu.memory_space<semaphore_mem>>
      %dma_start3A = tpu.memref_slice %arg8[%run_scoped3A_49, %mul3A_12] : memref<16x10240xf32, #tpu.memory_space<vmem_shared>> -> memref<1x640xf32, #tpu.memory_space<vmem_shared>>
      %dma_start3A_104 = tpu.memref_squeeze %dma_start3A : memref<1x640xf32, #tpu.memory_space<vmem_shared>> -> memref<640xf32, #tpu.memory_space<vmem_shared>>
      %dma_start3A_105 = tpu.memref_slice %arg8[%run_scoped3A_49, %mul3A_12] : memref<16x10240xf32, #tpu.memory_space<vmem_shared>> -> memref<1x640xf32, #tpu.memory_space<vmem_shared>>
      %dma_start3A_106 = tpu.memref_squeeze %dma_start3A_105 : memref<1x640xf32, #tpu.memory_space<vmem_shared>> -> memref<640xf32, #tpu.memory_space<vmem_shared>>
      tpu.enqueue_dma source(%dma_start3A_106 : memref<640xf32, #tpu.memory_space<vmem_shared>>) target(%arg7 : memref<640xf32, #tpu.memory_space<vmem>>) target_semaphore(%run_scoped3A_103 : memref<!tpu.dma_semaphore, #tpu.memory_space<semaphore_mem>>)
      %dma_wait3A = tpu.memref_slice %arg8[%run_scoped3A_49, %mul3A_12] : memref<16x10240xf32, #tpu.memory_space<vmem_shared>> -> memref<1x640xf32, #tpu.memory_space<vmem_shared>>
      %dma_wait3A_107 = tpu.memref_squeeze %dma_wait3A : memref<1x640xf32, #tpu.memory_space<vmem_shared>> -> memref<640xf32, #tpu.memory_space<vmem_shared>>
      %dma_wait3A_108 = tpu.memref_slice %arg8[%run_scoped3A_49, %mul3A_12] : memref<16x10240xf32, #tpu.memory_space<vmem_shared>> -> memref<1x640xf32, #tpu.memory_space<vmem_shared>>
      %dma_wait3A_109 = tpu.memref_squeeze %dma_wait3A_108 : memref<1x640xf32, #tpu.memory_space<vmem_shared>> -> memref<640xf32, #tpu.memory_space<vmem_shared>>
      tpu.wait_dma2 semaphore(%run_scoped3A_103 : memref<!tpu.dma_semaphore, #tpu.memory_space<semaphore_mem>>) src(%dma_wait3A_109 : memref<640xf32, #tpu.memory_space<vmem_shared>>) dst(%arg7 : memref<640xf32, #tpu.memory_space<vmem>>)
      tpu.yield
    }) : () -> ()
    %scan3A_50 = arith.constant 0 : i32
    %scan3A_51 = arith.constant 40 : i32
    %scan3A_52 = arith.addi %scan3A_50, %scan3A_51 : i32
    %scan3A_53 = arith.constant 1 : i32
    scf.for %scan3A_103 = %scan3A_50 to %scan3A_52 step %scan3A_53  : i32 {
      %mul3A_104 = arith.constant 1 : i32
      %mul3A_105 = arith.muli %scan3A_103, %mul3A_104 : i32
      %add3A_106 = arith.constant 0 : i32
      %add3A_107 = arith.addi %add3A_106, %mul3A_105 : i32
      %mul3A_108 = arith.constant 16 : i32
      %mul3A_109 = arith.muli %add3A_107, %mul3A_108 : i32
      %get3A = arith.index_cast %mul3A_109 : i32 to index
      %get3A_110 = tpu.vector_load %arg6[%get3A] {strides = array<i32>} : memref<640xf32, #tpu.memory_space<vmem>>, vector<16xf32>,
      %get3A_111 = arith.index_cast %mul3A_109 : i32 to index
      %get3A_112 = tpu.vector_load %arg7[%get3A_111] {strides = array<i32>} : memref<640xf32, #tpu.memory_space<vmem>>, vector<16xf32>,
      %add3A_113 = arith.addf %get3A_110, %get3A_112 : vector<16xf32>
      %swap3A = arith.index_cast %mul3A_109 : i32 to index
      %swap3A_114 = tpu.vector_load %arg6[%swap3A] {strides = array<i32>} : memref<640xf32, #tpu.memory_space<vmem>>, vector<16xf32>,
      tpu.vector_store %arg6[%swap3A], %add3A_113 {strides = array<i32>} : memref<640xf32, #tpu.memory_space<vmem>>, vector<16xf32>,
    }
    %scan3A_54 = arith.constant 40 : i32
    %run_scoped3A_55 = arith.constant 8 : i32
    "tpu.region"() ({
      %run_scoped3A_103 = tpu.sem_alloc : memref<!tpu.dma_semaphore, #tpu.memory_space<semaphore_mem>>
      %dma_start3A = tpu.memref_slice %arg8[%run_scoped3A_55, %mul3A_12] : memref<16x10240xf32, #tpu.memory_space<vmem_shared>> -> memref<1x640xf32, #tpu.memory_space<vmem_shared>>
      %dma_start3A_104 = tpu.memref_squeeze %dma_start3A : memref<1x640xf32, #tpu.memory_space<vmem_shared>> -> memref<640xf32, #tpu.memory_space<vmem_shared>>
      %dma_start3A_105 = tpu.memref_slice %arg8[%run_scoped3A_55, %mul3A_12] : memref<16x10240xf32, #tpu.memory_space<vmem_shared>> -> memref<1x640xf32, #tpu.memory_space<vmem_shared>>
      %dma_start3A_106 = tpu.memref_squeeze %dma_start3A_105 : memref<1x640xf32, #tpu.memory_space<vmem_shared>> -> memref<640xf32, #tpu.memory_space<vmem_shared>>
      tpu.enqueue_dma source(%dma_start3A_106 : memref<640xf32, #tpu.memory_space<vmem_shared>>) target(%arg7 : memref<640xf32, #tpu.memory_space<vmem>>) target_semaphore(%run_scoped3A_103 : memref<!tpu.dma_semaphore, #tpu.memory_space<semaphore_mem>>)
      %dma_wait3A = tpu.memref_slice %arg8[%run_scoped3A_55, %mul3A_12] : memref<16x10240xf32, #tpu.memory_space<vmem_shared>> -> memref<1x640xf32, #tpu.memory_space<vmem_shared>>
      %dma_wait3A_107 = tpu.memref_squeeze %dma_wait3A : memref<1x640xf32, #tpu.memory_space<vmem_shared>> -> memref<640xf32, #tpu.memory_space<vmem_shared>>
      %dma_wait3A_108 = tpu.memref_slice %arg8[%run_scoped3A_55, %mul3A_12] : memref<16x10240xf32, #tpu.memory_space<vmem_shared>> -> memref<1x640xf32, #tpu.memory_space<vmem_shared>>
      %dma_wait3A_109 = tpu.memref_squeeze %dma_wait3A_108 : memref<1x640xf32, #tpu.memory_space<vmem_shared>> -> memref<640xf32, #tpu.memory_space<vmem_shared>>
      tpu.wait_dma2 semaphore(%run_scoped3A_103 : memref<!tpu.dma_semaphore, #tpu.memory_space<semaphore_mem>>) src(%dma_wait3A_109 : memref<640xf32, #tpu.memory_space<vmem_shared>>) dst(%arg7 : memref<640xf32, #tpu.memory_space<vmem>>)
      tpu.yield
    }) : () -> ()
    %scan3A_56 = arith.constant 0 : i32
    %scan3A_57 = arith.constant 40 : i32
    %scan3A_58 = arith.addi %scan3A_56, %scan3A_57 : i32
    %scan3A_59 = arith.constant 1 : i32
    scf.for %scan3A_103 = %scan3A_56 to %scan3A_58 step %scan3A_59  : i32 {
      %mul3A_104 = arith.constant 1 : i32
      %mul3A_105 = arith.muli %scan3A_103, %mul3A_104 : i32
      %add3A_106 = arith.constant 0 : i32
      %add3A_107 = arith.addi %add3A_106, %mul3A_105 : i32
      %mul3A_108 = arith.constant 16 : i32
      %mul3A_109 = arith.muli %add3A_107, %mul3A_108 : i32
      %get3A = arith.index_cast %mul3A_109 : i32 to index
      %get3A_110 = tpu.vector_load %arg6[%get3A] {strides = array<i32>} : memref<640xf32, #tpu.memory_space<vmem>>, vector<16xf32>,
      %get3A_111 = arith.index_cast %mul3A_109 : i32 to index
      %get3A_112 = tpu.vector_load %arg7[%get3A_111] {strides = array<i32>} : memref<640xf32, #tpu.memory_space<vmem>>, vector<16xf32>,
      %add3A_113 = arith.addf %get3A_110, %get3A_112 : vector<16xf32>
      %swap3A = arith.index_cast %mul3A_109 : i32 to index
      %swap3A_114 = tpu.vector_load %arg6[%swap3A] {strides = array<i32>} : memref<640xf32, #tpu.memory_space<vmem>>, vector<16xf32>,
      tpu.vector_store %arg6[%swap3A], %add3A_113 {strides = array<i32>} : memref<640xf32, #tpu.memory_space<vmem>>, vector<16xf32>,
    }
    %scan3A_60 = arith.constant 40 : i32
    %run_scoped3A_61 = arith.constant 9 : i32
    "tpu.region"() ({
      %run_scoped3A_103 = tpu.sem_alloc : memref<!tpu.dma_semaphore, #tpu.memory_space<semaphore_mem>>
      %dma_start3A = tpu.memref_slice %arg8[%run_scoped3A_61, %mul3A_12] : memref<16x10240xf32, #tpu.memory_space<vmem_shared>> -> memref<1x640xf32, #tpu.memory_space<vmem_shared>>
      %dma_start3A_104 = tpu.memref_squeeze %dma_start3A : memref<1x640xf32, #tpu.memory_space<vmem_shared>> -> memref<640xf32, #tpu.memory_space<vmem_shared>>
      %dma_start3A_105 = tpu.memref_slice %arg8[%run_scoped3A_61, %mul3A_12] : memref<16x10240xf32, #tpu.memory_space<vmem_shared>> -> memref<1x640xf32, #tpu.memory_space<vmem_shared>>
      %dma_start3A_106 = tpu.memref_squeeze %dma_start3A_105 : memref<1x640xf32, #tpu.memory_space<vmem_shared>> -> memref<640xf32, #tpu.memory_space<vmem_shared>>
      tpu.enqueue_dma source(%dma_start3A_106 : memref<640xf32, #tpu.memory_space<vmem_shared>>) target(%arg7 : memref<640xf32, #tpu.memory_space<vmem>>) target_semaphore(%run_scoped3A_103 : memref<!tpu.dma_semaphore, #tpu.memory_space<semaphore_mem>>)
      %dma_wait3A = tpu.memref_slice %arg8[%run_scoped3A_61, %mul3A_12] : memref<16x10240xf32, #tpu.memory_space<vmem_shared>> -> memref<1x640xf32, #tpu.memory_space<vmem_shared>>
      %dma_wait3A_107 = tpu.memref_squeeze %dma_wait3A : memref<1x640xf32, #tpu.memory_space<vmem_shared>> -> memref<640xf32, #tpu.memory_space<vmem_shared>>
      %dma_wait3A_108 = tpu.memref_slice %arg8[%run_scoped3A_61, %mul3A_12] : memref<16x10240xf32, #tpu.memory_space<vmem_shared>> -> memref<1x640xf32, #tpu.memory_space<vmem_shared>>
      %dma_wait3A_109 = tpu.memref_squeeze %dma_wait3A_108 : memref<1x640xf32, #tpu.memory_space<vmem_shared>> -> memref<640xf32, #tpu.memory_space<vmem_shared>>
      tpu.wait_dma2 semaphore(%run_scoped3A_103 : memref<!tpu.dma_semaphore, #tpu.memory_space<semaphore_mem>>) src(%dma_wait3A_109 : memref<640xf32, #tpu.memory_space<vmem_shared>>) dst(%arg7 : memref<640xf32, #tpu.memory_space<vmem>>)
      tpu.yield
    }) : () -> ()
    %scan3A_62 = arith.constant 0 : i32
    %scan3A_63 = arith.constant 40 : i32
    %scan3A_64 = arith.addi %scan3A_62, %scan3A_63 : i32
    %scan3A_65 = arith.constant 1 : i32
    scf.for %scan3A_103 = %scan3A_62 to %scan3A_64 step %scan3A_65  : i32 {
      %mul3A_104 = arith.constant 1 : i32
      %mul3A_105 = arith.muli %scan3A_103, %mul3A_104 : i32
      %add3A_106 = arith.constant 0 : i32
      %add3A_107 = arith.addi %add3A_106, %mul3A_105 : i32
      %mul3A_108 = arith.constant 16 : i32
      %mul3A_109 = arith.muli %add3A_107, %mul3A_108 : i32
      %get3A = arith.index_cast %mul3A_109 : i32 to index
      %get3A_110 = tpu.vector_load %arg6[%get3A] {strides = array<i32>} : memref<640xf32, #tpu.memory_space<vmem>>, vector<16xf32>,
      %get3A_111 = arith.index_cast %mul3A_109 : i32 to index
      %get3A_112 = tpu.vector_load %arg7[%get3A_111] {strides = array<i32>} : memref<640xf32, #tpu.memory_space<vmem>>, vector<16xf32>,
      %add3A_113 = arith.addf %get3A_110, %get3A_112 : vector<16xf32>
      %swap3A = arith.index_cast %mul3A_109 : i32 to index
      %swap3A_114 = tpu.vector_load %arg6[%swap3A] {strides = array<i32>} : memref<640xf32, #tpu.memory_space<vmem>>, vector<16xf32>,
      tpu.vector_store %arg6[%swap3A], %add3A_113 {strides = array<i32>} : memref<640xf32, #tpu.memory_space<vmem>>, vector<16xf32>,
    }
    %scan3A_66 = arith.constant 40 : i32
    %run_scoped3A_67 = arith.constant 10 : i32
    "tpu.region"() ({
      %run_scoped3A_103 = tpu.sem_alloc : memref<!tpu.dma_semaphore, #tpu.memory_space<semaphore_mem>>
      %dma_start3A = tpu.memref_slice %arg8[%run_scoped3A_67, %mul3A_12] : memref<16x10240xf32, #tpu.memory_space<vmem_shared>> -> memref<1x640xf32, #tpu.memory_space<vmem_shared>>
      %dma_start3A_104 = tpu.memref_squeeze %dma_start3A : memref<1x640xf32, #tpu.memory_space<vmem_shared>> -> memref<640xf32, #tpu.memory_space<vmem_shared>>
      %dma_start3A_105 = tpu.memref_slice %arg8[%run_scoped3A_67, %mul3A_12] : memref<16x10240xf32, #tpu.memory_space<vmem_shared>> -> memref<1x640xf32, #tpu.memory_space<vmem_shared>>
      %dma_start3A_106 = tpu.memref_squeeze %dma_start3A_105 : memref<1x640xf32, #tpu.memory_space<vmem_shared>> -> memref<640xf32, #tpu.memory_space<vmem_shared>>
      tpu.enqueue_dma source(%dma_start3A_106 : memref<640xf32, #tpu.memory_space<vmem_shared>>) target(%arg7 : memref<640xf32, #tpu.memory_space<vmem>>) target_semaphore(%run_scoped3A_103 : memref<!tpu.dma_semaphore, #tpu.memory_space<semaphore_mem>>)
      %dma_wait3A = tpu.memref_slice %arg8[%run_scoped3A_67, %mul3A_12] : memref<16x10240xf32, #tpu.memory_space<vmem_shared>> -> memref<1x640xf32, #tpu.memory_space<vmem_shared>>
      %dma_wait3A_107 = tpu.memref_squeeze %dma_wait3A : memref<1x640xf32, #tpu.memory_space<vmem_shared>> -> memref<640xf32, #tpu.memory_space<vmem_shared>>
      %dma_wait3A_108 = tpu.memref_slice %arg8[%run_scoped3A_67, %mul3A_12] : memref<16x10240xf32, #tpu.memory_space<vmem_shared>> -> memref<1x640xf32, #tpu.memory_space<vmem_shared>>
      %dma_wait3A_109 = tpu.memref_squeeze %dma_wait3A_108 : memref<1x640xf32, #tpu.memory_space<vmem_shared>> -> memref<640xf32, #tpu.memory_space<vmem_shared>>
      tpu.wait_dma2 semaphore(%run_scoped3A_103 : memref<!tpu.dma_semaphore, #tpu.memory_space<semaphore_mem>>) src(%dma_wait3A_109 : memref<640xf32, #tpu.memory_space<vmem_shared>>) dst(%arg7 : memref<640xf32, #tpu.memory_space<vmem>>)
      tpu.yield
    }) : () -> ()
    %scan3A_68 = arith.constant 0 : i32
    %scan3A_69 = arith.constant 40 : i32
    %scan3A_70 = arith.addi %scan3A_68, %scan3A_69 : i32
    %scan3A_71 = arith.constant 1 : i32
    scf.for %scan3A_103 = %scan3A_68 to %scan3A_70 step %scan3A_71  : i32 {
      %mul3A_104 = arith.constant 1 : i32
      %mul3A_105 = arith.muli %scan3A_103, %mul3A_104 : i32
      %add3A_106 = arith.constant 0 : i32
      %add3A_107 = arith.addi %add3A_106, %mul3A_105 : i32
      %mul3A_108 = arith.constant 16 : i32
      %mul3A_109 = arith.muli %add3A_107, %mul3A_108 : i32
      %get3A = arith.index_cast %mul3A_109 : i32 to index
      %get3A_110 = tpu.vector_load %arg6[%get3A] {strides = array<i32>} : memref<640xf32, #tpu.memory_space<vmem>>, vector<16xf32>,
      %get3A_111 = arith.index_cast %mul3A_109 : i32 to index
      %get3A_112 = tpu.vector_load %arg7[%get3A_111] {strides = array<i32>} : memref<640xf32, #tpu.memory_space<vmem>>, vector<16xf32>,
      %add3A_113 = arith.addf %get3A_110, %get3A_112 : vector<16xf32>
      %swap3A = arith.index_cast %mul3A_109 : i32 to index
      %swap3A_114 = tpu.vector_load %arg6[%swap3A] {strides = array<i32>} : memref<640xf32, #tpu.memory_space<vmem>>, vector<16xf32>,
      tpu.vector_store %arg6[%swap3A], %add3A_113 {strides = array<i32>} : memref<640xf32, #tpu.memory_space<vmem>>, vector<16xf32>,
    }
    %scan3A_72 = arith.constant 40 : i32
    %run_scoped3A_73 = arith.constant 11 : i32
    "tpu.region"() ({
      %run_scoped3A_103 = tpu.sem_alloc : memref<!tpu.dma_semaphore, #tpu.memory_space<semaphore_mem>>
      %dma_start3A = tpu.memref_slice %arg8[%run_scoped3A_73, %mul3A_12] : memref<16x10240xf32, #tpu.memory_space<vmem_shared>> -> memref<1x640xf32, #tpu.memory_space<vmem_shared>>
      %dma_start3A_104 = tpu.memref_squeeze %dma_start3A : memref<1x640xf32, #tpu.memory_space<vmem_shared>> -> memref<640xf32, #tpu.memory_space<vmem_shared>>
      %dma_start3A_105 = tpu.memref_slice %arg8[%run_scoped3A_73, %mul3A_12] : memref<16x10240xf32, #tpu.memory_space<vmem_shared>> -> memref<1x640xf32, #tpu.memory_space<vmem_shared>>
      %dma_start3A_106 = tpu.memref_squeeze %dma_start3A_105 : memref<1x640xf32, #tpu.memory_space<vmem_shared>> -> memref<640xf32, #tpu.memory_space<vmem_shared>>
      tpu.enqueue_dma source(%dma_start3A_106 : memref<640xf32, #tpu.memory_space<vmem_shared>>) target(%arg7 : memref<640xf32, #tpu.memory_space<vmem>>) target_semaphore(%run_scoped3A_103 : memref<!tpu.dma_semaphore, #tpu.memory_space<semaphore_mem>>)
      %dma_wait3A = tpu.memref_slice %arg8[%run_scoped3A_73, %mul3A_12] : memref<16x10240xf32, #tpu.memory_space<vmem_shared>> -> memref<1x640xf32, #tpu.memory_space<vmem_shared>>
      %dma_wait3A_107 = tpu.memref_squeeze %dma_wait3A : memref<1x640xf32, #tpu.memory_space<vmem_shared>> -> memref<640xf32, #tpu.memory_space<vmem_shared>>
      %dma_wait3A_108 = tpu.memref_slice %arg8[%run_scoped3A_73, %mul3A_12] : memref<16x10240xf32, #tpu.memory_space<vmem_shared>> -> memref<1x640xf32, #tpu.memory_space<vmem_shared>>
      %dma_wait3A_109 = tpu.memref_squeeze %dma_wait3A_108 : memref<1x640xf32, #tpu.memory_space<vmem_shared>> -> memref<640xf32, #tpu.memory_space<vmem_shared>>
      tpu.wait_dma2 semaphore(%run_scoped3A_103 : memref<!tpu.dma_semaphore, #tpu.memory_space<semaphore_mem>>) src(%dma_wait3A_109 : memref<640xf32, #tpu.memory_space<vmem_shared>>) dst(%arg7 : memref<640xf32, #tpu.memory_space<vmem>>)
      tpu.yield
    }) : () -> ()
    %scan3A_74 = arith.constant 0 : i32
    %scan3A_75 = arith.constant 40 : i32
    %scan3A_76 = arith.addi %scan3A_74, %scan3A_75 : i32
    %scan3A_77 = arith.constant 1 : i32
    scf.for %scan3A_103 = %scan3A_74 to %scan3A_76 step %scan3A_77  : i32 {
      %mul3A_104 = arith.constant 1 : i32
      %mul3A_105 = arith.muli %scan3A_103, %mul3A_104 : i32
      %add3A_106 = arith.constant 0 : i32
      %add3A_107 = arith.addi %add3A_106, %mul3A_105 : i32
      %mul3A_108 = arith.constant 16 : i32
      %mul3A_109 = arith.muli %add3A_107, %mul3A_108 : i32
      %get3A = arith.index_cast %mul3A_109 : i32 to index
      %get3A_110 = tpu.vector_load %arg6[%get3A] {strides = array<i32>} : memref<640xf32, #tpu.memory_space<vmem>>, vector<16xf32>,
      %get3A_111 = arith.index_cast %mul3A_109 : i32 to index
      %get3A_112 = tpu.vector_load %arg7[%get3A_111] {strides = array<i32>} : memref<640xf32, #tpu.memory_space<vmem>>, vector<16xf32>,
      %add3A_113 = arith.addf %get3A_110, %get3A_112 : vector<16xf32>
      %swap3A = arith.index_cast %mul3A_109 : i32 to index
      %swap3A_114 = tpu.vector_load %arg6[%swap3A] {strides = array<i32>} : memref<640xf32, #tpu.memory_space<vmem>>, vector<16xf32>,
      tpu.vector_store %arg6[%swap3A], %add3A_113 {strides = array<i32>} : memref<640xf32, #tpu.memory_space<vmem>>, vector<16xf32>,
    }
    %scan3A_78 = arith.constant 40 : i32
    %run_scoped3A_79 = arith.constant 12 : i32
    "tpu.region"() ({
      %run_scoped3A_103 = tpu.sem_alloc : memref<!tpu.dma_semaphore, #tpu.memory_space<semaphore_mem>>
      %dma_start3A = tpu.memref_slice %arg8[%run_scoped3A_79, %mul3A_12] : memref<16x10240xf32, #tpu.memory_space<vmem_shared>> -> memref<1x640xf32, #tpu.memory_space<vmem_shared>>
      %dma_start3A_104 = tpu.memref_squeeze %dma_start3A : memref<1x640xf32, #tpu.memory_space<vmem_shared>> -> memref<640xf32, #tpu.memory_space<vmem_shared>>
      %dma_start3A_105 = tpu.memref_slice %arg8[%run_scoped3A_79, %mul3A_12] : memref<16x10240xf32, #tpu.memory_space<vmem_shared>> -> memref<1x640xf32, #tpu.memory_space<vmem_shared>>
      %dma_start3A_106 = tpu.memref_squeeze %dma_start3A_105 : memref<1x640xf32, #tpu.memory_space<vmem_shared>> -> memref<640xf32, #tpu.memory_space<vmem_shared>>
      tpu.enqueue_dma source(%dma_start3A_106 : memref<640xf32, #tpu.memory_space<vmem_shared>>) target(%arg7 : memref<640xf32, #tpu.memory_space<vmem>>) target_semaphore(%run_scoped3A_103 : memref<!tpu.dma_semaphore, #tpu.memory_space<semaphore_mem>>)
      %dma_wait3A = tpu.memref_slice %arg8[%run_scoped3A_79, %mul3A_12] : memref<16x10240xf32, #tpu.memory_space<vmem_shared>> -> memref<1x640xf32, #tpu.memory_space<vmem_shared>>
      %dma_wait3A_107 = tpu.memref_squeeze %dma_wait3A : memref<1x640xf32, #tpu.memory_space<vmem_shared>> -> memref<640xf32, #tpu.memory_space<vmem_shared>>
      %dma_wait3A_108 = tpu.memref_slice %arg8[%run_scoped3A_79, %mul3A_12] : memref<16x10240xf32, #tpu.memory_space<vmem_shared>> -> memref<1x640xf32, #tpu.memory_space<vmem_shared>>
      %dma_wait3A_109 = tpu.memref_squeeze %dma_wait3A_108 : memref<1x640xf32, #tpu.memory_space<vmem_shared>> -> memref<640xf32, #tpu.memory_space<vmem_shared>>
      tpu.wait_dma2 semaphore(%run_scoped3A_103 : memref<!tpu.dma_semaphore, #tpu.memory_space<semaphore_mem>>) src(%dma_wait3A_109 : memref<640xf32, #tpu.memory_space<vmem_shared>>) dst(%arg7 : memref<640xf32, #tpu.memory_space<vmem>>)
      tpu.yield
    }) : () -> ()
    %scan3A_80 = arith.constant 0 : i32
    %scan3A_81 = arith.constant 40 : i32
    %scan3A_82 = arith.addi %scan3A_80, %scan3A_81 : i32
    %scan3A_83 = arith.constant 1 : i32
    scf.for %scan3A_103 = %scan3A_80 to %scan3A_82 step %scan3A_83  : i32 {
      %mul3A_104 = arith.constant 1 : i32
      %mul3A_105 = arith.muli %scan3A_103, %mul3A_104 : i32
      %add3A_106 = arith.constant 0 : i32
      %add3A_107 = arith.addi %add3A_106, %mul3A_105 : i32
      %mul3A_108 = arith.constant 16 : i32
      %mul3A_109 = arith.muli %add3A_107, %mul3A_108 : i32
      %get3A = arith.index_cast %mul3A_109 : i32 to index
      %get3A_110 = tpu.vector_load %arg6[%get3A] {strides = array<i32>} : memref<640xf32, #tpu.memory_space<vmem>>, vector<16xf32>,
      %get3A_111 = arith.index_cast %mul3A_109 : i32 to index
      %get3A_112 = tpu.vector_load %arg7[%get3A_111] {strides = array<i32>} : memref<640xf32, #tpu.memory_space<vmem>>, vector<16xf32>,
      %add3A_113 = arith.addf %get3A_110, %get3A_112 : vector<16xf32>
      %swap3A = arith.index_cast %mul3A_109 : i32 to index
      %swap3A_114 = tpu.vector_load %arg6[%swap3A] {strides = array<i32>} : memref<640xf32, #tpu.memory_space<vmem>>, vector<16xf32>,
      tpu.vector_store %arg6[%swap3A], %add3A_113 {strides = array<i32>} : memref<640xf32, #tpu.memory_space<vmem>>, vector<16xf32>,
    }
    %scan3A_84 = arith.constant 40 : i32
    %run_scoped3A_85 = arith.constant 13 : i32
    "tpu.region"() ({
      %run_scoped3A_103 = tpu.sem_alloc : memref<!tpu.dma_semaphore, #tpu.memory_space<semaphore_mem>>
      %dma_start3A = tpu.memref_slice %arg8[%run_scoped3A_85, %mul3A_12] : memref<16x10240xf32, #tpu.memory_space<vmem_shared>> -> memref<1x640xf32, #tpu.memory_space<vmem_shared>>
      %dma_start3A_104 = tpu.memref_squeeze %dma_start3A : memref<1x640xf32, #tpu.memory_space<vmem_shared>> -> memref<640xf32, #tpu.memory_space<vmem_shared>>
      %dma_start3A_105 = tpu.memref_slice %arg8[%run_scoped3A_85, %mul3A_12] : memref<16x10240xf32, #tpu.memory_space<vmem_shared>> -> memref<1x640xf32, #tpu.memory_space<vmem_shared>>
      %dma_start3A_106 = tpu.memref_squeeze %dma_start3A_105 : memref<1x640xf32, #tpu.memory_space<vmem_shared>> -> memref<640xf32, #tpu.memory_space<vmem_shared>>
      tpu.enqueue_dma source(%dma_start3A_106 : memref<640xf32, #tpu.memory_space<vmem_shared>>) target(%arg7 : memref<640xf32, #tpu.memory_space<vmem>>) target_semaphore(%run_scoped3A_103 : memref<!tpu.dma_semaphore, #tpu.memory_space<semaphore_mem>>)
      %dma_wait3A = tpu.memref_slice %arg8[%run_scoped3A_85, %mul3A_12] : memref<16x10240xf32, #tpu.memory_space<vmem_shared>> -> memref<1x640xf32, #tpu.memory_space<vmem_shared>>
      %dma_wait3A_107 = tpu.memref_squeeze %dma_wait3A : memref<1x640xf32, #tpu.memory_space<vmem_shared>> -> memref<640xf32, #tpu.memory_space<vmem_shared>>
      %dma_wait3A_108 = tpu.memref_slice %arg8[%run_scoped3A_85, %mul3A_12] : memref<16x10240xf32, #tpu.memory_space<vmem_shared>> -> memref<1x640xf32, #tpu.memory_space<vmem_shared>>
      %dma_wait3A_109 = tpu.memref_squeeze %dma_wait3A_108 : memref<1x640xf32, #tpu.memory_space<vmem_shared>> -> memref<640xf32, #tpu.memory_space<vmem_shared>>
      tpu.wait_dma2 semaphore(%run_scoped3A_103 : memref<!tpu.dma_semaphore, #tpu.memory_space<semaphore_mem>>) src(%dma_wait3A_109 : memref<640xf32, #tpu.memory_space<vmem_shared>>) dst(%arg7 : memref<640xf32, #tpu.memory_space<vmem>>)
      tpu.yield
    }) : () -> ()
    %scan3A_86 = arith.constant 0 : i32
    %scan3A_87 = arith.constant 40 : i32
    %scan3A_88 = arith.addi %scan3A_86, %scan3A_87 : i32
    %scan3A_89 = arith.constant 1 : i32
    scf.for %scan3A_103 = %scan3A_86 to %scan3A_88 step %scan3A_89  : i32 {
      %mul3A_104 = arith.constant 1 : i32
      %mul3A_105 = arith.muli %scan3A_103, %mul3A_104 : i32
      %add3A_106 = arith.constant 0 : i32
      %add3A_107 = arith.addi %add3A_106, %mul3A_105 : i32
      %mul3A_108 = arith.constant 16 : i32
      %mul3A_109 = arith.muli %add3A_107, %mul3A_108 : i32
      %get3A = arith.index_cast %mul3A_109 : i32 to index
      %get3A_110 = tpu.vector_load %arg6[%get3A] {strides = array<i32>} : memref<640xf32, #tpu.memory_space<vmem>>, vector<16xf32>,
      %get3A_111 = arith.index_cast %mul3A_109 : i32 to index
      %get3A_112 = tpu.vector_load %arg7[%get3A_111] {strides = array<i32>} : memref<640xf32, #tpu.memory_space<vmem>>, vector<16xf32>,
      %add3A_113 = arith.addf %get3A_110, %get3A_112 : vector<16xf32>
      %swap3A = arith.index_cast %mul3A_109 : i32 to index
      %swap3A_114 = tpu.vector_load %arg6[%swap3A] {strides = array<i32>} : memref<640xf32, #tpu.memory_space<vmem>>, vector<16xf32>,
      tpu.vector_store %arg6[%swap3A], %add3A_113 {strides = array<i32>} : memref<640xf32, #tpu.memory_space<vmem>>, vector<16xf32>,
    }
    %scan3A_90 = arith.constant 40 : i32
    %run_scoped3A_91 = arith.constant 14 : i32
    "tpu.region"() ({
      %run_scoped3A_103 = tpu.sem_alloc : memref<!tpu.dma_semaphore, #tpu.memory_space<semaphore_mem>>
      %dma_start3A = tpu.memref_slice %arg8[%run_scoped3A_91, %mul3A_12] : memref<16x10240xf32, #tpu.memory_space<vmem_shared>> -> memref<1x640xf32, #tpu.memory_space<vmem_shared>>
      %dma_start3A_104 = tpu.memref_squeeze %dma_start3A : memref<1x640xf32, #tpu.memory_space<vmem_shared>> -> memref<640xf32, #tpu.memory_space<vmem_shared>>
      %dma_start3A_105 = tpu.memref_slice %arg8[%run_scoped3A_91, %mul3A_12] : memref<16x10240xf32, #tpu.memory_space<vmem_shared>> -> memref<1x640xf32, #tpu.memory_space<vmem_shared>>
      %dma_start3A_106 = tpu.memref_squeeze %dma_start3A_105 : memref<1x640xf32, #tpu.memory_space<vmem_shared>> -> memref<640xf32, #tpu.memory_space<vmem_shared>>
      tpu.enqueue_dma source(%dma_start3A_106 : memref<640xf32, #tpu.memory_space<vmem_shared>>) target(%arg7 : memref<640xf32, #tpu.memory_space<vmem>>) target_semaphore(%run_scoped3A_103 : memref<!tpu.dma_semaphore, #tpu.memory_space<semaphore_mem>>)
      %dma_wait3A = tpu.memref_slice %arg8[%run_scoped3A_91, %mul3A_12] : memref<16x10240xf32, #tpu.memory_space<vmem_shared>> -> memref<1x640xf32, #tpu.memory_space<vmem_shared>>
      %dma_wait3A_107 = tpu.memref_squeeze %dma_wait3A : memref<1x640xf32, #tpu.memory_space<vmem_shared>> -> memref<640xf32, #tpu.memory_space<vmem_shared>>
      %dma_wait3A_108 = tpu.memref_slice %arg8[%run_scoped3A_91, %mul3A_12] : memref<16x10240xf32, #tpu.memory_space<vmem_shared>> -> memref<1x640xf32, #tpu.memory_space<vmem_shared>>
      %dma_wait3A_109 = tpu.memref_squeeze %dma_wait3A_108 : memref<1x640xf32, #tpu.memory_space<vmem_shared>> -> memref<640xf32, #tpu.memory_space<vmem_shared>>
      tpu.wait_dma2 semaphore(%run_scoped3A_103 : memref<!tpu.dma_semaphore, #tpu.memory_space<semaphore_mem>>) src(%dma_wait3A_109 : memref<640xf32, #tpu.memory_space<vmem_shared>>) dst(%arg7 : memref<640xf32, #tpu.memory_space<vmem>>)
      tpu.yield
    }) : () -> ()
    %scan3A_92 = arith.constant 0 : i32
    %scan3A_93 = arith.constant 40 : i32
    %scan3A_94 = arith.addi %scan3A_92, %scan3A_93 : i32
    %scan3A_95 = arith.constant 1 : i32
    scf.for %scan3A_103 = %scan3A_92 to %scan3A_94 step %scan3A_95  : i32 {
      %mul3A_104 = arith.constant 1 : i32
      %mul3A_105 = arith.muli %scan3A_103, %mul3A_104 : i32
      %add3A_106 = arith.constant 0 : i32
      %add3A_107 = arith.addi %add3A_106, %mul3A_105 : i32
      %mul3A_108 = arith.constant 16 : i32
      %mul3A_109 = arith.muli %add3A_107, %mul3A_108 : i32
      %get3A = arith.index_cast %mul3A_109 : i32 to index
      %get3A_110 = tpu.vector_load %arg6[%get3A] {strides = array<i32>} : memref<640xf32, #tpu.memory_space<vmem>>, vector<16xf32>,
      %get3A_111 = arith.index_cast %mul3A_109 : i32 to index
      %get3A_112 = tpu.vector_load %arg7[%get3A_111] {strides = array<i32>} : memref<640xf32, #tpu.memory_space<vmem>>, vector<16xf32>,
      %add3A_113 = arith.addf %get3A_110, %get3A_112 : vector<16xf32>
      %swap3A = arith.index_cast %mul3A_109 : i32 to index
      %swap3A_114 = tpu.vector_load %arg6[%swap3A] {strides = array<i32>} : memref<640xf32, #tpu.memory_space<vmem>>, vector<16xf32>,
      tpu.vector_store %arg6[%swap3A], %add3A_113 {strides = array<i32>} : memref<640xf32, #tpu.memory_space<vmem>>, vector<16xf32>,
    }
    %scan3A_96 = arith.constant 40 : i32
    %run_scoped3A_97 = arith.constant 15 : i32
    "tpu.region"() ({
      %run_scoped3A_103 = tpu.sem_alloc : memref<!tpu.dma_semaphore, #tpu.memory_space<semaphore_mem>>
      %dma_start3A = tpu.memref_slice %arg8[%run_scoped3A_97, %mul3A_12] : memref<16x10240xf32, #tpu.memory_space<vmem_shared>> -> memref<1x640xf32, #tpu.memory_space<vmem_shared>>
      %dma_start3A_104 = tpu.memref_squeeze %dma_start3A : memref<1x640xf32, #tpu.memory_space<vmem_shared>> -> memref<640xf32, #tpu.memory_space<vmem_shared>>
      %dma_start3A_105 = tpu.memref_slice %arg8[%run_scoped3A_97, %mul3A_12] : memref<16x10240xf32, #tpu.memory_space<vmem_shared>> -> memref<1x640xf32, #tpu.memory_space<vmem_shared>>
      %dma_start3A_106 = tpu.memref_squeeze %dma_start3A_105 : memref<1x640xf32, #tpu.memory_space<vmem_shared>> -> memref<640xf32, #tpu.memory_space<vmem_shared>>
      tpu.enqueue_dma source(%dma_start3A_106 : memref<640xf32, #tpu.memory_space<vmem_shared>>) target(%arg7 : memref<640xf32, #tpu.memory_space<vmem>>) target_semaphore(%run_scoped3A_103 : memref<!tpu.dma_semaphore, #tpu.memory_space<semaphore_mem>>)
      %dma_wait3A = tpu.memref_slice %arg8[%run_scoped3A_97, %mul3A_12] : memref<16x10240xf32, #tpu.memory_space<vmem_shared>> -> memref<1x640xf32, #tpu.memory_space<vmem_shared>>
      %dma_wait3A_107 = tpu.memref_squeeze %dma_wait3A : memref<1x640xf32, #tpu.memory_space<vmem_shared>> -> memref<640xf32, #tpu.memory_space<vmem_shared>>
      %dma_wait3A_108 = tpu.memref_slice %arg8[%run_scoped3A_97, %mul3A_12] : memref<16x10240xf32, #tpu.memory_space<vmem_shared>> -> memref<1x640xf32, #tpu.memory_space<vmem_shared>>
      %dma_wait3A_109 = tpu.memref_squeeze %dma_wait3A_108 : memref<1x640xf32, #tpu.memory_space<vmem_shared>> -> memref<640xf32, #tpu.memory_space<vmem_shared>>
      tpu.wait_dma2 semaphore(%run_scoped3A_103 : memref<!tpu.dma_semaphore, #tpu.memory_space<semaphore_mem>>) src(%dma_wait3A_109 : memref<640xf32, #tpu.memory_space<vmem_shared>>) dst(%arg7 : memref<640xf32, #tpu.memory_space<vmem>>)
      tpu.yield
    }) : () -> ()
    %scan3A_98 = arith.constant 0 : i32
    %scan3A_99 = arith.constant 40 : i32
    %scan3A_100 = arith.addi %scan3A_98, %scan3A_99 : i32
    %scan3A_101 = arith.constant 1 : i32
    scf.for %scan3A_103 = %scan3A_98 to %scan3A_100 step %scan3A_101  : i32 {
      %mul3A_104 = arith.constant 1 : i32
      %mul3A_105 = arith.muli %scan3A_103, %mul3A_104 : i32
      %add3A_106 = arith.constant 0 : i32
      %add3A_107 = arith.addi %add3A_106, %mul3A_105 : i32
      %mul3A_108 = arith.constant 16 : i32
      %mul3A_109 = arith.muli %add3A_107, %mul3A_108 : i32
      %get3A = arith.index_cast %mul3A_109 : i32 to index
      %get3A_110 = tpu.vector_load %arg6[%get3A] {strides = array<i32>} : memref<640xf32, #tpu.memory_space<vmem>>, vector<16xf32>,
      %get3A_111 = arith.index_cast %mul3A_109 : i32 to index
      %get3A_112 = tpu.vector_load %arg7[%get3A_111] {strides = array<i32>} : memref<640xf32, #tpu.memory_space<vmem>>, vector<16xf32>,
      %add3A_113 = arith.addf %get3A_110, %get3A_112 : vector<16xf32>
      %swap3A = arith.index_cast %mul3A_109 : i32 to index
      %swap3A_114 = tpu.vector_load %arg6[%swap3A] {strides = array<i32>} : memref<640xf32, #tpu.memory_space<vmem>>, vector<16xf32>,
      tpu.vector_store %arg6[%swap3A], %add3A_113 {strides = array<i32>} : memref<640xf32, #tpu.memory_space<vmem>>, vector<16xf32>,
    }
    %scan3A_102 = arith.constant 40 : i32
    "tpu.region"() ({
      %run_scoped3A_103 = tpu.sem_alloc : memref<!tpu.dma_semaphore, #tpu.memory_space<semaphore_mem>>
      %dma_start3A = tpu.memref_slice %arg3[%arg0, %mul3A_12] : memref<2x10240xf32, #tpu.memory_space<hbm>> -> memref<1x640xf32, #tpu.memory_space<hbm>>
      %dma_start3A_104 = tpu.memref_squeeze %dma_start3A : memref<1x640xf32, #tpu.memory_space<hbm>> -> memref<640xf32, #tpu.memory_space<hbm>>
      %dma_start3A_105 = tpu.memref_slice %arg3[%arg0, %mul3A_12] : memref<2x10240xf32, #tpu.memory_space<hbm>> -> memref<1x640xf32, #tpu.memory_space<hbm>>
      %dma_start3A_106 = tpu.memref_squeeze %dma_start3A_105 : memref<1x640xf32, #tpu.memory_space<hbm>> -> memref<640xf32, #tpu.memory_space<hbm>>
      tpu.enqueue_dma source(%arg6 : memref<640xf32, #tpu.memory_space<vmem>>) target(%dma_start3A_106 : memref<640xf32, #tpu.memory_space<hbm>>) target_semaphore(%run_scoped3A_103 : memref<!tpu.dma_semaphore, #tpu.memory_space<semaphore_mem>>)
      %dma_wait3A = tpu.memref_slice %arg3[%arg0, %mul3A_12] : memref<2x10240xf32, #tpu.memory_space<hbm>> -> memref<1x640xf32, #tpu.memory_space<hbm>>
      %dma_wait3A_107 = tpu.memref_squeeze %dma_wait3A : memref<1x640xf32, #tpu.memory_space<hbm>> -> memref<640xf32, #tpu.memory_space<hbm>>
      %dma_wait3A_108 = tpu.memref_slice %arg3[%arg0, %mul3A_12] : memref<2x10240xf32, #tpu.memory_space<hbm>> -> memref<1x640xf32, #tpu.memory_space<hbm>>
      %dma_wait3A_109 = tpu.memref_squeeze %dma_wait3A_108 : memref<1x640xf32, #tpu.memory_space<hbm>> -> memref<640xf32, #tpu.memory_space<hbm>>
      tpu.wait_dma2 semaphore(%run_scoped3A_103 : memref<!tpu.dma_semaphore, #tpu.memory_space<semaphore_mem>>) src(%arg6 : memref<640xf32, #tpu.memory_space<vmem>>) dst(%dma_wait3A_109 : memref<640xf32, #tpu.memory_space<hbm>>)
      tpu.yield
    }) : () -> ()
    return
  }
}

#map = affine_map<(d0, d1) -> (0, 0)>
#map1 = affine_map<(d0, d1) -> (0, 0, 0)>
module attributes {stable_mosaic.version = 14 : i64} {
  func.func @k(%arg0: i32, %arg1: i32, %arg2: memref<10240x128xf32, #tpu.memory_space<hbm>>, %arg3: memref<32x102x128xi32, #tpu.memory_space<hbm>>, %arg4: memref<32x102x128xi32, #tpu.memory_space<hbm>>, %arg5: memref<32x102x128xf32, #tpu.memory_space<hbm>>, %arg6: memref<2x10240x128xf32, #tpu.memory_space<hbm>>, %arg7: memref<102x128xi32, #tpu.memory_space<vmem>>, %arg8: memref<102x128xi32, #tpu.memory_space<vmem>>, %arg9: memref<128xf32, #tpu.memory_space<vmem>>, %arg10: memref<128xf32, #tpu.memory_space<vmem>>, %arg11: memref<128x128xf32, #tpu.memory_space<vmem>>, %arg12: memref<10240x128xf32, #tpu.memory_space<vmem_shared>>, %arg13: memref<!tpu.dma_semaphore, #tpu.memory_space<semaphore_mem>>, %arg14: memref<!tpu.dma_semaphore, #tpu.memory_space<semaphore_mem>>, %arg15: memref<!tpu.dma_semaphore, #tpu.memory_space<semaphore_mem>>) attributes {dimension_semantics = [#tpu.dimension_semantics<core_parallel>, #tpu.dimension_semantics<subcore_parallel>], iteration_bounds = array<i64: 2, 16>, scalar_prefetch = 0 : i64, scratch_operands = 9 : i64, tpu.core_type = #tpu.core_type<sc_vector_subcore>, window_params = [{transform_indices = #map}, {transform_indices = #map1}, {transform_indices = #map1}, {transform_indices = #map1}, {transform_indices = #map1}]} {
    %mul3A = arith.constant 16 : i32
    %mul3A_0 = arith.muli %arg0, %mul3A : i32
    %add3A = arith.addi %mul3A_0, %arg1 : i32
    "tpu.region"() ({
      %run_scoped3A = tpu.sem_alloc : memref<!tpu.dma_semaphore, #tpu.memory_space<semaphore_mem>>
      %dma_start3A_53 = arith.constant 0 : i32
      %dma_start3A_54 = arith.constant 0 : i32
      %dma_start3A_55 = tpu.memref_slice %arg3[%add3A, %dma_start3A_53, %dma_start3A_54] : memref<32x102x128xi32, #tpu.memory_space<hbm>> -> memref<1x102x128xi32, #tpu.memory_space<hbm>>
      %dma_start3A_56 = tpu.memref_squeeze %dma_start3A_55 : memref<1x102x128xi32, #tpu.memory_space<hbm>> -> memref<102x128xi32, #tpu.memory_space<hbm>>
      %dma_start3A_57 = arith.constant 0 : i32
      %dma_start3A_58 = arith.constant 0 : i32
      %dma_start3A_59 = tpu.memref_slice %arg3[%add3A, %dma_start3A_57, %dma_start3A_58] : memref<32x102x128xi32, #tpu.memory_space<hbm>> -> memref<1x102x128xi32, #tpu.memory_space<hbm>>
      %dma_start3A_60 = tpu.memref_squeeze %dma_start3A_59 : memref<1x102x128xi32, #tpu.memory_space<hbm>> -> memref<102x128xi32, #tpu.memory_space<hbm>>
      tpu.enqueue_dma source(%dma_start3A_60 : memref<102x128xi32, #tpu.memory_space<hbm>>) target(%arg7 : memref<102x128xi32, #tpu.memory_space<vmem>>) target_semaphore(%run_scoped3A : memref<!tpu.dma_semaphore, #tpu.memory_space<semaphore_mem>>)
      %dma_wait3A = arith.constant 0 : i32
      %dma_wait3A_61 = arith.constant 0 : i32
      %dma_wait3A_62 = tpu.memref_slice %arg3[%add3A, %dma_wait3A, %dma_wait3A_61] : memref<32x102x128xi32, #tpu.memory_space<hbm>> -> memref<1x102x128xi32, #tpu.memory_space<hbm>>
      %dma_wait3A_63 = tpu.memref_squeeze %dma_wait3A_62 : memref<1x102x128xi32, #tpu.memory_space<hbm>> -> memref<102x128xi32, #tpu.memory_space<hbm>>
      %dma_wait3A_64 = arith.constant 0 : i32
      %dma_wait3A_65 = arith.constant 0 : i32
      %dma_wait3A_66 = tpu.memref_slice %arg3[%add3A, %dma_wait3A_64, %dma_wait3A_65] : memref<32x102x128xi32, #tpu.memory_space<hbm>> -> memref<1x102x128xi32, #tpu.memory_space<hbm>>
      %dma_wait3A_67 = tpu.memref_squeeze %dma_wait3A_66 : memref<1x102x128xi32, #tpu.memory_space<hbm>> -> memref<102x128xi32, #tpu.memory_space<hbm>>
      tpu.wait_dma2 semaphore(%run_scoped3A : memref<!tpu.dma_semaphore, #tpu.memory_space<semaphore_mem>>) src(%dma_wait3A_67 : memref<102x128xi32, #tpu.memory_space<hbm>>) dst(%arg7 : memref<102x128xi32, #tpu.memory_space<vmem>>)
      tpu.yield
    }) : () -> ()
    "tpu.region"() ({
      %run_scoped3A = tpu.sem_alloc : memref<!tpu.dma_semaphore, #tpu.memory_space<semaphore_mem>>
      %dma_start3A_53 = arith.constant 0 : i32
      %dma_start3A_54 = arith.constant 0 : i32
      %dma_start3A_55 = tpu.memref_slice %arg4[%add3A, %dma_start3A_53, %dma_start3A_54] : memref<32x102x128xi32, #tpu.memory_space<hbm>> -> memref<1x102x128xi32, #tpu.memory_space<hbm>>
      %dma_start3A_56 = tpu.memref_squeeze %dma_start3A_55 : memref<1x102x128xi32, #tpu.memory_space<hbm>> -> memref<102x128xi32, #tpu.memory_space<hbm>>
      %dma_start3A_57 = arith.constant 0 : i32
      %dma_start3A_58 = arith.constant 0 : i32
      %dma_start3A_59 = tpu.memref_slice %arg4[%add3A, %dma_start3A_57, %dma_start3A_58] : memref<32x102x128xi32, #tpu.memory_space<hbm>> -> memref<1x102x128xi32, #tpu.memory_space<hbm>>
      %dma_start3A_60 = tpu.memref_squeeze %dma_start3A_59 : memref<1x102x128xi32, #tpu.memory_space<hbm>> -> memref<102x128xi32, #tpu.memory_space<hbm>>
      tpu.enqueue_dma source(%dma_start3A_60 : memref<102x128xi32, #tpu.memory_space<hbm>>) target(%arg8 : memref<102x128xi32, #tpu.memory_space<vmem>>) target_semaphore(%run_scoped3A : memref<!tpu.dma_semaphore, #tpu.memory_space<semaphore_mem>>)
      %dma_wait3A = arith.constant 0 : i32
      %dma_wait3A_61 = arith.constant 0 : i32
      %dma_wait3A_62 = tpu.memref_slice %arg4[%add3A, %dma_wait3A, %dma_wait3A_61] : memref<32x102x128xi32, #tpu.memory_space<hbm>> -> memref<1x102x128xi32, #tpu.memory_space<hbm>>
      %dma_wait3A_63 = tpu.memref_squeeze %dma_wait3A_62 : memref<1x102x128xi32, #tpu.memory_space<hbm>> -> memref<102x128xi32, #tpu.memory_space<hbm>>
      %dma_wait3A_64 = arith.constant 0 : i32
      %dma_wait3A_65 = arith.constant 0 : i32
      %dma_wait3A_66 = tpu.memref_slice %arg4[%add3A, %dma_wait3A_64, %dma_wait3A_65] : memref<32x102x128xi32, #tpu.memory_space<hbm>> -> memref<1x102x128xi32, #tpu.memory_space<hbm>>
      %dma_wait3A_67 = tpu.memref_squeeze %dma_wait3A_66 : memref<1x102x128xi32, #tpu.memory_space<hbm>> -> memref<102x128xi32, #tpu.memory_space<hbm>>
      tpu.wait_dma2 semaphore(%run_scoped3A : memref<!tpu.dma_semaphore, #tpu.memory_space<semaphore_mem>>) src(%dma_wait3A_67 : memref<102x128xi32, #tpu.memory_space<hbm>>) dst(%arg8 : memref<102x128xi32, #tpu.memory_space<vmem>>)
      tpu.yield
    }) : () -> ()
    %dma_start3A = arith.constant 0 : i32
    %dma_start3A_1 = arith.constant 0 : i32
    %dma_start3A_2 = tpu.memref_slice %arg5[%add3A, %dma_start3A, %dma_start3A_1] : memref<32x102x128xf32, #tpu.memory_space<hbm>> -> memref<1x1x128xf32, #tpu.memory_space<hbm>>
    %dma_start3A_3 = tpu.memref_squeeze %dma_start3A_2 : memref<1x1x128xf32, #tpu.memory_space<hbm>> -> memref<128xf32, #tpu.memory_space<hbm>>
    %dma_start3A_4 = arith.constant 0 : i32
    %dma_start3A_5 = tpu.memref_slice %arg5[%add3A, %dma_start3A, %dma_start3A_4] : memref<32x102x128xf32, #tpu.memory_space<hbm>> -> memref<1x1x128xf32, #tpu.memory_space<hbm>>
    %dma_start3A_6 = tpu.memref_squeeze %dma_start3A_5 : memref<1x1x128xf32, #tpu.memory_space<hbm>> -> memref<128xf32, #tpu.memory_space<hbm>>
    tpu.enqueue_dma source(%dma_start3A_6 : memref<128xf32, #tpu.memory_space<hbm>>) target(%arg9 : memref<128xf32, #tpu.memory_space<vmem>>) target_semaphore(%arg14 : memref<!tpu.dma_semaphore, #tpu.memory_space<semaphore_mem>>)
    %broadcast_in_dim3A = arith.constant 0.000000e+00 : f32
    %broadcast_in_dim3A_7 = vector.broadcast %broadcast_in_dim3A : f32 to vector<16xf32>
    %scan3A = arith.constant 0 : i32
    %scan3A_8 = arith.constant 128 : i32
    %scan3A_9 = arith.addi %scan3A, %scan3A_8 : i32
    %scan3A_10 = arith.constant 1 : i32
    scf.for %scan3A_53 = %scan3A to %scan3A_9 step %scan3A_10  : i32 {
      %mul3A_54 = arith.constant 1 : i32
      %mul3A_55 = arith.muli %scan3A_53, %mul3A_54 : i32
      %add3A_56 = arith.constant 0 : i32
      %add3A_57 = arith.addi %add3A_56, %mul3A_55 : i32
      %swap3A = arith.index_cast %add3A_57 : i32 to index
      %swap3A_58 = arith.constant 0 : index
      %swap3A_59 = tpu.vector_load %arg11[%swap3A, %swap3A_58] {strides = array<i32>} : memref<128x128xf32, #tpu.memory_space<vmem>>, vector<16xf32>,
      tpu.vector_store %arg11[%swap3A, %swap3A_58], %broadcast_in_dim3A_7 {strides = array<i32>} : memref<128x128xf32, #tpu.memory_space<vmem>>, vector<16xf32>,
      %swap3A_60 = arith.index_cast %add3A_57 : i32 to index
      %swap3A_61 = arith.constant 16 : index
      %swap3A_62 = tpu.vector_load %arg11[%swap3A_60, %swap3A_61] {strides = array<i32>} : memref<128x128xf32, #tpu.memory_space<vmem>>, vector<16xf32>,
      tpu.vector_store %arg11[%swap3A_60, %swap3A_61], %broadcast_in_dim3A_7 {strides = array<i32>} : memref<128x128xf32, #tpu.memory_space<vmem>>, vector<16xf32>,
      %swap3A_63 = arith.index_cast %add3A_57 : i32 to index
      %swap3A_64 = arith.constant 32 : index
      %swap3A_65 = tpu.vector_load %arg11[%swap3A_63, %swap3A_64] {strides = array<i32>} : memref<128x128xf32, #tpu.memory_space<vmem>>, vector<16xf32>,
      tpu.vector_store %arg11[%swap3A_63, %swap3A_64], %broadcast_in_dim3A_7 {strides = array<i32>} : memref<128x128xf32, #tpu.memory_space<vmem>>, vector<16xf32>,
      %swap3A_66 = arith.index_cast %add3A_57 : i32 to index
      %swap3A_67 = arith.constant 48 : index
      %swap3A_68 = tpu.vector_load %arg11[%swap3A_66, %swap3A_67] {strides = array<i32>} : memref<128x128xf32, #tpu.memory_space<vmem>>, vector<16xf32>,
      tpu.vector_store %arg11[%swap3A_66, %swap3A_67], %broadcast_in_dim3A_7 {strides = array<i32>} : memref<128x128xf32, #tpu.memory_space<vmem>>, vector<16xf32>,
      %swap3A_69 = arith.index_cast %add3A_57 : i32 to index
      %swap3A_70 = arith.constant 64 : index
      %swap3A_71 = tpu.vector_load %arg11[%swap3A_69, %swap3A_70] {strides = array<i32>} : memref<128x128xf32, #tpu.memory_space<vmem>>, vector<16xf32>,
      tpu.vector_store %arg11[%swap3A_69, %swap3A_70], %broadcast_in_dim3A_7 {strides = array<i32>} : memref<128x128xf32, #tpu.memory_space<vmem>>, vector<16xf32>,
      %swap3A_72 = arith.index_cast %add3A_57 : i32 to index
      %swap3A_73 = arith.constant 80 : index
      %swap3A_74 = tpu.vector_load %arg11[%swap3A_72, %swap3A_73] {strides = array<i32>} : memref<128x128xf32, #tpu.memory_space<vmem>>, vector<16xf32>,
      tpu.vector_store %arg11[%swap3A_72, %swap3A_73], %broadcast_in_dim3A_7 {strides = array<i32>} : memref<128x128xf32, #tpu.memory_space<vmem>>, vector<16xf32>,
      %swap3A_75 = arith.index_cast %add3A_57 : i32 to index
      %swap3A_76 = arith.constant 96 : index
      %swap3A_77 = tpu.vector_load %arg11[%swap3A_75, %swap3A_76] {strides = array<i32>} : memref<128x128xf32, #tpu.memory_space<vmem>>, vector<16xf32>,
      tpu.vector_store %arg11[%swap3A_75, %swap3A_76], %broadcast_in_dim3A_7 {strides = array<i32>} : memref<128x128xf32, #tpu.memory_space<vmem>>, vector<16xf32>,
      %swap3A_78 = arith.index_cast %add3A_57 : i32 to index
      %swap3A_79 = arith.constant 112 : index
      %swap3A_80 = tpu.vector_load %arg11[%swap3A_78, %swap3A_79] {strides = array<i32>} : memref<128x128xf32, #tpu.memory_space<vmem>>, vector<16xf32>,
      tpu.vector_store %arg11[%swap3A_78, %swap3A_79], %broadcast_in_dim3A_7 {strides = array<i32>} : memref<128x128xf32, #tpu.memory_space<vmem>>, vector<16xf32>,
    }
    %scan3A_11 = arith.constant 128 : i32
    %mul3A_12 = arith.constant 640 : i32
    %mul3A_13 = arith.muli %arg1, %mul3A_12 : i32
    %add3A_14 = arith.constant 0 : i32
    %add3A_15 = arith.addi %mul3A_13, %add3A_14 : i32
    "tpu.region"() ({
      %run_scoped3A = tpu.sem_alloc : memref<!tpu.dma_semaphore, #tpu.memory_space<semaphore_mem>>
      %dma_start3A_53 = arith.constant 0 : i32
      %dma_start3A_54 = tpu.memref_slice %arg12[%add3A_15, %dma_start3A_53] : memref<10240x128xf32, #tpu.memory_space<vmem_shared>> -> memref<128x128xf32, #tpu.memory_space<vmem_shared>>
      %dma_start3A_55 = arith.constant 0 : i32
      %dma_start3A_56 = tpu.memref_slice %arg12[%add3A_15, %dma_start3A_55] : memref<10240x128xf32, #tpu.memory_space<vmem_shared>> -> memref<128x128xf32, #tpu.memory_space<vmem_shared>>
      tpu.enqueue_dma source(%arg11 : memref<128x128xf32, #tpu.memory_space<vmem>>) target(%dma_start3A_56 : memref<128x128xf32, #tpu.memory_space<vmem_shared>>) target_semaphore(%run_scoped3A : memref<!tpu.dma_semaphore, #tpu.memory_space<semaphore_mem>>)
      %dma_wait3A = arith.constant 0 : i32
      %dma_wait3A_57 = tpu.memref_slice %arg12[%add3A_15, %dma_wait3A] : memref<10240x128xf32, #tpu.memory_space<vmem_shared>> -> memref<128x128xf32, #tpu.memory_space<vmem_shared>>
      %dma_wait3A_58 = arith.constant 0 : i32
      %dma_wait3A_59 = tpu.memref_slice %arg12[%add3A_15, %dma_wait3A_58] : memref<10240x128xf32, #tpu.memory_space<vmem_shared>> -> memref<128x128xf32, #tpu.memory_space<vmem_shared>>
      tpu.wait_dma2 semaphore(%run_scoped3A : memref<!tpu.dma_semaphore, #tpu.memory_space<semaphore_mem>>) src(%arg11 : memref<128x128xf32, #tpu.memory_space<vmem>>) dst(%dma_wait3A_59 : memref<128x128xf32, #tpu.memory_space<vmem_shared>>)
      tpu.yield
    }) : () -> ()
    %add3A_16 = arith.constant 128 : i32
    %add3A_17 = arith.addi %mul3A_13, %add3A_16 : i32
    "tpu.region"() ({
      %run_scoped3A = tpu.sem_alloc : memref<!tpu.dma_semaphore, #tpu.memory_space<semaphore_mem>>
      %dma_start3A_53 = arith.constant 0 : i32
      %dma_start3A_54 = tpu.memref_slice %arg12[%add3A_17, %dma_start3A_53] : memref<10240x128xf32, #tpu.memory_space<vmem_shared>> -> memref<128x128xf32, #tpu.memory_space<vmem_shared>>
      %dma_start3A_55 = arith.constant 0 : i32
      %dma_start3A_56 = tpu.memref_slice %arg12[%add3A_17, %dma_start3A_55] : memref<10240x128xf32, #tpu.memory_space<vmem_shared>> -> memref<128x128xf32, #tpu.memory_space<vmem_shared>>
      tpu.enqueue_dma source(%arg11 : memref<128x128xf32, #tpu.memory_space<vmem>>) target(%dma_start3A_56 : memref<128x128xf32, #tpu.memory_space<vmem_shared>>) target_semaphore(%run_scoped3A : memref<!tpu.dma_semaphore, #tpu.memory_space<semaphore_mem>>)
      %dma_wait3A = arith.constant 0 : i32
      %dma_wait3A_57 = tpu.memref_slice %arg12[%add3A_17, %dma_wait3A] : memref<10240x128xf32, #tpu.memory_space<vmem_shared>> -> memref<128x128xf32, #tpu.memory_space<vmem_shared>>
      %dma_wait3A_58 = arith.constant 0 : i32
      %dma_wait3A_59 = tpu.memref_slice %arg12[%add3A_17, %dma_wait3A_58] : memref<10240x128xf32, #tpu.memory_space<vmem_shared>> -> memref<128x128xf32, #tpu.memory_space<vmem_shared>>
      tpu.wait_dma2 semaphore(%run_scoped3A : memref<!tpu.dma_semaphore, #tpu.memory_space<semaphore_mem>>) src(%arg11 : memref<128x128xf32, #tpu.memory_space<vmem>>) dst(%dma_wait3A_59 : memref<128x128xf32, #tpu.memory_space<vmem_shared>>)
      tpu.yield
    }) : () -> ()
    %add3A_18 = arith.constant 256 : i32
    %add3A_19 = arith.addi %mul3A_13, %add3A_18 : i32
    "tpu.region"() ({
      %run_scoped3A = tpu.sem_alloc : memref<!tpu.dma_semaphore, #tpu.memory_space<semaphore_mem>>
      %dma_start3A_53 = arith.constant 0 : i32
      %dma_start3A_54 = tpu.memref_slice %arg12[%add3A_19, %dma_start3A_53] : memref<10240x128xf32, #tpu.memory_space<vmem_shared>> -> memref<128x128xf32, #tpu.memory_space<vmem_shared>>
      %dma_start3A_55 = arith.constant 0 : i32
      %dma_start3A_56 = tpu.memref_slice %arg12[%add3A_19, %dma_start3A_55] : memref<10240x128xf32, #tpu.memory_space<vmem_shared>> -> memref<128x128xf32, #tpu.memory_space<vmem_shared>>
      tpu.enqueue_dma source(%arg11 : memref<128x128xf32, #tpu.memory_space<vmem>>) target(%dma_start3A_56 : memref<128x128xf32, #tpu.memory_space<vmem_shared>>) target_semaphore(%run_scoped3A : memref<!tpu.dma_semaphore, #tpu.memory_space<semaphore_mem>>)
      %dma_wait3A = arith.constant 0 : i32
      %dma_wait3A_57 = tpu.memref_slice %arg12[%add3A_19, %dma_wait3A] : memref<10240x128xf32, #tpu.memory_space<vmem_shared>> -> memref<128x128xf32, #tpu.memory_space<vmem_shared>>
      %dma_wait3A_58 = arith.constant 0 : i32
      %dma_wait3A_59 = tpu.memref_slice %arg12[%add3A_19, %dma_wait3A_58] : memref<10240x128xf32, #tpu.memory_space<vmem_shared>> -> memref<128x128xf32, #tpu.memory_space<vmem_shared>>
      tpu.wait_dma2 semaphore(%run_scoped3A : memref<!tpu.dma_semaphore, #tpu.memory_space<semaphore_mem>>) src(%arg11 : memref<128x128xf32, #tpu.memory_space<vmem>>) dst(%dma_wait3A_59 : memref<128x128xf32, #tpu.memory_space<vmem_shared>>)
      tpu.yield
    }) : () -> ()
    %add3A_20 = arith.constant 384 : i32
    %add3A_21 = arith.addi %mul3A_13, %add3A_20 : i32
    "tpu.region"() ({
      %run_scoped3A = tpu.sem_alloc : memref<!tpu.dma_semaphore, #tpu.memory_space<semaphore_mem>>
      %dma_start3A_53 = arith.constant 0 : i32
      %dma_start3A_54 = tpu.memref_slice %arg12[%add3A_21, %dma_start3A_53] : memref<10240x128xf32, #tpu.memory_space<vmem_shared>> -> memref<128x128xf32, #tpu.memory_space<vmem_shared>>
      %dma_start3A_55 = arith.constant 0 : i32
      %dma_start3A_56 = tpu.memref_slice %arg12[%add3A_21, %dma_start3A_55] : memref<10240x128xf32, #tpu.memory_space<vmem_shared>> -> memref<128x128xf32, #tpu.memory_space<vmem_shared>>
      tpu.enqueue_dma source(%arg11 : memref<128x128xf32, #tpu.memory_space<vmem>>) target(%dma_start3A_56 : memref<128x128xf32, #tpu.memory_space<vmem_shared>>) target_semaphore(%run_scoped3A : memref<!tpu.dma_semaphore, #tpu.memory_space<semaphore_mem>>)
      %dma_wait3A = arith.constant 0 : i32
      %dma_wait3A_57 = tpu.memref_slice %arg12[%add3A_21, %dma_wait3A] : memref<10240x128xf32, #tpu.memory_space<vmem_shared>> -> memref<128x128xf32, #tpu.memory_space<vmem_shared>>
      %dma_wait3A_58 = arith.constant 0 : i32
      %dma_wait3A_59 = tpu.memref_slice %arg12[%add3A_21, %dma_wait3A_58] : memref<10240x128xf32, #tpu.memory_space<vmem_shared>> -> memref<128x128xf32, #tpu.memory_space<vmem_shared>>
      tpu.wait_dma2 semaphore(%run_scoped3A : memref<!tpu.dma_semaphore, #tpu.memory_space<semaphore_mem>>) src(%arg11 : memref<128x128xf32, #tpu.memory_space<vmem>>) dst(%dma_wait3A_59 : memref<128x128xf32, #tpu.memory_space<vmem_shared>>)
      tpu.yield
    }) : () -> ()
    %add3A_22 = arith.constant 512 : i32
    %add3A_23 = arith.addi %mul3A_13, %add3A_22 : i32
    "tpu.region"() ({
      %run_scoped3A = tpu.sem_alloc : memref<!tpu.dma_semaphore, #tpu.memory_space<semaphore_mem>>
      %dma_start3A_53 = arith.constant 0 : i32
      %dma_start3A_54 = tpu.memref_slice %arg12[%add3A_23, %dma_start3A_53] : memref<10240x128xf32, #tpu.memory_space<vmem_shared>> -> memref<128x128xf32, #tpu.memory_space<vmem_shared>>
      %dma_start3A_55 = arith.constant 0 : i32
      %dma_start3A_56 = tpu.memref_slice %arg12[%add3A_23, %dma_start3A_55] : memref<10240x128xf32, #tpu.memory_space<vmem_shared>> -> memref<128x128xf32, #tpu.memory_space<vmem_shared>>
      tpu.enqueue_dma source(%arg11 : memref<128x128xf32, #tpu.memory_space<vmem>>) target(%dma_start3A_56 : memref<128x128xf32, #tpu.memory_space<vmem_shared>>) target_semaphore(%run_scoped3A : memref<!tpu.dma_semaphore, #tpu.memory_space<semaphore_mem>>)
      %dma_wait3A = arith.constant 0 : i32
      %dma_wait3A_57 = tpu.memref_slice %arg12[%add3A_23, %dma_wait3A] : memref<10240x128xf32, #tpu.memory_space<vmem_shared>> -> memref<128x128xf32, #tpu.memory_space<vmem_shared>>
      %dma_wait3A_58 = arith.constant 0 : i32
      %dma_wait3A_59 = tpu.memref_slice %arg12[%add3A_23, %dma_wait3A_58] : memref<10240x128xf32, #tpu.memory_space<vmem_shared>> -> memref<128x128xf32, #tpu.memory_space<vmem_shared>>
      tpu.wait_dma2 semaphore(%run_scoped3A : memref<!tpu.dma_semaphore, #tpu.memory_space<semaphore_mem>>) src(%arg11 : memref<128x128xf32, #tpu.memory_space<vmem>>) dst(%dma_wait3A_59 : memref<128x128xf32, #tpu.memory_space<vmem_shared>>)
      tpu.yield
    }) : () -> ()
    %barrier3A = arith.constant 0 : index
    tpu.barrier barrier_id(%barrier3A)
    %eq3A = arith.constant 0 : i32
    %eq3A_24 = arith.cmpi eq, %arg0, %eq3A : i32
    %jit3A = arith.constant 102 : i32
    %jit3A_25 = arith.constant 56 : i32
    %select_n3A = arith.select %eq3A_24, %jit3A, %jit3A_25 : i32
    %sub3A = arith.constant 0 : i32
    %sub3A_26 = arith.subi %select_n3A, %sub3A : i32
    %sub3A_27 = arith.constant 2 : i32
    %sub3A_28 = arith.constant 1 : i32
    %sub3A_29 = arith.subi %sub3A_27, %sub3A_28 : i32
    %add3A_30 = arith.addi %sub3A_26, %sub3A_29 : i32
    %div3A = arith.constant 2 : i32
    %div3A_31 = arith.divsi %add3A_30, %div3A : i32
    %while3A = arith.constant 2 : i32
    %while3A_32 = arith.constant 0 : i32
    %while3A_33 = arith.constant 0 : i32
    %while3A_34 = arith.subi %div3A_31, %while3A_33 : i32
    %while3A_35 = arith.addi %while3A_33, %while3A_34 : i32
    %while3A_36 = arith.constant 1 : i32
    %while3A_37 = arith.divsi %while3A_34, %while3A_36 : i32
    %while3A_38 = arith.muli %while3A_37, %while3A_36 : i32
    %while3A_39 = arith.addi %while3A_33, %while3A_38 : i32
    %while3A_40 = arith.constant 1 : i32
    scf.for %while3A_53 = %while3A_33 to %while3A_39 step %while3A_40  : i32 {
      %mul3A_54 = arith.muli %while3A_53, %while3A : i32
      %add3A_55 = arith.addi %while3A_32, %mul3A_54 : i32
      %add3A_56 = arith.constant 0 : i32
      %add3A_57 = arith.addi %add3A_55, %add3A_56 : i32
      %dma_start3A_58 = arith.constant 0 : i32
      %dma_start3A_59 = tpu.memref_slice %arg7[%add3A_57, %dma_start3A_58] : memref<102x128xi32, #tpu.memory_space<vmem>> -> memref<1x128xi32, #tpu.memory_space<vmem>>
      %dma_start3A_60 = tpu.memref_squeeze %dma_start3A_59 : memref<1x128xi32, #tpu.memory_space<vmem>> -> memref<128xi32, #tpu.memory_space<vmem>>
      %dma_start3A_61 = arith.constant 0 : i32
      %dma_start3A_62 = arith.constant 0 : i32
      %dma_start3A_63 = tpu.memref_slice %arg2[%dma_start3A_61, %dma_start3A_62] : memref<10240x128xf32, #tpu.memory_space<hbm>> -> memref<10240x128xf32, #tpu.memory_space<hbm>>
      tpu.enqueue_indirect_dma source(%dma_start3A_63 : memref<10240x128xf32, #tpu.memory_space<hbm>>) target(%arg11 : memref<128x128xf32, #tpu.memory_space<vmem>>) offsets(%dma_start3A_60 : memref<128xi32, #tpu.memory_space<vmem>>) semaphore(%arg13 : memref<!tpu.dma_semaphore, #tpu.memory_space<semaphore_mem>>)
      %dma_wait3A = arith.constant 0 : i32
      %dma_wait3A_64 = tpu.memref_slice %arg7[%add3A_57, %dma_wait3A] : memref<102x128xi32, #tpu.memory_space<vmem>> -> memref<1x128xi32, #tpu.memory_space<vmem>>
      %dma_wait3A_65 = tpu.memref_squeeze %dma_wait3A_64 : memref<1x128xi32, #tpu.memory_space<vmem>> -> memref<128xi32, #tpu.memory_space<vmem>>
      %dma_wait3A_66 = arith.constant 0 : i32
      %dma_wait3A_67 = arith.constant 0 : i32
      %dma_wait3A_68 = tpu.memref_slice %arg2[%dma_wait3A_66, %dma_wait3A_67] : memref<10240x128xf32, #tpu.memory_space<hbm>> -> memref<10240x128xf32, #tpu.memory_space<hbm>>
      tpu.wait_indirect_dma semaphore(%arg13 : memref<!tpu.dma_semaphore, #tpu.memory_space<semaphore_mem>>) src(%dma_wait3A_68 : memref<10240x128xf32, #tpu.memory_space<hbm>>) dst(%arg11 : memref<128x128xf32, #tpu.memory_space<vmem>>)
      %add3A_69 = arith.constant 1 : i32
      %add3A_70 = arith.addi %add3A_57, %add3A_69 : i32
      %lt3A = arith.cmpi slt, %add3A_70, %select_n3A : i32
      %convert_element_type3A = arith.extui %lt3A : i1 to i32
      %cond3A = arith.constant 0 : i32
      %cond3A_71 = arith.cmpi ne, %convert_element_type3A, %cond3A : i32
      scf.if %cond3A_71 {
        %add3A_114 = arith.constant 1 : i32
        %add3A_115 = arith.addi %add3A_57, %add3A_114 : i32
        %dma_start3A_116 = arith.constant 0 : i32
        %dma_start3A_117 = tpu.memref_slice %arg5[%add3A, %add3A_115, %dma_start3A_116] : memref<32x102x128xf32, #tpu.memory_space<hbm>> -> memref<1x1x128xf32, #tpu.memory_space<hbm>>
        %dma_start3A_118 = tpu.memref_squeeze %dma_start3A_117 : memref<1x1x128xf32, #tpu.memory_space<hbm>> -> memref<128xf32, #tpu.memory_space<hbm>>
        %dma_start3A_119 = arith.constant 0 : i32
        %dma_start3A_120 = tpu.memref_slice %arg5[%add3A, %add3A_115, %dma_start3A_119] : memref<32x102x128xf32, #tpu.memory_space<hbm>> -> memref<1x1x128xf32, #tpu.memory_space<hbm>>
        %dma_start3A_121 = tpu.memref_squeeze %dma_start3A_120 : memref<1x1x128xf32, #tpu.memory_space<hbm>> -> memref<128xf32, #tpu.memory_space<hbm>>
        tpu.enqueue_dma source(%dma_start3A_121 : memref<128xf32, #tpu.memory_space<hbm>>) target(%arg10 : memref<128xf32, #tpu.memory_space<vmem>>) target_semaphore(%arg15 : memref<!tpu.dma_semaphore, #tpu.memory_space<semaphore_mem>>)
      } else {
      }
      %dma_wait3A_72 = arith.constant 0 : i32
      %dma_wait3A_73 = tpu.memref_slice %arg5[%add3A, %add3A_57, %dma_wait3A_72] : memref<32x102x128xf32, #tpu.memory_space<hbm>> -> memref<1x1x128xf32, #tpu.memory_space<hbm>>
      %dma_wait3A_74 = tpu.memref_squeeze %dma_wait3A_73 : memref<1x1x128xf32, #tpu.memory_space<hbm>> -> memref<128xf32, #tpu.memory_space<hbm>>
      %dma_wait3A_75 = arith.constant 0 : i32
      %dma_wait3A_76 = tpu.memref_slice %arg5[%add3A, %add3A_57, %dma_wait3A_75] : memref<32x102x128xf32, #tpu.memory_space<hbm>> -> memref<1x1x128xf32, #tpu.memory_space<hbm>>
      %dma_wait3A_77 = tpu.memref_squeeze %dma_wait3A_76 : memref<1x1x128xf32, #tpu.memory_space<hbm>> -> memref<128xf32, #tpu.memory_space<hbm>>
      tpu.wait_dma2 semaphore(%arg14 : memref<!tpu.dma_semaphore, #tpu.memory_space<semaphore_mem>>) src(%dma_wait3A_77 : memref<128xf32, #tpu.memory_space<hbm>>) dst(%arg9 : memref<128xf32, #tpu.memory_space<vmem>>)
      %scan3A_78 = arith.constant 0 : i32
      %scan3A_79 = arith.constant 128 : i32
      %scan3A_80 = arith.addi %scan3A_78, %scan3A_79 : i32
      %scan3A_81 = arith.constant 1 : i32
      scf.for %scan3A_114 = %scan3A_78 to %scan3A_80 step %scan3A_81  : i32 {
        %mul3A_115 = arith.constant 1 : i32
        %mul3A_116 = arith.muli %scan3A_114, %mul3A_115 : i32
        %add3A_117 = arith.constant 0 : i32
        %add3A_118 = arith.addi %add3A_117, %mul3A_116 : i32
        %broadcast_in_dim3A_119 = vector.broadcast %add3A_118 : i32 to vector<16xi32>
        %gather3A = tpu.vector_load_idx %arg9[%broadcast_in_dim3A_119] : memref<128xf32, #tpu.memory_space<vmem>>[vector<16xi32>], vector<16xf32>,
        %get3A = arith.index_cast %add3A_118 : i32 to index
        %get3A_120 = arith.constant 0 : index
        %get3A_121 = tpu.vector_load %arg11[%get3A, %get3A_120] {strides = array<i32>} : memref<128x128xf32, #tpu.memory_space<vmem>>, vector<16xf32>,
        %mul3A_122 = arith.mulf %get3A_121, %gather3A : vector<16xf32>
        %swap3A = arith.index_cast %add3A_118 : i32 to index
        %swap3A_123 = arith.constant 0 : index
        %swap3A_124 = tpu.vector_load %arg11[%swap3A, %swap3A_123] {strides = array<i32>} : memref<128x128xf32, #tpu.memory_space<vmem>>, vector<16xf32>,
        tpu.vector_store %arg11[%swap3A, %swap3A_123], %mul3A_122 {strides = array<i32>} : memref<128x128xf32, #tpu.memory_space<vmem>>, vector<16xf32>,
        %get3A_125 = arith.index_cast %add3A_118 : i32 to index
        %get3A_126 = arith.constant 16 : index
        %get3A_127 = tpu.vector_load %arg11[%get3A_125, %get3A_126] {strides = array<i32>} : memref<128x128xf32, #tpu.memory_space<vmem>>, vector<16xf32>,
        %mul3A_128 = arith.mulf %get3A_127, %gather3A : vector<16xf32>
        %swap3A_129 = arith.index_cast %add3A_118 : i32 to index
        %swap3A_130 = arith.constant 16 : index
        %swap3A_131 = tpu.vector_load %arg11[%swap3A_129, %swap3A_130] {strides = array<i32>} : memref<128x128xf32, #tpu.memory_space<vmem>>, vector<16xf32>,
        tpu.vector_store %arg11[%swap3A_129, %swap3A_130], %mul3A_128 {strides = array<i32>} : memref<128x128xf32, #tpu.memory_space<vmem>>, vector<16xf32>,
        %get3A_132 = arith.index_cast %add3A_118 : i32 to index
        %get3A_133 = arith.constant 32 : index
        %get3A_134 = tpu.vector_load %arg11[%get3A_132, %get3A_133] {strides = array<i32>} : memref<128x128xf32, #tpu.memory_space<vmem>>, vector<16xf32>,
        %mul3A_135 = arith.mulf %get3A_134, %gather3A : vector<16xf32>
        %swap3A_136 = arith.index_cast %add3A_118 : i32 to index
        %swap3A_137 = arith.constant 32 : index
        %swap3A_138 = tpu.vector_load %arg11[%swap3A_136, %swap3A_137] {strides = array<i32>} : memref<128x128xf32, #tpu.memory_space<vmem>>, vector<16xf32>,
        tpu.vector_store %arg11[%swap3A_136, %swap3A_137], %mul3A_135 {strides = array<i32>} : memref<128x128xf32, #tpu.memory_space<vmem>>, vector<16xf32>,
        %get3A_139 = arith.index_cast %add3A_118 : i32 to index
        %get3A_140 = arith.constant 48 : index
        %get3A_141 = tpu.vector_load %arg11[%get3A_139, %get3A_140] {strides = array<i32>} : memref<128x128xf32, #tpu.memory_space<vmem>>, vector<16xf32>,
        %mul3A_142 = arith.mulf %get3A_141, %gather3A : vector<16xf32>
        %swap3A_143 = arith.index_cast %add3A_118 : i32 to index
        %swap3A_144 = arith.constant 48 : index
        %swap3A_145 = tpu.vector_load %arg11[%swap3A_143, %swap3A_144] {strides = array<i32>} : memref<128x128xf32, #tpu.memory_space<vmem>>, vector<16xf32>,
        tpu.vector_store %arg11[%swap3A_143, %swap3A_144], %mul3A_142 {strides = array<i32>} : memref<128x128xf32, #tpu.memory_space<vmem>>, vector<16xf32>,
        %get3A_146 = arith.index_cast %add3A_118 : i32 to index
        %get3A_147 = arith.constant 64 : index
        %get3A_148 = tpu.vector_load %arg11[%get3A_146, %get3A_147] {strides = array<i32>} : memref<128x128xf32, #tpu.memory_space<vmem>>, vector<16xf32>,
        %mul3A_149 = arith.mulf %get3A_148, %gather3A : vector<16xf32>
        %swap3A_150 = arith.index_cast %add3A_118 : i32 to index
        %swap3A_151 = arith.constant 64 : index
        %swap3A_152 = tpu.vector_load %arg11[%swap3A_150, %swap3A_151] {strides = array<i32>} : memref<128x128xf32, #tpu.memory_space<vmem>>, vector<16xf32>,
        tpu.vector_store %arg11[%swap3A_150, %swap3A_151], %mul3A_149 {strides = array<i32>} : memref<128x128xf32, #tpu.memory_space<vmem>>, vector<16xf32>,
        %get3A_153 = arith.index_cast %add3A_118 : i32 to index
        %get3A_154 = arith.constant 80 : index
        %get3A_155 = tpu.vector_load %arg11[%get3A_153, %get3A_154] {strides = array<i32>} : memref<128x128xf32, #tpu.memory_space<vmem>>, vector<16xf32>,
        %mul3A_156 = arith.mulf %get3A_155, %gather3A : vector<16xf32>
        %swap3A_157 = arith.index_cast %add3A_118 : i32 to index
        %swap3A_158 = arith.constant 80 : index
        %swap3A_159 = tpu.vector_load %arg11[%swap3A_157, %swap3A_158] {strides = array<i32>} : memref<128x128xf32, #tpu.memory_space<vmem>>, vector<16xf32>,
        tpu.vector_store %arg11[%swap3A_157, %swap3A_158], %mul3A_156 {strides = array<i32>} : memref<128x128xf32, #tpu.memory_space<vmem>>, vector<16xf32>,
        %get3A_160 = arith.index_cast %add3A_118 : i32 to index
        %get3A_161 = arith.constant 96 : index
        %get3A_162 = tpu.vector_load %arg11[%get3A_160, %get3A_161] {strides = array<i32>} : memref<128x128xf32, #tpu.memory_space<vmem>>, vector<16xf32>,
        %mul3A_163 = arith.mulf %get3A_162, %gather3A : vector<16xf32>
        %swap3A_164 = arith.index_cast %add3A_118 : i32 to index
        %swap3A_165 = arith.constant 96 : index
        %swap3A_166 = tpu.vector_load %arg11[%swap3A_164, %swap3A_165] {strides = array<i32>} : memref<128x128xf32, #tpu.memory_space<vmem>>, vector<16xf32>,
        tpu.vector_store %arg11[%swap3A_164, %swap3A_165], %mul3A_163 {strides = array<i32>} : memref<128x128xf32, #tpu.memory_space<vmem>>, vector<16xf32>,
        %get3A_167 = arith.index_cast %add3A_118 : i32 to index
        %get3A_168 = arith.constant 112 : index
        %get3A_169 = tpu.vector_load %arg11[%get3A_167, %get3A_168] {strides = array<i32>} : memref<128x128xf32, #tpu.memory_space<vmem>>, vector<16xf32>,
        %mul3A_170 = arith.mulf %get3A_169, %gather3A : vector<16xf32>
        %swap3A_171 = arith.index_cast %add3A_118 : i32 to index
        %swap3A_172 = arith.constant 112 : index
        %swap3A_173 = tpu.vector_load %arg11[%swap3A_171, %swap3A_172] {strides = array<i32>} : memref<128x128xf32, #tpu.memory_space<vmem>>, vector<16xf32>,
        tpu.vector_store %arg11[%swap3A_171, %swap3A_172], %mul3A_170 {strides = array<i32>} : memref<128x128xf32, #tpu.memory_space<vmem>>, vector<16xf32>,
      }
      %scan3A_82 = arith.constant 128 : i32
      "tpu.region"() ({
        %run_scoped3A = tpu.sem_alloc : memref<!tpu.dma_semaphore, #tpu.memory_space<semaphore_mem>>
        %dma_start3A_114 = arith.constant 0 : i32
        %dma_start3A_115 = tpu.memref_slice %arg8[%add3A_57, %dma_start3A_114] : memref<102x128xi32, #tpu.memory_space<vmem>> -> memref<1x128xi32, #tpu.memory_space<vmem>>
        %dma_start3A_116 = tpu.memref_squeeze %dma_start3A_115 : memref<1x128xi32, #tpu.memory_space<vmem>> -> memref<128xi32, #tpu.memory_space<vmem>>
        %dma_start3A_117 = arith.constant 0 : i32
        %dma_start3A_118 = arith.constant 0 : i32
        %dma_start3A_119 = tpu.memref_slice %arg12[%dma_start3A_117, %dma_start3A_118] : memref<10240x128xf32, #tpu.memory_space<vmem_shared>> -> memref<10240x128xf32, #tpu.memory_space<vmem_shared>>
        tpu.enqueue_indirect_dma source(%arg11 : memref<128x128xf32, #tpu.memory_space<vmem>>) target(%dma_start3A_119 : memref<10240x128xf32, #tpu.memory_space<vmem_shared>>) offsets(%dma_start3A_116 : memref<128xi32, #tpu.memory_space<vmem>>) semaphore(%run_scoped3A : memref<!tpu.dma_semaphore, #tpu.memory_space<semaphore_mem>>) {add = true}
        %dma_wait3A_120 = arith.constant 0 : i32
        %dma_wait3A_121 = tpu.memref_slice %arg8[%add3A_57, %dma_wait3A_120] : memref<102x128xi32, #tpu.memory_space<vmem>> -> memref<1x128xi32, #tpu.memory_space<vmem>>
        %dma_wait3A_122 = tpu.memref_squeeze %dma_wait3A_121 : memref<1x128xi32, #tpu.memory_space<vmem>> -> memref<128xi32, #tpu.memory_space<vmem>>
        %dma_wait3A_123 = arith.constant 0 : i32
        %dma_wait3A_124 = arith.constant 0 : i32
        %dma_wait3A_125 = tpu.memref_slice %arg12[%dma_wait3A_123, %dma_wait3A_124] : memref<10240x128xf32, #tpu.memory_space<vmem_shared>> -> memref<10240x128xf32, #tpu.memory_space<vmem_shared>>
        tpu.wait_indirect_dma semaphore(%run_scoped3A : memref<!tpu.dma_semaphore, #tpu.memory_space<semaphore_mem>>) src(%arg11 : memref<128x128xf32, #tpu.memory_space<vmem>>) dst(%dma_wait3A_125 : memref<10240x128xf32, #tpu.memory_space<vmem_shared>>)
        tpu.yield
      }) : () -> ()
      %add3A_83 = arith.constant 1 : i32
      %add3A_84 = arith.addi %add3A_55, %add3A_83 : i32
      %dma_start3A_85 = arith.constant 0 : i32
      %dma_start3A_86 = tpu.memref_slice %arg7[%add3A_84, %dma_start3A_85] : memref<102x128xi32, #tpu.memory_space<vmem>> -> memref<1x128xi32, #tpu.memory_space<vmem>>
      %dma_start3A_87 = tpu.memref_squeeze %dma_start3A_86 : memref<1x128xi32, #tpu.memory_space<vmem>> -> memref<128xi32, #tpu.memory_space<vmem>>
      %dma_start3A_88 = arith.constant 0 : i32
      %dma_start3A_89 = arith.constant 0 : i32
      %dma_start3A_90 = tpu.memref_slice %arg2[%dma_start3A_88, %dma_start3A_89] : memref<10240x128xf32, #tpu.memory_space<hbm>> -> memref<10240x128xf32, #tpu.memory_space<hbm>>
      tpu.enqueue_indirect_dma source(%dma_start3A_90 : memref<10240x128xf32, #tpu.memory_space<hbm>>) target(%arg11 : memref<128x128xf32, #tpu.memory_space<vmem>>) offsets(%dma_start3A_87 : memref<128xi32, #tpu.memory_space<vmem>>) semaphore(%arg13 : memref<!tpu.dma_semaphore, #tpu.memory_space<semaphore_mem>>)
      %dma_wait3A_91 = arith.constant 0 : i32
      %dma_wait3A_92 = tpu.memref_slice %arg7[%add3A_84, %dma_wait3A_91] : memref<102x128xi32, #tpu.memory_space<vmem>> -> memref<1x128xi32, #tpu.memory_space<vmem>>
      %dma_wait3A_93 = tpu.memref_squeeze %dma_wait3A_92 : memref<1x128xi32, #tpu.memory_space<vmem>> -> memref<128xi32, #tpu.memory_space<vmem>>
      %dma_wait3A_94 = arith.constant 0 : i32
      %dma_wait3A_95 = arith.constant 0 : i32
      %dma_wait3A_96 = tpu.memref_slice %arg2[%dma_wait3A_94, %dma_wait3A_95] : memref<10240x128xf32, #tpu.memory_space<hbm>> -> memref<10240x128xf32, #tpu.memory_space<hbm>>
      tpu.wait_indirect_dma semaphore(%arg13 : memref<!tpu.dma_semaphore, #tpu.memory_space<semaphore_mem>>) src(%dma_wait3A_96 : memref<10240x128xf32, #tpu.memory_space<hbm>>) dst(%arg11 : memref<128x128xf32, #tpu.memory_space<vmem>>)
      %add3A_97 = arith.constant 1 : i32
      %add3A_98 = arith.addi %add3A_84, %add3A_97 : i32
      %lt3A_99 = arith.cmpi slt, %add3A_98, %select_n3A : i32
      %convert_element_type3A_100 = arith.extui %lt3A_99 : i1 to i32
      %cond3A_101 = arith.constant 0 : i32
      %cond3A_102 = arith.cmpi ne, %convert_element_type3A_100, %cond3A_101 : i32
      scf.if %cond3A_102 {
        %add3A_114 = arith.constant 1 : i32
        %add3A_115 = arith.addi %add3A_84, %add3A_114 : i32
        %dma_start3A_116 = arith.constant 0 : i32
        %dma_start3A_117 = tpu.memref_slice %arg5[%add3A, %add3A_115, %dma_start3A_116] : memref<32x102x128xf32, #tpu.memory_space<hbm>> -> memref<1x1x128xf32, #tpu.memory_space<hbm>>
        %dma_start3A_118 = tpu.memref_squeeze %dma_start3A_117 : memref<1x1x128xf32, #tpu.memory_space<hbm>> -> memref<128xf32, #tpu.memory_space<hbm>>
        %dma_start3A_119 = arith.constant 0 : i32
        %dma_start3A_120 = tpu.memref_slice %arg5[%add3A, %add3A_115, %dma_start3A_119] : memref<32x102x128xf32, #tpu.memory_space<hbm>> -> memref<1x1x128xf32, #tpu.memory_space<hbm>>
        %dma_start3A_121 = tpu.memref_squeeze %dma_start3A_120 : memref<1x1x128xf32, #tpu.memory_space<hbm>> -> memref<128xf32, #tpu.memory_space<hbm>>
        tpu.enqueue_dma source(%dma_start3A_121 : memref<128xf32, #tpu.memory_space<hbm>>) target(%arg9 : memref<128xf32, #tpu.memory_space<vmem>>) target_semaphore(%arg14 : memref<!tpu.dma_semaphore, #tpu.memory_space<semaphore_mem>>)
      } else {
      }
      %dma_wait3A_103 = arith.constant 0 : i32
      %dma_wait3A_104 = tpu.memref_slice %arg5[%add3A, %add3A_84, %dma_wait3A_103] : memref<32x102x128xf32, #tpu.memory_space<hbm>> -> memref<1x1x128xf32, #tpu.memory_space<hbm>>
      %dma_wait3A_105 = tpu.memref_squeeze %dma_wait3A_104 : memref<1x1x128xf32, #tpu.memory_space<hbm>> -> memref<128xf32, #tpu.memory_space<hbm>>
      %dma_wait3A_106 = arith.constant 0 : i32
      %dma_wait3A_107 = tpu.memref_slice %arg5[%add3A, %add3A_84, %dma_wait3A_106] : memref<32x102x128xf32, #tpu.memory_space<hbm>> -> memref<1x1x128xf32, #tpu.memory_space<hbm>>
      %dma_wait3A_108 = tpu.memref_squeeze %dma_wait3A_107 : memref<1x1x128xf32, #tpu.memory_space<hbm>> -> memref<128xf32, #tpu.memory_space<hbm>>
      tpu.wait_dma2 semaphore(%arg15 : memref<!tpu.dma_semaphore, #tpu.memory_space<semaphore_mem>>) src(%dma_wait3A_108 : memref<128xf32, #tpu.memory_space<hbm>>) dst(%arg10 : memref<128xf32, #tpu.memory_space<vmem>>)
      %scan3A_109 = arith.constant 0 : i32
      %scan3A_110 = arith.constant 128 : i32
      %scan3A_111 = arith.addi %scan3A_109, %scan3A_110 : i32
      %scan3A_112 = arith.constant 1 : i32
      scf.for %scan3A_114 = %scan3A_109 to %scan3A_111 step %scan3A_112  : i32 {
        %mul3A_115 = arith.constant 1 : i32
        %mul3A_116 = arith.muli %scan3A_114, %mul3A_115 : i32
        %add3A_117 = arith.constant 0 : i32
        %add3A_118 = arith.addi %add3A_117, %mul3A_116 : i32
        %broadcast_in_dim3A_119 = vector.broadcast %add3A_118 : i32 to vector<16xi32>
        %gather3A = tpu.vector_load_idx %arg10[%broadcast_in_dim3A_119] : memref<128xf32, #tpu.memory_space<vmem>>[vector<16xi32>], vector<16xf32>,
        %get3A = arith.index_cast %add3A_118 : i32 to index
        %get3A_120 = arith.constant 0 : index
        %get3A_121 = tpu.vector_load %arg11[%get3A, %get3A_120] {strides = array<i32>} : memref<128x128xf32, #tpu.memory_space<vmem>>, vector<16xf32>,
        %mul3A_122 = arith.mulf %get3A_121, %gather3A : vector<16xf32>
        %swap3A = arith.index_cast %add3A_118 : i32 to index
        %swap3A_123 = arith.constant 0 : index
        %swap3A_124 = tpu.vector_load %arg11[%swap3A, %swap3A_123] {strides = array<i32>} : memref<128x128xf32, #tpu.memory_space<vmem>>, vector<16xf32>,
        tpu.vector_store %arg11[%swap3A, %swap3A_123], %mul3A_122 {strides = array<i32>} : memref<128x128xf32, #tpu.memory_space<vmem>>, vector<16xf32>,
        %get3A_125 = arith.index_cast %add3A_118 : i32 to index
        %get3A_126 = arith.constant 16 : index
        %get3A_127 = tpu.vector_load %arg11[%get3A_125, %get3A_126] {strides = array<i32>} : memref<128x128xf32, #tpu.memory_space<vmem>>, vector<16xf32>,
        %mul3A_128 = arith.mulf %get3A_127, %gather3A : vector<16xf32>
        %swap3A_129 = arith.index_cast %add3A_118 : i32 to index
        %swap3A_130 = arith.constant 16 : index
        %swap3A_131 = tpu.vector_load %arg11[%swap3A_129, %swap3A_130] {strides = array<i32>} : memref<128x128xf32, #tpu.memory_space<vmem>>, vector<16xf32>,
        tpu.vector_store %arg11[%swap3A_129, %swap3A_130], %mul3A_128 {strides = array<i32>} : memref<128x128xf32, #tpu.memory_space<vmem>>, vector<16xf32>,
        %get3A_132 = arith.index_cast %add3A_118 : i32 to index
        %get3A_133 = arith.constant 32 : index
        %get3A_134 = tpu.vector_load %arg11[%get3A_132, %get3A_133] {strides = array<i32>} : memref<128x128xf32, #tpu.memory_space<vmem>>, vector<16xf32>,
        %mul3A_135 = arith.mulf %get3A_134, %gather3A : vector<16xf32>
        %swap3A_136 = arith.index_cast %add3A_118 : i32 to index
        %swap3A_137 = arith.constant 32 : index
        %swap3A_138 = tpu.vector_load %arg11[%swap3A_136, %swap3A_137] {strides = array<i32>} : memref<128x128xf32, #tpu.memory_space<vmem>>, vector<16xf32>,
        tpu.vector_store %arg11[%swap3A_136, %swap3A_137], %mul3A_135 {strides = array<i32>} : memref<128x128xf32, #tpu.memory_space<vmem>>, vector<16xf32>,
        %get3A_139 = arith.index_cast %add3A_118 : i32 to index
        %get3A_140 = arith.constant 48 : index
        %get3A_141 = tpu.vector_load %arg11[%get3A_139, %get3A_140] {strides = array<i32>} : memref<128x128xf32, #tpu.memory_space<vmem>>, vector<16xf32>,
        %mul3A_142 = arith.mulf %get3A_141, %gather3A : vector<16xf32>
        %swap3A_143 = arith.index_cast %add3A_118 : i32 to index
        %swap3A_144 = arith.constant 48 : index
        %swap3A_145 = tpu.vector_load %arg11[%swap3A_143, %swap3A_144] {strides = array<i32>} : memref<128x128xf32, #tpu.memory_space<vmem>>, vector<16xf32>,
        tpu.vector_store %arg11[%swap3A_143, %swap3A_144], %mul3A_142 {strides = array<i32>} : memref<128x128xf32, #tpu.memory_space<vmem>>, vector<16xf32>,
        %get3A_146 = arith.index_cast %add3A_118 : i32 to index
        %get3A_147 = arith.constant 64 : index
        %get3A_148 = tpu.vector_load %arg11[%get3A_146, %get3A_147] {strides = array<i32>} : memref<128x128xf32, #tpu.memory_space<vmem>>, vector<16xf32>,
        %mul3A_149 = arith.mulf %get3A_148, %gather3A : vector<16xf32>
        %swap3A_150 = arith.index_cast %add3A_118 : i32 to index
        %swap3A_151 = arith.constant 64 : index
        %swap3A_152 = tpu.vector_load %arg11[%swap3A_150, %swap3A_151] {strides = array<i32>} : memref<128x128xf32, #tpu.memory_space<vmem>>, vector<16xf32>,
        tpu.vector_store %arg11[%swap3A_150, %swap3A_151], %mul3A_149 {strides = array<i32>} : memref<128x128xf32, #tpu.memory_space<vmem>>, vector<16xf32>,
        %get3A_153 = arith.index_cast %add3A_118 : i32 to index
        %get3A_154 = arith.constant 80 : index
        %get3A_155 = tpu.vector_load %arg11[%get3A_153, %get3A_154] {strides = array<i32>} : memref<128x128xf32, #tpu.memory_space<vmem>>, vector<16xf32>,
        %mul3A_156 = arith.mulf %get3A_155, %gather3A : vector<16xf32>
        %swap3A_157 = arith.index_cast %add3A_118 : i32 to index
        %swap3A_158 = arith.constant 80 : index
        %swap3A_159 = tpu.vector_load %arg11[%swap3A_157, %swap3A_158] {strides = array<i32>} : memref<128x128xf32, #tpu.memory_space<vmem>>, vector<16xf32>,
        tpu.vector_store %arg11[%swap3A_157, %swap3A_158], %mul3A_156 {strides = array<i32>} : memref<128x128xf32, #tpu.memory_space<vmem>>, vector<16xf32>,
        %get3A_160 = arith.index_cast %add3A_118 : i32 to index
        %get3A_161 = arith.constant 96 : index
        %get3A_162 = tpu.vector_load %arg11[%get3A_160, %get3A_161] {strides = array<i32>} : memref<128x128xf32, #tpu.memory_space<vmem>>, vector<16xf32>,
        %mul3A_163 = arith.mulf %get3A_162, %gather3A : vector<16xf32>
        %swap3A_164 = arith.index_cast %add3A_118 : i32 to index
        %swap3A_165 = arith.constant 96 : index
        %swap3A_166 = tpu.vector_load %arg11[%swap3A_164, %swap3A_165] {strides = array<i32>} : memref<128x128xf32, #tpu.memory_space<vmem>>, vector<16xf32>,
        tpu.vector_store %arg11[%swap3A_164, %swap3A_165], %mul3A_163 {strides = array<i32>} : memref<128x128xf32, #tpu.memory_space<vmem>>, vector<16xf32>,
        %get3A_167 = arith.index_cast %add3A_118 : i32 to index
        %get3A_168 = arith.constant 112 : index
        %get3A_169 = tpu.vector_load %arg11[%get3A_167, %get3A_168] {strides = array<i32>} : memref<128x128xf32, #tpu.memory_space<vmem>>, vector<16xf32>,
        %mul3A_170 = arith.mulf %get3A_169, %gather3A : vector<16xf32>
        %swap3A_171 = arith.index_cast %add3A_118 : i32 to index
        %swap3A_172 = arith.constant 112 : index
        %swap3A_173 = tpu.vector_load %arg11[%swap3A_171, %swap3A_172] {strides = array<i32>} : memref<128x128xf32, #tpu.memory_space<vmem>>, vector<16xf32>,
        tpu.vector_store %arg11[%swap3A_171, %swap3A_172], %mul3A_170 {strides = array<i32>} : memref<128x128xf32, #tpu.memory_space<vmem>>, vector<16xf32>,
      }
      %scan3A_113 = arith.constant 128 : i32
      "tpu.region"() ({
        %run_scoped3A = tpu.sem_alloc : memref<!tpu.dma_semaphore, #tpu.memory_space<semaphore_mem>>
        %dma_start3A_114 = arith.constant 0 : i32
        %dma_start3A_115 = tpu.memref_slice %arg8[%add3A_84, %dma_start3A_114] : memref<102x128xi32, #tpu.memory_space<vmem>> -> memref<1x128xi32, #tpu.memory_space<vmem>>
        %dma_start3A_116 = tpu.memref_squeeze %dma_start3A_115 : memref<1x128xi32, #tpu.memory_space<vmem>> -> memref<128xi32, #tpu.memory_space<vmem>>
        %dma_start3A_117 = arith.constant 0 : i32
        %dma_start3A_118 = arith.constant 0 : i32
        %dma_start3A_119 = tpu.memref_slice %arg12[%dma_start3A_117, %dma_start3A_118] : memref<10240x128xf32, #tpu.memory_space<vmem_shared>> -> memref<10240x128xf32, #tpu.memory_space<vmem_shared>>
        tpu.enqueue_indirect_dma source(%arg11 : memref<128x128xf32, #tpu.memory_space<vmem>>) target(%dma_start3A_119 : memref<10240x128xf32, #tpu.memory_space<vmem_shared>>) offsets(%dma_start3A_116 : memref<128xi32, #tpu.memory_space<vmem>>) semaphore(%run_scoped3A : memref<!tpu.dma_semaphore, #tpu.memory_space<semaphore_mem>>) {add = true}
        %dma_wait3A_120 = arith.constant 0 : i32
        %dma_wait3A_121 = tpu.memref_slice %arg8[%add3A_84, %dma_wait3A_120] : memref<102x128xi32, #tpu.memory_space<vmem>> -> memref<1x128xi32, #tpu.memory_space<vmem>>
        %dma_wait3A_122 = tpu.memref_squeeze %dma_wait3A_121 : memref<1x128xi32, #tpu.memory_space<vmem>> -> memref<128xi32, #tpu.memory_space<vmem>>
        %dma_wait3A_123 = arith.constant 0 : i32
        %dma_wait3A_124 = arith.constant 0 : i32
        %dma_wait3A_125 = tpu.memref_slice %arg12[%dma_wait3A_123, %dma_wait3A_124] : memref<10240x128xf32, #tpu.memory_space<vmem_shared>> -> memref<10240x128xf32, #tpu.memory_space<vmem_shared>>
        tpu.wait_indirect_dma semaphore(%run_scoped3A : memref<!tpu.dma_semaphore, #tpu.memory_space<semaphore_mem>>) src(%arg11 : memref<128x128xf32, #tpu.memory_space<vmem>>) dst(%dma_wait3A_125 : memref<10240x128xf32, #tpu.memory_space<vmem_shared>>)
        tpu.yield
      }) : () -> ()
    }
    %while3A_41 = arith.constant 1 : i32
    scf.for %while3A_53 = %while3A_39 to %while3A_35 step %while3A_41  : i32 {
      %mul3A_54 = arith.muli %while3A_53, %while3A : i32
      %add3A_55 = arith.addi %while3A_32, %mul3A_54 : i32
      %add3A_56 = arith.constant 0 : i32
      %add3A_57 = arith.addi %add3A_55, %add3A_56 : i32
      %dma_start3A_58 = arith.constant 0 : i32
      %dma_start3A_59 = tpu.memref_slice %arg7[%add3A_57, %dma_start3A_58] : memref<102x128xi32, #tpu.memory_space<vmem>> -> memref<1x128xi32, #tpu.memory_space<vmem>>
      %dma_start3A_60 = tpu.memref_squeeze %dma_start3A_59 : memref<1x128xi32, #tpu.memory_space<vmem>> -> memref<128xi32, #tpu.memory_space<vmem>>
      %dma_start3A_61 = arith.constant 0 : i32
      %dma_start3A_62 = arith.constant 0 : i32
      %dma_start3A_63 = tpu.memref_slice %arg2[%dma_start3A_61, %dma_start3A_62] : memref<10240x128xf32, #tpu.memory_space<hbm>> -> memref<10240x128xf32, #tpu.memory_space<hbm>>
      tpu.enqueue_indirect_dma source(%dma_start3A_63 : memref<10240x128xf32, #tpu.memory_space<hbm>>) target(%arg11 : memref<128x128xf32, #tpu.memory_space<vmem>>) offsets(%dma_start3A_60 : memref<128xi32, #tpu.memory_space<vmem>>) semaphore(%arg13 : memref<!tpu.dma_semaphore, #tpu.memory_space<semaphore_mem>>)
      %dma_wait3A = arith.constant 0 : i32
      %dma_wait3A_64 = tpu.memref_slice %arg7[%add3A_57, %dma_wait3A] : memref<102x128xi32, #tpu.memory_space<vmem>> -> memref<1x128xi32, #tpu.memory_space<vmem>>
      %dma_wait3A_65 = tpu.memref_squeeze %dma_wait3A_64 : memref<1x128xi32, #tpu.memory_space<vmem>> -> memref<128xi32, #tpu.memory_space<vmem>>
      %dma_wait3A_66 = arith.constant 0 : i32
      %dma_wait3A_67 = arith.constant 0 : i32
      %dma_wait3A_68 = tpu.memref_slice %arg2[%dma_wait3A_66, %dma_wait3A_67] : memref<10240x128xf32, #tpu.memory_space<hbm>> -> memref<10240x128xf32, #tpu.memory_space<hbm>>
      tpu.wait_indirect_dma semaphore(%arg13 : memref<!tpu.dma_semaphore, #tpu.memory_space<semaphore_mem>>) src(%dma_wait3A_68 : memref<10240x128xf32, #tpu.memory_space<hbm>>) dst(%arg11 : memref<128x128xf32, #tpu.memory_space<vmem>>)
      %add3A_69 = arith.constant 1 : i32
      %add3A_70 = arith.addi %add3A_57, %add3A_69 : i32
      %lt3A = arith.cmpi slt, %add3A_70, %select_n3A : i32
      %convert_element_type3A = arith.extui %lt3A : i1 to i32
      %cond3A = arith.constant 0 : i32
      %cond3A_71 = arith.cmpi ne, %convert_element_type3A, %cond3A : i32
      scf.if %cond3A_71 {
        %add3A_114 = arith.constant 1 : i32
        %add3A_115 = arith.addi %add3A_57, %add3A_114 : i32
        %dma_start3A_116 = arith.constant 0 : i32
        %dma_start3A_117 = tpu.memref_slice %arg5[%add3A, %add3A_115, %dma_start3A_116] : memref<32x102x128xf32, #tpu.memory_space<hbm>> -> memref<1x1x128xf32, #tpu.memory_space<hbm>>
        %dma_start3A_118 = tpu.memref_squeeze %dma_start3A_117 : memref<1x1x128xf32, #tpu.memory_space<hbm>> -> memref<128xf32, #tpu.memory_space<hbm>>
        %dma_start3A_119 = arith.constant 0 : i32
        %dma_start3A_120 = tpu.memref_slice %arg5[%add3A, %add3A_115, %dma_start3A_119] : memref<32x102x128xf32, #tpu.memory_space<hbm>> -> memref<1x1x128xf32, #tpu.memory_space<hbm>>
        %dma_start3A_121 = tpu.memref_squeeze %dma_start3A_120 : memref<1x1x128xf32, #tpu.memory_space<hbm>> -> memref<128xf32, #tpu.memory_space<hbm>>
        tpu.enqueue_dma source(%dma_start3A_121 : memref<128xf32, #tpu.memory_space<hbm>>) target(%arg10 : memref<128xf32, #tpu.memory_space<vmem>>) target_semaphore(%arg15 : memref<!tpu.dma_semaphore, #tpu.memory_space<semaphore_mem>>)
      } else {
      }
      %dma_wait3A_72 = arith.constant 0 : i32
      %dma_wait3A_73 = tpu.memref_slice %arg5[%add3A, %add3A_57, %dma_wait3A_72] : memref<32x102x128xf32, #tpu.memory_space<hbm>> -> memref<1x1x128xf32, #tpu.memory_space<hbm>>
      %dma_wait3A_74 = tpu.memref_squeeze %dma_wait3A_73 : memref<1x1x128xf32, #tpu.memory_space<hbm>> -> memref<128xf32, #tpu.memory_space<hbm>>
      %dma_wait3A_75 = arith.constant 0 : i32
      %dma_wait3A_76 = tpu.memref_slice %arg5[%add3A, %add3A_57, %dma_wait3A_75] : memref<32x102x128xf32, #tpu.memory_space<hbm>> -> memref<1x1x128xf32, #tpu.memory_space<hbm>>
      %dma_wait3A_77 = tpu.memref_squeeze %dma_wait3A_76 : memref<1x1x128xf32, #tpu.memory_space<hbm>> -> memref<128xf32, #tpu.memory_space<hbm>>
      tpu.wait_dma2 semaphore(%arg14 : memref<!tpu.dma_semaphore, #tpu.memory_space<semaphore_mem>>) src(%dma_wait3A_77 : memref<128xf32, #tpu.memory_space<hbm>>) dst(%arg9 : memref<128xf32, #tpu.memory_space<vmem>>)
      %scan3A_78 = arith.constant 0 : i32
      %scan3A_79 = arith.constant 128 : i32
      %scan3A_80 = arith.addi %scan3A_78, %scan3A_79 : i32
      %scan3A_81 = arith.constant 1 : i32
      scf.for %scan3A_114 = %scan3A_78 to %scan3A_80 step %scan3A_81  : i32 {
        %mul3A_115 = arith.constant 1 : i32
        %mul3A_116 = arith.muli %scan3A_114, %mul3A_115 : i32
        %add3A_117 = arith.constant 0 : i32
        %add3A_118 = arith.addi %add3A_117, %mul3A_116 : i32
        %broadcast_in_dim3A_119 = vector.broadcast %add3A_118 : i32 to vector<16xi32>
        %gather3A = tpu.vector_load_idx %arg9[%broadcast_in_dim3A_119] : memref<128xf32, #tpu.memory_space<vmem>>[vector<16xi32>], vector<16xf32>,
        %get3A = arith.index_cast %add3A_118 : i32 to index
        %get3A_120 = arith.constant 0 : index
        %get3A_121 = tpu.vector_load %arg11[%get3A, %get3A_120] {strides = array<i32>} : memref<128x128xf32, #tpu.memory_space<vmem>>, vector<16xf32>,
        %mul3A_122 = arith.mulf %get3A_121, %gather3A : vector<16xf32>
        %swap3A = arith.index_cast %add3A_118 : i32 to index
        %swap3A_123 = arith.constant 0 : index
        %swap3A_124 = tpu.vector_load %arg11[%swap3A, %swap3A_123] {strides = array<i32>} : memref<128x128xf32, #tpu.memory_space<vmem>>, vector<16xf32>,
        tpu.vector_store %arg11[%swap3A, %swap3A_123], %mul3A_122 {strides = array<i32>} : memref<128x128xf32, #tpu.memory_space<vmem>>, vector<16xf32>,
        %get3A_125 = arith.index_cast %add3A_118 : i32 to index
        %get3A_126 = arith.constant 16 : index
        %get3A_127 = tpu.vector_load %arg11[%get3A_125, %get3A_126] {strides = array<i32>} : memref<128x128xf32, #tpu.memory_space<vmem>>, vector<16xf32>,
        %mul3A_128 = arith.mulf %get3A_127, %gather3A : vector<16xf32>
        %swap3A_129 = arith.index_cast %add3A_118 : i32 to index
        %swap3A_130 = arith.constant 16 : index
        %swap3A_131 = tpu.vector_load %arg11[%swap3A_129, %swap3A_130] {strides = array<i32>} : memref<128x128xf32, #tpu.memory_space<vmem>>, vector<16xf32>,
        tpu.vector_store %arg11[%swap3A_129, %swap3A_130], %mul3A_128 {strides = array<i32>} : memref<128x128xf32, #tpu.memory_space<vmem>>, vector<16xf32>,
        %get3A_132 = arith.index_cast %add3A_118 : i32 to index
        %get3A_133 = arith.constant 32 : index
        %get3A_134 = tpu.vector_load %arg11[%get3A_132, %get3A_133] {strides = array<i32>} : memref<128x128xf32, #tpu.memory_space<vmem>>, vector<16xf32>,
        %mul3A_135 = arith.mulf %get3A_134, %gather3A : vector<16xf32>
        %swap3A_136 = arith.index_cast %add3A_118 : i32 to index
        %swap3A_137 = arith.constant 32 : index
        %swap3A_138 = tpu.vector_load %arg11[%swap3A_136, %swap3A_137] {strides = array<i32>} : memref<128x128xf32, #tpu.memory_space<vmem>>, vector<16xf32>,
        tpu.vector_store %arg11[%swap3A_136, %swap3A_137], %mul3A_135 {strides = array<i32>} : memref<128x128xf32, #tpu.memory_space<vmem>>, vector<16xf32>,
        %get3A_139 = arith.index_cast %add3A_118 : i32 to index
        %get3A_140 = arith.constant 48 : index
        %get3A_141 = tpu.vector_load %arg11[%get3A_139, %get3A_140] {strides = array<i32>} : memref<128x128xf32, #tpu.memory_space<vmem>>, vector<16xf32>,
        %mul3A_142 = arith.mulf %get3A_141, %gather3A : vector<16xf32>
        %swap3A_143 = arith.index_cast %add3A_118 : i32 to index
        %swap3A_144 = arith.constant 48 : index
        %swap3A_145 = tpu.vector_load %arg11[%swap3A_143, %swap3A_144] {strides = array<i32>} : memref<128x128xf32, #tpu.memory_space<vmem>>, vector<16xf32>,
        tpu.vector_store %arg11[%swap3A_143, %swap3A_144], %mul3A_142 {strides = array<i32>} : memref<128x128xf32, #tpu.memory_space<vmem>>, vector<16xf32>,
        %get3A_146 = arith.index_cast %add3A_118 : i32 to index
        %get3A_147 = arith.constant 64 : index
        %get3A_148 = tpu.vector_load %arg11[%get3A_146, %get3A_147] {strides = array<i32>} : memref<128x128xf32, #tpu.memory_space<vmem>>, vector<16xf32>,
        %mul3A_149 = arith.mulf %get3A_148, %gather3A : vector<16xf32>
        %swap3A_150 = arith.index_cast %add3A_118 : i32 to index
        %swap3A_151 = arith.constant 64 : index
        %swap3A_152 = tpu.vector_load %arg11[%swap3A_150, %swap3A_151] {strides = array<i32>} : memref<128x128xf32, #tpu.memory_space<vmem>>, vector<16xf32>,
        tpu.vector_store %arg11[%swap3A_150, %swap3A_151], %mul3A_149 {strides = array<i32>} : memref<128x128xf32, #tpu.memory_space<vmem>>, vector<16xf32>,
        %get3A_153 = arith.index_cast %add3A_118 : i32 to index
        %get3A_154 = arith.constant 80 : index
        %get3A_155 = tpu.vector_load %arg11[%get3A_153, %get3A_154] {strides = array<i32>} : memref<128x128xf32, #tpu.memory_space<vmem>>, vector<16xf32>,
        %mul3A_156 = arith.mulf %get3A_155, %gather3A : vector<16xf32>
        %swap3A_157 = arith.index_cast %add3A_118 : i32 to index
        %swap3A_158 = arith.constant 80 : index
        %swap3A_159 = tpu.vector_load %arg11[%swap3A_157, %swap3A_158] {strides = array<i32>} : memref<128x128xf32, #tpu.memory_space<vmem>>, vector<16xf32>,
        tpu.vector_store %arg11[%swap3A_157, %swap3A_158], %mul3A_156 {strides = array<i32>} : memref<128x128xf32, #tpu.memory_space<vmem>>, vector<16xf32>,
        %get3A_160 = arith.index_cast %add3A_118 : i32 to index
        %get3A_161 = arith.constant 96 : index
        %get3A_162 = tpu.vector_load %arg11[%get3A_160, %get3A_161] {strides = array<i32>} : memref<128x128xf32, #tpu.memory_space<vmem>>, vector<16xf32>,
        %mul3A_163 = arith.mulf %get3A_162, %gather3A : vector<16xf32>
        %swap3A_164 = arith.index_cast %add3A_118 : i32 to index
        %swap3A_165 = arith.constant 96 : index
        %swap3A_166 = tpu.vector_load %arg11[%swap3A_164, %swap3A_165] {strides = array<i32>} : memref<128x128xf32, #tpu.memory_space<vmem>>, vector<16xf32>,
        tpu.vector_store %arg11[%swap3A_164, %swap3A_165], %mul3A_163 {strides = array<i32>} : memref<128x128xf32, #tpu.memory_space<vmem>>, vector<16xf32>,
        %get3A_167 = arith.index_cast %add3A_118 : i32 to index
        %get3A_168 = arith.constant 112 : index
        %get3A_169 = tpu.vector_load %arg11[%get3A_167, %get3A_168] {strides = array<i32>} : memref<128x128xf32, #tpu.memory_space<vmem>>, vector<16xf32>,
        %mul3A_170 = arith.mulf %get3A_169, %gather3A : vector<16xf32>
        %swap3A_171 = arith.index_cast %add3A_118 : i32 to index
        %swap3A_172 = arith.constant 112 : index
        %swap3A_173 = tpu.vector_load %arg11[%swap3A_171, %swap3A_172] {strides = array<i32>} : memref<128x128xf32, #tpu.memory_space<vmem>>, vector<16xf32>,
        tpu.vector_store %arg11[%swap3A_171, %swap3A_172], %mul3A_170 {strides = array<i32>} : memref<128x128xf32, #tpu.memory_space<vmem>>, vector<16xf32>,
      }
      %scan3A_82 = arith.constant 128 : i32
      "tpu.region"() ({
        %run_scoped3A = tpu.sem_alloc : memref<!tpu.dma_semaphore, #tpu.memory_space<semaphore_mem>>
        %dma_start3A_114 = arith.constant 0 : i32
        %dma_start3A_115 = tpu.memref_slice %arg8[%add3A_57, %dma_start3A_114] : memref<102x128xi32, #tpu.memory_space<vmem>> -> memref<1x128xi32, #tpu.memory_space<vmem>>
        %dma_start3A_116 = tpu.memref_squeeze %dma_start3A_115 : memref<1x128xi32, #tpu.memory_space<vmem>> -> memref<128xi32, #tpu.memory_space<vmem>>
        %dma_start3A_117 = arith.constant 0 : i32
        %dma_start3A_118 = arith.constant 0 : i32
        %dma_start3A_119 = tpu.memref_slice %arg12[%dma_start3A_117, %dma_start3A_118] : memref<10240x128xf32, #tpu.memory_space<vmem_shared>> -> memref<10240x128xf32, #tpu.memory_space<vmem_shared>>
        tpu.enqueue_indirect_dma source(%arg11 : memref<128x128xf32, #tpu.memory_space<vmem>>) target(%dma_start3A_119 : memref<10240x128xf32, #tpu.memory_space<vmem_shared>>) offsets(%dma_start3A_116 : memref<128xi32, #tpu.memory_space<vmem>>) semaphore(%run_scoped3A : memref<!tpu.dma_semaphore, #tpu.memory_space<semaphore_mem>>) {add = true}
        %dma_wait3A_120 = arith.constant 0 : i32
        %dma_wait3A_121 = tpu.memref_slice %arg8[%add3A_57, %dma_wait3A_120] : memref<102x128xi32, #tpu.memory_space<vmem>> -> memref<1x128xi32, #tpu.memory_space<vmem>>
        %dma_wait3A_122 = tpu.memref_squeeze %dma_wait3A_121 : memref<1x128xi32, #tpu.memory_space<vmem>> -> memref<128xi32, #tpu.memory_space<vmem>>
        %dma_wait3A_123 = arith.constant 0 : i32
        %dma_wait3A_124 = arith.constant 0 : i32
        %dma_wait3A_125 = tpu.memref_slice %arg12[%dma_wait3A_123, %dma_wait3A_124] : memref<10240x128xf32, #tpu.memory_space<vmem_shared>> -> memref<10240x128xf32, #tpu.memory_space<vmem_shared>>
        tpu.wait_indirect_dma semaphore(%run_scoped3A : memref<!tpu.dma_semaphore, #tpu.memory_space<semaphore_mem>>) src(%arg11 : memref<128x128xf32, #tpu.memory_space<vmem>>) dst(%dma_wait3A_125 : memref<10240x128xf32, #tpu.memory_space<vmem_shared>>)
        tpu.yield
      }) : () -> ()
      %add3A_83 = arith.constant 1 : i32
      %add3A_84 = arith.addi %add3A_55, %add3A_83 : i32
      %dma_start3A_85 = arith.constant 0 : i32
      %dma_start3A_86 = tpu.memref_slice %arg7[%add3A_84, %dma_start3A_85] : memref<102x128xi32, #tpu.memory_space<vmem>> -> memref<1x128xi32, #tpu.memory_space<vmem>>
      %dma_start3A_87 = tpu.memref_squeeze %dma_start3A_86 : memref<1x128xi32, #tpu.memory_space<vmem>> -> memref<128xi32, #tpu.memory_space<vmem>>
      %dma_start3A_88 = arith.constant 0 : i32
      %dma_start3A_89 = arith.constant 0 : i32
      %dma_start3A_90 = tpu.memref_slice %arg2[%dma_start3A_88, %dma_start3A_89] : memref<10240x128xf32, #tpu.memory_space<hbm>> -> memref<10240x128xf32, #tpu.memory_space<hbm>>
      tpu.enqueue_indirect_dma source(%dma_start3A_90 : memref<10240x128xf32, #tpu.memory_space<hbm>>) target(%arg11 : memref<128x128xf32, #tpu.memory_space<vmem>>) offsets(%dma_start3A_87 : memref<128xi32, #tpu.memory_space<vmem>>) semaphore(%arg13 : memref<!tpu.dma_semaphore, #tpu.memory_space<semaphore_mem>>)
      %dma_wait3A_91 = arith.constant 0 : i32
      %dma_wait3A_92 = tpu.memref_slice %arg7[%add3A_84, %dma_wait3A_91] : memref<102x128xi32, #tpu.memory_space<vmem>> -> memref<1x128xi32, #tpu.memory_space<vmem>>
      %dma_wait3A_93 = tpu.memref_squeeze %dma_wait3A_92 : memref<1x128xi32, #tpu.memory_space<vmem>> -> memref<128xi32, #tpu.memory_space<vmem>>
      %dma_wait3A_94 = arith.constant 0 : i32
      %dma_wait3A_95 = arith.constant 0 : i32
      %dma_wait3A_96 = tpu.memref_slice %arg2[%dma_wait3A_94, %dma_wait3A_95] : memref<10240x128xf32, #tpu.memory_space<hbm>> -> memref<10240x128xf32, #tpu.memory_space<hbm>>
      tpu.wait_indirect_dma semaphore(%arg13 : memref<!tpu.dma_semaphore, #tpu.memory_space<semaphore_mem>>) src(%dma_wait3A_96 : memref<10240x128xf32, #tpu.memory_space<hbm>>) dst(%arg11 : memref<128x128xf32, #tpu.memory_space<vmem>>)
      %add3A_97 = arith.constant 1 : i32
      %add3A_98 = arith.addi %add3A_84, %add3A_97 : i32
      %lt3A_99 = arith.cmpi slt, %add3A_98, %select_n3A : i32
      %convert_element_type3A_100 = arith.extui %lt3A_99 : i1 to i32
      %cond3A_101 = arith.constant 0 : i32
      %cond3A_102 = arith.cmpi ne, %convert_element_type3A_100, %cond3A_101 : i32
      scf.if %cond3A_102 {
        %add3A_114 = arith.constant 1 : i32
        %add3A_115 = arith.addi %add3A_84, %add3A_114 : i32
        %dma_start3A_116 = arith.constant 0 : i32
        %dma_start3A_117 = tpu.memref_slice %arg5[%add3A, %add3A_115, %dma_start3A_116] : memref<32x102x128xf32, #tpu.memory_space<hbm>> -> memref<1x1x128xf32, #tpu.memory_space<hbm>>
        %dma_start3A_118 = tpu.memref_squeeze %dma_start3A_117 : memref<1x1x128xf32, #tpu.memory_space<hbm>> -> memref<128xf32, #tpu.memory_space<hbm>>
        %dma_start3A_119 = arith.constant 0 : i32
        %dma_start3A_120 = tpu.memref_slice %arg5[%add3A, %add3A_115, %dma_start3A_119] : memref<32x102x128xf32, #tpu.memory_space<hbm>> -> memref<1x1x128xf32, #tpu.memory_space<hbm>>
        %dma_start3A_121 = tpu.memref_squeeze %dma_start3A_120 : memref<1x1x128xf32, #tpu.memory_space<hbm>> -> memref<128xf32, #tpu.memory_space<hbm>>
        tpu.enqueue_dma source(%dma_start3A_121 : memref<128xf32, #tpu.memory_space<hbm>>) target(%arg9 : memref<128xf32, #tpu.memory_space<vmem>>) target_semaphore(%arg14 : memref<!tpu.dma_semaphore, #tpu.memory_space<semaphore_mem>>)
      } else {
      }
      %dma_wait3A_103 = arith.constant 0 : i32
      %dma_wait3A_104 = tpu.memref_slice %arg5[%add3A, %add3A_84, %dma_wait3A_103] : memref<32x102x128xf32, #tpu.memory_space<hbm>> -> memref<1x1x128xf32, #tpu.memory_space<hbm>>
      %dma_wait3A_105 = tpu.memref_squeeze %dma_wait3A_104 : memref<1x1x128xf32, #tpu.memory_space<hbm>> -> memref<128xf32, #tpu.memory_space<hbm>>
      %dma_wait3A_106 = arith.constant 0 : i32
      %dma_wait3A_107 = tpu.memref_slice %arg5[%add3A, %add3A_84, %dma_wait3A_106] : memref<32x102x128xf32, #tpu.memory_space<hbm>> -> memref<1x1x128xf32, #tpu.memory_space<hbm>>
      %dma_wait3A_108 = tpu.memref_squeeze %dma_wait3A_107 : memref<1x1x128xf32, #tpu.memory_space<hbm>> -> memref<128xf32, #tpu.memory_space<hbm>>
      tpu.wait_dma2 semaphore(%arg15 : memref<!tpu.dma_semaphore, #tpu.memory_space<semaphore_mem>>) src(%dma_wait3A_108 : memref<128xf32, #tpu.memory_space<hbm>>) dst(%arg10 : memref<128xf32, #tpu.memory_space<vmem>>)
      %scan3A_109 = arith.constant 0 : i32
      %scan3A_110 = arith.constant 128 : i32
      %scan3A_111 = arith.addi %scan3A_109, %scan3A_110 : i32
      %scan3A_112 = arith.constant 1 : i32
      scf.for %scan3A_114 = %scan3A_109 to %scan3A_111 step %scan3A_112  : i32 {
        %mul3A_115 = arith.constant 1 : i32
        %mul3A_116 = arith.muli %scan3A_114, %mul3A_115 : i32
        %add3A_117 = arith.constant 0 : i32
        %add3A_118 = arith.addi %add3A_117, %mul3A_116 : i32
        %broadcast_in_dim3A_119 = vector.broadcast %add3A_118 : i32 to vector<16xi32>
        %gather3A = tpu.vector_load_idx %arg10[%broadcast_in_dim3A_119] : memref<128xf32, #tpu.memory_space<vmem>>[vector<16xi32>], vector<16xf32>,
        %get3A = arith.index_cast %add3A_118 : i32 to index
        %get3A_120 = arith.constant 0 : index
        %get3A_121 = tpu.vector_load %arg11[%get3A, %get3A_120] {strides = array<i32>} : memref<128x128xf32, #tpu.memory_space<vmem>>, vector<16xf32>,
        %mul3A_122 = arith.mulf %get3A_121, %gather3A : vector<16xf32>
        %swap3A = arith.index_cast %add3A_118 : i32 to index
        %swap3A_123 = arith.constant 0 : index
        %swap3A_124 = tpu.vector_load %arg11[%swap3A, %swap3A_123] {strides = array<i32>} : memref<128x128xf32, #tpu.memory_space<vmem>>, vector<16xf32>,
        tpu.vector_store %arg11[%swap3A, %swap3A_123], %mul3A_122 {strides = array<i32>} : memref<128x128xf32, #tpu.memory_space<vmem>>, vector<16xf32>,
        %get3A_125 = arith.index_cast %add3A_118 : i32 to index
        %get3A_126 = arith.constant 16 : index
        %get3A_127 = tpu.vector_load %arg11[%get3A_125, %get3A_126] {strides = array<i32>} : memref<128x128xf32, #tpu.memory_space<vmem>>, vector<16xf32>,
        %mul3A_128 = arith.mulf %get3A_127, %gather3A : vector<16xf32>
        %swap3A_129 = arith.index_cast %add3A_118 : i32 to index
        %swap3A_130 = arith.constant 16 : index
        %swap3A_131 = tpu.vector_load %arg11[%swap3A_129, %swap3A_130] {strides = array<i32>} : memref<128x128xf32, #tpu.memory_space<vmem>>, vector<16xf32>,
        tpu.vector_store %arg11[%swap3A_129, %swap3A_130], %mul3A_128 {strides = array<i32>} : memref<128x128xf32, #tpu.memory_space<vmem>>, vector<16xf32>,
        %get3A_132 = arith.index_cast %add3A_118 : i32 to index
        %get3A_133 = arith.constant 32 : index
        %get3A_134 = tpu.vector_load %arg11[%get3A_132, %get3A_133] {strides = array<i32>} : memref<128x128xf32, #tpu.memory_space<vmem>>, vector<16xf32>,
        %mul3A_135 = arith.mulf %get3A_134, %gather3A : vector<16xf32>
        %swap3A_136 = arith.index_cast %add3A_118 : i32 to index
        %swap3A_137 = arith.constant 32 : index
        %swap3A_138 = tpu.vector_load %arg11[%swap3A_136, %swap3A_137] {strides = array<i32>} : memref<128x128xf32, #tpu.memory_space<vmem>>, vector<16xf32>,
        tpu.vector_store %arg11[%swap3A_136, %swap3A_137], %mul3A_135 {strides = array<i32>} : memref<128x128xf32, #tpu.memory_space<vmem>>, vector<16xf32>,
        %get3A_139 = arith.index_cast %add3A_118 : i32 to index
        %get3A_140 = arith.constant 48 : index
        %get3A_141 = tpu.vector_load %arg11[%get3A_139, %get3A_140] {strides = array<i32>} : memref<128x128xf32, #tpu.memory_space<vmem>>, vector<16xf32>,
        %mul3A_142 = arith.mulf %get3A_141, %gather3A : vector<16xf32>
        %swap3A_143 = arith.index_cast %add3A_118 : i32 to index
        %swap3A_144 = arith.constant 48 : index
        %swap3A_145 = tpu.vector_load %arg11[%swap3A_143, %swap3A_144] {strides = array<i32>} : memref<128x128xf32, #tpu.memory_space<vmem>>, vector<16xf32>,
        tpu.vector_store %arg11[%swap3A_143, %swap3A_144], %mul3A_142 {strides = array<i32>} : memref<128x128xf32, #tpu.memory_space<vmem>>, vector<16xf32>,
        %get3A_146 = arith.index_cast %add3A_118 : i32 to index
        %get3A_147 = arith.constant 64 : index
        %get3A_148 = tpu.vector_load %arg11[%get3A_146, %get3A_147] {strides = array<i32>} : memref<128x128xf32, #tpu.memory_space<vmem>>, vector<16xf32>,
        %mul3A_149 = arith.mulf %get3A_148, %gather3A : vector<16xf32>
        %swap3A_150 = arith.index_cast %add3A_118 : i32 to index
        %swap3A_151 = arith.constant 64 : index
        %swap3A_152 = tpu.vector_load %arg11[%swap3A_150, %swap3A_151] {strides = array<i32>} : memref<128x128xf32, #tpu.memory_space<vmem>>, vector<16xf32>,
        tpu.vector_store %arg11[%swap3A_150, %swap3A_151], %mul3A_149 {strides = array<i32>} : memref<128x128xf32, #tpu.memory_space<vmem>>, vector<16xf32>,
        %get3A_153 = arith.index_cast %add3A_118 : i32 to index
        %get3A_154 = arith.constant 80 : index
        %get3A_155 = tpu.vector_load %arg11[%get3A_153, %get3A_154] {strides = array<i32>} : memref<128x128xf32, #tpu.memory_space<vmem>>, vector<16xf32>,
        %mul3A_156 = arith.mulf %get3A_155, %gather3A : vector<16xf32>
        %swap3A_157 = arith.index_cast %add3A_118 : i32 to index
        %swap3A_158 = arith.constant 80 : index
        %swap3A_159 = tpu.vector_load %arg11[%swap3A_157, %swap3A_158] {strides = array<i32>} : memref<128x128xf32, #tpu.memory_space<vmem>>, vector<16xf32>,
        tpu.vector_store %arg11[%swap3A_157, %swap3A_158], %mul3A_156 {strides = array<i32>} : memref<128x128xf32, #tpu.memory_space<vmem>>, vector<16xf32>,
        %get3A_160 = arith.index_cast %add3A_118 : i32 to index
        %get3A_161 = arith.constant 96 : index
        %get3A_162 = tpu.vector_load %arg11[%get3A_160, %get3A_161] {strides = array<i32>} : memref<128x128xf32, #tpu.memory_space<vmem>>, vector<16xf32>,
        %mul3A_163 = arith.mulf %get3A_162, %gather3A : vector<16xf32>
        %swap3A_164 = arith.index_cast %add3A_118 : i32 to index
        %swap3A_165 = arith.constant 96 : index
        %swap3A_166 = tpu.vector_load %arg11[%swap3A_164, %swap3A_165] {strides = array<i32>} : memref<128x128xf32, #tpu.memory_space<vmem>>, vector<16xf32>,
        tpu.vector_store %arg11[%swap3A_164, %swap3A_165], %mul3A_163 {strides = array<i32>} : memref<128x128xf32, #tpu.memory_space<vmem>>, vector<16xf32>,
        %get3A_167 = arith.index_cast %add3A_118 : i32 to index
        %get3A_168 = arith.constant 112 : index
        %get3A_169 = tpu.vector_load %arg11[%get3A_167, %get3A_168] {strides = array<i32>} : memref<128x128xf32, #tpu.memory_space<vmem>>, vector<16xf32>,
        %mul3A_170 = arith.mulf %get3A_169, %gather3A : vector<16xf32>
        %swap3A_171 = arith.index_cast %add3A_118 : i32 to index
        %swap3A_172 = arith.constant 112 : index
        %swap3A_173 = tpu.vector_load %arg11[%swap3A_171, %swap3A_172] {strides = array<i32>} : memref<128x128xf32, #tpu.memory_space<vmem>>, vector<16xf32>,
        tpu.vector_store %arg11[%swap3A_171, %swap3A_172], %mul3A_170 {strides = array<i32>} : memref<128x128xf32, #tpu.memory_space<vmem>>, vector<16xf32>,
      }
      %scan3A_113 = arith.constant 128 : i32
      "tpu.region"() ({
        %run_scoped3A = tpu.sem_alloc : memref<!tpu.dma_semaphore, #tpu.memory_space<semaphore_mem>>
        %dma_start3A_114 = arith.constant 0 : i32
        %dma_start3A_115 = tpu.memref_slice %arg8[%add3A_84, %dma_start3A_114] : memref<102x128xi32, #tpu.memory_space<vmem>> -> memref<1x128xi32, #tpu.memory_space<vmem>>
        %dma_start3A_116 = tpu.memref_squeeze %dma_start3A_115 : memref<1x128xi32, #tpu.memory_space<vmem>> -> memref<128xi32, #tpu.memory_space<vmem>>
        %dma_start3A_117 = arith.constant 0 : i32
        %dma_start3A_118 = arith.constant 0 : i32
        %dma_start3A_119 = tpu.memref_slice %arg12[%dma_start3A_117, %dma_start3A_118] : memref<10240x128xf32, #tpu.memory_space<vmem_shared>> -> memref<10240x128xf32, #tpu.memory_space<vmem_shared>>
        tpu.enqueue_indirect_dma source(%arg11 : memref<128x128xf32, #tpu.memory_space<vmem>>) target(%dma_start3A_119 : memref<10240x128xf32, #tpu.memory_space<vmem_shared>>) offsets(%dma_start3A_116 : memref<128xi32, #tpu.memory_space<vmem>>) semaphore(%run_scoped3A : memref<!tpu.dma_semaphore, #tpu.memory_space<semaphore_mem>>) {add = true}
        %dma_wait3A_120 = arith.constant 0 : i32
        %dma_wait3A_121 = tpu.memref_slice %arg8[%add3A_84, %dma_wait3A_120] : memref<102x128xi32, #tpu.memory_space<vmem>> -> memref<1x128xi32, #tpu.memory_space<vmem>>
        %dma_wait3A_122 = tpu.memref_squeeze %dma_wait3A_121 : memref<1x128xi32, #tpu.memory_space<vmem>> -> memref<128xi32, #tpu.memory_space<vmem>>
        %dma_wait3A_123 = arith.constant 0 : i32
        %dma_wait3A_124 = arith.constant 0 : i32
        %dma_wait3A_125 = tpu.memref_slice %arg12[%dma_wait3A_123, %dma_wait3A_124] : memref<10240x128xf32, #tpu.memory_space<vmem_shared>> -> memref<10240x128xf32, #tpu.memory_space<vmem_shared>>
        tpu.wait_indirect_dma semaphore(%run_scoped3A : memref<!tpu.dma_semaphore, #tpu.memory_space<semaphore_mem>>) src(%arg11 : memref<128x128xf32, #tpu.memory_space<vmem>>) dst(%dma_wait3A_125 : memref<10240x128xf32, #tpu.memory_space<vmem_shared>>)
        tpu.yield
      }) : () -> ()
    }
    %barrier3A_42 = arith.constant 0 : index
    tpu.barrier barrier_id(%barrier3A_42)
    %add3A_43 = arith.constant 0 : i32
    %add3A_44 = arith.addi %mul3A_13, %add3A_43 : i32
    "tpu.region"() ({
      %run_scoped3A = tpu.sem_alloc : memref<!tpu.dma_semaphore, #tpu.memory_space<semaphore_mem>>
      %dma_start3A_53 = arith.constant 0 : i32
      %dma_start3A_54 = tpu.memref_slice %arg6[%arg0, %add3A_44, %dma_start3A_53] : memref<2x10240x128xf32, #tpu.memory_space<hbm>> -> memref<1x128x128xf32, #tpu.memory_space<hbm>>
      %dma_start3A_55 = tpu.memref_squeeze %dma_start3A_54 : memref<1x128x128xf32, #tpu.memory_space<hbm>> -> memref<128x128xf32, #tpu.memory_space<hbm>>
      %dma_start3A_56 = arith.constant 0 : i32
      %dma_start3A_57 = tpu.memref_slice %arg12[%add3A_44, %dma_start3A_56] : memref<10240x128xf32, #tpu.memory_space<vmem_shared>> -> memref<128x128xf32, #tpu.memory_space<vmem_shared>>
      tpu.enqueue_dma source(%dma_start3A_57 : memref<128x128xf32, #tpu.memory_space<vmem_shared>>) target(%dma_start3A_55 : memref<128x128xf32, #tpu.memory_space<hbm>>) target_semaphore(%run_scoped3A : memref<!tpu.dma_semaphore, #tpu.memory_space<semaphore_mem>>)
      %dma_wait3A = arith.constant 0 : i32
      %dma_wait3A_58 = tpu.memref_slice %arg6[%arg0, %add3A_44, %dma_wait3A] : memref<2x10240x128xf32, #tpu.memory_space<hbm>> -> memref<1x128x128xf32, #tpu.memory_space<hbm>>
      %dma_wait3A_59 = tpu.memref_squeeze %dma_wait3A_58 : memref<1x128x128xf32, #tpu.memory_space<hbm>> -> memref<128x128xf32, #tpu.memory_space<hbm>>
      %dma_wait3A_60 = arith.constant 0 : i32
      %dma_wait3A_61 = tpu.memref_slice %arg12[%add3A_44, %dma_wait3A_60] : memref<10240x128xf32, #tpu.memory_space<vmem_shared>> -> memref<128x128xf32, #tpu.memory_space<vmem_shared>>
      tpu.wait_dma2 semaphore(%run_scoped3A : memref<!tpu.dma_semaphore, #tpu.memory_space<semaphore_mem>>) src(%dma_wait3A_61 : memref<128x128xf32, #tpu.memory_space<vmem_shared>>) dst(%dma_wait3A_59 : memref<128x128xf32, #tpu.memory_space<hbm>>)
      tpu.yield
    }) : () -> ()
    %add3A_45 = arith.constant 128 : i32
    %add3A_46 = arith.addi %mul3A_13, %add3A_45 : i32
    "tpu.region"() ({
      %run_scoped3A = tpu.sem_alloc : memref<!tpu.dma_semaphore, #tpu.memory_space<semaphore_mem>>
      %dma_start3A_53 = arith.constant 0 : i32
      %dma_start3A_54 = tpu.memref_slice %arg6[%arg0, %add3A_46, %dma_start3A_53] : memref<2x10240x128xf32, #tpu.memory_space<hbm>> -> memref<1x128x128xf32, #tpu.memory_space<hbm>>
      %dma_start3A_55 = tpu.memref_squeeze %dma_start3A_54 : memref<1x128x128xf32, #tpu.memory_space<hbm>> -> memref<128x128xf32, #tpu.memory_space<hbm>>
      %dma_start3A_56 = arith.constant 0 : i32
      %dma_start3A_57 = tpu.memref_slice %arg12[%add3A_46, %dma_start3A_56] : memref<10240x128xf32, #tpu.memory_space<vmem_shared>> -> memref<128x128xf32, #tpu.memory_space<vmem_shared>>
      tpu.enqueue_dma source(%dma_start3A_57 : memref<128x128xf32, #tpu.memory_space<vmem_shared>>) target(%dma_start3A_55 : memref<128x128xf32, #tpu.memory_space<hbm>>) target_semaphore(%run_scoped3A : memref<!tpu.dma_semaphore, #tpu.memory_space<semaphore_mem>>)
      %dma_wait3A = arith.constant 0 : i32
      %dma_wait3A_58 = tpu.memref_slice %arg6[%arg0, %add3A_46, %dma_wait3A] : memref<2x10240x128xf32, #tpu.memory_space<hbm>> -> memref<1x128x128xf32, #tpu.memory_space<hbm>>
      %dma_wait3A_59 = tpu.memref_squeeze %dma_wait3A_58 : memref<1x128x128xf32, #tpu.memory_space<hbm>> -> memref<128x128xf32, #tpu.memory_space<hbm>>
      %dma_wait3A_60 = arith.constant 0 : i32
      %dma_wait3A_61 = tpu.memref_slice %arg12[%add3A_46, %dma_wait3A_60] : memref<10240x128xf32, #tpu.memory_space<vmem_shared>> -> memref<128x128xf32, #tpu.memory_space<vmem_shared>>
      tpu.wait_dma2 semaphore(%run_scoped3A : memref<!tpu.dma_semaphore, #tpu.memory_space<semaphore_mem>>) src(%dma_wait3A_61 : memref<128x128xf32, #tpu.memory_space<vmem_shared>>) dst(%dma_wait3A_59 : memref<128x128xf32, #tpu.memory_space<hbm>>)
      tpu.yield
    }) : () -> ()
    %add3A_47 = arith.constant 256 : i32
    %add3A_48 = arith.addi %mul3A_13, %add3A_47 : i32
    "tpu.region"() ({
      %run_scoped3A = tpu.sem_alloc : memref<!tpu.dma_semaphore, #tpu.memory_space<semaphore_mem>>
      %dma_start3A_53 = arith.constant 0 : i32
      %dma_start3A_54 = tpu.memref_slice %arg6[%arg0, %add3A_48, %dma_start3A_53] : memref<2x10240x128xf32, #tpu.memory_space<hbm>> -> memref<1x128x128xf32, #tpu.memory_space<hbm>>
      %dma_start3A_55 = tpu.memref_squeeze %dma_start3A_54 : memref<1x128x128xf32, #tpu.memory_space<hbm>> -> memref<128x128xf32, #tpu.memory_space<hbm>>
      %dma_start3A_56 = arith.constant 0 : i32
      %dma_start3A_57 = tpu.memref_slice %arg12[%add3A_48, %dma_start3A_56] : memref<10240x128xf32, #tpu.memory_space<vmem_shared>> -> memref<128x128xf32, #tpu.memory_space<vmem_shared>>
      tpu.enqueue_dma source(%dma_start3A_57 : memref<128x128xf32, #tpu.memory_space<vmem_shared>>) target(%dma_start3A_55 : memref<128x128xf32, #tpu.memory_space<hbm>>) target_semaphore(%run_scoped3A : memref<!tpu.dma_semaphore, #tpu.memory_space<semaphore_mem>>)
      %dma_wait3A = arith.constant 0 : i32
      %dma_wait3A_58 = tpu.memref_slice %arg6[%arg0, %add3A_48, %dma_wait3A] : memref<2x10240x128xf32, #tpu.memory_space<hbm>> -> memref<1x128x128xf32, #tpu.memory_space<hbm>>
      %dma_wait3A_59 = tpu.memref_squeeze %dma_wait3A_58 : memref<1x128x128xf32, #tpu.memory_space<hbm>> -> memref<128x128xf32, #tpu.memory_space<hbm>>
      %dma_wait3A_60 = arith.constant 0 : i32
      %dma_wait3A_61 = tpu.memref_slice %arg12[%add3A_48, %dma_wait3A_60] : memref<10240x128xf32, #tpu.memory_space<vmem_shared>> -> memref<128x128xf32, #tpu.memory_space<vmem_shared>>
      tpu.wait_dma2 semaphore(%run_scoped3A : memref<!tpu.dma_semaphore, #tpu.memory_space<semaphore_mem>>) src(%dma_wait3A_61 : memref<128x128xf32, #tpu.memory_space<vmem_shared>>) dst(%dma_wait3A_59 : memref<128x128xf32, #tpu.memory_space<hbm>>)
      tpu.yield
    }) : () -> ()
    %add3A_49 = arith.constant 384 : i32
    %add3A_50 = arith.addi %mul3A_13, %add3A_49 : i32
    "tpu.region"() ({
      %run_scoped3A = tpu.sem_alloc : memref<!tpu.dma_semaphore, #tpu.memory_space<semaphore_mem>>
      %dma_start3A_53 = arith.constant 0 : i32
      %dma_start3A_54 = tpu.memref_slice %arg6[%arg0, %add3A_50, %dma_start3A_53] : memref<2x10240x128xf32, #tpu.memory_space<hbm>> -> memref<1x128x128xf32, #tpu.memory_space<hbm>>
      %dma_start3A_55 = tpu.memref_squeeze %dma_start3A_54 : memref<1x128x128xf32, #tpu.memory_space<hbm>> -> memref<128x128xf32, #tpu.memory_space<hbm>>
      %dma_start3A_56 = arith.constant 0 : i32
      %dma_start3A_57 = tpu.memref_slice %arg12[%add3A_50, %dma_start3A_56] : memref<10240x128xf32, #tpu.memory_space<vmem_shared>> -> memref<128x128xf32, #tpu.memory_space<vmem_shared>>
      tpu.enqueue_dma source(%dma_start3A_57 : memref<128x128xf32, #tpu.memory_space<vmem_shared>>) target(%dma_start3A_55 : memref<128x128xf32, #tpu.memory_space<hbm>>) target_semaphore(%run_scoped3A : memref<!tpu.dma_semaphore, #tpu.memory_space<semaphore_mem>>)
      %dma_wait3A = arith.constant 0 : i32
      %dma_wait3A_58 = tpu.memref_slice %arg6[%arg0, %add3A_50, %dma_wait3A] : memref<2x10240x128xf32, #tpu.memory_space<hbm>> -> memref<1x128x128xf32, #tpu.memory_space<hbm>>
      %dma_wait3A_59 = tpu.memref_squeeze %dma_wait3A_58 : memref<1x128x128xf32, #tpu.memory_space<hbm>> -> memref<128x128xf32, #tpu.memory_space<hbm>>
      %dma_wait3A_60 = arith.constant 0 : i32
      %dma_wait3A_61 = tpu.memref_slice %arg12[%add3A_50, %dma_wait3A_60] : memref<10240x128xf32, #tpu.memory_space<vmem_shared>> -> memref<128x128xf32, #tpu.memory_space<vmem_shared>>
      tpu.wait_dma2 semaphore(%run_scoped3A : memref<!tpu.dma_semaphore, #tpu.memory_space<semaphore_mem>>) src(%dma_wait3A_61 : memref<128x128xf32, #tpu.memory_space<vmem_shared>>) dst(%dma_wait3A_59 : memref<128x128xf32, #tpu.memory_space<hbm>>)
      tpu.yield
    }) : () -> ()
    %add3A_51 = arith.constant 512 : i32
    %add3A_52 = arith.addi %mul3A_13, %add3A_51 : i32
    "tpu.region"() ({
      %run_scoped3A = tpu.sem_alloc : memref<!tpu.dma_semaphore, #tpu.memory_space<semaphore_mem>>
      %dma_start3A_53 = arith.constant 0 : i32
      %dma_start3A_54 = tpu.memref_slice %arg6[%arg0, %add3A_52, %dma_start3A_53] : memref<2x10240x128xf32, #tpu.memory_space<hbm>> -> memref<1x128x128xf32, #tpu.memory_space<hbm>>
      %dma_start3A_55 = tpu.memref_squeeze %dma_start3A_54 : memref<1x128x128xf32, #tpu.memory_space<hbm>> -> memref<128x128xf32, #tpu.memory_space<hbm>>
      %dma_start3A_56 = arith.constant 0 : i32
      %dma_start3A_57 = tpu.memref_slice %arg12[%add3A_52, %dma_start3A_56] : memref<10240x128xf32, #tpu.memory_space<vmem_shared>> -> memref<128x128xf32, #tpu.memory_space<vmem_shared>>
      tpu.enqueue_dma source(%dma_start3A_57 : memref<128x128xf32, #tpu.memory_space<vmem_shared>>) target(%dma_start3A_55 : memref<128x128xf32, #tpu.memory_space<hbm>>) target_semaphore(%run_scoped3A : memref<!tpu.dma_semaphore, #tpu.memory_space<semaphore_mem>>)
      %dma_wait3A = arith.constant 0 : i32
      %dma_wait3A_58 = tpu.memref_slice %arg6[%arg0, %add3A_52, %dma_wait3A] : memref<2x10240x128xf32, #tpu.memory_space<hbm>> -> memref<1x128x128xf32, #tpu.memory_space<hbm>>
      %dma_wait3A_59 = tpu.memref_squeeze %dma_wait3A_58 : memref<1x128x128xf32, #tpu.memory_space<hbm>> -> memref<128x128xf32, #tpu.memory_space<hbm>>
      %dma_wait3A_60 = arith.constant 0 : i32
      %dma_wait3A_61 = tpu.memref_slice %arg12[%add3A_52, %dma_wait3A_60] : memref<10240x128xf32, #tpu.memory_space<vmem_shared>> -> memref<128x128xf32, #tpu.memory_space<vmem_shared>>
      tpu.wait_dma2 semaphore(%run_scoped3A : memref<!tpu.dma_semaphore, #tpu.memory_space<semaphore_mem>>) src(%dma_wait3A_61 : memref<128x128xf32, #tpu.memory_space<vmem_shared>>) dst(%dma_wait3A_59 : memref<128x128xf32, #tpu.memory_space<hbm>>)
      tpu.yield
    }) : () -> ()
    return
  }
}

#map = affine_map<(d0, d1) -> (0, 0)>
#map1 = affine_map<(d0, d1) -> (0, 0, 0)>
module attributes {stable_mosaic.version = 14 : i64} {
  func.func @k(%arg0: i32, %arg1: i32, %arg2: memref<10240x128xf32, #tpu.memory_space<hbm>>, %arg3: memref<32x102x128xi32, #tpu.memory_space<hbm>>, %arg4: memref<32x102x128xi32, #tpu.memory_space<hbm>>, %arg5: memref<32x102x128xf32, #tpu.memory_space<hbm>>, %arg6: memref<2x10240x128xf32, #tpu.memory_space<hbm>>, %arg7: memref<102x128xi32, #tpu.memory_space<vmem>>, %arg8: memref<102x128xi32, #tpu.memory_space<vmem>>, %arg9: memref<128xf32, #tpu.memory_space<vmem>>, %arg10: memref<128xf32, #tpu.memory_space<vmem>>, %arg11: memref<128x128xf32, #tpu.memory_space<vmem>>, %arg12: memref<10240x128xf32, #tpu.memory_space<vmem_shared>>, %arg13: memref<!tpu.dma_semaphore, #tpu.memory_space<semaphore_mem>>, %arg14: memref<!tpu.dma_semaphore, #tpu.memory_space<semaphore_mem>>, %arg15: memref<!tpu.dma_semaphore, #tpu.memory_space<semaphore_mem>>) attributes {dimension_semantics = [#tpu.dimension_semantics<core_parallel>, #tpu.dimension_semantics<subcore_parallel>], iteration_bounds = array<i64: 2, 16>, scalar_prefetch = 0 : i64, scratch_operands = 9 : i64, tpu.core_type = #tpu.core_type<sc_vector_subcore>, window_params = [{transform_indices = #map}, {transform_indices = #map1}, {transform_indices = #map1}, {transform_indices = #map1}, {transform_indices = #map1}]} {
    %mul3A = arith.constant 16 : i32
    %mul3A_0 = arith.muli %arg0, %mul3A : i32
    %add3A = arith.addi %mul3A_0, %arg1 : i32
    "tpu.region"() ({
      %run_scoped3A = tpu.sem_alloc : memref<!tpu.dma_semaphore, #tpu.memory_space<semaphore_mem>>
      %dma_start3A_53 = arith.constant 0 : i32
      %dma_start3A_54 = arith.constant 0 : i32
      %dma_start3A_55 = tpu.memref_slice %arg3[%add3A, %dma_start3A_53, %dma_start3A_54] : memref<32x102x128xi32, #tpu.memory_space<hbm>> -> memref<1x102x128xi32, #tpu.memory_space<hbm>>
      %dma_start3A_56 = tpu.memref_squeeze %dma_start3A_55 : memref<1x102x128xi32, #tpu.memory_space<hbm>> -> memref<102x128xi32, #tpu.memory_space<hbm>>
      %dma_start3A_57 = arith.constant 0 : i32
      %dma_start3A_58 = arith.constant 0 : i32
      %dma_start3A_59 = tpu.memref_slice %arg3[%add3A, %dma_start3A_57, %dma_start3A_58] : memref<32x102x128xi32, #tpu.memory_space<hbm>> -> memref<1x102x128xi32, #tpu.memory_space<hbm>>
      %dma_start3A_60 = tpu.memref_squeeze %dma_start3A_59 : memref<1x102x128xi32, #tpu.memory_space<hbm>> -> memref<102x128xi32, #tpu.memory_space<hbm>>
      tpu.enqueue_dma source(%dma_start3A_60 : memref<102x128xi32, #tpu.memory_space<hbm>>) target(%arg7 : memref<102x128xi32, #tpu.memory_space<vmem>>) target_semaphore(%run_scoped3A : memref<!tpu.dma_semaphore, #tpu.memory_space<semaphore_mem>>)
      %dma_wait3A = arith.constant 0 : i32
      %dma_wait3A_61 = arith.constant 0 : i32
      %dma_wait3A_62 = tpu.memref_slice %arg3[%add3A, %dma_wait3A, %dma_wait3A_61] : memref<32x102x128xi32, #tpu.memory_space<hbm>> -> memref<1x102x128xi32, #tpu.memory_space<hbm>>
      %dma_wait3A_63 = tpu.memref_squeeze %dma_wait3A_62 : memref<1x102x128xi32, #tpu.memory_space<hbm>> -> memref<102x128xi32, #tpu.memory_space<hbm>>
      %dma_wait3A_64 = arith.constant 0 : i32
      %dma_wait3A_65 = arith.constant 0 : i32
      %dma_wait3A_66 = tpu.memref_slice %arg3[%add3A, %dma_wait3A_64, %dma_wait3A_65] : memref<32x102x128xi32, #tpu.memory_space<hbm>> -> memref<1x102x128xi32, #tpu.memory_space<hbm>>
      %dma_wait3A_67 = tpu.memref_squeeze %dma_wait3A_66 : memref<1x102x128xi32, #tpu.memory_space<hbm>> -> memref<102x128xi32, #tpu.memory_space<hbm>>
      tpu.wait_dma2 semaphore(%run_scoped3A : memref<!tpu.dma_semaphore, #tpu.memory_space<semaphore_mem>>) src(%dma_wait3A_67 : memref<102x128xi32, #tpu.memory_space<hbm>>) dst(%arg7 : memref<102x128xi32, #tpu.memory_space<vmem>>)
      tpu.yield
    }) : () -> ()
    "tpu.region"() ({
      %run_scoped3A = tpu.sem_alloc : memref<!tpu.dma_semaphore, #tpu.memory_space<semaphore_mem>>
      %dma_start3A_53 = arith.constant 0 : i32
      %dma_start3A_54 = arith.constant 0 : i32
      %dma_start3A_55 = tpu.memref_slice %arg4[%add3A, %dma_start3A_53, %dma_start3A_54] : memref<32x102x128xi32, #tpu.memory_space<hbm>> -> memref<1x102x128xi32, #tpu.memory_space<hbm>>
      %dma_start3A_56 = tpu.memref_squeeze %dma_start3A_55 : memref<1x102x128xi32, #tpu.memory_space<hbm>> -> memref<102x128xi32, #tpu.memory_space<hbm>>
      %dma_start3A_57 = arith.constant 0 : i32
      %dma_start3A_58 = arith.constant 0 : i32
      %dma_start3A_59 = tpu.memref_slice %arg4[%add3A, %dma_start3A_57, %dma_start3A_58] : memref<32x102x128xi32, #tpu.memory_space<hbm>> -> memref<1x102x128xi32, #tpu.memory_space<hbm>>
      %dma_start3A_60 = tpu.memref_squeeze %dma_start3A_59 : memref<1x102x128xi32, #tpu.memory_space<hbm>> -> memref<102x128xi32, #tpu.memory_space<hbm>>
      tpu.enqueue_dma source(%dma_start3A_60 : memref<102x128xi32, #tpu.memory_space<hbm>>) target(%arg8 : memref<102x128xi32, #tpu.memory_space<vmem>>) target_semaphore(%run_scoped3A : memref<!tpu.dma_semaphore, #tpu.memory_space<semaphore_mem>>)
      %dma_wait3A = arith.constant 0 : i32
      %dma_wait3A_61 = arith.constant 0 : i32
      %dma_wait3A_62 = tpu.memref_slice %arg4[%add3A, %dma_wait3A, %dma_wait3A_61] : memref<32x102x128xi32, #tpu.memory_space<hbm>> -> memref<1x102x128xi32, #tpu.memory_space<hbm>>
      %dma_wait3A_63 = tpu.memref_squeeze %dma_wait3A_62 : memref<1x102x128xi32, #tpu.memory_space<hbm>> -> memref<102x128xi32, #tpu.memory_space<hbm>>
      %dma_wait3A_64 = arith.constant 0 : i32
      %dma_wait3A_65 = arith.constant 0 : i32
      %dma_wait3A_66 = tpu.memref_slice %arg4[%add3A, %dma_wait3A_64, %dma_wait3A_65] : memref<32x102x128xi32, #tpu.memory_space<hbm>> -> memref<1x102x128xi32, #tpu.memory_space<hbm>>
      %dma_wait3A_67 = tpu.memref_squeeze %dma_wait3A_66 : memref<1x102x128xi32, #tpu.memory_space<hbm>> -> memref<102x128xi32, #tpu.memory_space<hbm>>
      tpu.wait_dma2 semaphore(%run_scoped3A : memref<!tpu.dma_semaphore, #tpu.memory_space<semaphore_mem>>) src(%dma_wait3A_67 : memref<102x128xi32, #tpu.memory_space<hbm>>) dst(%arg8 : memref<102x128xi32, #tpu.memory_space<vmem>>)
      tpu.yield
    }) : () -> ()
    %dma_start3A = arith.constant 0 : i32
    %dma_start3A_1 = arith.constant 0 : i32
    %dma_start3A_2 = tpu.memref_slice %arg5[%add3A, %dma_start3A, %dma_start3A_1] : memref<32x102x128xf32, #tpu.memory_space<hbm>> -> memref<1x1x128xf32, #tpu.memory_space<hbm>>
    %dma_start3A_3 = tpu.memref_squeeze %dma_start3A_2 : memref<1x1x128xf32, #tpu.memory_space<hbm>> -> memref<128xf32, #tpu.memory_space<hbm>>
    %dma_start3A_4 = arith.constant 0 : i32
    %dma_start3A_5 = tpu.memref_slice %arg5[%add3A, %dma_start3A, %dma_start3A_4] : memref<32x102x128xf32, #tpu.memory_space<hbm>> -> memref<1x1x128xf32, #tpu.memory_space<hbm>>
    %dma_start3A_6 = tpu.memref_squeeze %dma_start3A_5 : memref<1x1x128xf32, #tpu.memory_space<hbm>> -> memref<128xf32, #tpu.memory_space<hbm>>
    tpu.enqueue_dma source(%dma_start3A_6 : memref<128xf32, #tpu.memory_space<hbm>>) target(%arg9 : memref<128xf32, #tpu.memory_space<vmem>>) target_semaphore(%arg14 : memref<!tpu.dma_semaphore, #tpu.memory_space<semaphore_mem>>)
    %broadcast_in_dim3A = arith.constant 0.000000e+00 : f32
    %broadcast_in_dim3A_7 = vector.broadcast %broadcast_in_dim3A : f32 to vector<16xf32>
    %scan3A = arith.constant 0 : i32
    %scan3A_8 = arith.constant 128 : i32
    %scan3A_9 = arith.addi %scan3A, %scan3A_8 : i32
    %scan3A_10 = arith.constant 1 : i32
    scf.for %scan3A_53 = %scan3A to %scan3A_9 step %scan3A_10  : i32 {
      %mul3A_54 = arith.constant 1 : i32
      %mul3A_55 = arith.muli %scan3A_53, %mul3A_54 : i32
      %add3A_56 = arith.constant 0 : i32
      %add3A_57 = arith.addi %add3A_56, %mul3A_55 : i32
      %swap3A = arith.index_cast %add3A_57 : i32 to index
      %swap3A_58 = arith.constant 0 : index
      %swap3A_59 = tpu.vector_load %arg11[%swap3A, %swap3A_58] {strides = array<i32>} : memref<128x128xf32, #tpu.memory_space<vmem>>, vector<16xf32>,
      tpu.vector_store %arg11[%swap3A, %swap3A_58], %broadcast_in_dim3A_7 {strides = array<i32>} : memref<128x128xf32, #tpu.memory_space<vmem>>, vector<16xf32>,
      %swap3A_60 = arith.index_cast %add3A_57 : i32 to index
      %swap3A_61 = arith.constant 16 : index
      %swap3A_62 = tpu.vector_load %arg11[%swap3A_60, %swap3A_61] {strides = array<i32>} : memref<128x128xf32, #tpu.memory_space<vmem>>, vector<16xf32>,
      tpu.vector_store %arg11[%swap3A_60, %swap3A_61], %broadcast_in_dim3A_7 {strides = array<i32>} : memref<128x128xf32, #tpu.memory_space<vmem>>, vector<16xf32>,
      %swap3A_63 = arith.index_cast %add3A_57 : i32 to index
      %swap3A_64 = arith.constant 32 : index
      %swap3A_65 = tpu.vector_load %arg11[%swap3A_63, %swap3A_64] {strides = array<i32>} : memref<128x128xf32, #tpu.memory_space<vmem>>, vector<16xf32>,
      tpu.vector_store %arg11[%swap3A_63, %swap3A_64], %broadcast_in_dim3A_7 {strides = array<i32>} : memref<128x128xf32, #tpu.memory_space<vmem>>, vector<16xf32>,
      %swap3A_66 = arith.index_cast %add3A_57 : i32 to index
      %swap3A_67 = arith.constant 48 : index
      %swap3A_68 = tpu.vector_load %arg11[%swap3A_66, %swap3A_67] {strides = array<i32>} : memref<128x128xf32, #tpu.memory_space<vmem>>, vector<16xf32>,
      tpu.vector_store %arg11[%swap3A_66, %swap3A_67], %broadcast_in_dim3A_7 {strides = array<i32>} : memref<128x128xf32, #tpu.memory_space<vmem>>, vector<16xf32>,
      %swap3A_69 = arith.index_cast %add3A_57 : i32 to index
      %swap3A_70 = arith.constant 64 : index
      %swap3A_71 = tpu.vector_load %arg11[%swap3A_69, %swap3A_70] {strides = array<i32>} : memref<128x128xf32, #tpu.memory_space<vmem>>, vector<16xf32>,
      tpu.vector_store %arg11[%swap3A_69, %swap3A_70], %broadcast_in_dim3A_7 {strides = array<i32>} : memref<128x128xf32, #tpu.memory_space<vmem>>, vector<16xf32>,
      %swap3A_72 = arith.index_cast %add3A_57 : i32 to index
      %swap3A_73 = arith.constant 80 : index
      %swap3A_74 = tpu.vector_load %arg11[%swap3A_72, %swap3A_73] {strides = array<i32>} : memref<128x128xf32, #tpu.memory_space<vmem>>, vector<16xf32>,
      tpu.vector_store %arg11[%swap3A_72, %swap3A_73], %broadcast_in_dim3A_7 {strides = array<i32>} : memref<128x128xf32, #tpu.memory_space<vmem>>, vector<16xf32>,
      %swap3A_75 = arith.index_cast %add3A_57 : i32 to index
      %swap3A_76 = arith.constant 96 : index
      %swap3A_77 = tpu.vector_load %arg11[%swap3A_75, %swap3A_76] {strides = array<i32>} : memref<128x128xf32, #tpu.memory_space<vmem>>, vector<16xf32>,
      tpu.vector_store %arg11[%swap3A_75, %swap3A_76], %broadcast_in_dim3A_7 {strides = array<i32>} : memref<128x128xf32, #tpu.memory_space<vmem>>, vector<16xf32>,
      %swap3A_78 = arith.index_cast %add3A_57 : i32 to index
      %swap3A_79 = arith.constant 112 : index
      %swap3A_80 = tpu.vector_load %arg11[%swap3A_78, %swap3A_79] {strides = array<i32>} : memref<128x128xf32, #tpu.memory_space<vmem>>, vector<16xf32>,
      tpu.vector_store %arg11[%swap3A_78, %swap3A_79], %broadcast_in_dim3A_7 {strides = array<i32>} : memref<128x128xf32, #tpu.memory_space<vmem>>, vector<16xf32>,
    }
    %scan3A_11 = arith.constant 128 : i32
    %mul3A_12 = arith.constant 640 : i32
    %mul3A_13 = arith.muli %arg1, %mul3A_12 : i32
    %add3A_14 = arith.constant 0 : i32
    %add3A_15 = arith.addi %mul3A_13, %add3A_14 : i32
    "tpu.region"() ({
      %run_scoped3A = tpu.sem_alloc : memref<!tpu.dma_semaphore, #tpu.memory_space<semaphore_mem>>
      %dma_start3A_53 = arith.constant 0 : i32
      %dma_start3A_54 = tpu.memref_slice %arg12[%add3A_15, %dma_start3A_53] : memref<10240x128xf32, #tpu.memory_space<vmem_shared>> -> memref<128x128xf32, #tpu.memory_space<vmem_shared>>
      %dma_start3A_55 = arith.constant 0 : i32
      %dma_start3A_56 = tpu.memref_slice %arg12[%add3A_15, %dma_start3A_55] : memref<10240x128xf32, #tpu.memory_space<vmem_shared>> -> memref<128x128xf32, #tpu.memory_space<vmem_shared>>
      tpu.enqueue_dma source(%arg11 : memref<128x128xf32, #tpu.memory_space<vmem>>) target(%dma_start3A_56 : memref<128x128xf32, #tpu.memory_space<vmem_shared>>) target_semaphore(%run_scoped3A : memref<!tpu.dma_semaphore, #tpu.memory_space<semaphore_mem>>)
      %dma_wait3A = arith.constant 0 : i32
      %dma_wait3A_57 = tpu.memref_slice %arg12[%add3A_15, %dma_wait3A] : memref<10240x128xf32, #tpu.memory_space<vmem_shared>> -> memref<128x128xf32, #tpu.memory_space<vmem_shared>>
      %dma_wait3A_58 = arith.constant 0 : i32
      %dma_wait3A_59 = tpu.memref_slice %arg12[%add3A_15, %dma_wait3A_58] : memref<10240x128xf32, #tpu.memory_space<vmem_shared>> -> memref<128x128xf32, #tpu.memory_space<vmem_shared>>
      tpu.wait_dma2 semaphore(%run_scoped3A : memref<!tpu.dma_semaphore, #tpu.memory_space<semaphore_mem>>) src(%arg11 : memref<128x128xf32, #tpu.memory_space<vmem>>) dst(%dma_wait3A_59 : memref<128x128xf32, #tpu.memory_space<vmem_shared>>)
      tpu.yield
    }) : () -> ()
    %add3A_16 = arith.constant 128 : i32
    %add3A_17 = arith.addi %mul3A_13, %add3A_16 : i32
    "tpu.region"() ({
      %run_scoped3A = tpu.sem_alloc : memref<!tpu.dma_semaphore, #tpu.memory_space<semaphore_mem>>
      %dma_start3A_53 = arith.constant 0 : i32
      %dma_start3A_54 = tpu.memref_slice %arg12[%add3A_17, %dma_start3A_53] : memref<10240x128xf32, #tpu.memory_space<vmem_shared>> -> memref<128x128xf32, #tpu.memory_space<vmem_shared>>
      %dma_start3A_55 = arith.constant 0 : i32
      %dma_start3A_56 = tpu.memref_slice %arg12[%add3A_17, %dma_start3A_55] : memref<10240x128xf32, #tpu.memory_space<vmem_shared>> -> memref<128x128xf32, #tpu.memory_space<vmem_shared>>
      tpu.enqueue_dma source(%arg11 : memref<128x128xf32, #tpu.memory_space<vmem>>) target(%dma_start3A_56 : memref<128x128xf32, #tpu.memory_space<vmem_shared>>) target_semaphore(%run_scoped3A : memref<!tpu.dma_semaphore, #tpu.memory_space<semaphore_mem>>)
      %dma_wait3A = arith.constant 0 : i32
      %dma_wait3A_57 = tpu.memref_slice %arg12[%add3A_17, %dma_wait3A] : memref<10240x128xf32, #tpu.memory_space<vmem_shared>> -> memref<128x128xf32, #tpu.memory_space<vmem_shared>>
      %dma_wait3A_58 = arith.constant 0 : i32
      %dma_wait3A_59 = tpu.memref_slice %arg12[%add3A_17, %dma_wait3A_58] : memref<10240x128xf32, #tpu.memory_space<vmem_shared>> -> memref<128x128xf32, #tpu.memory_space<vmem_shared>>
      tpu.wait_dma2 semaphore(%run_scoped3A : memref<!tpu.dma_semaphore, #tpu.memory_space<semaphore_mem>>) src(%arg11 : memref<128x128xf32, #tpu.memory_space<vmem>>) dst(%dma_wait3A_59 : memref<128x128xf32, #tpu.memory_space<vmem_shared>>)
      tpu.yield
    }) : () -> ()
    %add3A_18 = arith.constant 256 : i32
    %add3A_19 = arith.addi %mul3A_13, %add3A_18 : i32
    "tpu.region"() ({
      %run_scoped3A = tpu.sem_alloc : memref<!tpu.dma_semaphore, #tpu.memory_space<semaphore_mem>>
      %dma_start3A_53 = arith.constant 0 : i32
      %dma_start3A_54 = tpu.memref_slice %arg12[%add3A_19, %dma_start3A_53] : memref<10240x128xf32, #tpu.memory_space<vmem_shared>> -> memref<128x128xf32, #tpu.memory_space<vmem_shared>>
      %dma_start3A_55 = arith.constant 0 : i32
      %dma_start3A_56 = tpu.memref_slice %arg12[%add3A_19, %dma_start3A_55] : memref<10240x128xf32, #tpu.memory_space<vmem_shared>> -> memref<128x128xf32, #tpu.memory_space<vmem_shared>>
      tpu.enqueue_dma source(%arg11 : memref<128x128xf32, #tpu.memory_space<vmem>>) target(%dma_start3A_56 : memref<128x128xf32, #tpu.memory_space<vmem_shared>>) target_semaphore(%run_scoped3A : memref<!tpu.dma_semaphore, #tpu.memory_space<semaphore_mem>>)
      %dma_wait3A = arith.constant 0 : i32
      %dma_wait3A_57 = tpu.memref_slice %arg12[%add3A_19, %dma_wait3A] : memref<10240x128xf32, #tpu.memory_space<vmem_shared>> -> memref<128x128xf32, #tpu.memory_space<vmem_shared>>
      %dma_wait3A_58 = arith.constant 0 : i32
      %dma_wait3A_59 = tpu.memref_slice %arg12[%add3A_19, %dma_wait3A_58] : memref<10240x128xf32, #tpu.memory_space<vmem_shared>> -> memref<128x128xf32, #tpu.memory_space<vmem_shared>>
      tpu.wait_dma2 semaphore(%run_scoped3A : memref<!tpu.dma_semaphore, #tpu.memory_space<semaphore_mem>>) src(%arg11 : memref<128x128xf32, #tpu.memory_space<vmem>>) dst(%dma_wait3A_59 : memref<128x128xf32, #tpu.memory_space<vmem_shared>>)
      tpu.yield
    }) : () -> ()
    %add3A_20 = arith.constant 384 : i32
    %add3A_21 = arith.addi %mul3A_13, %add3A_20 : i32
    "tpu.region"() ({
      %run_scoped3A = tpu.sem_alloc : memref<!tpu.dma_semaphore, #tpu.memory_space<semaphore_mem>>
      %dma_start3A_53 = arith.constant 0 : i32
      %dma_start3A_54 = tpu.memref_slice %arg12[%add3A_21, %dma_start3A_53] : memref<10240x128xf32, #tpu.memory_space<vmem_shared>> -> memref<128x128xf32, #tpu.memory_space<vmem_shared>>
      %dma_start3A_55 = arith.constant 0 : i32
      %dma_start3A_56 = tpu.memref_slice %arg12[%add3A_21, %dma_start3A_55] : memref<10240x128xf32, #tpu.memory_space<vmem_shared>> -> memref<128x128xf32, #tpu.memory_space<vmem_shared>>
      tpu.enqueue_dma source(%arg11 : memref<128x128xf32, #tpu.memory_space<vmem>>) target(%dma_start3A_56 : memref<128x128xf32, #tpu.memory_space<vmem_shared>>) target_semaphore(%run_scoped3A : memref<!tpu.dma_semaphore, #tpu.memory_space<semaphore_mem>>)
      %dma_wait3A = arith.constant 0 : i32
      %dma_wait3A_57 = tpu.memref_slice %arg12[%add3A_21, %dma_wait3A] : memref<10240x128xf32, #tpu.memory_space<vmem_shared>> -> memref<128x128xf32, #tpu.memory_space<vmem_shared>>
      %dma_wait3A_58 = arith.constant 0 : i32
      %dma_wait3A_59 = tpu.memref_slice %arg12[%add3A_21, %dma_wait3A_58] : memref<10240x128xf32, #tpu.memory_space<vmem_shared>> -> memref<128x128xf32, #tpu.memory_space<vmem_shared>>
      tpu.wait_dma2 semaphore(%run_scoped3A : memref<!tpu.dma_semaphore, #tpu.memory_space<semaphore_mem>>) src(%arg11 : memref<128x128xf32, #tpu.memory_space<vmem>>) dst(%dma_wait3A_59 : memref<128x128xf32, #tpu.memory_space<vmem_shared>>)
      tpu.yield
    }) : () -> ()
    %add3A_22 = arith.constant 512 : i32
    %add3A_23 = arith.addi %mul3A_13, %add3A_22 : i32
    "tpu.region"() ({
      %run_scoped3A = tpu.sem_alloc : memref<!tpu.dma_semaphore, #tpu.memory_space<semaphore_mem>>
      %dma_start3A_53 = arith.constant 0 : i32
      %dma_start3A_54 = tpu.memref_slice %arg12[%add3A_23, %dma_start3A_53] : memref<10240x128xf32, #tpu.memory_space<vmem_shared>> -> memref<128x128xf32, #tpu.memory_space<vmem_shared>>
      %dma_start3A_55 = arith.constant 0 : i32
      %dma_start3A_56 = tpu.memref_slice %arg12[%add3A_23, %dma_start3A_55] : memref<10240x128xf32, #tpu.memory_space<vmem_shared>> -> memref<128x128xf32, #tpu.memory_space<vmem_shared>>
      tpu.enqueue_dma source(%arg11 : memref<128x128xf32, #tpu.memory_space<vmem>>) target(%dma_start3A_56 : memref<128x128xf32, #tpu.memory_space<vmem_shared>>) target_semaphore(%run_scoped3A : memref<!tpu.dma_semaphore, #tpu.memory_space<semaphore_mem>>)
      %dma_wait3A = arith.constant 0 : i32
      %dma_wait3A_57 = tpu.memref_slice %arg12[%add3A_23, %dma_wait3A] : memref<10240x128xf32, #tpu.memory_space<vmem_shared>> -> memref<128x128xf32, #tpu.memory_space<vmem_shared>>
      %dma_wait3A_58 = arith.constant 0 : i32
      %dma_wait3A_59 = tpu.memref_slice %arg12[%add3A_23, %dma_wait3A_58] : memref<10240x128xf32, #tpu.memory_space<vmem_shared>> -> memref<128x128xf32, #tpu.memory_space<vmem_shared>>
      tpu.wait_dma2 semaphore(%run_scoped3A : memref<!tpu.dma_semaphore, #tpu.memory_space<semaphore_mem>>) src(%arg11 : memref<128x128xf32, #tpu.memory_space<vmem>>) dst(%dma_wait3A_59 : memref<128x128xf32, #tpu.memory_space<vmem_shared>>)
      tpu.yield
    }) : () -> ()
    %barrier3A = arith.constant 0 : index
    tpu.barrier barrier_id(%barrier3A)
    %eq3A = arith.constant 0 : i32
    %eq3A_24 = arith.cmpi eq, %arg0, %eq3A : i32
    %jit3A = arith.constant 102 : i32
    %jit3A_25 = arith.constant 56 : i32
    %select_n3A = arith.select %eq3A_24, %jit3A, %jit3A_25 : i32
    %sub3A = arith.constant 0 : i32
    %sub3A_26 = arith.subi %select_n3A, %sub3A : i32
    %sub3A_27 = arith.constant 2 : i32
    %sub3A_28 = arith.constant 1 : i32
    %sub3A_29 = arith.subi %sub3A_27, %sub3A_28 : i32
    %add3A_30 = arith.addi %sub3A_26, %sub3A_29 : i32
    %div3A = arith.constant 2 : i32
    %div3A_31 = arith.divsi %add3A_30, %div3A : i32
    %while3A = arith.constant 2 : i32
    %while3A_32 = arith.constant 0 : i32
    %while3A_33 = arith.constant 0 : i32
    %while3A_34 = arith.subi %div3A_31, %while3A_33 : i32
    %while3A_35 = arith.addi %while3A_33, %while3A_34 : i32
    %while3A_36 = arith.constant 1 : i32
    %while3A_37 = arith.divsi %while3A_34, %while3A_36 : i32
    %while3A_38 = arith.muli %while3A_37, %while3A_36 : i32
    %while3A_39 = arith.addi %while3A_33, %while3A_38 : i32
    %while3A_40 = arith.constant 1 : i32
    scf.for %while3A_53 = %while3A_33 to %while3A_39 step %while3A_40  : i32 {
      %mul3A_54 = arith.muli %while3A_53, %while3A : i32
      %add3A_55 = arith.addi %while3A_32, %mul3A_54 : i32
      %add3A_56 = arith.constant 0 : i32
      %add3A_57 = arith.addi %add3A_55, %add3A_56 : i32
      %dma_start3A_58 = arith.constant 0 : i32
      %dma_start3A_59 = tpu.memref_slice %arg7[%add3A_57, %dma_start3A_58] : memref<102x128xi32, #tpu.memory_space<vmem>> -> memref<1x128xi32, #tpu.memory_space<vmem>>
      %dma_start3A_60 = tpu.memref_squeeze %dma_start3A_59 : memref<1x128xi32, #tpu.memory_space<vmem>> -> memref<128xi32, #tpu.memory_space<vmem>>
      %dma_start3A_61 = arith.constant 0 : i32
      %dma_start3A_62 = arith.constant 0 : i32
      %dma_start3A_63 = tpu.memref_slice %arg2[%dma_start3A_61, %dma_start3A_62] : memref<10240x128xf32, #tpu.memory_space<hbm>> -> memref<10240x128xf32, #tpu.memory_space<hbm>>
      tpu.enqueue_indirect_dma source(%dma_start3A_63 : memref<10240x128xf32, #tpu.memory_space<hbm>>) target(%arg11 : memref<128x128xf32, #tpu.memory_space<vmem>>) offsets(%dma_start3A_60 : memref<128xi32, #tpu.memory_space<vmem>>) semaphore(%arg13 : memref<!tpu.dma_semaphore, #tpu.memory_space<semaphore_mem>>)
      %dma_wait3A = arith.constant 0 : i32
      %dma_wait3A_64 = tpu.memref_slice %arg7[%add3A_57, %dma_wait3A] : memref<102x128xi32, #tpu.memory_space<vmem>> -> memref<1x128xi32, #tpu.memory_space<vmem>>
      %dma_wait3A_65 = tpu.memref_squeeze %dma_wait3A_64 : memref<1x128xi32, #tpu.memory_space<vmem>> -> memref<128xi32, #tpu.memory_space<vmem>>
      %dma_wait3A_66 = arith.constant 0 : i32
      %dma_wait3A_67 = arith.constant 0 : i32
      %dma_wait3A_68 = tpu.memref_slice %arg2[%dma_wait3A_66, %dma_wait3A_67] : memref<10240x128xf32, #tpu.memory_space<hbm>> -> memref<10240x128xf32, #tpu.memory_space<hbm>>
      tpu.wait_indirect_dma semaphore(%arg13 : memref<!tpu.dma_semaphore, #tpu.memory_space<semaphore_mem>>) src(%dma_wait3A_68 : memref<10240x128xf32, #tpu.memory_space<hbm>>) dst(%arg11 : memref<128x128xf32, #tpu.memory_space<vmem>>)
      %add3A_69 = arith.constant 1 : i32
      %add3A_70 = arith.addi %add3A_57, %add3A_69 : i32
      %lt3A = arith.cmpi slt, %add3A_70, %select_n3A : i32
      %convert_element_type3A = arith.extui %lt3A : i1 to i32
      %cond3A = arith.constant 0 : i32
      %cond3A_71 = arith.cmpi ne, %convert_element_type3A, %cond3A : i32
      scf.if %cond3A_71 {
        %add3A_114 = arith.constant 1 : i32
        %add3A_115 = arith.addi %add3A_57, %add3A_114 : i32
        %dma_start3A_116 = arith.constant 0 : i32
        %dma_start3A_117 = tpu.memref_slice %arg5[%add3A, %add3A_115, %dma_start3A_116] : memref<32x102x128xf32, #tpu.memory_space<hbm>> -> memref<1x1x128xf32, #tpu.memory_space<hbm>>
        %dma_start3A_118 = tpu.memref_squeeze %dma_start3A_117 : memref<1x1x128xf32, #tpu.memory_space<hbm>> -> memref<128xf32, #tpu.memory_space<hbm>>
        %dma_start3A_119 = arith.constant 0 : i32
        %dma_start3A_120 = tpu.memref_slice %arg5[%add3A, %add3A_115, %dma_start3A_119] : memref<32x102x128xf32, #tpu.memory_space<hbm>> -> memref<1x1x128xf32, #tpu.memory_space<hbm>>
        %dma_start3A_121 = tpu.memref_squeeze %dma_start3A_120 : memref<1x1x128xf32, #tpu.memory_space<hbm>> -> memref<128xf32, #tpu.memory_space<hbm>>
        tpu.enqueue_dma source(%dma_start3A_121 : memref<128xf32, #tpu.memory_space<hbm>>) target(%arg10 : memref<128xf32, #tpu.memory_space<vmem>>) target_semaphore(%arg15 : memref<!tpu.dma_semaphore, #tpu.memory_space<semaphore_mem>>)
      } else {
      }
      %dma_wait3A_72 = arith.constant 0 : i32
      %dma_wait3A_73 = tpu.memref_slice %arg5[%add3A, %add3A_57, %dma_wait3A_72] : memref<32x102x128xf32, #tpu.memory_space<hbm>> -> memref<1x1x128xf32, #tpu.memory_space<hbm>>
      %dma_wait3A_74 = tpu.memref_squeeze %dma_wait3A_73 : memref<1x1x128xf32, #tpu.memory_space<hbm>> -> memref<128xf32, #tpu.memory_space<hbm>>
      %dma_wait3A_75 = arith.constant 0 : i32
      %dma_wait3A_76 = tpu.memref_slice %arg5[%add3A, %add3A_57, %dma_wait3A_75] : memref<32x102x128xf32, #tpu.memory_space<hbm>> -> memref<1x1x128xf32, #tpu.memory_space<hbm>>
      %dma_wait3A_77 = tpu.memref_squeeze %dma_wait3A_76 : memref<1x1x128xf32, #tpu.memory_space<hbm>> -> memref<128xf32, #tpu.memory_space<hbm>>
      tpu.wait_dma2 semaphore(%arg14 : memref<!tpu.dma_semaphore, #tpu.memory_space<semaphore_mem>>) src(%dma_wait3A_77 : memref<128xf32, #tpu.memory_space<hbm>>) dst(%arg9 : memref<128xf32, #tpu.memory_space<vmem>>)
      %scan3A_78 = arith.constant 0 : i32
      %scan3A_79 = arith.constant 128 : i32
      %scan3A_80 = arith.addi %scan3A_78, %scan3A_79 : i32
      %scan3A_81 = arith.constant 1 : i32
      scf.for %scan3A_114 = %scan3A_78 to %scan3A_80 step %scan3A_81  : i32 {
        %mul3A_115 = arith.constant 1 : i32
        %mul3A_116 = arith.muli %scan3A_114, %mul3A_115 : i32
        %add3A_117 = arith.constant 0 : i32
        %add3A_118 = arith.addi %add3A_117, %mul3A_116 : i32
        %broadcast_in_dim3A_119 = vector.broadcast %add3A_118 : i32 to vector<16xi32>
        %gather3A = tpu.vector_load_idx %arg9[%broadcast_in_dim3A_119] : memref<128xf32, #tpu.memory_space<vmem>>[vector<16xi32>], vector<16xf32>,
        %get3A = arith.index_cast %add3A_118 : i32 to index
        %get3A_120 = arith.constant 0 : index
        %get3A_121 = tpu.vector_load %arg11[%get3A, %get3A_120] {strides = array<i32>} : memref<128x128xf32, #tpu.memory_space<vmem>>, vector<16xf32>,
        %mul3A_122 = arith.mulf %get3A_121, %gather3A : vector<16xf32>
        %swap3A = arith.index_cast %add3A_118 : i32 to index
        %swap3A_123 = arith.constant 0 : index
        %swap3A_124 = tpu.vector_load %arg11[%swap3A, %swap3A_123] {strides = array<i32>} : memref<128x128xf32, #tpu.memory_space<vmem>>, vector<16xf32>,
        tpu.vector_store %arg11[%swap3A, %swap3A_123], %mul3A_122 {strides = array<i32>} : memref<128x128xf32, #tpu.memory_space<vmem>>, vector<16xf32>,
        %get3A_125 = arith.index_cast %add3A_118 : i32 to index
        %get3A_126 = arith.constant 16 : index
        %get3A_127 = tpu.vector_load %arg11[%get3A_125, %get3A_126] {strides = array<i32>} : memref<128x128xf32, #tpu.memory_space<vmem>>, vector<16xf32>,
        %mul3A_128 = arith.mulf %get3A_127, %gather3A : vector<16xf32>
        %swap3A_129 = arith.index_cast %add3A_118 : i32 to index
        %swap3A_130 = arith.constant 16 : index
        %swap3A_131 = tpu.vector_load %arg11[%swap3A_129, %swap3A_130] {strides = array<i32>} : memref<128x128xf32, #tpu.memory_space<vmem>>, vector<16xf32>,
        tpu.vector_store %arg11[%swap3A_129, %swap3A_130], %mul3A_128 {strides = array<i32>} : memref<128x128xf32, #tpu.memory_space<vmem>>, vector<16xf32>,
        %get3A_132 = arith.index_cast %add3A_118 : i32 to index
        %get3A_133 = arith.constant 32 : index
        %get3A_134 = tpu.vector_load %arg11[%get3A_132, %get3A_133] {strides = array<i32>} : memref<128x128xf32, #tpu.memory_space<vmem>>, vector<16xf32>,
        %mul3A_135 = arith.mulf %get3A_134, %gather3A : vector<16xf32>
        %swap3A_136 = arith.index_cast %add3A_118 : i32 to index
        %swap3A_137 = arith.constant 32 : index
        %swap3A_138 = tpu.vector_load %arg11[%swap3A_136, %swap3A_137] {strides = array<i32>} : memref<128x128xf32, #tpu.memory_space<vmem>>, vector<16xf32>,
        tpu.vector_store %arg11[%swap3A_136, %swap3A_137], %mul3A_135 {strides = array<i32>} : memref<128x128xf32, #tpu.memory_space<vmem>>, vector<16xf32>,
        %get3A_139 = arith.index_cast %add3A_118 : i32 to index
        %get3A_140 = arith.constant 48 : index
        %get3A_141 = tpu.vector_load %arg11[%get3A_139, %get3A_140] {strides = array<i32>} : memref<128x128xf32, #tpu.memory_space<vmem>>, vector<16xf32>,
        %mul3A_142 = arith.mulf %get3A_141, %gather3A : vector<16xf32>
        %swap3A_143 = arith.index_cast %add3A_118 : i32 to index
        %swap3A_144 = arith.constant 48 : index
        %swap3A_145 = tpu.vector_load %arg11[%swap3A_143, %swap3A_144] {strides = array<i32>} : memref<128x128xf32, #tpu.memory_space<vmem>>, vector<16xf32>,
        tpu.vector_store %arg11[%swap3A_143, %swap3A_144], %mul3A_142 {strides = array<i32>} : memref<128x128xf32, #tpu.memory_space<vmem>>, vector<16xf32>,
        %get3A_146 = arith.index_cast %add3A_118 : i32 to index
        %get3A_147 = arith.constant 64 : index
        %get3A_148 = tpu.vector_load %arg11[%get3A_146, %get3A_147] {strides = array<i32>} : memref<128x128xf32, #tpu.memory_space<vmem>>, vector<16xf32>,
        %mul3A_149 = arith.mulf %get3A_148, %gather3A : vector<16xf32>
        %swap3A_150 = arith.index_cast %add3A_118 : i32 to index
        %swap3A_151 = arith.constant 64 : index
        %swap3A_152 = tpu.vector_load %arg11[%swap3A_150, %swap3A_151] {strides = array<i32>} : memref<128x128xf32, #tpu.memory_space<vmem>>, vector<16xf32>,
        tpu.vector_store %arg11[%swap3A_150, %swap3A_151], %mul3A_149 {strides = array<i32>} : memref<128x128xf32, #tpu.memory_space<vmem>>, vector<16xf32>,
        %get3A_153 = arith.index_cast %add3A_118 : i32 to index
        %get3A_154 = arith.constant 80 : index
        %get3A_155 = tpu.vector_load %arg11[%get3A_153, %get3A_154] {strides = array<i32>} : memref<128x128xf32, #tpu.memory_space<vmem>>, vector<16xf32>,
        %mul3A_156 = arith.mulf %get3A_155, %gather3A : vector<16xf32>
        %swap3A_157 = arith.index_cast %add3A_118 : i32 to index
        %swap3A_158 = arith.constant 80 : index
        %swap3A_159 = tpu.vector_load %arg11[%swap3A_157, %swap3A_158] {strides = array<i32>} : memref<128x128xf32, #tpu.memory_space<vmem>>, vector<16xf32>,
        tpu.vector_store %arg11[%swap3A_157, %swap3A_158], %mul3A_156 {strides = array<i32>} : memref<128x128xf32, #tpu.memory_space<vmem>>, vector<16xf32>,
        %get3A_160 = arith.index_cast %add3A_118 : i32 to index
        %get3A_161 = arith.constant 96 : index
        %get3A_162 = tpu.vector_load %arg11[%get3A_160, %get3A_161] {strides = array<i32>} : memref<128x128xf32, #tpu.memory_space<vmem>>, vector<16xf32>,
        %mul3A_163 = arith.mulf %get3A_162, %gather3A : vector<16xf32>
        %swap3A_164 = arith.index_cast %add3A_118 : i32 to index
        %swap3A_165 = arith.constant 96 : index
        %swap3A_166 = tpu.vector_load %arg11[%swap3A_164, %swap3A_165] {strides = array<i32>} : memref<128x128xf32, #tpu.memory_space<vmem>>, vector<16xf32>,
        tpu.vector_store %arg11[%swap3A_164, %swap3A_165], %mul3A_163 {strides = array<i32>} : memref<128x128xf32, #tpu.memory_space<vmem>>, vector<16xf32>,
        %get3A_167 = arith.index_cast %add3A_118 : i32 to index
        %get3A_168 = arith.constant 112 : index
        %get3A_169 = tpu.vector_load %arg11[%get3A_167, %get3A_168] {strides = array<i32>} : memref<128x128xf32, #tpu.memory_space<vmem>>, vector<16xf32>,
        %mul3A_170 = arith.mulf %get3A_169, %gather3A : vector<16xf32>
        %swap3A_171 = arith.index_cast %add3A_118 : i32 to index
        %swap3A_172 = arith.constant 112 : index
        %swap3A_173 = tpu.vector_load %arg11[%swap3A_171, %swap3A_172] {strides = array<i32>} : memref<128x128xf32, #tpu.memory_space<vmem>>, vector<16xf32>,
        tpu.vector_store %arg11[%swap3A_171, %swap3A_172], %mul3A_170 {strides = array<i32>} : memref<128x128xf32, #tpu.memory_space<vmem>>, vector<16xf32>,
      }
      %scan3A_82 = arith.constant 128 : i32
      "tpu.region"() ({
        %run_scoped3A = tpu.sem_alloc : memref<!tpu.dma_semaphore, #tpu.memory_space<semaphore_mem>>
        %dma_start3A_114 = arith.constant 0 : i32
        %dma_start3A_115 = tpu.memref_slice %arg8[%add3A_57, %dma_start3A_114] : memref<102x128xi32, #tpu.memory_space<vmem>> -> memref<1x128xi32, #tpu.memory_space<vmem>>
        %dma_start3A_116 = tpu.memref_squeeze %dma_start3A_115 : memref<1x128xi32, #tpu.memory_space<vmem>> -> memref<128xi32, #tpu.memory_space<vmem>>
        %dma_start3A_117 = arith.constant 0 : i32
        %dma_start3A_118 = arith.constant 0 : i32
        %dma_start3A_119 = tpu.memref_slice %arg12[%dma_start3A_117, %dma_start3A_118] : memref<10240x128xf32, #tpu.memory_space<vmem_shared>> -> memref<10240x128xf32, #tpu.memory_space<vmem_shared>>
        tpu.enqueue_indirect_dma source(%arg11 : memref<128x128xf32, #tpu.memory_space<vmem>>) target(%dma_start3A_119 : memref<10240x128xf32, #tpu.memory_space<vmem_shared>>) offsets(%dma_start3A_116 : memref<128xi32, #tpu.memory_space<vmem>>) semaphore(%run_scoped3A : memref<!tpu.dma_semaphore, #tpu.memory_space<semaphore_mem>>) {add = true}
        %dma_wait3A_120 = arith.constant 0 : i32
        %dma_wait3A_121 = tpu.memref_slice %arg8[%add3A_57, %dma_wait3A_120] : memref<102x128xi32, #tpu.memory_space<vmem>> -> memref<1x128xi32, #tpu.memory_space<vmem>>
        %dma_wait3A_122 = tpu.memref_squeeze %dma_wait3A_121 : memref<1x128xi32, #tpu.memory_space<vmem>> -> memref<128xi32, #tpu.memory_space<vmem>>
        %dma_wait3A_123 = arith.constant 0 : i32
        %dma_wait3A_124 = arith.constant 0 : i32
        %dma_wait3A_125 = tpu.memref_slice %arg12[%dma_wait3A_123, %dma_wait3A_124] : memref<10240x128xf32, #tpu.memory_space<vmem_shared>> -> memref<10240x128xf32, #tpu.memory_space<vmem_shared>>
        tpu.wait_indirect_dma semaphore(%run_scoped3A : memref<!tpu.dma_semaphore, #tpu.memory_space<semaphore_mem>>) src(%arg11 : memref<128x128xf32, #tpu.memory_space<vmem>>) dst(%dma_wait3A_125 : memref<10240x128xf32, #tpu.memory_space<vmem_shared>>)
        tpu.yield
      }) : () -> ()
      %add3A_83 = arith.constant 1 : i32
      %add3A_84 = arith.addi %add3A_55, %add3A_83 : i32
      %dma_start3A_85 = arith.constant 0 : i32
      %dma_start3A_86 = tpu.memref_slice %arg7[%add3A_84, %dma_start3A_85] : memref<102x128xi32, #tpu.memory_space<vmem>> -> memref<1x128xi32, #tpu.memory_space<vmem>>
      %dma_start3A_87 = tpu.memref_squeeze %dma_start3A_86 : memref<1x128xi32, #tpu.memory_space<vmem>> -> memref<128xi32, #tpu.memory_space<vmem>>
      %dma_start3A_88 = arith.constant 0 : i32
      %dma_start3A_89 = arith.constant 0 : i32
      %dma_start3A_90 = tpu.memref_slice %arg2[%dma_start3A_88, %dma_start3A_89] : memref<10240x128xf32, #tpu.memory_space<hbm>> -> memref<10240x128xf32, #tpu.memory_space<hbm>>
      tpu.enqueue_indirect_dma source(%dma_start3A_90 : memref<10240x128xf32, #tpu.memory_space<hbm>>) target(%arg11 : memref<128x128xf32, #tpu.memory_space<vmem>>) offsets(%dma_start3A_87 : memref<128xi32, #tpu.memory_space<vmem>>) semaphore(%arg13 : memref<!tpu.dma_semaphore, #tpu.memory_space<semaphore_mem>>)
      %dma_wait3A_91 = arith.constant 0 : i32
      %dma_wait3A_92 = tpu.memref_slice %arg7[%add3A_84, %dma_wait3A_91] : memref<102x128xi32, #tpu.memory_space<vmem>> -> memref<1x128xi32, #tpu.memory_space<vmem>>
      %dma_wait3A_93 = tpu.memref_squeeze %dma_wait3A_92 : memref<1x128xi32, #tpu.memory_space<vmem>> -> memref<128xi32, #tpu.memory_space<vmem>>
      %dma_wait3A_94 = arith.constant 0 : i32
      %dma_wait3A_95 = arith.constant 0 : i32
      %dma_wait3A_96 = tpu.memref_slice %arg2[%dma_wait3A_94, %dma_wait3A_95] : memref<10240x128xf32, #tpu.memory_space<hbm>> -> memref<10240x128xf32, #tpu.memory_space<hbm>>
      tpu.wait_indirect_dma semaphore(%arg13 : memref<!tpu.dma_semaphore, #tpu.memory_space<semaphore_mem>>) src(%dma_wait3A_96 : memref<10240x128xf32, #tpu.memory_space<hbm>>) dst(%arg11 : memref<128x128xf32, #tpu.memory_space<vmem>>)
      %add3A_97 = arith.constant 1 : i32
      %add3A_98 = arith.addi %add3A_84, %add3A_97 : i32
      %lt3A_99 = arith.cmpi slt, %add3A_98, %select_n3A : i32
      %convert_element_type3A_100 = arith.extui %lt3A_99 : i1 to i32
      %cond3A_101 = arith.constant 0 : i32
      %cond3A_102 = arith.cmpi ne, %convert_element_type3A_100, %cond3A_101 : i32
      scf.if %cond3A_102 {
        %add3A_114 = arith.constant 1 : i32
        %add3A_115 = arith.addi %add3A_84, %add3A_114 : i32
        %dma_start3A_116 = arith.constant 0 : i32
        %dma_start3A_117 = tpu.memref_slice %arg5[%add3A, %add3A_115, %dma_start3A_116] : memref<32x102x128xf32, #tpu.memory_space<hbm>> -> memref<1x1x128xf32, #tpu.memory_space<hbm>>
        %dma_start3A_118 = tpu.memref_squeeze %dma_start3A_117 : memref<1x1x128xf32, #tpu.memory_space<hbm>> -> memref<128xf32, #tpu.memory_space<hbm>>
        %dma_start3A_119 = arith.constant 0 : i32
        %dma_start3A_120 = tpu.memref_slice %arg5[%add3A, %add3A_115, %dma_start3A_119] : memref<32x102x128xf32, #tpu.memory_space<hbm>> -> memref<1x1x128xf32, #tpu.memory_space<hbm>>
        %dma_start3A_121 = tpu.memref_squeeze %dma_start3A_120 : memref<1x1x128xf32, #tpu.memory_space<hbm>> -> memref<128xf32, #tpu.memory_space<hbm>>
        tpu.enqueue_dma source(%dma_start3A_121 : memref<128xf32, #tpu.memory_space<hbm>>) target(%arg9 : memref<128xf32, #tpu.memory_space<vmem>>) target_semaphore(%arg14 : memref<!tpu.dma_semaphore, #tpu.memory_space<semaphore_mem>>)
      } else {
      }
      %dma_wait3A_103 = arith.constant 0 : i32
      %dma_wait3A_104 = tpu.memref_slice %arg5[%add3A, %add3A_84, %dma_wait3A_103] : memref<32x102x128xf32, #tpu.memory_space<hbm>> -> memref<1x1x128xf32, #tpu.memory_space<hbm>>
      %dma_wait3A_105 = tpu.memref_squeeze %dma_wait3A_104 : memref<1x1x128xf32, #tpu.memory_space<hbm>> -> memref<128xf32, #tpu.memory_space<hbm>>
      %dma_wait3A_106 = arith.constant 0 : i32
      %dma_wait3A_107 = tpu.memref_slice %arg5[%add3A, %add3A_84, %dma_wait3A_106] : memref<32x102x128xf32, #tpu.memory_space<hbm>> -> memref<1x1x128xf32, #tpu.memory_space<hbm>>
      %dma_wait3A_108 = tpu.memref_squeeze %dma_wait3A_107 : memref<1x1x128xf32, #tpu.memory_space<hbm>> -> memref<128xf32, #tpu.memory_space<hbm>>
      tpu.wait_dma2 semaphore(%arg15 : memref<!tpu.dma_semaphore, #tpu.memory_space<semaphore_mem>>) src(%dma_wait3A_108 : memref<128xf32, #tpu.memory_space<hbm>>) dst(%arg10 : memref<128xf32, #tpu.memory_space<vmem>>)
      %scan3A_109 = arith.constant 0 : i32
      %scan3A_110 = arith.constant 128 : i32
      %scan3A_111 = arith.addi %scan3A_109, %scan3A_110 : i32
      %scan3A_112 = arith.constant 1 : i32
      scf.for %scan3A_114 = %scan3A_109 to %scan3A_111 step %scan3A_112  : i32 {
        %mul3A_115 = arith.constant 1 : i32
        %mul3A_116 = arith.muli %scan3A_114, %mul3A_115 : i32
        %add3A_117 = arith.constant 0 : i32
        %add3A_118 = arith.addi %add3A_117, %mul3A_116 : i32
        %broadcast_in_dim3A_119 = vector.broadcast %add3A_118 : i32 to vector<16xi32>
        %gather3A = tpu.vector_load_idx %arg10[%broadcast_in_dim3A_119] : memref<128xf32, #tpu.memory_space<vmem>>[vector<16xi32>], vector<16xf32>,
        %get3A = arith.index_cast %add3A_118 : i32 to index
        %get3A_120 = arith.constant 0 : index
        %get3A_121 = tpu.vector_load %arg11[%get3A, %get3A_120] {strides = array<i32>} : memref<128x128xf32, #tpu.memory_space<vmem>>, vector<16xf32>,
        %mul3A_122 = arith.mulf %get3A_121, %gather3A : vector<16xf32>
        %swap3A = arith.index_cast %add3A_118 : i32 to index
        %swap3A_123 = arith.constant 0 : index
        %swap3A_124 = tpu.vector_load %arg11[%swap3A, %swap3A_123] {strides = array<i32>} : memref<128x128xf32, #tpu.memory_space<vmem>>, vector<16xf32>,
        tpu.vector_store %arg11[%swap3A, %swap3A_123], %mul3A_122 {strides = array<i32>} : memref<128x128xf32, #tpu.memory_space<vmem>>, vector<16xf32>,
        %get3A_125 = arith.index_cast %add3A_118 : i32 to index
        %get3A_126 = arith.constant 16 : index
        %get3A_127 = tpu.vector_load %arg11[%get3A_125, %get3A_126] {strides = array<i32>} : memref<128x128xf32, #tpu.memory_space<vmem>>, vector<16xf32>,
        %mul3A_128 = arith.mulf %get3A_127, %gather3A : vector<16xf32>
        %swap3A_129 = arith.index_cast %add3A_118 : i32 to index
        %swap3A_130 = arith.constant 16 : index
        %swap3A_131 = tpu.vector_load %arg11[%swap3A_129, %swap3A_130] {strides = array<i32>} : memref<128x128xf32, #tpu.memory_space<vmem>>, vector<16xf32>,
        tpu.vector_store %arg11[%swap3A_129, %swap3A_130], %mul3A_128 {strides = array<i32>} : memref<128x128xf32, #tpu.memory_space<vmem>>, vector<16xf32>,
        %get3A_132 = arith.index_cast %add3A_118 : i32 to index
        %get3A_133 = arith.constant 32 : index
        %get3A_134 = tpu.vector_load %arg11[%get3A_132, %get3A_133] {strides = array<i32>} : memref<128x128xf32, #tpu.memory_space<vmem>>, vector<16xf32>,
        %mul3A_135 = arith.mulf %get3A_134, %gather3A : vector<16xf32>
        %swap3A_136 = arith.index_cast %add3A_118 : i32 to index
        %swap3A_137 = arith.constant 32 : index
        %swap3A_138 = tpu.vector_load %arg11[%swap3A_136, %swap3A_137] {strides = array<i32>} : memref<128x128xf32, #tpu.memory_space<vmem>>, vector<16xf32>,
        tpu.vector_store %arg11[%swap3A_136, %swap3A_137], %mul3A_135 {strides = array<i32>} : memref<128x128xf32, #tpu.memory_space<vmem>>, vector<16xf32>,
        %get3A_139 = arith.index_cast %add3A_118 : i32 to index
        %get3A_140 = arith.constant 48 : index
        %get3A_141 = tpu.vector_load %arg11[%get3A_139, %get3A_140] {strides = array<i32>} : memref<128x128xf32, #tpu.memory_space<vmem>>, vector<16xf32>,
        %mul3A_142 = arith.mulf %get3A_141, %gather3A : vector<16xf32>
        %swap3A_143 = arith.index_cast %add3A_118 : i32 to index
        %swap3A_144 = arith.constant 48 : index
        %swap3A_145 = tpu.vector_load %arg11[%swap3A_143, %swap3A_144] {strides = array<i32>} : memref<128x128xf32, #tpu.memory_space<vmem>>, vector<16xf32>,
        tpu.vector_store %arg11[%swap3A_143, %swap3A_144], %mul3A_142 {strides = array<i32>} : memref<128x128xf32, #tpu.memory_space<vmem>>, vector<16xf32>,
        %get3A_146 = arith.index_cast %add3A_118 : i32 to index
        %get3A_147 = arith.constant 64 : index
        %get3A_148 = tpu.vector_load %arg11[%get3A_146, %get3A_147] {strides = array<i32>} : memref<128x128xf32, #tpu.memory_space<vmem>>, vector<16xf32>,
        %mul3A_149 = arith.mulf %get3A_148, %gather3A : vector<16xf32>
        %swap3A_150 = arith.index_cast %add3A_118 : i32 to index
        %swap3A_151 = arith.constant 64 : index
        %swap3A_152 = tpu.vector_load %arg11[%swap3A_150, %swap3A_151] {strides = array<i32>} : memref<128x128xf32, #tpu.memory_space<vmem>>, vector<16xf32>,
        tpu.vector_store %arg11[%swap3A_150, %swap3A_151], %mul3A_149 {strides = array<i32>} : memref<128x128xf32, #tpu.memory_space<vmem>>, vector<16xf32>,
        %get3A_153 = arith.index_cast %add3A_118 : i32 to index
        %get3A_154 = arith.constant 80 : index
        %get3A_155 = tpu.vector_load %arg11[%get3A_153, %get3A_154] {strides = array<i32>} : memref<128x128xf32, #tpu.memory_space<vmem>>, vector<16xf32>,
        %mul3A_156 = arith.mulf %get3A_155, %gather3A : vector<16xf32>
        %swap3A_157 = arith.index_cast %add3A_118 : i32 to index
        %swap3A_158 = arith.constant 80 : index
        %swap3A_159 = tpu.vector_load %arg11[%swap3A_157, %swap3A_158] {strides = array<i32>} : memref<128x128xf32, #tpu.memory_space<vmem>>, vector<16xf32>,
        tpu.vector_store %arg11[%swap3A_157, %swap3A_158], %mul3A_156 {strides = array<i32>} : memref<128x128xf32, #tpu.memory_space<vmem>>, vector<16xf32>,
        %get3A_160 = arith.index_cast %add3A_118 : i32 to index
        %get3A_161 = arith.constant 96 : index
        %get3A_162 = tpu.vector_load %arg11[%get3A_160, %get3A_161] {strides = array<i32>} : memref<128x128xf32, #tpu.memory_space<vmem>>, vector<16xf32>,
        %mul3A_163 = arith.mulf %get3A_162, %gather3A : vector<16xf32>
        %swap3A_164 = arith.index_cast %add3A_118 : i32 to index
        %swap3A_165 = arith.constant 96 : index
        %swap3A_166 = tpu.vector_load %arg11[%swap3A_164, %swap3A_165] {strides = array<i32>} : memref<128x128xf32, #tpu.memory_space<vmem>>, vector<16xf32>,
        tpu.vector_store %arg11[%swap3A_164, %swap3A_165], %mul3A_163 {strides = array<i32>} : memref<128x128xf32, #tpu.memory_space<vmem>>, vector<16xf32>,
        %get3A_167 = arith.index_cast %add3A_118 : i32 to index
        %get3A_168 = arith.constant 112 : index
        %get3A_169 = tpu.vector_load %arg11[%get3A_167, %get3A_168] {strides = array<i32>} : memref<128x128xf32, #tpu.memory_space<vmem>>, vector<16xf32>,
        %mul3A_170 = arith.mulf %get3A_169, %gather3A : vector<16xf32>
        %swap3A_171 = arith.index_cast %add3A_118 : i32 to index
        %swap3A_172 = arith.constant 112 : index
        %swap3A_173 = tpu.vector_load %arg11[%swap3A_171, %swap3A_172] {strides = array<i32>} : memref<128x128xf32, #tpu.memory_space<vmem>>, vector<16xf32>,
        tpu.vector_store %arg11[%swap3A_171, %swap3A_172], %mul3A_170 {strides = array<i32>} : memref<128x128xf32, #tpu.memory_space<vmem>>, vector<16xf32>,
      }
      %scan3A_113 = arith.constant 128 : i32
      "tpu.region"() ({
        %run_scoped3A = tpu.sem_alloc : memref<!tpu.dma_semaphore, #tpu.memory_space<semaphore_mem>>
        %dma_start3A_114 = arith.constant 0 : i32
        %dma_start3A_115 = tpu.memref_slice %arg8[%add3A_84, %dma_start3A_114] : memref<102x128xi32, #tpu.memory_space<vmem>> -> memref<1x128xi32, #tpu.memory_space<vmem>>
        %dma_start3A_116 = tpu.memref_squeeze %dma_start3A_115 : memref<1x128xi32, #tpu.memory_space<vmem>> -> memref<128xi32, #tpu.memory_space<vmem>>
        %dma_start3A_117 = arith.constant 0 : i32
        %dma_start3A_118 = arith.constant 0 : i32
        %dma_start3A_119 = tpu.memref_slice %arg12[%dma_start3A_117, %dma_start3A_118] : memref<10240x128xf32, #tpu.memory_space<vmem_shared>> -> memref<10240x128xf32, #tpu.memory_space<vmem_shared>>
        tpu.enqueue_indirect_dma source(%arg11 : memref<128x128xf32, #tpu.memory_space<vmem>>) target(%dma_start3A_119 : memref<10240x128xf32, #tpu.memory_space<vmem_shared>>) offsets(%dma_start3A_116 : memref<128xi32, #tpu.memory_space<vmem>>) semaphore(%run_scoped3A : memref<!tpu.dma_semaphore, #tpu.memory_space<semaphore_mem>>) {add = true}
        %dma_wait3A_120 = arith.constant 0 : i32
        %dma_wait3A_121 = tpu.memref_slice %arg8[%add3A_84, %dma_wait3A_120] : memref<102x128xi32, #tpu.memory_space<vmem>> -> memref<1x128xi32, #tpu.memory_space<vmem>>
        %dma_wait3A_122 = tpu.memref_squeeze %dma_wait3A_121 : memref<1x128xi32, #tpu.memory_space<vmem>> -> memref<128xi32, #tpu.memory_space<vmem>>
        %dma_wait3A_123 = arith.constant 0 : i32
        %dma_wait3A_124 = arith.constant 0 : i32
        %dma_wait3A_125 = tpu.memref_slice %arg12[%dma_wait3A_123, %dma_wait3A_124] : memref<10240x128xf32, #tpu.memory_space<vmem_shared>> -> memref<10240x128xf32, #tpu.memory_space<vmem_shared>>
        tpu.wait_indirect_dma semaphore(%run_scoped3A : memref<!tpu.dma_semaphore, #tpu.memory_space<semaphore_mem>>) src(%arg11 : memref<128x128xf32, #tpu.memory_space<vmem>>) dst(%dma_wait3A_125 : memref<10240x128xf32, #tpu.memory_space<vmem_shared>>)
        tpu.yield
      }) : () -> ()
    }
    %while3A_41 = arith.constant 1 : i32
    scf.for %while3A_53 = %while3A_39 to %while3A_35 step %while3A_41  : i32 {
      %mul3A_54 = arith.muli %while3A_53, %while3A : i32
      %add3A_55 = arith.addi %while3A_32, %mul3A_54 : i32
      %add3A_56 = arith.constant 0 : i32
      %add3A_57 = arith.addi %add3A_55, %add3A_56 : i32
      %dma_start3A_58 = arith.constant 0 : i32
      %dma_start3A_59 = tpu.memref_slice %arg7[%add3A_57, %dma_start3A_58] : memref<102x128xi32, #tpu.memory_space<vmem>> -> memref<1x128xi32, #tpu.memory_space<vmem>>
      %dma_start3A_60 = tpu.memref_squeeze %dma_start3A_59 : memref<1x128xi32, #tpu.memory_space<vmem>> -> memref<128xi32, #tpu.memory_space<vmem>>
      %dma_start3A_61 = arith.constant 0 : i32
      %dma_start3A_62 = arith.constant 0 : i32
      %dma_start3A_63 = tpu.memref_slice %arg2[%dma_start3A_61, %dma_start3A_62] : memref<10240x128xf32, #tpu.memory_space<hbm>> -> memref<10240x128xf32, #tpu.memory_space<hbm>>
      tpu.enqueue_indirect_dma source(%dma_start3A_63 : memref<10240x128xf32, #tpu.memory_space<hbm>>) target(%arg11 : memref<128x128xf32, #tpu.memory_space<vmem>>) offsets(%dma_start3A_60 : memref<128xi32, #tpu.memory_space<vmem>>) semaphore(%arg13 : memref<!tpu.dma_semaphore, #tpu.memory_space<semaphore_mem>>)
      %dma_wait3A = arith.constant 0 : i32
      %dma_wait3A_64 = tpu.memref_slice %arg7[%add3A_57, %dma_wait3A] : memref<102x128xi32, #tpu.memory_space<vmem>> -> memref<1x128xi32, #tpu.memory_space<vmem>>
      %dma_wait3A_65 = tpu.memref_squeeze %dma_wait3A_64 : memref<1x128xi32, #tpu.memory_space<vmem>> -> memref<128xi32, #tpu.memory_space<vmem>>
      %dma_wait3A_66 = arith.constant 0 : i32
      %dma_wait3A_67 = arith.constant 0 : i32
      %dma_wait3A_68 = tpu.memref_slice %arg2[%dma_wait3A_66, %dma_wait3A_67] : memref<10240x128xf32, #tpu.memory_space<hbm>> -> memref<10240x128xf32, #tpu.memory_space<hbm>>
      tpu.wait_indirect_dma semaphore(%arg13 : memref<!tpu.dma_semaphore, #tpu.memory_space<semaphore_mem>>) src(%dma_wait3A_68 : memref<10240x128xf32, #tpu.memory_space<hbm>>) dst(%arg11 : memref<128x128xf32, #tpu.memory_space<vmem>>)
      %add3A_69 = arith.constant 1 : i32
      %add3A_70 = arith.addi %add3A_57, %add3A_69 : i32
      %lt3A = arith.cmpi slt, %add3A_70, %select_n3A : i32
      %convert_element_type3A = arith.extui %lt3A : i1 to i32
      %cond3A = arith.constant 0 : i32
      %cond3A_71 = arith.cmpi ne, %convert_element_type3A, %cond3A : i32
      scf.if %cond3A_71 {
        %add3A_114 = arith.constant 1 : i32
        %add3A_115 = arith.addi %add3A_57, %add3A_114 : i32
        %dma_start3A_116 = arith.constant 0 : i32
        %dma_start3A_117 = tpu.memref_slice %arg5[%add3A, %add3A_115, %dma_start3A_116] : memref<32x102x128xf32, #tpu.memory_space<hbm>> -> memref<1x1x128xf32, #tpu.memory_space<hbm>>
        %dma_start3A_118 = tpu.memref_squeeze %dma_start3A_117 : memref<1x1x128xf32, #tpu.memory_space<hbm>> -> memref<128xf32, #tpu.memory_space<hbm>>
        %dma_start3A_119 = arith.constant 0 : i32
        %dma_start3A_120 = tpu.memref_slice %arg5[%add3A, %add3A_115, %dma_start3A_119] : memref<32x102x128xf32, #tpu.memory_space<hbm>> -> memref<1x1x128xf32, #tpu.memory_space<hbm>>
        %dma_start3A_121 = tpu.memref_squeeze %dma_start3A_120 : memref<1x1x128xf32, #tpu.memory_space<hbm>> -> memref<128xf32, #tpu.memory_space<hbm>>
        tpu.enqueue_dma source(%dma_start3A_121 : memref<128xf32, #tpu.memory_space<hbm>>) target(%arg10 : memref<128xf32, #tpu.memory_space<vmem>>) target_semaphore(%arg15 : memref<!tpu.dma_semaphore, #tpu.memory_space<semaphore_mem>>)
      } else {
      }
      %dma_wait3A_72 = arith.constant 0 : i32
      %dma_wait3A_73 = tpu.memref_slice %arg5[%add3A, %add3A_57, %dma_wait3A_72] : memref<32x102x128xf32, #tpu.memory_space<hbm>> -> memref<1x1x128xf32, #tpu.memory_space<hbm>>
      %dma_wait3A_74 = tpu.memref_squeeze %dma_wait3A_73 : memref<1x1x128xf32, #tpu.memory_space<hbm>> -> memref<128xf32, #tpu.memory_space<hbm>>
      %dma_wait3A_75 = arith.constant 0 : i32
      %dma_wait3A_76 = tpu.memref_slice %arg5[%add3A, %add3A_57, %dma_wait3A_75] : memref<32x102x128xf32, #tpu.memory_space<hbm>> -> memref<1x1x128xf32, #tpu.memory_space<hbm>>
      %dma_wait3A_77 = tpu.memref_squeeze %dma_wait3A_76 : memref<1x1x128xf32, #tpu.memory_space<hbm>> -> memref<128xf32, #tpu.memory_space<hbm>>
      tpu.wait_dma2 semaphore(%arg14 : memref<!tpu.dma_semaphore, #tpu.memory_space<semaphore_mem>>) src(%dma_wait3A_77 : memref<128xf32, #tpu.memory_space<hbm>>) dst(%arg9 : memref<128xf32, #tpu.memory_space<vmem>>)
      %scan3A_78 = arith.constant 0 : i32
      %scan3A_79 = arith.constant 128 : i32
      %scan3A_80 = arith.addi %scan3A_78, %scan3A_79 : i32
      %scan3A_81 = arith.constant 1 : i32
      scf.for %scan3A_114 = %scan3A_78 to %scan3A_80 step %scan3A_81  : i32 {
        %mul3A_115 = arith.constant 1 : i32
        %mul3A_116 = arith.muli %scan3A_114, %mul3A_115 : i32
        %add3A_117 = arith.constant 0 : i32
        %add3A_118 = arith.addi %add3A_117, %mul3A_116 : i32
        %broadcast_in_dim3A_119 = vector.broadcast %add3A_118 : i32 to vector<16xi32>
        %gather3A = tpu.vector_load_idx %arg9[%broadcast_in_dim3A_119] : memref<128xf32, #tpu.memory_space<vmem>>[vector<16xi32>], vector<16xf32>,
        %get3A = arith.index_cast %add3A_118 : i32 to index
        %get3A_120 = arith.constant 0 : index
        %get3A_121 = tpu.vector_load %arg11[%get3A, %get3A_120] {strides = array<i32>} : memref<128x128xf32, #tpu.memory_space<vmem>>, vector<16xf32>,
        %mul3A_122 = arith.mulf %get3A_121, %gather3A : vector<16xf32>
        %swap3A = arith.index_cast %add3A_118 : i32 to index
        %swap3A_123 = arith.constant 0 : index
        %swap3A_124 = tpu.vector_load %arg11[%swap3A, %swap3A_123] {strides = array<i32>} : memref<128x128xf32, #tpu.memory_space<vmem>>, vector<16xf32>,
        tpu.vector_store %arg11[%swap3A, %swap3A_123], %mul3A_122 {strides = array<i32>} : memref<128x128xf32, #tpu.memory_space<vmem>>, vector<16xf32>,
        %get3A_125 = arith.index_cast %add3A_118 : i32 to index
        %get3A_126 = arith.constant 16 : index
        %get3A_127 = tpu.vector_load %arg11[%get3A_125, %get3A_126] {strides = array<i32>} : memref<128x128xf32, #tpu.memory_space<vmem>>, vector<16xf32>,
        %mul3A_128 = arith.mulf %get3A_127, %gather3A : vector<16xf32>
        %swap3A_129 = arith.index_cast %add3A_118 : i32 to index
        %swap3A_130 = arith.constant 16 : index
        %swap3A_131 = tpu.vector_load %arg11[%swap3A_129, %swap3A_130] {strides = array<i32>} : memref<128x128xf32, #tpu.memory_space<vmem>>, vector<16xf32>,
        tpu.vector_store %arg11[%swap3A_129, %swap3A_130], %mul3A_128 {strides = array<i32>} : memref<128x128xf32, #tpu.memory_space<vmem>>, vector<16xf32>,
        %get3A_132 = arith.index_cast %add3A_118 : i32 to index
        %get3A_133 = arith.constant 32 : index
        %get3A_134 = tpu.vector_load %arg11[%get3A_132, %get3A_133] {strides = array<i32>} : memref<128x128xf32, #tpu.memory_space<vmem>>, vector<16xf32>,
        %mul3A_135 = arith.mulf %get3A_134, %gather3A : vector<16xf32>
        %swap3A_136 = arith.index_cast %add3A_118 : i32 to index
        %swap3A_137 = arith.constant 32 : index
        %swap3A_138 = tpu.vector_load %arg11[%swap3A_136, %swap3A_137] {strides = array<i32>} : memref<128x128xf32, #tpu.memory_space<vmem>>, vector<16xf32>,
        tpu.vector_store %arg11[%swap3A_136, %swap3A_137], %mul3A_135 {strides = array<i32>} : memref<128x128xf32, #tpu.memory_space<vmem>>, vector<16xf32>,
        %get3A_139 = arith.index_cast %add3A_118 : i32 to index
        %get3A_140 = arith.constant 48 : index
        %get3A_141 = tpu.vector_load %arg11[%get3A_139, %get3A_140] {strides = array<i32>} : memref<128x128xf32, #tpu.memory_space<vmem>>, vector<16xf32>,
        %mul3A_142 = arith.mulf %get3A_141, %gather3A : vector<16xf32>
        %swap3A_143 = arith.index_cast %add3A_118 : i32 to index
        %swap3A_144 = arith.constant 48 : index
        %swap3A_145 = tpu.vector_load %arg11[%swap3A_143, %swap3A_144] {strides = array<i32>} : memref<128x128xf32, #tpu.memory_space<vmem>>, vector<16xf32>,
        tpu.vector_store %arg11[%swap3A_143, %swap3A_144], %mul3A_142 {strides = array<i32>} : memref<128x128xf32, #tpu.memory_space<vmem>>, vector<16xf32>,
        %get3A_146 = arith.index_cast %add3A_118 : i32 to index
        %get3A_147 = arith.constant 64 : index
        %get3A_148 = tpu.vector_load %arg11[%get3A_146, %get3A_147] {strides = array<i32>} : memref<128x128xf32, #tpu.memory_space<vmem>>, vector<16xf32>,
        %mul3A_149 = arith.mulf %get3A_148, %gather3A : vector<16xf32>
        %swap3A_150 = arith.index_cast %add3A_118 : i32 to index
        %swap3A_151 = arith.constant 64 : index
        %swap3A_152 = tpu.vector_load %arg11[%swap3A_150, %swap3A_151] {strides = array<i32>} : memref<128x128xf32, #tpu.memory_space<vmem>>, vector<16xf32>,
        tpu.vector_store %arg11[%swap3A_150, %swap3A_151], %mul3A_149 {strides = array<i32>} : memref<128x128xf32, #tpu.memory_space<vmem>>, vector<16xf32>,
        %get3A_153 = arith.index_cast %add3A_118 : i32 to index
        %get3A_154 = arith.constant 80 : index
        %get3A_155 = tpu.vector_load %arg11[%get3A_153, %get3A_154] {strides = array<i32>} : memref<128x128xf32, #tpu.memory_space<vmem>>, vector<16xf32>,
        %mul3A_156 = arith.mulf %get3A_155, %gather3A : vector<16xf32>
        %swap3A_157 = arith.index_cast %add3A_118 : i32 to index
        %swap3A_158 = arith.constant 80 : index
        %swap3A_159 = tpu.vector_load %arg11[%swap3A_157, %swap3A_158] {strides = array<i32>} : memref<128x128xf32, #tpu.memory_space<vmem>>, vector<16xf32>,
        tpu.vector_store %arg11[%swap3A_157, %swap3A_158], %mul3A_156 {strides = array<i32>} : memref<128x128xf32, #tpu.memory_space<vmem>>, vector<16xf32>,
        %get3A_160 = arith.index_cast %add3A_118 : i32 to index
        %get3A_161 = arith.constant 96 : index
        %get3A_162 = tpu.vector_load %arg11[%get3A_160, %get3A_161] {strides = array<i32>} : memref<128x128xf32, #tpu.memory_space<vmem>>, vector<16xf32>,
        %mul3A_163 = arith.mulf %get3A_162, %gather3A : vector<16xf32>
        %swap3A_164 = arith.index_cast %add3A_118 : i32 to index
        %swap3A_165 = arith.constant 96 : index
        %swap3A_166 = tpu.vector_load %arg11[%swap3A_164, %swap3A_165] {strides = array<i32>} : memref<128x128xf32, #tpu.memory_space<vmem>>, vector<16xf32>,
        tpu.vector_store %arg11[%swap3A_164, %swap3A_165], %mul3A_163 {strides = array<i32>} : memref<128x128xf32, #tpu.memory_space<vmem>>, vector<16xf32>,
        %get3A_167 = arith.index_cast %add3A_118 : i32 to index
        %get3A_168 = arith.constant 112 : index
        %get3A_169 = tpu.vector_load %arg11[%get3A_167, %get3A_168] {strides = array<i32>} : memref<128x128xf32, #tpu.memory_space<vmem>>, vector<16xf32>,
        %mul3A_170 = arith.mulf %get3A_169, %gather3A : vector<16xf32>
        %swap3A_171 = arith.index_cast %add3A_118 : i32 to index
        %swap3A_172 = arith.constant 112 : index
        %swap3A_173 = tpu.vector_load %arg11[%swap3A_171, %swap3A_172] {strides = array<i32>} : memref<128x128xf32, #tpu.memory_space<vmem>>, vector<16xf32>,
        tpu.vector_store %arg11[%swap3A_171, %swap3A_172], %mul3A_170 {strides = array<i32>} : memref<128x128xf32, #tpu.memory_space<vmem>>, vector<16xf32>,
      }
      %scan3A_82 = arith.constant 128 : i32
      "tpu.region"() ({
        %run_scoped3A = tpu.sem_alloc : memref<!tpu.dma_semaphore, #tpu.memory_space<semaphore_mem>>
        %dma_start3A_114 = arith.constant 0 : i32
        %dma_start3A_115 = tpu.memref_slice %arg8[%add3A_57, %dma_start3A_114] : memref<102x128xi32, #tpu.memory_space<vmem>> -> memref<1x128xi32, #tpu.memory_space<vmem>>
        %dma_start3A_116 = tpu.memref_squeeze %dma_start3A_115 : memref<1x128xi32, #tpu.memory_space<vmem>> -> memref<128xi32, #tpu.memory_space<vmem>>
        %dma_start3A_117 = arith.constant 0 : i32
        %dma_start3A_118 = arith.constant 0 : i32
        %dma_start3A_119 = tpu.memref_slice %arg12[%dma_start3A_117, %dma_start3A_118] : memref<10240x128xf32, #tpu.memory_space<vmem_shared>> -> memref<10240x128xf32, #tpu.memory_space<vmem_shared>>
        tpu.enqueue_indirect_dma source(%arg11 : memref<128x128xf32, #tpu.memory_space<vmem>>) target(%dma_start3A_119 : memref<10240x128xf32, #tpu.memory_space<vmem_shared>>) offsets(%dma_start3A_116 : memref<128xi32, #tpu.memory_space<vmem>>) semaphore(%run_scoped3A : memref<!tpu.dma_semaphore, #tpu.memory_space<semaphore_mem>>) {add = true}
        %dma_wait3A_120 = arith.constant 0 : i32
        %dma_wait3A_121 = tpu.memref_slice %arg8[%add3A_57, %dma_wait3A_120] : memref<102x128xi32, #tpu.memory_space<vmem>> -> memref<1x128xi32, #tpu.memory_space<vmem>>
        %dma_wait3A_122 = tpu.memref_squeeze %dma_wait3A_121 : memref<1x128xi32, #tpu.memory_space<vmem>> -> memref<128xi32, #tpu.memory_space<vmem>>
        %dma_wait3A_123 = arith.constant 0 : i32
        %dma_wait3A_124 = arith.constant 0 : i32
        %dma_wait3A_125 = tpu.memref_slice %arg12[%dma_wait3A_123, %dma_wait3A_124] : memref<10240x128xf32, #tpu.memory_space<vmem_shared>> -> memref<10240x128xf32, #tpu.memory_space<vmem_shared>>
        tpu.wait_indirect_dma semaphore(%run_scoped3A : memref<!tpu.dma_semaphore, #tpu.memory_space<semaphore_mem>>) src(%arg11 : memref<128x128xf32, #tpu.memory_space<vmem>>) dst(%dma_wait3A_125 : memref<10240x128xf32, #tpu.memory_space<vmem_shared>>)
        tpu.yield
      }) : () -> ()
      %add3A_83 = arith.constant 1 : i32
      %add3A_84 = arith.addi %add3A_55, %add3A_83 : i32
      %dma_start3A_85 = arith.constant 0 : i32
      %dma_start3A_86 = tpu.memref_slice %arg7[%add3A_84, %dma_start3A_85] : memref<102x128xi32, #tpu.memory_space<vmem>> -> memref<1x128xi32, #tpu.memory_space<vmem>>
      %dma_start3A_87 = tpu.memref_squeeze %dma_start3A_86 : memref<1x128xi32, #tpu.memory_space<vmem>> -> memref<128xi32, #tpu.memory_space<vmem>>
      %dma_start3A_88 = arith.constant 0 : i32
      %dma_start3A_89 = arith.constant 0 : i32
      %dma_start3A_90 = tpu.memref_slice %arg2[%dma_start3A_88, %dma_start3A_89] : memref<10240x128xf32, #tpu.memory_space<hbm>> -> memref<10240x128xf32, #tpu.memory_space<hbm>>
      tpu.enqueue_indirect_dma source(%dma_start3A_90 : memref<10240x128xf32, #tpu.memory_space<hbm>>) target(%arg11 : memref<128x128xf32, #tpu.memory_space<vmem>>) offsets(%dma_start3A_87 : memref<128xi32, #tpu.memory_space<vmem>>) semaphore(%arg13 : memref<!tpu.dma_semaphore, #tpu.memory_space<semaphore_mem>>)
      %dma_wait3A_91 = arith.constant 0 : i32
      %dma_wait3A_92 = tpu.memref_slice %arg7[%add3A_84, %dma_wait3A_91] : memref<102x128xi32, #tpu.memory_space<vmem>> -> memref<1x128xi32, #tpu.memory_space<vmem>>
      %dma_wait3A_93 = tpu.memref_squeeze %dma_wait3A_92 : memref<1x128xi32, #tpu.memory_space<vmem>> -> memref<128xi32, #tpu.memory_space<vmem>>
      %dma_wait3A_94 = arith.constant 0 : i32
      %dma_wait3A_95 = arith.constant 0 : i32
      %dma_wait3A_96 = tpu.memref_slice %arg2[%dma_wait3A_94, %dma_wait3A_95] : memref<10240x128xf32, #tpu.memory_space<hbm>> -> memref<10240x128xf32, #tpu.memory_space<hbm>>
      tpu.wait_indirect_dma semaphore(%arg13 : memref<!tpu.dma_semaphore, #tpu.memory_space<semaphore_mem>>) src(%dma_wait3A_96 : memref<10240x128xf32, #tpu.memory_space<hbm>>) dst(%arg11 : memref<128x128xf32, #tpu.memory_space<vmem>>)
      %add3A_97 = arith.constant 1 : i32
      %add3A_98 = arith.addi %add3A_84, %add3A_97 : i32
      %lt3A_99 = arith.cmpi slt, %add3A_98, %select_n3A : i32
      %convert_element_type3A_100 = arith.extui %lt3A_99 : i1 to i32
      %cond3A_101 = arith.constant 0 : i32
      %cond3A_102 = arith.cmpi ne, %convert_element_type3A_100, %cond3A_101 : i32
      scf.if %cond3A_102 {
        %add3A_114 = arith.constant 1 : i32
        %add3A_115 = arith.addi %add3A_84, %add3A_114 : i32
        %dma_start3A_116 = arith.constant 0 : i32
        %dma_start3A_117 = tpu.memref_slice %arg5[%add3A, %add3A_115, %dma_start3A_116] : memref<32x102x128xf32, #tpu.memory_space<hbm>> -> memref<1x1x128xf32, #tpu.memory_space<hbm>>
        %dma_start3A_118 = tpu.memref_squeeze %dma_start3A_117 : memref<1x1x128xf32, #tpu.memory_space<hbm>> -> memref<128xf32, #tpu.memory_space<hbm>>
        %dma_start3A_119 = arith.constant 0 : i32
        %dma_start3A_120 = tpu.memref_slice %arg5[%add3A, %add3A_115, %dma_start3A_119] : memref<32x102x128xf32, #tpu.memory_space<hbm>> -> memref<1x1x128xf32, #tpu.memory_space<hbm>>
        %dma_start3A_121 = tpu.memref_squeeze %dma_start3A_120 : memref<1x1x128xf32, #tpu.memory_space<hbm>> -> memref<128xf32, #tpu.memory_space<hbm>>
        tpu.enqueue_dma source(%dma_start3A_121 : memref<128xf32, #tpu.memory_space<hbm>>) target(%arg9 : memref<128xf32, #tpu.memory_space<vmem>>) target_semaphore(%arg14 : memref<!tpu.dma_semaphore, #tpu.memory_space<semaphore_mem>>)
      } else {
      }
      %dma_wait3A_103 = arith.constant 0 : i32
      %dma_wait3A_104 = tpu.memref_slice %arg5[%add3A, %add3A_84, %dma_wait3A_103] : memref<32x102x128xf32, #tpu.memory_space<hbm>> -> memref<1x1x128xf32, #tpu.memory_space<hbm>>
      %dma_wait3A_105 = tpu.memref_squeeze %dma_wait3A_104 : memref<1x1x128xf32, #tpu.memory_space<hbm>> -> memref<128xf32, #tpu.memory_space<hbm>>
      %dma_wait3A_106 = arith.constant 0 : i32
      %dma_wait3A_107 = tpu.memref_slice %arg5[%add3A, %add3A_84, %dma_wait3A_106] : memref<32x102x128xf32, #tpu.memory_space<hbm>> -> memref<1x1x128xf32, #tpu.memory_space<hbm>>
      %dma_wait3A_108 = tpu.memref_squeeze %dma_wait3A_107 : memref<1x1x128xf32, #tpu.memory_space<hbm>> -> memref<128xf32, #tpu.memory_space<hbm>>
      tpu.wait_dma2 semaphore(%arg15 : memref<!tpu.dma_semaphore, #tpu.memory_space<semaphore_mem>>) src(%dma_wait3A_108 : memref<128xf32, #tpu.memory_space<hbm>>) dst(%arg10 : memref<128xf32, #tpu.memory_space<vmem>>)
      %scan3A_109 = arith.constant 0 : i32
      %scan3A_110 = arith.constant 128 : i32
      %scan3A_111 = arith.addi %scan3A_109, %scan3A_110 : i32
      %scan3A_112 = arith.constant 1 : i32
      scf.for %scan3A_114 = %scan3A_109 to %scan3A_111 step %scan3A_112  : i32 {
        %mul3A_115 = arith.constant 1 : i32
        %mul3A_116 = arith.muli %scan3A_114, %mul3A_115 : i32
        %add3A_117 = arith.constant 0 : i32
        %add3A_118 = arith.addi %add3A_117, %mul3A_116 : i32
        %broadcast_in_dim3A_119 = vector.broadcast %add3A_118 : i32 to vector<16xi32>
        %gather3A = tpu.vector_load_idx %arg10[%broadcast_in_dim3A_119] : memref<128xf32, #tpu.memory_space<vmem>>[vector<16xi32>], vector<16xf32>,
        %get3A = arith.index_cast %add3A_118 : i32 to index
        %get3A_120 = arith.constant 0 : index
        %get3A_121 = tpu.vector_load %arg11[%get3A, %get3A_120] {strides = array<i32>} : memref<128x128xf32, #tpu.memory_space<vmem>>, vector<16xf32>,
        %mul3A_122 = arith.mulf %get3A_121, %gather3A : vector<16xf32>
        %swap3A = arith.index_cast %add3A_118 : i32 to index
        %swap3A_123 = arith.constant 0 : index
        %swap3A_124 = tpu.vector_load %arg11[%swap3A, %swap3A_123] {strides = array<i32>} : memref<128x128xf32, #tpu.memory_space<vmem>>, vector<16xf32>,
        tpu.vector_store %arg11[%swap3A, %swap3A_123], %mul3A_122 {strides = array<i32>} : memref<128x128xf32, #tpu.memory_space<vmem>>, vector<16xf32>,
        %get3A_125 = arith.index_cast %add3A_118 : i32 to index
        %get3A_126 = arith.constant 16 : index
        %get3A_127 = tpu.vector_load %arg11[%get3A_125, %get3A_126] {strides = array<i32>} : memref<128x128xf32, #tpu.memory_space<vmem>>, vector<16xf32>,
        %mul3A_128 = arith.mulf %get3A_127, %gather3A : vector<16xf32>
        %swap3A_129 = arith.index_cast %add3A_118 : i32 to index
        %swap3A_130 = arith.constant 16 : index
        %swap3A_131 = tpu.vector_load %arg11[%swap3A_129, %swap3A_130] {strides = array<i32>} : memref<128x128xf32, #tpu.memory_space<vmem>>, vector<16xf32>,
        tpu.vector_store %arg11[%swap3A_129, %swap3A_130], %mul3A_128 {strides = array<i32>} : memref<128x128xf32, #tpu.memory_space<vmem>>, vector<16xf32>,
        %get3A_132 = arith.index_cast %add3A_118 : i32 to index
        %get3A_133 = arith.constant 32 : index
        %get3A_134 = tpu.vector_load %arg11[%get3A_132, %get3A_133] {strides = array<i32>} : memref<128x128xf32, #tpu.memory_space<vmem>>, vector<16xf32>,
        %mul3A_135 = arith.mulf %get3A_134, %gather3A : vector<16xf32>
        %swap3A_136 = arith.index_cast %add3A_118 : i32 to index
        %swap3A_137 = arith.constant 32 : index
        %swap3A_138 = tpu.vector_load %arg11[%swap3A_136, %swap3A_137] {strides = array<i32>} : memref<128x128xf32, #tpu.memory_space<vmem>>, vector<16xf32>,
        tpu.vector_store %arg11[%swap3A_136, %swap3A_137], %mul3A_135 {strides = array<i32>} : memref<128x128xf32, #tpu.memory_space<vmem>>, vector<16xf32>,
        %get3A_139 = arith.index_cast %add3A_118 : i32 to index
        %get3A_140 = arith.constant 48 : index
        %get3A_141 = tpu.vector_load %arg11[%get3A_139, %get3A_140] {strides = array<i32>} : memref<128x128xf32, #tpu.memory_space<vmem>>, vector<16xf32>,
        %mul3A_142 = arith.mulf %get3A_141, %gather3A : vector<16xf32>
        %swap3A_143 = arith.index_cast %add3A_118 : i32 to index
        %swap3A_144 = arith.constant 48 : index
        %swap3A_145 = tpu.vector_load %arg11[%swap3A_143, %swap3A_144] {strides = array<i32>} : memref<128x128xf32, #tpu.memory_space<vmem>>, vector<16xf32>,
        tpu.vector_store %arg11[%swap3A_143, %swap3A_144], %mul3A_142 {strides = array<i32>} : memref<128x128xf32, #tpu.memory_space<vmem>>, vector<16xf32>,
        %get3A_146 = arith.index_cast %add3A_118 : i32 to index
        %get3A_147 = arith.constant 64 : index
        %get3A_148 = tpu.vector_load %arg11[%get3A_146, %get3A_147] {strides = array<i32>} : memref<128x128xf32, #tpu.memory_space<vmem>>, vector<16xf32>,
        %mul3A_149 = arith.mulf %get3A_148, %gather3A : vector<16xf32>
        %swap3A_150 = arith.index_cast %add3A_118 : i32 to index
        %swap3A_151 = arith.constant 64 : index
        %swap3A_152 = tpu.vector_load %arg11[%swap3A_150, %swap3A_151] {strides = array<i32>} : memref<128x128xf32, #tpu.memory_space<vmem>>, vector<16xf32>,
        tpu.vector_store %arg11[%swap3A_150, %swap3A_151], %mul3A_149 {strides = array<i32>} : memref<128x128xf32, #tpu.memory_space<vmem>>, vector<16xf32>,
        %get3A_153 = arith.index_cast %add3A_118 : i32 to index
        %get3A_154 = arith.constant 80 : index
        %get3A_155 = tpu.vector_load %arg11[%get3A_153, %get3A_154] {strides = array<i32>} : memref<128x128xf32, #tpu.memory_space<vmem>>, vector<16xf32>,
        %mul3A_156 = arith.mulf %get3A_155, %gather3A : vector<16xf32>
        %swap3A_157 = arith.index_cast %add3A_118 : i32 to index
        %swap3A_158 = arith.constant 80 : index
        %swap3A_159 = tpu.vector_load %arg11[%swap3A_157, %swap3A_158] {strides = array<i32>} : memref<128x128xf32, #tpu.memory_space<vmem>>, vector<16xf32>,
        tpu.vector_store %arg11[%swap3A_157, %swap3A_158], %mul3A_156 {strides = array<i32>} : memref<128x128xf32, #tpu.memory_space<vmem>>, vector<16xf32>,
        %get3A_160 = arith.index_cast %add3A_118 : i32 to index
        %get3A_161 = arith.constant 96 : index
        %get3A_162 = tpu.vector_load %arg11[%get3A_160, %get3A_161] {strides = array<i32>} : memref<128x128xf32, #tpu.memory_space<vmem>>, vector<16xf32>,
        %mul3A_163 = arith.mulf %get3A_162, %gather3A : vector<16xf32>
        %swap3A_164 = arith.index_cast %add3A_118 : i32 to index
        %swap3A_165 = arith.constant 96 : index
        %swap3A_166 = tpu.vector_load %arg11[%swap3A_164, %swap3A_165] {strides = array<i32>} : memref<128x128xf32, #tpu.memory_space<vmem>>, vector<16xf32>,
        tpu.vector_store %arg11[%swap3A_164, %swap3A_165], %mul3A_163 {strides = array<i32>} : memref<128x128xf32, #tpu.memory_space<vmem>>, vector<16xf32>,
        %get3A_167 = arith.index_cast %add3A_118 : i32 to index
        %get3A_168 = arith.constant 112 : index
        %get3A_169 = tpu.vector_load %arg11[%get3A_167, %get3A_168] {strides = array<i32>} : memref<128x128xf32, #tpu.memory_space<vmem>>, vector<16xf32>,
        %mul3A_170 = arith.mulf %get3A_169, %gather3A : vector<16xf32>
        %swap3A_171 = arith.index_cast %add3A_118 : i32 to index
        %swap3A_172 = arith.constant 112 : index
        %swap3A_173 = tpu.vector_load %arg11[%swap3A_171, %swap3A_172] {strides = array<i32>} : memref<128x128xf32, #tpu.memory_space<vmem>>, vector<16xf32>,
        tpu.vector_store %arg11[%swap3A_171, %swap3A_172], %mul3A_170 {strides = array<i32>} : memref<128x128xf32, #tpu.memory_space<vmem>>, vector<16xf32>,
      }
      %scan3A_113 = arith.constant 128 : i32
      "tpu.region"() ({
        %run_scoped3A = tpu.sem_alloc : memref<!tpu.dma_semaphore, #tpu.memory_space<semaphore_mem>>
        %dma_start3A_114 = arith.constant 0 : i32
        %dma_start3A_115 = tpu.memref_slice %arg8[%add3A_84, %dma_start3A_114] : memref<102x128xi32, #tpu.memory_space<vmem>> -> memref<1x128xi32, #tpu.memory_space<vmem>>
        %dma_start3A_116 = tpu.memref_squeeze %dma_start3A_115 : memref<1x128xi32, #tpu.memory_space<vmem>> -> memref<128xi32, #tpu.memory_space<vmem>>
        %dma_start3A_117 = arith.constant 0 : i32
        %dma_start3A_118 = arith.constant 0 : i32
        %dma_start3A_119 = tpu.memref_slice %arg12[%dma_start3A_117, %dma_start3A_118] : memref<10240x128xf32, #tpu.memory_space<vmem_shared>> -> memref<10240x128xf32, #tpu.memory_space<vmem_shared>>
        tpu.enqueue_indirect_dma source(%arg11 : memref<128x128xf32, #tpu.memory_space<vmem>>) target(%dma_start3A_119 : memref<10240x128xf32, #tpu.memory_space<vmem_shared>>) offsets(%dma_start3A_116 : memref<128xi32, #tpu.memory_space<vmem>>) semaphore(%run_scoped3A : memref<!tpu.dma_semaphore, #tpu.memory_space<semaphore_mem>>) {add = true}
        %dma_wait3A_120 = arith.constant 0 : i32
        %dma_wait3A_121 = tpu.memref_slice %arg8[%add3A_84, %dma_wait3A_120] : memref<102x128xi32, #tpu.memory_space<vmem>> -> memref<1x128xi32, #tpu.memory_space<vmem>>
        %dma_wait3A_122 = tpu.memref_squeeze %dma_wait3A_121 : memref<1x128xi32, #tpu.memory_space<vmem>> -> memref<128xi32, #tpu.memory_space<vmem>>
        %dma_wait3A_123 = arith.constant 0 : i32
        %dma_wait3A_124 = arith.constant 0 : i32
        %dma_wait3A_125 = tpu.memref_slice %arg12[%dma_wait3A_123, %dma_wait3A_124] : memref<10240x128xf32, #tpu.memory_space<vmem_shared>> -> memref<10240x128xf32, #tpu.memory_space<vmem_shared>>
        tpu.wait_indirect_dma semaphore(%run_scoped3A : memref<!tpu.dma_semaphore, #tpu.memory_space<semaphore_mem>>) src(%arg11 : memref<128x128xf32, #tpu.memory_space<vmem>>) dst(%dma_wait3A_125 : memref<10240x128xf32, #tpu.memory_space<vmem_shared>>)
        tpu.yield
      }) : () -> ()
    }
    %barrier3A_42 = arith.constant 0 : index
    tpu.barrier barrier_id(%barrier3A_42)
    %add3A_43 = arith.constant 0 : i32
    %add3A_44 = arith.addi %mul3A_13, %add3A_43 : i32
    "tpu.region"() ({
      %run_scoped3A = tpu.sem_alloc : memref<!tpu.dma_semaphore, #tpu.memory_space<semaphore_mem>>
      %dma_start3A_53 = arith.constant 0 : i32
      %dma_start3A_54 = tpu.memref_slice %arg6[%arg0, %add3A_44, %dma_start3A_53] : memref<2x10240x128xf32, #tpu.memory_space<hbm>> -> memref<1x128x128xf32, #tpu.memory_space<hbm>>
      %dma_start3A_55 = tpu.memref_squeeze %dma_start3A_54 : memref<1x128x128xf32, #tpu.memory_space<hbm>> -> memref<128x128xf32, #tpu.memory_space<hbm>>
      %dma_start3A_56 = arith.constant 0 : i32
      %dma_start3A_57 = tpu.memref_slice %arg12[%add3A_44, %dma_start3A_56] : memref<10240x128xf32, #tpu.memory_space<vmem_shared>> -> memref<128x128xf32, #tpu.memory_space<vmem_shared>>
      tpu.enqueue_dma source(%dma_start3A_57 : memref<128x128xf32, #tpu.memory_space<vmem_shared>>) target(%dma_start3A_55 : memref<128x128xf32, #tpu.memory_space<hbm>>) target_semaphore(%run_scoped3A : memref<!tpu.dma_semaphore, #tpu.memory_space<semaphore_mem>>)
      %dma_wait3A = arith.constant 0 : i32
      %dma_wait3A_58 = tpu.memref_slice %arg6[%arg0, %add3A_44, %dma_wait3A] : memref<2x10240x128xf32, #tpu.memory_space<hbm>> -> memref<1x128x128xf32, #tpu.memory_space<hbm>>
      %dma_wait3A_59 = tpu.memref_squeeze %dma_wait3A_58 : memref<1x128x128xf32, #tpu.memory_space<hbm>> -> memref<128x128xf32, #tpu.memory_space<hbm>>
      %dma_wait3A_60 = arith.constant 0 : i32
      %dma_wait3A_61 = tpu.memref_slice %arg12[%add3A_44, %dma_wait3A_60] : memref<10240x128xf32, #tpu.memory_space<vmem_shared>> -> memref<128x128xf32, #tpu.memory_space<vmem_shared>>
      tpu.wait_dma2 semaphore(%run_scoped3A : memref<!tpu.dma_semaphore, #tpu.memory_space<semaphore_mem>>) src(%dma_wait3A_61 : memref<128x128xf32, #tpu.memory_space<vmem_shared>>) dst(%dma_wait3A_59 : memref<128x128xf32, #tpu.memory_space<hbm>>)
      tpu.yield
    }) : () -> ()
    %add3A_45 = arith.constant 128 : i32
    %add3A_46 = arith.addi %mul3A_13, %add3A_45 : i32
    "tpu.region"() ({
      %run_scoped3A = tpu.sem_alloc : memref<!tpu.dma_semaphore, #tpu.memory_space<semaphore_mem>>
      %dma_start3A_53 = arith.constant 0 : i32
      %dma_start3A_54 = tpu.memref_slice %arg6[%arg0, %add3A_46, %dma_start3A_53] : memref<2x10240x128xf32, #tpu.memory_space<hbm>> -> memref<1x128x128xf32, #tpu.memory_space<hbm>>
      %dma_start3A_55 = tpu.memref_squeeze %dma_start3A_54 : memref<1x128x128xf32, #tpu.memory_space<hbm>> -> memref<128x128xf32, #tpu.memory_space<hbm>>
      %dma_start3A_56 = arith.constant 0 : i32
      %dma_start3A_57 = tpu.memref_slice %arg12[%add3A_46, %dma_start3A_56] : memref<10240x128xf32, #tpu.memory_space<vmem_shared>> -> memref<128x128xf32, #tpu.memory_space<vmem_shared>>
      tpu.enqueue_dma source(%dma_start3A_57 : memref<128x128xf32, #tpu.memory_space<vmem_shared>>) target(%dma_start3A_55 : memref<128x128xf32, #tpu.memory_space<hbm>>) target_semaphore(%run_scoped3A : memref<!tpu.dma_semaphore, #tpu.memory_space<semaphore_mem>>)
      %dma_wait3A = arith.constant 0 : i32
      %dma_wait3A_58 = tpu.memref_slice %arg6[%arg0, %add3A_46, %dma_wait3A] : memref<2x10240x128xf32, #tpu.memory_space<hbm>> -> memref<1x128x128xf32, #tpu.memory_space<hbm>>
      %dma_wait3A_59 = tpu.memref_squeeze %dma_wait3A_58 : memref<1x128x128xf32, #tpu.memory_space<hbm>> -> memref<128x128xf32, #tpu.memory_space<hbm>>
      %dma_wait3A_60 = arith.constant 0 : i32
      %dma_wait3A_61 = tpu.memref_slice %arg12[%add3A_46, %dma_wait3A_60] : memref<10240x128xf32, #tpu.memory_space<vmem_shared>> -> memref<128x128xf32, #tpu.memory_space<vmem_shared>>
      tpu.wait_dma2 semaphore(%run_scoped3A : memref<!tpu.dma_semaphore, #tpu.memory_space<semaphore_mem>>) src(%dma_wait3A_61 : memref<128x128xf32, #tpu.memory_space<vmem_shared>>) dst(%dma_wait3A_59 : memref<128x128xf32, #tpu.memory_space<hbm>>)
      tpu.yield
    }) : () -> ()
    %add3A_47 = arith.constant 256 : i32
    %add3A_48 = arith.addi %mul3A_13, %add3A_47 : i32
    "tpu.region"() ({
      %run_scoped3A = tpu.sem_alloc : memref<!tpu.dma_semaphore, #tpu.memory_space<semaphore_mem>>
      %dma_start3A_53 = arith.constant 0 : i32
      %dma_start3A_54 = tpu.memref_slice %arg6[%arg0, %add3A_48, %dma_start3A_53] : memref<2x10240x128xf32, #tpu.memory_space<hbm>> -> memref<1x128x128xf32, #tpu.memory_space<hbm>>
      %dma_start3A_55 = tpu.memref_squeeze %dma_start3A_54 : memref<1x128x128xf32, #tpu.memory_space<hbm>> -> memref<128x128xf32, #tpu.memory_space<hbm>>
      %dma_start3A_56 = arith.constant 0 : i32
      %dma_start3A_57 = tpu.memref_slice %arg12[%add3A_48, %dma_start3A_56] : memref<10240x128xf32, #tpu.memory_space<vmem_shared>> -> memref<128x128xf32, #tpu.memory_space<vmem_shared>>
      tpu.enqueue_dma source(%dma_start3A_57 : memref<128x128xf32, #tpu.memory_space<vmem_shared>>) target(%dma_start3A_55 : memref<128x128xf32, #tpu.memory_space<hbm>>) target_semaphore(%run_scoped3A : memref<!tpu.dma_semaphore, #tpu.memory_space<semaphore_mem>>)
      %dma_wait3A = arith.constant 0 : i32
      %dma_wait3A_58 = tpu.memref_slice %arg6[%arg0, %add3A_48, %dma_wait3A] : memref<2x10240x128xf32, #tpu.memory_space<hbm>> -> memref<1x128x128xf32, #tpu.memory_space<hbm>>
      %dma_wait3A_59 = tpu.memref_squeeze %dma_wait3A_58 : memref<1x128x128xf32, #tpu.memory_space<hbm>> -> memref<128x128xf32, #tpu.memory_space<hbm>>
      %dma_wait3A_60 = arith.constant 0 : i32
      %dma_wait3A_61 = tpu.memref_slice %arg12[%add3A_48, %dma_wait3A_60] : memref<10240x128xf32, #tpu.memory_space<vmem_shared>> -> memref<128x128xf32, #tpu.memory_space<vmem_shared>>
      tpu.wait_dma2 semaphore(%run_scoped3A : memref<!tpu.dma_semaphore, #tpu.memory_space<semaphore_mem>>) src(%dma_wait3A_61 : memref<128x128xf32, #tpu.memory_space<vmem_shared>>) dst(%dma_wait3A_59 : memref<128x128xf32, #tpu.memory_space<hbm>>)
      tpu.yield
    }) : () -> ()
    %add3A_49 = arith.constant 384 : i32
    %add3A_50 = arith.addi %mul3A_13, %add3A_49 : i32
    "tpu.region"() ({
      %run_scoped3A = tpu.sem_alloc : memref<!tpu.dma_semaphore, #tpu.memory_space<semaphore_mem>>
      %dma_start3A_53 = arith.constant 0 : i32
      %dma_start3A_54 = tpu.memref_slice %arg6[%arg0, %add3A_50, %dma_start3A_53] : memref<2x10240x128xf32, #tpu.memory_space<hbm>> -> memref<1x128x128xf32, #tpu.memory_space<hbm>>
      %dma_start3A_55 = tpu.memref_squeeze %dma_start3A_54 : memref<1x128x128xf32, #tpu.memory_space<hbm>> -> memref<128x128xf32, #tpu.memory_space<hbm>>
      %dma_start3A_56 = arith.constant 0 : i32
      %dma_start3A_57 = tpu.memref_slice %arg12[%add3A_50, %dma_start3A_56] : memref<10240x128xf32, #tpu.memory_space<vmem_shared>> -> memref<128x128xf32, #tpu.memory_space<vmem_shared>>
      tpu.enqueue_dma source(%dma_start3A_57 : memref<128x128xf32, #tpu.memory_space<vmem_shared>>) target(%dma_start3A_55 : memref<128x128xf32, #tpu.memory_space<hbm>>) target_semaphore(%run_scoped3A : memref<!tpu.dma_semaphore, #tpu.memory_space<semaphore_mem>>)
      %dma_wait3A = arith.constant 0 : i32
      %dma_wait3A_58 = tpu.memref_slice %arg6[%arg0, %add3A_50, %dma_wait3A] : memref<2x10240x128xf32, #tpu.memory_space<hbm>> -> memref<1x128x128xf32, #tpu.memory_space<hbm>>
      %dma_wait3A_59 = tpu.memref_squeeze %dma_wait3A_58 : memref<1x128x128xf32, #tpu.memory_space<hbm>> -> memref<128x128xf32, #tpu.memory_space<hbm>>
      %dma_wait3A_60 = arith.constant 0 : i32
      %dma_wait3A_61 = tpu.memref_slice %arg12[%add3A_50, %dma_wait3A_60] : memref<10240x128xf32, #tpu.memory_space<vmem_shared>> -> memref<128x128xf32, #tpu.memory_space<vmem_shared>>
      tpu.wait_dma2 semaphore(%run_scoped3A : memref<!tpu.dma_semaphore, #tpu.memory_space<semaphore_mem>>) src(%dma_wait3A_61 : memref<128x128xf32, #tpu.memory_space<vmem_shared>>) dst(%dma_wait3A_59 : memref<128x128xf32, #tpu.memory_space<hbm>>)
      tpu.yield
    }) : () -> ()
    %add3A_51 = arith.constant 512 : i32
    %add3A_52 = arith.addi %mul3A_13, %add3A_51 : i32
    "tpu.region"() ({
      %run_scoped3A = tpu.sem_alloc : memref<!tpu.dma_semaphore, #tpu.memory_space<semaphore_mem>>
      %dma_start3A_53 = arith.constant 0 : i32
      %dma_start3A_54 = tpu.memref_slice %arg6[%arg0, %add3A_52, %dma_start3A_53] : memref<2x10240x128xf32, #tpu.memory_space<hbm>> -> memref<1x128x128xf32, #tpu.memory_space<hbm>>
      %dma_start3A_55 = tpu.memref_squeeze %dma_start3A_54 : memref<1x128x128xf32, #tpu.memory_space<hbm>> -> memref<128x128xf32, #tpu.memory_space<hbm>>
      %dma_start3A_56 = arith.constant 0 : i32
      %dma_start3A_57 = tpu.memref_slice %arg12[%add3A_52, %dma_start3A_56] : memref<10240x128xf32, #tpu.memory_space<vmem_shared>> -> memref<128x128xf32, #tpu.memory_space<vmem_shared>>
      tpu.enqueue_dma source(%dma_start3A_57 : memref<128x128xf32, #tpu.memory_space<vmem_shared>>) target(%dma_start3A_55 : memref<128x128xf32, #tpu.memory_space<hbm>>) target_semaphore(%run_scoped3A : memref<!tpu.dma_semaphore, #tpu.memory_space<semaphore_mem>>)
      %dma_wait3A = arith.constant 0 : i32
      %dma_wait3A_58 = tpu.memref_slice %arg6[%arg0, %add3A_52, %dma_wait3A] : memref<2x10240x128xf32, #tpu.memory_space<hbm>> -> memref<1x128x128xf32, #tpu.memory_space<hbm>>
      %dma_wait3A_59 = tpu.memref_squeeze %dma_wait3A_58 : memref<1x128x128xf32, #tpu.memory_space<hbm>> -> memref<128x128xf32, #tpu.memory_space<hbm>>
      %dma_wait3A_60 = arith.constant 0 : i32
      %dma_wait3A_61 = tpu.memref_slice %arg12[%add3A_52, %dma_wait3A_60] : memref<10240x128xf32, #tpu.memory_space<vmem_shared>> -> memref<128x128xf32, #tpu.memory_space<vmem_shared>>
      tpu.wait_dma2 semaphore(%run_scoped3A : memref<!tpu.dma_semaphore, #tpu.memory_space<semaphore_mem>>) src(%dma_wait3A_61 : memref<128x128xf32, #tpu.memory_space<vmem_shared>>) dst(%dma_wait3A_59 : memref<128x128xf32, #tpu.memory_space<hbm>>)
      tpu.yield
    }) : () -> ()
    return
  }
}

module attributes {stable_mosaic.version = 14 : i64} {
  func.func @body(%arg0: i32, %arg1: memref<512x128xf32, #tpu.memory_space<vmem>>, %arg2: memref<128x128xf32, #tpu.memory_space<vmem>>, %arg3: memref<512x2xf32, #tpu.memory_space<vmem>>, %arg4: memref<512x128xf32, #tpu.memory_space<vmem>>, %arg5: memref<512xf32, #tpu.memory_space<vmem>>) attributes {dimension_semantics = [#tpu.dimension_semantics<arbitrary>], iteration_bounds = array<i64: 20>, scalar_prefetch = 0 : i64, scratch_operands = 0 : i64, tpu.core_type = #tpu.core_type<tc>, window_params = [{transform_indices = @transform_0, window_bounds = array<i64: 512, 128>}, {pipeline_mode = #tpu.pipeline_mode<synchronous>, transform_indices = @transform_1, window_bounds = array<i64: 128, 128>}, {transform_indices = @transform_2, window_bounds = array<i64: 512, 2>}, {transform_indices = @transform_3, window_bounds = array<i64: 512, 128>}, {transform_indices = @transform_4, window_bounds = array<i64: 512>}]} {
    %get3A = arith.constant 0 : index
    %get3A_0 = arith.constant 0 : index
    %get3A_1 = vector.load %arg3[%get3A, %get3A_0] : memref<512x2xf32, #tpu.memory_space<vmem>>, vector<512x1xf32>
    %get3A_2 = vector.shape_cast %get3A_1 : vector<512x1xf32> to vector<512xf32>
    %add3A = arith.constant 1.000000e+00 : f32
    %add3A_3 = vector.broadcast %add3A : f32 to vector<512xf32>
    %add3A_4 = arith.addf %add3A_3, %get3A_2 : vector<512xf32>
    %get3A_5 = arith.constant 0 : index
    %get3A_6 = arith.constant 1 : index
    %get3A_7 = vector.load %arg3[%get3A_5, %get3A_6] : memref<512x2xf32, #tpu.memory_space<vmem>>, vector<512x1xf32>
    %get3A_8 = vector.shape_cast %get3A_7 : vector<512x1xf32> to vector<512xf32>
    %add3A_9 = arith.addf %add3A_4, %get3A_8 : vector<512xf32>
    %gt3A = arith.constant 0.000000e+00 : f32
    %gt3A_10 = vector.broadcast %gt3A : f32 to vector<512xf32>
    %gt3A_11 = arith.cmpf ogt, %add3A_9, %gt3A_10 : vector<512xf32>
    %rsqrt3A = math.rsqrt %add3A_9 : vector<512xf32>
    %jit3A = arith.constant 0.000000e+00 : f32
    %broadcast_in_dim3A = vector.broadcast %jit3A : f32 to vector<512xf32>
    %select_n3A = arith.select %gt3A_11, %rsqrt3A, %broadcast_in_dim3A : vector<512xi1>, vector<512xf32>
    %broadcast_in_dim3A_12 = vector.shape_cast %select_n3A : vector<512xf32> to vector<512x1xf32>
    %get3A_13 = arith.constant 0 : index
    %get3A_14 = arith.constant 0 : index
    %get3A_15 = vector.load %arg1[%get3A_13, %get3A_14] : memref<512x128xf32, #tpu.memory_space<vmem>>, vector<512x128xf32>
    %get3A_16 = arith.constant 0 : index
    %get3A_17 = arith.constant 0 : index
    %get3A_18 = vector.load %arg2[%get3A_16, %get3A_17] : memref<128x128xf32, #tpu.memory_space<vmem>>, vector<128x128xf32>
    %dot_general3A = arith.constant dense<0.000000e+00> : vector<512x128xf32>
    %dot_general3A_19 = tpu.matmul %get3A_15, %get3A_18, %dot_general3A {dimension_numbers = #tpu.dot_dimension_numbers<[1], [0], [0], [1], [0, 0, 1, 1], [], []>, precision = #tpu.contract_precision<fp32>, transpose_lhs_hint = false} : vector<512x128xf32>, vector<128x128xf32>, vector<512x128xf32> -> vector<512x128xf32>
    %mul3A = vector.broadcast %broadcast_in_dim3A_12 : vector<512x1xf32> to vector<512x128xf32>
    %mul3A_20 = arith.mulf %mul3A, %dot_general3A_19 : vector<512x128xf32>
    %swap3A = arith.constant 0 : index
    %swap3A_21 = arith.constant 0 : index
    %swap3A_22 = vector.load %arg4[%swap3A, %swap3A_21] : memref<512x128xf32, #tpu.memory_space<vmem>>, vector<512x128xf32>
    tpu.vector_store %arg4[%swap3A, %swap3A_21], %mul3A_20 {strides = array<i32>} : memref<512x128xf32, #tpu.memory_space<vmem>>, vector<512x128xf32>,
    %swap3A_23 = arith.constant 0 : index
    %swap3A_24 = vector.load %arg5[%swap3A_23] : memref<512xf32, #tpu.memory_space<vmem>>, vector<512xf32>
    tpu.vector_store %arg5[%swap3A_23], %select_n3A {strides = array<i32>} : memref<512xf32, #tpu.memory_space<vmem>>, vector<512xf32>,
    return
  }
  func.func @transform_0(%arg0: i32) -> (i32, i32) {
    %c0_i32 = arith.constant 0 : i32
    %c0_i32_0 = arith.constant 0 : i32
    return %arg0, %c0_i32 : i32, i32
  }
  func.func @transform_1(%arg0: i32) -> (i32, i32) {
    %c0_i32 = arith.constant 0 : i32
    %c0_i32_0 = arith.constant 0 : i32
    %c0_i32_1 = arith.constant 0 : i32
    return %c0_i32, %c0_i32_0 : i32, i32
  }
  func.func @transform_2(%arg0: i32) -> (i32, i32) {
    %c0_i32 = arith.constant 0 : i32
    %c0_i32_0 = arith.constant 0 : i32
    return %arg0, %c0_i32 : i32, i32
  }
  func.func @transform_3(%arg0: i32) -> (i32, i32) {
    %c0_i32 = arith.constant 0 : i32
    %c0_i32_0 = arith.constant 0 : i32
    return %arg0, %c0_i32 : i32, i32
  }
  func.func @transform_4(%arg0: i32) -> i32 {
    %c0_i32 = arith.constant 0 : i32
    return %arg0 : i32
  }
}

module attributes {stable_mosaic.version = 14 : i64} {
  func.func @body(%arg0: i32, %arg1: memref<2x512x128xf32, #tpu.memory_space<vmem>>, %arg2: memref<512x128xf32, #tpu.memory_space<vmem>>, %arg3: memref<512xf32, #tpu.memory_space<vmem>>, %arg4: memref<128xf32, #tpu.memory_space<vmem>>, %arg5: memref<128x128xf32, #tpu.memory_space<vmem>>, %arg6: memref<512x128xf32, #tpu.memory_space<vmem>>) attributes {dimension_semantics = [#tpu.dimension_semantics<arbitrary>], iteration_bounds = array<i64: 20>, scalar_prefetch = 0 : i64, scratch_operands = 0 : i64, tpu.core_type = #tpu.core_type<tc>, window_params = [{transform_indices = @transform_0, window_bounds = array<i64: 2, 512, 128>}, {transform_indices = @transform_1, window_bounds = array<i64: 512, 128>}, {transform_indices = @transform_2, window_bounds = array<i64: 512>}, {pipeline_mode = #tpu.pipeline_mode<synchronous>, transform_indices = @transform_3, window_bounds = array<i64: 128>}, {pipeline_mode = #tpu.pipeline_mode<synchronous>, transform_indices = @transform_4, window_bounds = array<i64: 128, 128>}, {transform_indices = @transform_5, window_bounds = array<i64: 512, 128>}]} {
    %get3A = arith.constant 0 : index
    %get3A_0 = vector.load %arg3[%get3A] : memref<512xf32, #tpu.memory_space<vmem>>, vector<512xf32>
    %get3A_1 = arith.constant 0 : index
    %get3A_2 = arith.constant 0 : index
    %get3A_3 = arith.constant 0 : index
    %get3A_4 = vector.load %arg1[%get3A_1, %get3A_2, %get3A_3] : memref<2x512x128xf32, #tpu.memory_space<vmem>>, vector<1x512x128xf32>
    %get3A_5 = vector.shape_cast %get3A_4 : vector<1x512x128xf32> to vector<512x128xf32>
    %get3A_6 = arith.constant 1 : index
    %get3A_7 = arith.constant 0 : index
    %get3A_8 = arith.constant 0 : index
    %get3A_9 = vector.load %arg1[%get3A_6, %get3A_7, %get3A_8] : memref<2x512x128xf32, #tpu.memory_space<vmem>>, vector<1x512x128xf32>
    %get3A_10 = vector.shape_cast %get3A_9 : vector<1x512x128xf32> to vector<512x128xf32>
    %add3A = arith.addf %get3A_5, %get3A_10 : vector<512x128xf32>
    %get3A_11 = arith.constant 0 : index
    %get3A_12 = arith.constant 0 : index
    %get3A_13 = vector.load %arg2[%get3A_11, %get3A_12] : memref<512x128xf32, #tpu.memory_space<vmem>>, vector<512x128xf32>
    %add3A_14 = arith.addf %add3A, %get3A_13 : vector<512x128xf32>
    %broadcast_in_dim3A = vector.shape_cast %get3A_0 : vector<512xf32> to vector<512x1xf32>
    %mul3A = vector.broadcast %broadcast_in_dim3A : vector<512x1xf32> to vector<512x128xf32>
    %mul3A_15 = arith.mulf %mul3A, %add3A_14 : vector<512x128xf32>
    %get3A_16 = arith.constant 0 : index
    %get3A_17 = vector.load %arg4[%get3A_16] : memref<128xf32, #tpu.memory_space<vmem>>, vector<128xf32>
    %broadcast_in_dim3A_18 = vector.shape_cast %get3A_17 : vector<128xf32> to vector<1x128xf32>
    %add3A_19 = vector.broadcast %broadcast_in_dim3A_18 : vector<1x128xf32> to vector<512x128xf32>
    %add3A_20 = arith.addf %mul3A_15, %add3A_19 : vector<512x128xf32>
    %max3A = arith.constant 0.000000e+00 : f32
    %max3A_21 = vector.broadcast %max3A : f32 to vector<512x128xf32>
    %max3A_22 = arith.maximumf %add3A_20, %max3A_21 : vector<512x128xf32>
    %broadcast_in_dim3A_23 = vector.shape_cast %get3A_0 : vector<512xf32> to vector<512x1xf32>
    %get3A_24 = arith.constant 0 : index
    %get3A_25 = arith.constant 0 : index
    %get3A_26 = vector.load %arg5[%get3A_24, %get3A_25] : memref<128x128xf32, #tpu.memory_space<vmem>>, vector<128x128xf32>
    %dot_general3A = arith.constant dense<0.000000e+00> : vector<512x128xf32>
    %dot_general3A_27 = tpu.matmul %max3A_22, %get3A_26, %dot_general3A {dimension_numbers = #tpu.dot_dimension_numbers<[1], [0], [0], [1], [0, 0, 1, 1], [], []>, precision = #tpu.contract_precision<fp32>, transpose_lhs_hint = false} : vector<512x128xf32>, vector<128x128xf32>, vector<512x128xf32> -> vector<512x128xf32>
    %mul3A_28 = vector.broadcast %broadcast_in_dim3A_23 : vector<512x1xf32> to vector<512x128xf32>
    %mul3A_29 = arith.mulf %mul3A_28, %dot_general3A_27 : vector<512x128xf32>
    %swap3A = arith.constant 0 : index
    %swap3A_30 = arith.constant 0 : index
    %swap3A_31 = vector.load %arg6[%swap3A, %swap3A_30] : memref<512x128xf32, #tpu.memory_space<vmem>>, vector<512x128xf32>
    tpu.vector_store %arg6[%swap3A, %swap3A_30], %mul3A_29 {strides = array<i32>} : memref<512x128xf32, #tpu.memory_space<vmem>>, vector<512x128xf32>,
    return
  }
  func.func @transform_0(%arg0: i32) -> (i32, i32, i32) {
    %c0_i32 = arith.constant 0 : i32
    %c0_i32_0 = arith.constant 0 : i32
    %c0_i32_1 = arith.constant 0 : i32
    return %c0_i32, %arg0, %c0_i32_0 : i32, i32, i32
  }
  func.func @transform_1(%arg0: i32) -> (i32, i32) {
    %c0_i32 = arith.constant 0 : i32
    %c0_i32_0 = arith.constant 0 : i32
    return %arg0, %c0_i32 : i32, i32
  }
  func.func @transform_2(%arg0: i32) -> i32 {
    %c0_i32 = arith.constant 0 : i32
    return %arg0 : i32
  }
  func.func @transform_3(%arg0: i32) -> i32 {
    %c0_i32 = arith.constant 0 : i32
    %c0_i32_0 = arith.constant 0 : i32
    return %c0_i32 : i32
  }
  func.func @transform_4(%arg0: i32) -> (i32, i32) {
    %c0_i32 = arith.constant 0 : i32
    %c0_i32_0 = arith.constant 0 : i32
    %c0_i32_1 = arith.constant 0 : i32
    return %c0_i32, %c0_i32_0 : i32, i32
  }
  func.func @transform_5(%arg0: i32) -> (i32, i32) {
    %c0_i32 = arith.constant 0 : i32
    %c0_i32_0 = arith.constant 0 : i32
    return %arg0, %c0_i32 : i32, i32
  }
}

module attributes {stable_mosaic.version = 14 : i64} {
  func.func @body(%arg0: i32, %arg1: memref<2x512x128xf32, #tpu.memory_space<vmem>>, %arg2: memref<512x128xf32, #tpu.memory_space<vmem>>, %arg3: memref<512xf32, #tpu.memory_space<vmem>>, %arg4: memref<128xf32, #tpu.memory_space<vmem>>, %arg5: memref<128x64xf32, #tpu.memory_space<vmem>>, %arg6: memref<64xf32, #tpu.memory_space<vmem>>, %arg7: memref<512x64xf32, #tpu.memory_space<vmem>>) attributes {dimension_semantics = [#tpu.dimension_semantics<arbitrary>], iteration_bounds = array<i64: 20>, scalar_prefetch = 0 : i64, scratch_operands = 0 : i64, tpu.core_type = #tpu.core_type<tc>, window_params = [{transform_indices = @transform_0, window_bounds = array<i64: 2, 512, 128>}, {transform_indices = @transform_1, window_bounds = array<i64: 512, 128>}, {transform_indices = @transform_2, window_bounds = array<i64: 512>}, {pipeline_mode = #tpu.pipeline_mode<synchronous>, transform_indices = @transform_3, window_bounds = array<i64: 128>}, {pipeline_mode = #tpu.pipeline_mode<synchronous>, transform_indices = @transform_4, window_bounds = array<i64: 128, 64>}, {pipeline_mode = #tpu.pipeline_mode<synchronous>, transform_indices = @transform_5, window_bounds = array<i64: 64>}, {transform_indices = @transform_6, window_bounds = array<i64: 512, 64>}]} {
    %get3A = arith.constant 0 : index
    %get3A_0 = vector.load %arg3[%get3A] : memref<512xf32, #tpu.memory_space<vmem>>, vector<512xf32>
    %get3A_1 = arith.constant 0 : index
    %get3A_2 = arith.constant 0 : index
    %get3A_3 = arith.constant 0 : index
    %get3A_4 = vector.load %arg1[%get3A_1, %get3A_2, %get3A_3] : memref<2x512x128xf32, #tpu.memory_space<vmem>>, vector<1x512x128xf32>
    %get3A_5 = vector.shape_cast %get3A_4 : vector<1x512x128xf32> to vector<512x128xf32>
    %get3A_6 = arith.constant 1 : index
    %get3A_7 = arith.constant 0 : index
    %get3A_8 = arith.constant 0 : index
    %get3A_9 = vector.load %arg1[%get3A_6, %get3A_7, %get3A_8] : memref<2x512x128xf32, #tpu.memory_space<vmem>>, vector<1x512x128xf32>
    %get3A_10 = vector.shape_cast %get3A_9 : vector<1x512x128xf32> to vector<512x128xf32>
    %add3A = arith.addf %get3A_5, %get3A_10 : vector<512x128xf32>
    %get3A_11 = arith.constant 0 : index
    %get3A_12 = arith.constant 0 : index
    %get3A_13 = vector.load %arg2[%get3A_11, %get3A_12] : memref<512x128xf32, #tpu.memory_space<vmem>>, vector<512x128xf32>
    %add3A_14 = arith.addf %add3A, %get3A_13 : vector<512x128xf32>
    %broadcast_in_dim3A = vector.shape_cast %get3A_0 : vector<512xf32> to vector<512x1xf32>
    %mul3A = vector.broadcast %broadcast_in_dim3A : vector<512x1xf32> to vector<512x128xf32>
    %mul3A_15 = arith.mulf %mul3A, %add3A_14 : vector<512x128xf32>
    %get3A_16 = arith.constant 0 : index
    %get3A_17 = vector.load %arg4[%get3A_16] : memref<128xf32, #tpu.memory_space<vmem>>, vector<128xf32>
    %broadcast_in_dim3A_18 = vector.shape_cast %get3A_17 : vector<128xf32> to vector<1x128xf32>
    %add3A_19 = vector.broadcast %broadcast_in_dim3A_18 : vector<1x128xf32> to vector<512x128xf32>
    %add3A_20 = arith.addf %mul3A_15, %add3A_19 : vector<512x128xf32>
    %max3A = arith.constant 0.000000e+00 : f32
    %max3A_21 = vector.broadcast %max3A : f32 to vector<512x128xf32>
    %max3A_22 = arith.maximumf %add3A_20, %max3A_21 : vector<512x128xf32>
    %get3A_23 = arith.constant 0 : index
    %get3A_24 = arith.constant 0 : index
    %get3A_25 = vector.load %arg5[%get3A_23, %get3A_24] : memref<128x64xf32, #tpu.memory_space<vmem>>, vector<128x64xf32>
    %dot_general3A = arith.constant dense<0.000000e+00> : vector<512x64xf32>
    %dot_general3A_26 = tpu.matmul %max3A_22, %get3A_25, %dot_general3A {dimension_numbers = #tpu.dot_dimension_numbers<[1], [0], [0], [1], [0, 0, 1, 1], [], []>, precision = #tpu.contract_precision<fp32>, transpose_lhs_hint = false} : vector<512x128xf32>, vector<128x64xf32>, vector<512x64xf32> -> vector<512x64xf32>
    %get3A_27 = arith.constant 0 : index
    %get3A_28 = vector.load %arg6[%get3A_27] : memref<64xf32, #tpu.memory_space<vmem>>, vector<64xf32>
    %broadcast_in_dim3A_29 = vector.shape_cast %get3A_28 : vector<64xf32> to vector<1x64xf32>
    %add3A_30 = vector.broadcast %broadcast_in_dim3A_29 : vector<1x64xf32> to vector<512x64xf32>
    %add3A_31 = arith.addf %dot_general3A_26, %add3A_30 : vector<512x64xf32>
    %reduce_max3A = arith.constant dense<0xFF800000> : vector<512xf32>
    %reduce_max3A_32 = vector.multi_reduction <maximumf>, %add3A_31, %reduce_max3A [1] : vector<512x64xf32> to vector<512xf32>
    %broadcast_in_dim3A_33 = vector.shape_cast %reduce_max3A_32 : vector<512xf32> to vector<512x1xf32>
    %sub3A = vector.broadcast %broadcast_in_dim3A_33 : vector<512x1xf32> to vector<512x64xf32>
    %sub3A_34 = arith.subf %add3A_31, %sub3A : vector<512x64xf32>
    %exp3A = math.exp %sub3A_34 : vector<512x64xf32>
    %reduce_sum3A = arith.constant dense<0.000000e+00> : vector<512xf32>
    %reduce_sum3A_35 = vector.multi_reduction <add>, %exp3A, %reduce_sum3A [1] : vector<512x64xf32> to vector<512xf32>
    %broadcast_in_dim3A_36 = vector.shape_cast %reduce_sum3A_35 : vector<512xf32> to vector<512x1xf32>
    %log3A = math.log %broadcast_in_dim3A_36 : vector<512x1xf32>
    %add3A_37 = arith.addf %log3A, %broadcast_in_dim3A_33 : vector<512x1xf32>
    %sub3A_38 = vector.broadcast %add3A_37 : vector<512x1xf32> to vector<512x64xf32>
    %sub3A_39 = arith.subf %add3A_31, %sub3A_38 : vector<512x64xf32>
    %swap3A = arith.constant 0 : index
    %swap3A_40 = arith.constant 0 : index
    %swap3A_41 = vector.load %arg7[%swap3A, %swap3A_40] : memref<512x64xf32, #tpu.memory_space<vmem>>, vector<512x64xf32>
    tpu.vector_store %arg7[%swap3A, %swap3A_40], %sub3A_39 {strides = array<i32>} : memref<512x64xf32, #tpu.memory_space<vmem>>, vector<512x64xf32>,
    return
  }
  func.func @transform_0(%arg0: i32) -> (i32, i32, i32) {
    %c0_i32 = arith.constant 0 : i32
    %c0_i32_0 = arith.constant 0 : i32
    %c0_i32_1 = arith.constant 0 : i32
    return %c0_i32, %arg0, %c0_i32_0 : i32, i32, i32
  }
  func.func @transform_1(%arg0: i32) -> (i32, i32) {
    %c0_i32 = arith.constant 0 : i32
    %c0_i32_0 = arith.constant 0 : i32
    return %arg0, %c0_i32 : i32, i32
  }
  func.func @transform_2(%arg0: i32) -> i32 {
    %c0_i32 = arith.constant 0 : i32
    return %arg0 : i32
  }
  func.func @transform_3(%arg0: i32) -> i32 {
    %c0_i32 = arith.constant 0 : i32
    %c0_i32_0 = arith.constant 0 : i32
    return %c0_i32 : i32
  }
  func.func @transform_4(%arg0: i32) -> (i32, i32) {
    %c0_i32 = arith.constant 0 : i32
    %c0_i32_0 = arith.constant 0 : i32
    %c0_i32_1 = arith.constant 0 : i32
    return %c0_i32, %c0_i32_0 : i32, i32
  }
  func.func @transform_5(%arg0: i32) -> i32 {
    %c0_i32 = arith.constant 0 : i32
    %c0_i32_0 = arith.constant 0 : i32
    return %c0_i32 : i32
  }
  func.func @transform_6(%arg0: i32) -> (i32, i32) {
    %c0_i32 = arith.constant 0 : i32
    %c0_i32_0 = arith.constant 0 : i32
    return %arg0, %c0_i32 : i32, i32
  }
}

</mosaic_0001>

<sc_bundles>
// kernel: kernel.10.cloned.1.call-start
scs
__scs_entry_jumppad:
0x0: {  	(pc) =	sbr.rel $0x88, $3  }
0x1: {  	(tag) =	ssettag $0x0;
	lr =	simm.s32 $0x1  }
0x2: {  	[smem:$0x3F96] =	sst lr;
	_ =	strace $0xD0000000  }
0x3: {  	_ = 	snop  }
0x4: {  	_ = 	snop  }
0x5: {  	_ = 	snop  }
0x6: {  	_ = 	snop  }
0x7: {  	_ = 	snop  }
__scs_overlays_trampoline_lowered:
0x8: {  	[smem:$0x3FA5] =	sst s0  }
0x9: {  	[smem:$0x3FA6] =	sst s1  }
0xa: {  	[smem:$0x3FA7] =	sst s2  }
0xb: {  	[smem:$0x3FA8] =	sst s3  }
0xc: {  	[smem:$0x3FA9] =	sst s4  }
0xd: {  	[smem:$0x3FAA] =	sst s5  }
0xe: {  	[smem:$0x3FAB] =	sst s6  }
0xf: {  	[smem:$0x3FAC] =	sst s7  }
0x10: {  	[smem:$0x3FAD] =	sst s8  }
0x11: {  	[smem:$0x3FAE] =	sst s9;
	s0 =	simm.s32 @!p0 $0x0  }
0x12: {  	s1 =	sld [smem:$0x3F94];
	s0 =	simm.s32 @p0 $0x1  }
0x13: {  	[smem:$0x3FAF] =	sst s0;
	s0 =	simm.s32 @!p1 $0x0  }
0x14: {  	s2 =	sld [smem:$0x3F93];
	s0 =	simm.s32 @p1 $0x1  }
0x15: {  	[smem:$0x3FB0] =	sst s0;
	s0 =	simm.s32 @!p2 $0x0  }
0x16: {  	s3 =	sld [smem:$0x3FDB];
	s0 =	simm.s32 @p2 $0x1  }
0x17: {  	s4 =	simm.s32 $0x1BF5;
	[smem:$0x3FB2] =	sst s0  }
0x18: {  	s0 =	sld [smem:$0x3F95];
	_ =	swait.ge [sflag:s4], $0x0  }
0x19: {  	s7 =	sld [smem:$0x3F96]  }
0x1a: {  	s8 =	sadd.s32 $0xFFFFE003, lr  }
0x1b: {  	s9 =	sadd.s32 $0xFFFFFEF7, lr;
	s5 =	simm.s32 $0xFFFFFFFF;
	p2 =	slt.u32 s8, $0xFFFFF086  }
0x1c: {  	p1 =	slt.u32 s9, $0xF7A;
	s5 =	simm.s32 @!p2 $0x0  }
0x1d: {  	s5 =	simm.s32 @p1 $0x1;
	p0 =	seq.s32 s7, s2  }
0x1e: {  	s7 =	smul.u32 @!p0 $0xF7A, s2;
	p2 =	seq.s32 @!p0 s5, $0x0  }
0x1f: {  	s9 =	smul.u32 $0xF7A, s1;
	s8 =	simm.s32 @!p0 $0x1BF5;
	p2 =	por !p2, p0  }
0x20: {  	[sflag:s8] =	ssyncset.s32 @!p0 $0xFFFFF086;
	s6 =	sadd.s32 @!p0 s3, s7;
	s7 =	simm.s32 @!p0 $0x108  }
0x21: {  	s3 =	sadd.s32 s3, s9;
	s6 =	sadd.s32 @!p0 $0x88, s6;
	s7 =	simm.s32 @p2 $0x1082  }
0x22: {  	[simem:s7], [sflag:s8] =	dma.local @!p0 [hbm:s6], $0xF7A  }
0x23: {  	s9 =	sor.u32 $0xD0000000, s2;
	s6 =	simm.s32 $0x108;
	_ =	swait.ge @!p0 [sflag:s8], $0x0  }
0x24: {  	s3 =	sadd.s32 $0x88, s3;
	s6 =	simm.s32 @!p1 $0x1082;
	[sflag:s4] =	ssyncset.s32 $0xFFFFF086  }
0x25: {  	[simem:s6], [sflag:s4] =	dma.local [hbm:s3], $0xF7A  }
0x26: {  	[smem:$0x3F96] =	sst s1;
	(tag) =	ssettag s2;
	_ =	strace s9  }
0x27: {  	s1 =	sld [smem:$0x3FA6]  }
0x28: {  	s2 =	sld [smem:$0x3FA7]  }
0x29: {  	s4 =	sld [smem:$0x3FA9]  }
0x2a: {  	p0 =	seq.s32 s5, $0x0;
	s5 =	sld [smem:$0x3FAA]  }
0x2b: {  	s6 =	sld [smem:$0x3FAB]  }
0x2c: {  	s7 =	sld [smem:$0x3FAC]  }
0x2d: {  	s3 =	simm.s32 $0x108;
	s8 =	sld [smem:$0x3FAD]  }
0x2e: {  	s3 =	simm.s32 @!p0 $0x1082;
	s9 =	sld [smem:$0x3FAE]  }
0x2f: {  	lr =	sadd.s32 s0, s3;
	s0 =	sld [smem:$0x3FA5]  }
0x30: {  	s3 =	sld [smem:$0x3FA8]  }
0x31: {  	[smem:$0x3FB1] =	sst s10  }
0x32: {  	s10 =	sld [smem:$0x3FAF];
	_ =	sdelay $0x3  }
0x33: {  	p0 =	seq.s32 s10, $0x1;
	s10 =	sld [smem:$0x3FB1];
	_ =	sdelay $0x3  }
0x34: {  	[smem:$0x3FB1] =	sst s10  }
0x35: {  	s10 =	sld [smem:$0x3FB0];
	_ =	sdelay $0x3  }
0x36: {  	p1 =	seq.s32 s10, $0x1;
	s10 =	sld [smem:$0x3FB1];
	_ =	sdelay $0x3  }
0x37: {  	[smem:$0x3FB1] =	sst s10  }
0x38: {  	s10 =	sld [smem:$0x3FB2]  }
0x39: {  	_ = 	snop;
	(pc) =	sbr.ind lr, $3  }
0x3a: {  	_ = 	snop  }
0x3b: {  	_ = 	snop  }
0x3c: {  	p2 =	seq.s32 s10, $0x1;
	s10 =	sld [smem:$0x3FB1]  }
0x3d: {  	_ =	shalt  }
0x3e: {  	_ =	shalt  }
0x3f: {  	_ =	shalt  }
0x40: {  	_ =	shalt  }
0x41: {  	_ =	shalt  }
0x42: {  	_ =	shalt  }
0x43: {  	_ =	shalt  }
0x44: {  	_ =	shalt  }
0x45: {  	_ =	shalt  }
0x46: {  	_ =	shalt  }
0x47: {  	_ =	shalt  }
0x48: {  	_ =	shalt  }
0x49: {  	_ =	shalt  }
0x4a: {  	_ =	shalt  }
0x4b: {  	_ =	shalt  }
0x4c: {  	_ =	shalt  }
0x4d: {  	_ =	shalt  }
0x4e: {  	_ =	shalt  }
0x4f: {  	_ =	shalt  }
0x50: {  	_ =	shalt  }
0x51: {  	_ =	shalt  }
0x52: {  	_ =	shalt  }
0x53: {  	_ =	shalt  }
0x54: {  	_ =	shalt  }
0x55: {  	_ =	shalt  }
0x56: {  	_ =	shalt  }
0x57: {  	_ =	shalt  }
0x58: {  	_ =	shalt  }
0x59: {  	_ =	shalt  }
0x5a: {  	_ =	shalt  }
0x5b: {  	_ =	shalt  }
0x5c: {  	_ =	shalt  }
0x5d: {  	_ =	shalt  }
0x5e: {  	_ =	shalt  }
0x5f: {  	_ =	shalt  }
0x60: {  	_ =	shalt  }
0x61: {  	_ =	shalt  }
0x62: {  	_ =	shalt  }
0x63: {  	_ =	shalt  }
0x64: {  	_ =	shalt  }
0x65: {  	_ =	shalt  }
0x66: {  	_ =	shalt  }
0x67: {  	_ =	shalt  }
0x68: {  	_ =	shalt  }
0x69: {  	_ =	shalt  }
0x6a: {  	_ =	shalt  }
0x6b: {  	_ =	shalt  }
0x6c: {  	_ =	shalt  }
0x6d: {  	_ =	shalt  }
0x6e: {  	_ =	shalt  }
0x6f: {  	_ =	shalt  }
0x70: {  	_ =	shalt  }
0x71: {  	_ =	shalt  }
0x72: {  	_ =	shalt  }
0x73: {  	_ =	shalt  }
0x74: {  	_ =	shalt  }
0x75: {  	_ =	shalt  }
0x76: {  	_ =	shalt  }
0x77: {  	_ =	shalt  }
0x78: {  	_ =	shalt  }
0x79: {  	_ =	shalt  }
0x7a: {  	_ =	shalt  }
0x7b: {  	_ =	shalt  }
0x7c: {  	_ =	shalt  }
0x7d: {  	_ =	shalt  }
0x7e: {  	_ =	shalt  }
0x7f: {  	_ =	shalt  }
0x80: {  	_ =	shalt  }
0x81: {  	_ =	shalt  }
0x82: {  	_ =	shalt  }
0x83: {  	_ =	shalt  }
0x84: {  	_ =	shalt  }
0x85: {  	_ =	shalt  }
0x86: {  	_ =	shalt  }
0x87: {  	_ =	shalt  }
.Lfunc_end0:
.L_simem_size_0:
called_computation_lowered:
.L_overlay_start_0:
0x88: {  	s2 =	sld [smem:$0x3FD9]  }
0x89: {  	s3 =	sld [smem:$0x3FFE];
	_ =	sdelay $0x1  }
0x8a: {  	s1 =	srdreg.scid  }
0x8b: {  	s0 =	sand.u32 $0x1, s1  }
0x8c: {  	s16 =	sshll.u32 s0, $0xA;
	s2 =	sadd.s32 s3, s2  }
0x8d: {  	s2 =	sadd.s32 s2, s16  }
0x8e: {  	[smem:$0x3FBD] =	sst s2  }
0x8f: {  	_ = 	snop  }
0x90: {  	(tm) =	ssettm $0x1  }
0x91: {  	s17 =	sld [smem:$0x3FFB];
	_ =	sdelay $0x3  }
0x92: {  	_ =	strace s17  }
0x93: {  	s2 =	sld [smem:$0x3FFC];
	_ =	sdelay $0x3  }
0x94: {  	_ =	strace s2  }
0x95: {  	s2 =	sld [smem:$0x3FFD];
	_ =	sdelay $0x3  }
0x96: {  	_ =	strace s2  }
0x97: {  	_ =	strace $0x8FFFFFFF  }
0x98: {  	s18 =	sld [smem:$0x3FDB];
	_ =	sdelay $0x1  }
0x99: {  	s19 =	simm.s32 $_scs_section_size  }
0x9a: {  	s4 =	simm.s32 $_size__tile_overlayer_lowered;
	s5 =	simm.s32 $_tile_overlayer_lowered  }
0x9b: {  	s22 =	simm.s32 $0x1BFF;
	s21 =	sshll.u32 s5, $0x1;
	s2 =	sadd.s32 s19, s18  }
0x9c: {  	s6 =	simm.s32 $0x0;
	s20 =	sshll.u32 s4, $0x1;
	s4 =	sadd.s32 s21, s2  }
0x9d: {  	[timem:s6], [sflag:s22] =	dma.local [hbm:s4], s20  }
0x9e: {  	_ =	swait.ge [sflag:s22], s20  }
0x9f: {  	s3 =	ssub.s32 $0x0, s20;
	[sflag:s22] =	ssyncset.done $0x0  }
0xa0: {  	[sflag:s22] =	ssyncadd.s32 s3;
	_ =	sdelay $0x1  }
0xa1: {  	s23 =	simm.s32 $0x1B8B  }
0xa2: {  	_ =	swait.ge [sflag:s23], $0x1  }
0xa3: {  	[sflag:s23] =	ssyncset.done $0x0  }
0xa4: {  	s25 =	simm.s32 $0x1B8E;
	s24 =	sld [smem:$0x3FFE];
	[sflag:s23] =	ssyncadd.s32 $0xFFFFFFFF  }
0xa5: {  	s26 =	simm.s32 $execute0_lowered;
	[smem:$0x3FD2] =	sst s25  }
0xa6: {  	s4 =	sshll.u32 s26, $0x1;
	_ =	strace $0x80000046;
	[dreg:$0x1] =	wrdreg $0xFFFFFFFF  }
0xa7: {  	s28 =	simm.s32 $_size_execute0_lowered;
	s2 =	sadd.s32 s2, s4;
	[dreg:$0x0] =	wrdreg $0x0  }
0xa8: {  	s4 =	sshll.u32 s28, $0x1;
	[dreg:$0x2] =	wrdreg s2  }
0xa9: {  	[dreg:$0x3] =	wrdreg s4  }
0xaa: {  	[dreg:$0x4] =	wrdreg $0xC0  }
0xab: {  	_ =	task [dreg:s6], $0x5FFFF  }
0xac: {  	[dreg:$0x1] =	wrdreg $0xFFFFFFFF  }
0xad: {  	[dreg:$0x0] =	wrdreg $0x60  }
0xae: {  	[dreg:$0x2] =	wrdreg s24  }
0xaf: {  	[dreg:$0x3] =	wrdreg $0x93000  }
0xb0: {  	[dreg:$0x4] =	wrdreg $0x9  }
0xb1: {  	_ =	task.clear_ibuf [dreg:s6], $0x5FFFF;
	_ =	strace $0x90000046  }
0xb2: {  	s29 =	simm.s32 $0x9;
	_ =	strace $0x80000048  }
0xb3: {  	_ =	swait.ge [sflag:s29], $0x1  }
0xb4: {  	[sflag:s29] =	ssyncadd.s32 $0xFFFFFFFF  }
0xb5: {  	_ =	strace $0x90000048  }
0xb6: {  	_ =	sfence  }
0xb7: {  	s30 =	sld [smem:$0x0];
	_ =	sdelay $0x2  }
0xb8: {  	s31 =	sshll.u32 s1, $0xD;
	s1 =	sshrl.u32 s1, $0x2  }
0xb9: {  	s3 =	sand.u32 $0x4000, s31;
	s1 =	sadd.s32 s1, s30  }
0xba: {  	s0 =	sor.u32 s3, s0;
	s1 =	sshll.u32 s1, $0x11  }
0xbb: {  	s0 =	sor.u32 s1, s0  }
0xbc: {  	s0 =	sadd.s32 $0x8F2B, s0  }
0xbd: {  	[sflag:s0] =	ssyncadd.remote.s32 $0x1  }
0xbe: {  	_ =	sfence.sel $0xFFFF  }
0xbf: {  	[dreg:$0x0] =	wrdreg $0xFFFFFFFF;
	(pc) =	sbr.abs _section_cstart, $3  }
0xc0: {  	[dreg:$0x1] =	wrdreg $0xFFFFFFFF  }
0xc1: {  	_ =	task.clear_ibuf [dreg:s6], $0x2FFFF;
	_ =	strace $0x9FFFFFFF  }
0xc2: {  	(tm) =	ssettm $0x7FFFFFFF  }
0xc3: {  	_ =	shalt  }
tec
execute0_lowered:
.L_overlay_start_1:
0x0: {  	(tag) =	ssettag $0x1  }
0x1: {  	s0 =	rddreg [dreg:$0x0]  }
0x2: {  	s1 =	rddreg [dreg:$0x1]  }
0x3: {  	s3 =	srdreg.scid;
	s2 =	simm.s32 $0x0;
	s20 =	stileid.u32  }
0x4: {  	s28 =	simm.s32 $0x8E00;
	s29 =	simm.s32 $0x9080;
	s30 =	simm.s32 $0x100  }
0x5: {  	s31 =	simm.s32 $0x0;
	s3 =	sand.u32 $0x1, s3;
	s5 =	smul.u32 $0x500, s20  }
0x6: {  	[smem:$0x7FF] =	sst s2;
	s7 =	sshrl.u32 s20, $0x3;
	s8 =	smul.u32 $0x5000, s20  }
0x7: {  	s23 =	sshll.u32 s20, $0x7;
	s4 =	sshll.u32 s3, $0x4;
	_ =	strace $0x80000047  }
0x8: {  	s6 =	sshll.u32 s3, $0x7;
	s3 =	ssub.s32 $0x2, s3;
	s21 =	smul.u32 $0x50000, s7  }
0x9: {  	s26 =	sand.u32 $0x380, s23;
	s23 =	simm.s32 $0x1;
	s4 =	sor.u32 s20, s4  }
0xa: {  	s5 =	sor.u32 s6, s5;
	s22 =	sshrl.u32 s3, $0x1;
	s25 =	sshrl.u32 s8, $0x2  }
0xb: {  	s4 =	smul.u32 $0xCC0, s4;
	s5 =	sshrl.u32 s5, $0x3;
	s22 =	ssub.s32 s3, s22  }
0xc: {  	s24 =	sshrl.u32 s21, $0x2;
	s3 =	sadd.s32 s25, s1;
	s25 =	simm.s32 $0x80  }
0xd: {  	s6 =	sadd.s32 $0x80, s3;
	s7 =	sadd.s32 $0x100, s3;
	s8 =	sadd.s32 $0x180, s3  }
0xe: {  	s9 =	sadd.s32 $0x200, s3;
	s10 =	sadd.s32 $0x280, s3;
	s11 =	sadd.s32 $0x300, s3  }
0xf: {  	s12 =	sadd.s32 $0x380, s3;
	s13 =	sadd.s32 $0x14000, s3;
	s14 =	sadd.s32 $0x14080, s3  }
0x10: {  	s15 =	sadd.s32 $0x14100, s3;
	s16 =	sadd.s32 $0x14180, s3;
	s17 =	sadd.s32 $0x14200, s3  }
0x11: {  	s18 =	sadd.s32 $0x14280, s3;
	s19 =	sadd.s32 $0x14300, s3;
	s20 =	sadd.s32 $0x14380, s3  }
0x12: {  	s22 =	smax.u32 s22, $0x1;
	s4 =	sadd.s32 s4, s0;
	s0 =	sadd.s32 s5, s0  }
0x13: {  	s5 =	sadd.s32 s24, s1;
	s24 =	simm.s32 $0x6600;
	s4 =	sadd.s32 $0x3A00, s4  }
0x14: {  	v0 =	vimm.f32 $0.0e+00;
	s5 =	sadd.s32 s26, s5;
	s21 =	sadd.s32 $0x1D200, s0;
	s26 =	simm.s32 $0x400  }
.LBB2_1:
0x15: {  	s0 =	simm.s32 $0x0  }
0x16: {  	[tilespmem:s0], [sflag:$0x1] =	stream.linear.gather [hbm4b:s4+s0], $0x6600, $0x38;
	[tilespmem:$0xBB00] =	vst v63  }
0x17: {  	_ =	swait.ge [sflag:s23], $0x6600  }
0x18: {  	[sflag:s23] =	ssyncset.done $0x0  }
0x19: {  	s0 =	simm.s32 $0x0;
	[sflag:s23] =	ssyncadd.s32 $0xFFFF9A00  }
.LBB2_2:
0x1a: {  	p0 =	sne.s32 s0, $0x9FC0  }
.Ltmp0:
0x1b: {  	_ = 	snop;
	(pc) =	sbr.rel @p0 .LBB2_2-.Ltmp0, $3  }
0x1c: {  	_ =	sdelay $0x1  }
0x1d: {  	s1 =	sshra.s32 s0, $0x2  }
0x1e: {  	s0 =	sadd.s32 $0x40, s0;
	[tilespmem:s1+$0x6600] =	vst v0  }
0x1f: {  	s0 =	simm.s32 $0x0  }
.LBB2_4:
0x20: {  	s1 =	sshra.s32 s0, $0x2  }
0x21: {  	v1 =	vld [tilespmem:s1+$0x0];
	_ =	sdelay $0x2  }
0x22: {  	v2 =	vld [tilespmem:s1+$0x80];
	_ =	sdelay $0x4  }
0x23: {  	[tilespmem:v1+s24+$0x0] =	vst.idx.add.f32.msk $0xffff, v2  }
0x24: {  	v1 =	vld [tilespmem:s1+$0x10];
	_ =	sdelay $0x2  }
0x25: {  	v2 =	vld [tilespmem:s1+$0x90];
	_ =	sdelay $0x4  }
0x26: {  	[tilespmem:v1+s24+$0x0] =	vst.idx.add.f32.msk $0xffff, v2  }
0x27: {  	v1 =	vld [tilespmem:s1+$0x20];
	_ =	sdelay $0x2  }
0x28: {  	v2 =	vld [tilespmem:s1+$0xA0];
	_ =	sdelay $0x4  }
0x29: {  	[tilespmem:v1+s24+$0x0] =	vst.idx.add.f32.msk $0xffff, v2  }
0x2a: {  	v1 =	vld [tilespmem:s1+$0x30];
	_ =	sdelay $0x2  }
0x2b: {  	v2 =	vld [tilespmem:s1+$0xB0];
	_ =	sdelay $0x4  }
0x2c: {  	[tilespmem:v1+s24+$0x0] =	vst.idx.add.f32.msk $0xffff, v2  }
0x2d: {  	v1 =	vld [tilespmem:s1+$0x40];
	_ =	sdelay $0x2  }
0x2e: {  	v2 =	vld [tilespmem:s1+$0xC0];
	_ =	sdelay $0x4  }
0x2f: {  	[tilespmem:v1+s24+$0x0] =	vst.idx.add.f32.msk $0xffff, v2  }
0x30: {  	v1 =	vld [tilespmem:s1+$0x50];
	_ =	sdelay $0x2  }
0x31: {  	v2 =	vld [tilespmem:s1+$0xD0];
	_ =	sdelay $0x4  }
0x32: {  	[tilespmem:v1+s24+$0x0] =	vst.idx.add.f32.msk $0xffff, v2  }
0x33: {  	v1 =	vld [tilespmem:s1+$0x60];
	_ =	sdelay $0x2  }
0x34: {  	v2 =	vld [tilespmem:s1+$0xE0];
	_ =	sdelay $0x4  }
0x35: {  	[tilespmem:v1+s24+$0x0] =	vst.idx.add.f32.msk $0xffff, v2  }
0x36: {  	v1 =	vld [tilespmem:s1+$0x70];
	_ =	sdelay $0x2  }
0x37: {  	p0 =	sne.s32 s0, $0x19400;
	v2 =	vld [tilespmem:s1+$0xF0]  }
.Ltmp1:
0x38: {  	_ = 	snop;
	(pc) =	sbr.rel @p0 .LBB2_4-.Ltmp1, $2  }
0x39: {  	_ =	sdelay $0x2  }
0x3a: {  	s0 =	sadd.s32 $0x400, s0;
	[tilespmem:v1+s24+$0x0] =	vst.idx.add.f32.msk $0xffff, v2  }
0x3b: {  	[spmem:s5] =	stream.strided.scatter [tilespmem:s24], [sflag:$0x1], $0x2800, s26, s25, $0x38;
	[tilespmem:$0xBB00] =	vst v63  }
0x3c: {  	_ =	swait.ge [sflag:s23], $0x2800  }
0x3d: {  	[sflag:s23] =	ssyncset.done $0x0  }
0x3e: {  	[sflag:s23] =	ssyncadd.s32 $0xFFFFD800  }
0x3f: {  	[bflag:$0x0] =	sbarrier.arrive $0xFFFF  }
0x40: {  	[tilespmem:s28], [sflag:$0x1] =	stream.strided.gather [spmem:s3], $0x280, s26, s25, $0x38;
	[tilespmem:$0xBB00] =	vst v63  }
0x41: {  	_ =	swait.ge [sflag:s23], $0x280  }
0x42: {  	[sflag:s23] =	ssyncset.done $0x0  }
0x43: {  	[sflag:s23] =	ssyncadd.s32 $0xFFFFFD80  }
0x44: {  	[tilespmem:s29], [sflag:$0x1] =	stream.strided.gather [spmem:s6], $0x280, s26, s25, $0x38;
	[tilespmem:$0xBB00] =	vst v63  }
0x45: {  	_ =	swait.ge [sflag:s23], $0x280  }
0x46: {  	[sflag:s23] =	ssyncset.done $0x0  }
0x47: {  	s0 =	simm.s32 $0x0;
	[sflag:s23] =	ssyncadd.s32 $0xFFFFFD80  }
0x48: {  	s1 =	simm.s32 $0x40;
	v1 =	vld [tilespmem:s0+$0x9080]  }
.LBB2_6:
0x49: {  	p0 =	sne.s32 s1, $0x9C0;
	v2 =	vld [tilespmem:s0+$0x8E00];
	_ =	sdelay $0x2  }
.Ltmp2:
0x4a: {  	(pc) =	sbr.rel @p0 .LBB2_6-.Ltmp2, $4  }
0x4b: {  	_ = 	snop  }
0x4c: {  	v2 =	vadd.f32 v1, v2  }
0x4d: {  	s2 =	sshra.s32 s1, $0x2  }
0x4e: {  	s1 =	sadd.s32 $0x40, s1;
	v1 =	vld [tilespmem:s2+$0x9080];
	[tilespmem:s0+$0x8E00] =	vst v2;
	s0 =	smov.u32 s2  }
0x4f: {  	v2 =	vld [tilespmem:s0+$0x8E00];
	_ =	sdelay $0x4  }
0x50: {  	v1 =	vadd.f32 v1, v2;
	_ =	sdelay $0x1  }
0x51: {  	[tilespmem:s0+$0x8E00] =	vst v1  }
0x52: {  	[tilespmem:s29], [sflag:$0x1] =	stream.strided.gather [spmem:s7], $0x280, s26, s25, $0x38;
	[tilespmem:$0xBB00] =	vst v63  }
0x53: {  	_ =	swait.ge [sflag:s23], $0x280  }
0x54: {  	[sflag:s23] =	ssyncset.done $0x0  }
0x55: {  	s0 =	simm.s32 $0x0;
	[sflag:s23] =	ssyncadd.s32 $0xFFFFFD80  }
0x56: {  	s1 =	simm.s32 $0x40;
	v1 =	vld [tilespmem:s0+$0x9080]  }
.LBB2_8:
0x57: {  	p0 =	sne.s32 s1, $0x9C0;
	v2 =	vld [tilespmem:s0+$0x8E00];
	_ =	sdelay $0x2  }
.Ltmp3:
0x58: {  	(pc) =	sbr.rel @p0 .LBB2_8-.Ltmp3, $4  }
0x59: {  	_ = 	snop  }
0x5a: {  	v2 =	vadd.f32 v1, v2  }
0x5b: {  	s2 =	sshra.s32 s1, $0x2  }
0x5c: {  	s1 =	sadd.s32 $0x40, s1;
	v1 =	vld [tilespmem:s2+$0x9080];
	[tilespmem:s0+$0x8E00] =	vst v2;
	s0 =	smov.u32 s2  }
0x5d: {  	v2 =	vld [tilespmem:s0+$0x8E00];
	_ =	sdelay $0x4  }
0x5e: {  	v1 =	vadd.f32 v1, v2;
	_ =	sdelay $0x1  }
0x5f: {  	[tilespmem:s0+$0x8E00] =	vst v1  }
0x60: {  	[tilespmem:s29], [sflag:$0x1] =	stream.strided.gather [spmem:s8], $0x280, s26, s25, $0x38;
	[tilespmem:$0xBB00] =	vst v63  }
0x61: {  	_ =	swait.ge [sflag:s23], $0x280  }
0x62: {  	[sflag:s23] =	ssyncset.done $0x0  }
0x63: {  	s0 =	simm.s32 $0x0;
	[sflag:s23] =	ssyncadd.s32 $0xFFFFFD80  }
0x64: {  	s1 =	simm.s32 $0x40;
	v1 =	vld [tilespmem:s0+$0x9080]  }
.LBB2_10:
0x65: {  	p0 =	sne.s32 s1, $0x9C0;
	v2 =	vld [tilespmem:s0+$0x8E00];
	_ =	sdelay $0x2  }
.Ltmp4:
0x66: {  	(pc) =	sbr.rel @p0 .LBB2_10-.Ltmp4, $4  }
0x67: {  	_ = 	snop  }
0x68: {  	v2 =	vadd.f32 v1, v2  }
0x69: {  	s2 =	sshra.s32 s1, $0x2  }
0x6a: {  	s1 =	sadd.s32 $0x40, s1;
	v1 =	vld [tilespmem:s2+$0x9080];
	[tilespmem:s0+$0x8E00] =	vst v2;
	s0 =	smov.u32 s2  }
0x6b: {  	v2 =	vld [tilespmem:s0+$0x8E00];
	_ =	sdelay $0x4  }
0x6c: {  	v1 =	vadd.f32 v1, v2;
	_ =	sdelay $0x1  }
0x6d: {  	[tilespmem:s0+$0x8E00] =	vst v1  }
0x6e: {  	[tilespmem:s29], [sflag:$0x1] =	stream.strided.gather [spmem:s9], $0x280, s26, s25, $0x38;
	[tilespmem:$0xBB00] =	vst v63  }
0x6f: {  	_ =	swait.ge [sflag:s23], $0x280  }
0x70: {  	[sflag:s23] =	ssyncset.done $0x0  }
0x71: {  	s0 =	simm.s32 $0x0;
	[sflag:s23] =	ssyncadd.s32 $0xFFFFFD80  }
0x72: {  	s1 =	simm.s32 $0x40;
	v1 =	vld [tilespmem:s0+$0x9080]  }
.LBB2_12:
0x73: {  	p0 =	sne.s32 s1, $0x9C0;
	v2 =	vld [tilespmem:s0+$0x8E00];
	_ =	sdelay $0x2  }
.Ltmp5:
0x74: {  	(pc) =	sbr.rel @p0 .LBB2_12-.Ltmp5, $4  }
0x75: {  	_ = 	snop  }
0x76: {  	v2 =	vadd.f32 v1, v2  }
0x77: {  	s2 =	sshra.s32 s1, $0x2  }
0x78: {  	s1 =	sadd.s32 $0x40, s1;
	v1 =	vld [tilespmem:s2+$0x9080];
	[tilespmem:s0+$0x8E00] =	vst v2;
	s0 =	smov.u32 s2  }
0x79: {  	v2 =	vld [tilespmem:s0+$0x8E00];
	_ =	sdelay $0x4  }
0x7a: {  	v1 =	vadd.f32 v1, v2;
	_ =	sdelay $0x1  }
0x7b: {  	[tilespmem:s0+$0x8E00] =	vst v1  }
0x7c: {  	[tilespmem:s29], [sflag:$0x1] =	stream.strided.gather [spmem:s10], $0x280, s26, s25, $0x38;
	[tilespmem:$0xBB00] =	vst v63  }
0x7d: {  	_ =	swait.ge [sflag:s23], $0x280  }
0x7e: {  	[sflag:s23] =	ssyncset.done $0x0  }
0x7f: {  	s0 =	simm.s32 $0x0;
	[sflag:s23] =	ssyncadd.s32 $0xFFFFFD80  }
0x80: {  	s1 =	simm.s32 $0x40;
	v1 =	vld [tilespmem:s0+$0x9080]  }
.LBB2_14:
0x81: {  	p0 =	sne.s32 s1, $0x9C0;
	v2 =	vld [tilespmem:s0+$0x8E00];
	_ =	sdelay $0x2  }
.Ltmp6:
0x82: {  	(pc) =	sbr.rel @p0 .LBB2_14-.Ltmp6, $4  }
0x83: {  	_ = 	snop  }
0x84: {  	v2 =	vadd.f32 v1, v2  }
0x85: {  	s2 =	sshra.s32 s1, $0x2  }
0x86: {  	s1 =	sadd.s32 $0x40, s1;
	v1 =	vld [tilespmem:s2+$0x9080];
	[tilespmem:s0+$0x8E00] =	vst v2;
	s0 =	smov.u32 s2  }
0x87: {  	v2 =	vld [tilespmem:s0+$0x8E00];
	_ =	sdelay $0x4  }
0x88: {  	v1 =	vadd.f32 v1, v2;
	_ =	sdelay $0x1  }
0x89: {  	[tilespmem:s0+$0x8E00] =	vst v1  }
0x8a: {  	[tilespmem:s29], [sflag:$0x1] =	stream.strided.gather [spmem:s11], $0x280, s26, s25, $0x38;
	[tilespmem:$0xBB00] =	vst v63  }
0x8b: {  	_ =	swait.ge [sflag:s23], $0x280  }
0x8c: {  	[sflag:s23] =	ssyncset.done $0x0  }
0x8d: {  	s0 =	simm.s32 $0x0;
	[sflag:s23] =	ssyncadd.s32 $0xFFFFFD80  }
0x8e: {  	s1 =	simm.s32 $0x40;
	v1 =	vld [tilespmem:s0+$0x9080]  }
.LBB2_16:
0x8f: {  	p0 =	sne.s32 s1, $0x9C0;
	v2 =	vld [tilespmem:s0+$0x8E00];
	_ =	sdelay $0x2  }
.Ltmp7:
0x90: {  	(pc) =	sbr.rel @p0 .LBB2_16-.Ltmp7, $4  }
0x91: {  	_ = 	snop  }
0x92: {  	v2 =	vadd.f32 v1, v2  }
0x93: {  	s2 =	sshra.s32 s1, $0x2  }
0x94: {  	s1 =	sadd.s32 $0x40, s1;
	v1 =	vld [tilespmem:s2+$0x9080];
	[tilespmem:s0+$0x8E00] =	vst v2;
	s0 =	smov.u32 s2  }
0x95: {  	v2 =	vld [tilespmem:s0+$0x8E00];
	_ =	sdelay $0x4  }
0x96: {  	v1 =	vadd.f32 v1, v2;
	_ =	sdelay $0x1  }
0x97: {  	[tilespmem:s0+$0x8E00] =	vst v1  }
0x98: {  	[tilespmem:s29], [sflag:$0x1] =	stream.strided.gather [spmem:s12], $0x280, s26, s25, $0x38;
	[tilespmem:$0xBB00] =	vst v63  }
0x99: {  	_ =	swait.ge [sflag:s23], $0x280  }
0x9a: {  	[sflag:s23] =	ssyncset.done $0x0  }
0x9b: {  	s0 =	simm.s32 $0x0;
	[sflag:s23] =	ssyncadd.s32 $0xFFFFFD80  }
0x9c: {  	s1 =	simm.s32 $0x40;
	v1 =	vld [tilespmem:s0+$0x9080]  }
.LBB2_18:
0x9d: {  	p0 =	sne.s32 s1, $0x9C0;
	v2 =	vld [tilespmem:s0+$0x8E00];
	_ =	sdelay $0x2  }
.Ltmp8:
0x9e: {  	(pc) =	sbr.rel @p0 .LBB2_18-.Ltmp8, $4  }
0x9f: {  	_ = 	snop  }
0xa0: {  	v2 =	vadd.f32 v1, v2  }
0xa1: {  	s2 =	sshra.s32 s1, $0x2  }
0xa2: {  	s1 =	sadd.s32 $0x40, s1;
	v1 =	vld [tilespmem:s2+$0x9080];
	[tilespmem:s0+$0x8E00] =	vst v2;
	s0 =	smov.u32 s2  }
0xa3: {  	v2 =	vld [tilespmem:s0+$0x8E00];
	_ =	sdelay $0x4  }
0xa4: {  	v1 =	vadd.f32 v1, v2;
	_ =	sdelay $0x1  }
0xa5: {  	[tilespmem:s0+$0x8E00] =	vst v1  }
0xa6: {  	[tilespmem:s29], [sflag:$0x1] =	stream.strided.gather [spmem:s13], $0x280, s26, s25, $0x38;
	[tilespmem:$0xBB00] =	vst v63  }
0xa7: {  	_ =	swait.ge [sflag:s23], $0x280  }
0xa8: {  	[sflag:s23] =	ssyncset.done $0x0  }
0xa9: {  	s0 =	simm.s32 $0x0;
	[sflag:s23] =	ssyncadd.s32 $0xFFFFFD80  }
0xaa: {  	s1 =	simm.s32 $0x40;
	v1 =	vld [tilespmem:s0+$0x9080]  }
.LBB2_20:
0xab: {  	p0 =	sne.s32 s1, $0x9C0;
	v2 =	vld [tilespmem:s0+$0x8E00];
	_ =	sdelay $0x2  }
.Ltmp9:
0xac: {  	(pc) =	sbr.rel @p0 .LBB2_20-.Ltmp9, $4  }
0xad: {  	_ = 	snop  }
0xae: {  	v2 =	vadd.f32 v1, v2  }
0xaf: {  	s2 =	sshra.s32 s1, $0x2  }
0xb0: {  	s1 =	sadd.s32 $0x40, s1;
	v1 =	vld [tilespmem:s2+$0x9080];
	[tilespmem:s0+$0x8E00] =	vst v2;
	s0 =	smov.u32 s2  }
0xb1: {  	v2 =	vld [tilespmem:s0+$0x8E00];
	_ =	sdelay $0x4  }
0xb2: {  	v1 =	vadd.f32 v1, v2;
	_ =	sdelay $0x1  }
0xb3: {  	[tilespmem:s0+$0x8E00] =	vst v1  }
0xb4: {  	[tilespmem:s29], [sflag:$0x1] =	stream.strided.gather [spmem:s14], $0x280, s26, s25, $0x38;
	[tilespmem:$0xBB00] =	vst v63  }
0xb5: {  	_ =	swait.ge [sflag:s23], $0x280  }
0xb6: {  	[sflag:s23] =	ssyncset.done $0x0  }
0xb7: {  	s0 =	simm.s32 $0x0;
	[sflag:s23] =	ssyncadd.s32 $0xFFFFFD80  }
0xb8: {  	s1 =	simm.s32 $0x40;
	v1 =	vld [tilespmem:s0+$0x9080]  }
.LBB2_22:
0xb9: {  	p0 =	sne.s32 s1, $0x9C0;
	v2 =	vld [tilespmem:s0+$0x8E00];
	_ =	sdelay $0x2  }
.Ltmp10:
0xba: {  	(pc) =	sbr.rel @p0 .LBB2_22-.Ltmp10, $4  }
0xbb: {  	_ = 	snop  }
0xbc: {  	v2 =	vadd.f32 v1, v2  }
0xbd: {  	s2 =	sshra.s32 s1, $0x2  }
0xbe: {  	s1 =	sadd.s32 $0x40, s1;
	v1 =	vld [tilespmem:s2+$0x9080];
	[tilespmem:s0+$0x8E00] =	vst v2;
	s0 =	smov.u32 s2  }
0xbf: {  	v2 =	vld [tilespmem:s0+$0x8E00];
	_ =	sdelay $0x4  }
0xc0: {  	v1 =	vadd.f32 v1, v2;
	_ =	sdelay $0x1  }
0xc1: {  	[tilespmem:s0+$0x8E00] =	vst v1  }
0xc2: {  	[tilespmem:s29], [sflag:$0x1] =	stream.strided.gather [spmem:s15], $0x280, s26, s25, $0x38;
	[tilespmem:$0xBB00] =	vst v63  }
0xc3: {  	_ =	swait.ge [sflag:s23], $0x280  }
0xc4: {  	[sflag:s23] =	ssyncset.done $0x0  }
0xc5: {  	s0 =	simm.s32 $0x0;
	[sflag:s23] =	ssyncadd.s32 $0xFFFFFD80  }
0xc6: {  	s1 =	simm.s32 $0x40;
	v1 =	vld [tilespmem:s0+$0x9080]  }
.LBB2_24:
0xc7: {  	p0 =	sne.s32 s1, $0x9C0;
	v2 =	vld [tilespmem:s0+$0x8E00];
	_ =	sdelay $0x2  }
.Ltmp11:
0xc8: {  	(pc) =	sbr.rel @p0 .LBB2_24-.Ltmp11, $4  }
0xc9: {  	_ = 	snop  }
0xca: {  	v2 =	vadd.f32 v1, v2  }
0xcb: {  	s2 =	sshra.s32 s1, $0x2  }
0xcc: {  	s1 =	sadd.s32 $0x40, s1;
	v1 =	vld [tilespmem:s2+$0x9080];
	[tilespmem:s0+$0x8E00] =	vst v2;
	s0 =	smov.u32 s2  }
0xcd: {  	v2 =	vld [tilespmem:s0+$0x8E00];
	_ =	sdelay $0x4  }
0xce: {  	v1 =	vadd.f32 v1, v2;
	_ =	sdelay $0x1  }
0xcf: {  	[tilespmem:s0+$0x8E00] =	vst v1  }
0xd0: {  	[tilespmem:s29], [sflag:$0x1] =	stream.strided.gather [spmem:s16], $0x280, s26, s25, $0x38;
	[tilespmem:$0xBB00] =	vst v63  }
0xd1: {  	_ =	swait.ge [sflag:s23], $0x280  }
0xd2: {  	[sflag:s23] =	ssyncset.done $0x0  }
0xd3: {  	s0 =	simm.s32 $0x0;
	[sflag:s23] =	ssyncadd.s32 $0xFFFFFD80  }
0xd4: {  	s1 =	simm.s32 $0x40;
	v1 =	vld [tilespmem:s0+$0x9080]  }
.LBB2_26:
0xd5: {  	p0 =	sne.s32 s1, $0x9C0;
	v2 =	vld [tilespmem:s0+$0x8E00];
	_ =	sdelay $0x2  }
.Ltmp12:
0xd6: {  	(pc) =	sbr.rel @p0 .LBB2_26-.Ltmp12, $4  }
0xd7: {  	_ = 	snop  }
0xd8: {  	v2 =	vadd.f32 v1, v2  }
0xd9: {  	s2 =	sshra.s32 s1, $0x2  }
0xda: {  	s1 =	sadd.s32 $0x40, s1;
	v1 =	vld [tilespmem:s2+$0x9080];
	[tilespmem:s0+$0x8E00] =	vst v2;
	s0 =	smov.u32 s2  }
0xdb: {  	v2 =	vld [tilespmem:s0+$0x8E00];
	_ =	sdelay $0x4  }
0xdc: {  	v1 =	vadd.f32 v1, v2;
	_ =	sdelay $0x1  }
0xdd: {  	[tilespmem:s0+$0x8E00] =	vst v1  }
0xde: {  	[tilespmem:s29], [sflag:$0x1] =	stream.strided.gather [spmem:s17], $0x280, s26, s25, $0x38;
	[tilespmem:$0xBB00] =	vst v63  }
0xdf: {  	_ =	swait.ge [sflag:s23], $0x280  }
0xe0: {  	[sflag:s23] =	ssyncset.done $0x0  }
0xe1: {  	s0 =	simm.s32 $0x0;
	[sflag:s23] =	ssyncadd.s32 $0xFFFFFD80  }
0xe2: {  	s1 =	simm.s32 $0x40;
	v1 =	vld [tilespmem:s0+$0x9080]  }
.LBB2_28:
0xe3: {  	p0 =	sne.s32 s1, $0x9C0;
	v2 =	vld [tilespmem:s0+$0x8E00];
	_ =	sdelay $0x2  }
.Ltmp13:
0xe4: {  	(pc) =	sbr.rel @p0 .LBB2_28-.Ltmp13, $4  }
0xe5: {  	_ = 	snop  }
0xe6: {  	v2 =	vadd.f32 v1, v2  }
0xe7: {  	s2 =	sshra.s32 s1, $0x2  }
0xe8: {  	s1 =	sadd.s32 $0x40, s1;
	v1 =	vld [tilespmem:s2+$0x9080];
	[tilespmem:s0+$0x8E00] =	vst v2;
	s0 =	smov.u32 s2  }
0xe9: {  	v2 =	vld [tilespmem:s0+$0x8E00];
	_ =	sdelay $0x4  }
0xea: {  	v1 =	vadd.f32 v1, v2;
	_ =	sdelay $0x1  }
0xeb: {  	[tilespmem:s0+$0x8E00] =	vst v1  }
0xec: {  	[tilespmem:s29], [sflag:$0x1] =	stream.strided.gather [spmem:s18], $0x280, s26, s25, $0x38;
	[tilespmem:$0xBB00] =	vst v63  }
0xed: {  	_ =	swait.ge [sflag:s23], $0x280  }
0xee: {  	[sflag:s23] =	ssyncset.done $0x0  }
0xef: {  	s0 =	simm.s32 $0x0;
	[sflag:s23] =	ssyncadd.s32 $0xFFFFFD80  }
0xf0: {  	s1 =	simm.s32 $0x40;
	v1 =	vld [tilespmem:s0+$0x9080]  }
.LBB2_30:
0xf1: {  	p0 =	sne.s32 s1, $0x9C0;
	v2 =	vld [tilespmem:s0+$0x8E00];
	_ =	sdelay $0x2  }
.Ltmp14:
0xf2: {  	(pc) =	sbr.rel @p0 .LBB2_30-.Ltmp14, $4  }
0xf3: {  	_ = 	snop  }
0xf4: {  	v2 =	vadd.f32 v1, v2  }
0xf5: {  	s2 =	sshra.s32 s1, $0x2  }
0xf6: {  	s1 =	sadd.s32 $0x40, s1;
	v1 =	vld [tilespmem:s2+$0x9080];
	[tilespmem:s0+$0x8E00] =	vst v2;
	s0 =	smov.u32 s2  }
0xf7: {  	v2 =	vld [tilespmem:s0+$0x8E00];
	_ =	sdelay $0x4  }
0xf8: {  	v1 =	vadd.f32 v1, v2;
	_ =	sdelay $0x1  }
0xf9: {  	[tilespmem:s0+$0x8E00] =	vst v1  }
0xfa: {  	[tilespmem:s29], [sflag:$0x1] =	stream.strided.gather [spmem:s19], $0x280, s26, s25, $0x38;
	[tilespmem:$0xBB00] =	vst v63  }
0xfb: {  	_ =	swait.ge [sflag:s23], $0x280  }
0xfc: {  	[sflag:s23] =	ssyncset.done $0x0  }
0xfd: {  	s0 =	simm.s32 $0x0;
	[sflag:s23] =	ssyncadd.s32 $0xFFFFFD80  }
0xfe: {  	s1 =	simm.s32 $0x40;
	v1 =	vld [tilespmem:s0+$0x9080]  }
.LBB2_32:
0xff: {  	p0 =	sne.s32 s1, $0x9C0;
	v2 =	vld [tilespmem:s0+$0x8E00];
	_ =	sdelay $0x2  }
.Ltmp15:
0x100: {  	(pc) =	sbr.rel @p0 .LBB2_32-.Ltmp15, $4  }
0x101: {  	_ = 	snop  }
0x102: {  	v2 =	vadd.f32 v1, v2  }
0x103: {  	s2 =	sshra.s32 s1, $0x2  }
0x104: {  	s1 =	sadd.s32 $0x40, s1;
	v1 =	vld [tilespmem:s2+$0x9080];
	[tilespmem:s0+$0x8E00] =	vst v2;
	s0 =	smov.u32 s2  }
0x105: {  	v2 =	vld [tilespmem:s0+$0x8E00];
	_ =	sdelay $0x4  }
0x106: {  	v1 =	vadd.f32 v1, v2;
	_ =	sdelay $0x1  }
0x107: {  	[tilespmem:s0+$0x8E00] =	vst v1  }
0x108: {  	[tilespmem:s29], [sflag:$0x1] =	stream.strided.gather [spmem:s20], $0x280, s26, s25, $0x38;
	[tilespmem:$0xBB00] =	vst v63  }
0x109: {  	_ =	swait.ge [sflag:s23], $0x280  }
0x10a: {  	[sflag:s23] =	ssyncset.done $0x0  }
0x10b: {  	s0 =	simm.s32 $0x0;
	[sflag:s23] =	ssyncadd.s32 $0xFFFFFD80  }
0x10c: {  	s1 =	simm.s32 $0x40;
	v1 =	vld [tilespmem:s0+$0x9080]  }
.LBB2_34:
0x10d: {  	p0 =	sne.s32 s1, $0x9C0;
	v2 =	vld [tilespmem:s0+$0x8E00];
	_ =	sdelay $0x2  }
.Ltmp16:
0x10e: {  	(pc) =	sbr.rel @p0 .LBB2_34-.Ltmp16, $4  }
0x10f: {  	_ = 	snop  }
0x110: {  	v2 =	vadd.f32 v1, v2  }
0x111: {  	s2 =	sshra.s32 s1, $0x2  }
0x112: {  	s1 =	sadd.s32 $0x40, s1;
	v1 =	vld [tilespmem:s2+$0x9080];
	[tilespmem:s0+$0x8E00] =	vst v2;
	s0 =	smov.u32 s2  }
0x113: {  	v2 =	vld [tilespmem:s0+$0x8E00];
	_ =	sdelay $0x4  }
0x114: {  	s31 =	sadd.s32 $0x1, s31;
	v1 =	vadd.f32 v1, v2  }
0x115: {  	p0 =	sne.s32 s31, s22  }
.Ltmp17:
0x116: {  	[tilespmem:s0+$0x8E00] =	vst v1;
	(pc) =	sbr.rel @p0 .LBB2_1-.Ltmp17, $4  }
0x117: {  	[hbm4b:s21+s25] =	stream.strided.scatter [tilespmem:s28], [sflag:$0x1], $0x280, s30, s25, $0x38;
	[tilespmem:$0xBB00] =	vst v63  }
0x118: {  	_ =	swait.ge [sflag:s23], $0x280  }
0x119: {  	[sflag:s23] =	ssyncset.done $0x0  }
0x11a: {  	[sflag:s23] =	ssyncadd.s32 $0xFFFFFD80  }
0x11b: {  	_ =	sfence.sel $0x180000  }
0x11c: {  	[bflag:$0x0] =	sbarrier.arrive $0xFFFF  }
0x11d: {  	_ =	strace $0x90000047  }
0x11e: {  	s0 =	stileid.u32;
	[bflag:$0x2] =	sbarrier.arrive $0xFFFF  }
0x11f: {  	p0 =	sne.s32 s0, $0x0;
	s0 =	rddreg [dreg:$0x2]  }
0x120: {  	s0 =	sadd.s32 @!p0 $0x100000, s0  }
0x121: {  	[sflag:s0] =	ssyncadd.tile.s32 @!p0 $0x1;
	_ =	shalt  }
.Lfunc_end2:
_tile_overlayer_lowered:
.L_overlay_start_2:
0x122: {  	(tag) =	ssettag $0x2  }
0x123: {  	s0 =	rddreg [dreg:$0x0];
	s2 =	stileid.u32  }
0x124: {  	s1 =	rddreg [dreg:$0x1];
	p0 =	sne.s32 s2, $0x0  }
0x125: {  	s3 =	rddreg [dreg:$0x2];
	[bflag:$0x3] =	sbarrier.arrive $0xFFFF;
	s2 =	simm.s32 @!p0 $0x1C01  }
0x126: {  	[timem:s3], [sflag:s2] =	dma.local @!p0 [hbm:s0], s1  }
0x127: {  	s0 =	simm.s32 @!p0 $0x1  }
0x128: {  	_ =	swait.ge @!p0 [sflag:s0], s1  }
0x129: {  	s1 =	ssub.s32 @!p0 $0x0, s1;
	[sflag:s0] =	ssyncset.done @!p0 $0x0  }
0x12a: {  	[sflag:s0] =	ssyncadd.s32 @!p0 s1  }
0x12b: {  	[bflag:$0x3] =	sbarrier.arrive $0xFFFF  }
0x12c: {  	_ =	shalt  }

// kernel: kernel.13.cloned.1.call-start
scs
__scs_entry_jumppad:
0x0: {  	(pc) =	sbr.rel $0x88, $3  }
0x1: {  	(tag) =	ssettag $0x0;
	lr =	simm.s32 $0x1  }
0x2: {  	[smem:$0x3F96] =	sst lr;
	_ =	strace $0xD0000000  }
0x3: {  	_ = 	snop  }
0x4: {  	_ = 	snop  }
0x5: {  	_ = 	snop  }
0x6: {  	_ = 	snop  }
0x7: {  	_ = 	snop  }
__scs_overlays_trampoline_lowered:
0x8: {  	[smem:$0x3FA5] =	sst s0  }
0x9: {  	[smem:$0x3FA6] =	sst s1  }
0xa: {  	[smem:$0x3FA7] =	sst s2  }
0xb: {  	[smem:$0x3FA8] =	sst s3  }
0xc: {  	[smem:$0x3FA9] =	sst s4  }
0xd: {  	[smem:$0x3FAA] =	sst s5  }
0xe: {  	[smem:$0x3FAB] =	sst s6  }
0xf: {  	[smem:$0x3FAC] =	sst s7  }
0x10: {  	[smem:$0x3FAD] =	sst s8  }
0x11: {  	[smem:$0x3FAE] =	sst s9;
	s0 =	simm.s32 @!p0 $0x0  }
0x12: {  	s1 =	sld [smem:$0x3F94];
	s0 =	simm.s32 @p0 $0x1  }
0x13: {  	[smem:$0x3FAF] =	sst s0;
	s0 =	simm.s32 @!p1 $0x0  }
0x14: {  	s2 =	sld [smem:$0x3F93];
	s0 =	simm.s32 @p1 $0x1  }
0x15: {  	[smem:$0x3FB0] =	sst s0;
	s0 =	simm.s32 @!p2 $0x0  }
0x16: {  	s3 =	sld [smem:$0x3FDB];
	s0 =	simm.s32 @p2 $0x1  }
0x17: {  	s4 =	simm.s32 $0x1BF5;
	[smem:$0x3FB2] =	sst s0  }
0x18: {  	s0 =	sld [smem:$0x3F95];
	_ =	swait.ge [sflag:s4], $0x0  }
0x19: {  	s7 =	sld [smem:$0x3F96]  }
0x1a: {  	s8 =	sadd.s32 $0xFFFFE003, lr  }
0x1b: {  	s9 =	sadd.s32 $0xFFFFFEF7, lr;
	s5 =	simm.s32 $0xFFFFFFFF;
	p2 =	slt.u32 s8, $0xFFFFF086  }
0x1c: {  	p1 =	slt.u32 s9, $0xF7A;
	s5 =	simm.s32 @!p2 $0x0  }
0x1d: {  	s5 =	simm.s32 @p1 $0x1;
	p0 =	seq.s32 s7, s2  }
0x1e: {  	s7 =	smul.u32 @!p0 $0xF7A, s2;
	p2 =	seq.s32 @!p0 s5, $0x0  }
0x1f: {  	s9 =	smul.u32 $0xF7A, s1;
	s8 =	simm.s32 @!p0 $0x1BF5;
	p2 =	por !p2, p0  }
0x20: {  	[sflag:s8] =	ssyncset.s32 @!p0 $0xFFFFF086;
	s6 =	sadd.s32 @!p0 s3, s7;
	s7 =	simm.s32 @!p0 $0x108  }
0x21: {  	s3 =	sadd.s32 s3, s9;
	s6 =	sadd.s32 @!p0 $0x88, s6;
	s7 =	simm.s32 @p2 $0x1082  }
0x22: {  	[simem:s7], [sflag:s8] =	dma.local @!p0 [hbm:s6], $0xF7A  }
0x23: {  	s9 =	sor.u32 $0xD0000000, s2;
	s6 =	simm.s32 $0x108;
	_ =	swait.ge @!p0 [sflag:s8], $0x0  }
0x24: {  	s3 =	sadd.s32 $0x88, s3;
	s6 =	simm.s32 @!p1 $0x1082;
	[sflag:s4] =	ssyncset.s32 $0xFFFFF086  }
0x25: {  	[simem:s6], [sflag:s4] =	dma.local [hbm:s3], $0xF7A  }
0x26: {  	[smem:$0x3F96] =	sst s1;
	(tag) =	ssettag s2;
	_ =	strace s9  }
0x27: {  	s1 =	sld [smem:$0x3FA6]  }
0x28: {  	s2 =	sld [smem:$0x3FA7]  }
0x29: {  	s4 =	sld [smem:$0x3FA9]  }
0x2a: {  	p0 =	seq.s32 s5, $0x0;
	s5 =	sld [smem:$0x3FAA]  }
0x2b: {  	s6 =	sld [smem:$0x3FAB]  }
0x2c: {  	s7 =	sld [smem:$0x3FAC]  }
0x2d: {  	s3 =	simm.s32 $0x108;
	s8 =	sld [smem:$0x3FAD]  }
0x2e: {  	s3 =	simm.s32 @!p0 $0x1082;
	s9 =	sld [smem:$0x3FAE]  }
0x2f: {  	lr =	sadd.s32 s0, s3;
	s0 =	sld [smem:$0x3FA5]  }
0x30: {  	s3 =	sld [smem:$0x3FA8]  }
0x31: {  	[smem:$0x3FB1] =	sst s10  }
0x32: {  	s10 =	sld [smem:$0x3FAF];
	_ =	sdelay $0x3  }
0x33: {  	p0 =	seq.s32 s10, $0x1;
	s10 =	sld [smem:$0x3FB1];
	_ =	sdelay $0x3  }
0x34: {  	[smem:$0x3FB1] =	sst s10  }
0x35: {  	s10 =	sld [smem:$0x3FB0];
	_ =	sdelay $0x3  }
0x36: {  	p1 =	seq.s32 s10, $0x1;
	s10 =	sld [smem:$0x3FB1];
	_ =	sdelay $0x3  }
0x37: {  	[smem:$0x3FB1] =	sst s10  }
0x38: {  	s10 =	sld [smem:$0x3FB2]  }
0x39: {  	_ = 	snop;
	(pc) =	sbr.ind lr, $3  }
0x3a: {  	_ = 	snop  }
0x3b: {  	_ = 	snop  }
0x3c: {  	p2 =	seq.s32 s10, $0x1;
	s10 =	sld [smem:$0x3FB1]  }
0x3d: {  	_ =	shalt  }
0x3e: {  	_ =	shalt  }
0x3f: {  	_ =	shalt  }
0x40: {  	_ =	shalt  }
0x41: {  	_ =	shalt  }
0x42: {  	_ =	shalt  }
0x43: {  	_ =	shalt  }
0x44: {  	_ =	shalt  }
0x45: {  	_ =	shalt  }
0x46: {  	_ =	shalt  }
0x47: {  	_ =	shalt  }
0x48: {  	_ =	shalt  }
0x49: {  	_ =	shalt  }
0x4a: {  	_ =	shalt  }
0x4b: {  	_ =	shalt  }
0x4c: {  	_ =	shalt  }
0x4d: {  	_ =	shalt  }
0x4e: {  	_ =	shalt  }
0x4f: {  	_ =	shalt  }
0x50: {  	_ =	shalt  }
0x51: {  	_ =	shalt  }
0x52: {  	_ =	shalt  }
0x53: {  	_ =	shalt  }
0x54: {  	_ =	shalt  }
0x55: {  	_ =	shalt  }
0x56: {  	_ =	shalt  }
0x57: {  	_ =	shalt  }
0x58: {  	_ =	shalt  }
0x59: {  	_ =	shalt  }
0x5a: {  	_ =	shalt  }
0x5b: {  	_ =	shalt  }
0x5c: {  	_ =	shalt  }
0x5d: {  	_ =	shalt  }
0x5e: {  	_ =	shalt  }
0x5f: {  	_ =	shalt  }
0x60: {  	_ =	shalt  }
0x61: {  	_ =	shalt  }
0x62: {  	_ =	shalt  }
0x63: {  	_ =	shalt  }
0x64: {  	_ =	shalt  }
0x65: {  	_ =	shalt  }
0x66: {  	_ =	shalt  }
0x67: {  	_ =	shalt  }
0x68: {  	_ =	shalt  }
0x69: {  	_ =	shalt  }
0x6a: {  	_ =	shalt  }
0x6b: {  	_ =	shalt  }
0x6c: {  	_ =	shalt  }
0x6d: {  	_ =	shalt  }
0x6e: {  	_ =	shalt  }
0x6f: {  	_ =	shalt  }
0x70: {  	_ =	shalt  }
0x71: {  	_ =	shalt  }
0x72: {  	_ =	shalt  }
0x73: {  	_ =	shalt  }
0x74: {  	_ =	shalt  }
0x75: {  	_ =	shalt  }
0x76: {  	_ =	shalt  }
0x77: {  	_ =	shalt  }
0x78: {  	_ =	shalt  }
0x79: {  	_ =	shalt  }
0x7a: {  	_ =	shalt  }
0x7b: {  	_ =	shalt  }
0x7c: {  	_ =	shalt  }
0x7d: {  	_ =	shalt  }
0x7e: {  	_ =	shalt  }
0x7f: {  	_ =	shalt  }
0x80: {  	_ =	shalt  }
0x81: {  	_ =	shalt  }
0x82: {  	_ =	shalt  }
0x83: {  	_ =	shalt  }
0x84: {  	_ =	shalt  }
0x85: {  	_ =	shalt  }
0x86: {  	_ =	shalt  }
0x87: {  	_ =	shalt  }
.Lfunc_end0:
.L_simem_size_0:
called_computation.1_lowered:
.L_overlay_start_0:
0x88: {  	s2 =	sld [smem:$0x3FD9]  }
0x89: {  	s3 =	sld [smem:$0x3FFE];
	_ =	sdelay $0x1  }
0x8a: {  	s1 =	srdreg.scid  }
0x8b: {  	s0 =	sand.u32 $0x1, s1  }
0x8c: {  	s17 =	sshll.u32 s0, $0xA;
	s2 =	sadd.s32 s3, s2  }
0x8d: {  	s2 =	sadd.s32 s2, s17  }
0x8e: {  	[smem:$0x3FBD] =	sst s2  }
0x8f: {  	_ = 	snop  }
0x90: {  	s2 =	sld [smem:$0x3FD0];
	(tm) =	ssettm $0x1  }
0x91: {  	s18 =	sld [smem:$0x3FFB];
	_ =	sdelay $0x3  }
0x92: {  	_ =	strace s18  }
0x93: {  	s3 =	sld [smem:$0x3FFC];
	_ =	sdelay $0x3  }
0x94: {  	_ =	strace s3  }
0x95: {  	s3 =	sld [smem:$0x3FFD];
	_ =	sdelay $0x3  }
0x96: {  	_ =	strace s3  }
0x97: {  	_ =	strace $0x8FFFFFFF  }
0x98: {  	s19 =	sld [smem:$0x3FDB];
	_ =	sdelay $0x1  }
0x99: {  	s4 =	simm.s32 $_scs_section_size  }
0x9a: {  	s5 =	simm.s32 $_size__tile_overlayer_lowered;
	s6 =	simm.s32 $_tile_overlayer_lowered  }
0x9b: {  	s22 =	simm.s32 $0x1BFF;
	s21 =	sshll.u32 s6, $0x1;
	s3 =	sadd.s32 s4, s19  }
0x9c: {  	s7 =	simm.s32 $0x0;
	s20 =	sshll.u32 s5, $0x1;
	s5 =	sadd.s32 s21, s3  }
0x9d: {  	[timem:s7], [sflag:s22] =	dma.local [hbm:s5], s20  }
0x9e: {  	_ =	swait.ge [sflag:s22], s20  }
0x9f: {  	s4 =	ssub.s32 $0x0, s20;
	[sflag:s22] =	ssyncset.done $0x0  }
0xa0: {  	[sflag:s22] =	ssyncadd.s32 s4;
	_ =	sdelay $0x1  }
0xa1: {  	s23 =	simm.s32 $0x1B8B  }
0xa2: {  	_ =	swait.ge [sflag:s23], $0x1  }
0xa3: {  	[sflag:s23] =	ssyncset.done $0x0  }
0xa4: {  	s25 =	simm.s32 $0x1B8E;
	s24 =	sld [smem:$0x3FFE];
	[sflag:s23] =	ssyncadd.s32 $0xFFFFFFFF  }
0xa5: {  	s26 =	simm.s32 $execute0_lowered;
	[smem:$0x3FD2] =	sst s25  }
0xa6: {  	s5 =	sshll.u32 s26, $0x1;
	_ =	strace $0x80000049;
	[dreg:$0x1] =	wrdreg $0xFFFFFFFF  }
0xa7: {  	s28 =	simm.s32 $_size_execute0_lowered;
	s3 =	sadd.s32 s3, s5;
	[dreg:$0x0] =	wrdreg $0x0  }
0xa8: {  	s5 =	sshll.u32 s28, $0x1;
	[dreg:$0x2] =	wrdreg s3  }
0xa9: {  	[dreg:$0x3] =	wrdreg s5  }
0xaa: {  	[dreg:$0x4] =	wrdreg $0xC0  }
0xab: {  	_ =	task [dreg:s7], $0x5FFFF  }
0xac: {  	[dreg:$0x1] =	wrdreg $0xFFFFFFFF  }
0xad: {  	[dreg:$0x0] =	wrdreg $0x60  }
0xae: {  	[dreg:$0x2] =	wrdreg s24  }
0xaf: {  	[dreg:$0x3] =	wrdreg s2  }
0xb0: {  	[dreg:$0x4] =	wrdreg $0xA9000  }
0xb1: {  	[dreg:$0x5] =	wrdreg $0x9  }
0xb2: {  	_ =	task.clear_ibuf [dreg:s7], $0x6FFFF;
	_ =	strace $0x90000049  }
0xb3: {  	s29 =	simm.s32 $0x9;
	_ =	strace $0x8000004B  }
0xb4: {  	_ =	swait.ge [sflag:s29], $0x1  }
0xb5: {  	[sflag:s29] =	ssyncadd.s32 $0xFFFFFFFF  }
0xb6: {  	_ =	strace $0x9000004B  }
0xb7: {  	_ =	sfence  }
0xb8: {  	s30 =	sld [smem:$0x0];
	_ =	sdelay $0x2  }
0xb9: {  	s31 =	sshll.u32 s1, $0xD;
	s1 =	sshrl.u32 s1, $0x2  }
0xba: {  	s3 =	sand.u32 $0x4000, s31;
	s1 =	sadd.s32 s1, s30  }
0xbb: {  	s0 =	sor.u32 s3, s0;
	s1 =	sshll.u32 s1, $0x11  }
0xbc: {  	s0 =	sor.u32 s1, s0  }
0xbd: {  	s0 =	sadd.s32 $0x8F2B, s0  }
0xbe: {  	[sflag:s0] =	ssyncadd.remote.s32 $0x1  }
0xbf: {  	_ =	sfence.sel $0xFFFF  }
0xc0: {  	[dreg:$0x0] =	wrdreg $0xFFFFFFFF;
	(pc) =	sbr.abs _section_cstart, $3  }
0xc1: {  	[dreg:$0x1] =	wrdreg $0xFFFFFFFF  }
0xc2: {  	_ =	task.clear_ibuf [dreg:s7], $0x2FFFF;
	_ =	strace $0x9FFFFFFF  }
0xc3: {  	(tm) =	ssettm $0x7FFFFFFF  }
tec
execute0_lowered:
.L_overlay_start_1:
0x0: {  	(tag) =	ssettag $0x1  }
0x1: {  	s0 =	srdreg.scid;
	s1 =	rddreg [dreg:$0x0]  }
0x2: {  	s13 =	stileid.u32;
	s7 =	rddreg [dreg:$0x1];
	s4 =	simm.s32 $0x0  }
0x3: {  	s15 =	simm.s32 $0x66;
	s28 =	simm.s32 $0x80;
	s29 =	simm.s32 $0x1  }
0x4: {  	s30 =	simm.s32 $0x2;
	s31 =	simm.s32 $0x3;
	s0 =	sand.u32 $0x1, s0  }
0x5: {  	[smem:$0x7FF] =	sst s4;
	s5 =	sadd.s32 $0x37C00, s1;
	s11 =	smul.u32 $0x50000, s13  }
0x6: {  	s6 =	sadd.s32 $0x2AC00, s1;
	s16 =	smul.u32 $0x14000, s13;
	s2 =	sshll.u32 s0, $0x4  }
0x7: {  	s10 =	ssub.s32 $0x2, s0;
	s19 =	smul.u32 $0x140000, s0;
	p0 =	seq.s32 s0, $0x0  }
0x8: {  	s3 =	sor.u32 s13, s2;
	s2 =	rddreg [dreg:$0x2];
	_ =	strace $0x8000004A  }
0x9: {  	s12 =	sshrl.u32 s10, $0x1;
	s23 =	sshrl.u32 s11, $0x2;
	s24 =	sadd.s32 $0x4000, s16  }
0xa: {  	s25 =	sadd.s32 $0x8000, s16;
	s26 =	sadd.s32 $0xC000, s16;
	s18 =	sadd.s32 $0x10000, s16  }
0xb: {  	s15 =	simm.s32 @!p0 $0x38;
	s3 =	smul.u32 $0x3400, s3;
	s17 =	ssub.s32 s10, s12  }
0xc: {  	s10 =	sadd.s32 s23, s2;
	s11 =	sadd.s32 s24, s2;
	s12 =	sadd.s32 s25, s2  }
0xd: {  	s13 =	sadd.s32 s26, s2;
	s14 =	sadd.s32 s18, s2;
	s20 =	sadd.s32 s16, s19  }
0xe: {  	s16 =	sshrl.u32 s15, $0x1;
	s23 =	sadd.s32 s19, s26;
	s8 =	sshrl.u32 s3, $0x3  }
0xf: {  	s0 =	sshrl.u32 s20, $0x3;
	s9 =	sadd.s32 s8, s1;
	s1 =	sadd.s32 $0x5FC00, s1  }
0x10: {  	s7 =	sadd.s32 s7, s8;
	s22 =	sadd.s32 s6, s8;
	s8 =	sadd.s32 s19, s24  }
0x11: {  	s24 =	sadd.s32 s19, s18;
	s9 =	sadd.s32 $0x1DC00, s9;
	[dreg:$0x5] =	wrdreg s7  }
0x12: {  	[dreg:$0x6] =	wrdreg s22;
	s0 =	sadd.s32 s1, s0;
	s21 =	sshrl.u32 s8, $0x3  }
0x13: {  	s22 =	sadd.s32 s19, s25;
	s7 =	sshrl.u32 s23, $0x3;
	[dreg:$0x4] =	wrdreg s9  }
0x14: {  	s26 =	sshrl.u32 s24, $0x3;
	[dreg:$0x7] =	wrdreg s0;
	s0 =	sadd.s32 s1, s21  }
0x15: {  	s23 =	simm.s32 $0x4;
	s25 =	sadd.s32 s1, s7;
	[dreg:$0x8] =	wrdreg s0  }
0x16: {  	s24 =	simm.s32 $0x0;
	s0 =	sshrl.u32 s22, $0x3;
	[dreg:$0xa] =	wrdreg s25  }
0x17: {  	s22 =	smax.u32 s17, $0x1;
	s25 =	simm.s32 $0x6800;
	s0 =	sadd.s32 s1, s0  }
0x18: {  	[dreg:$0x9] =	wrdreg s0;
	s0 =	sadd.s32 s1, s26;
	s26 =	simm.s32 $0x6900  }
0x19: {  	v0 =	vimm.f32 $0.0e+00;
	s1 =	simm.s32 $0x6880;
	[dreg:$0xb] =	wrdreg s0;
	s0 =	simm.s32 $0x0  }
.LBB2_1:
0x1a: {  	s7 =	rddreg [dreg:$0x4]  }
0x1b: {  	[tilespmem:s4], [sflag:$0x4] =	stream.linear.gather [hbm4b:s7+s4], $0x3300, $0x38;
	[tilespmem:$0x1E900] =	vst v63  }
0x1c: {  	_ =	swait.ge [sflag:s23], $0x3300  }
0x1d: {  	[sflag:s23] =	ssyncset.done $0x0  }
0x1e: {  	s8 =	simm.s32 $0x3400;
	s20 =	rddreg [dreg:$0x5];
	[sflag:s23] =	ssyncadd.s32 $0xFFFFCD00  }
0x1f: {  	[tilespmem:s8], [sflag:$0x4] =	stream.linear.gather [hbm4b:s20+s4], $0x3300, $0x38;
	[tilespmem:$0x1E900] =	vst v63  }
0x20: {  	_ =	swait.ge [sflag:s23], $0x3300  }
0x21: {  	s7 =	simm.s32 $0x0;
	[sflag:s23] =	ssyncset.done $0x0  }
0x22: {  	s8 =	simm.s32 $0x200;
	s21 =	rddreg [dreg:$0x6];
	[sflag:s23] =	ssyncadd.s32 $0xFFFFCD00  }
0x23: {  	[tilespmem:s25], [sflag:$0x2] =	stream.linear.gather [hbm4b:s21+s4], $0x80, $0x38;
	[tilespmem:$0x1E900] =	vst v63  }
.LBB2_2:
0x24: {  	p0 =	sne.s32 s8, $0xFE00;
	[tilespmem:s7+$0x6970] =	vst v0  }
0x25: {  	[tilespmem:s7+$0x6900] =	vst v0  }
0x26: {  	[tilespmem:s7+$0x6910] =	vst v0  }
.Ltmp0:
0x27: {  	[tilespmem:s7+$0x6920] =	vst v0;
	(pc) =	sbr.rel @p0 .LBB2_2-.Ltmp0, $4  }
0x28: {  	[tilespmem:s7+$0x6930] =	vst v0  }
0x29: {  	[tilespmem:s7+$0x6940] =	vst v0  }
0x2a: {  	[tilespmem:s7+$0x6950] =	vst v0  }
0x2b: {  	[tilespmem:s7+$0x6960] =	vst v0;
	s7 =	sshra.s32 s8, $0x2;
	s8 =	sadd.s32 $0x200, s8  }
0x2c: {  	[tilespmem:s7+$0x6970] =	vst v0  }
0x2d: {  	[tilespmem:s7+$0x6900] =	vst v0  }
0x2e: {  	[tilespmem:s7+$0x6910] =	vst v0  }
0x2f: {  	[tilespmem:s7+$0x6920] =	vst v0  }
0x30: {  	[tilespmem:s7+$0x6930] =	vst v0  }
0x31: {  	[tilespmem:s7+$0x6940] =	vst v0  }
0x32: {  	[tilespmem:s7+$0x6950] =	vst v0  }
0x33: {  	[tilespmem:s7+$0x6960] =	vst v0  }
0x34: {  	[spmem:s10] =	stream.linear.scatter [tilespmem:s26], [sflag:$0x4], $0x4000, $0x38;
	[tilespmem:$0x1E900] =	vst v63  }
0x35: {  	_ =	swait.ge [sflag:s23], $0x4000  }
0x36: {  	[sflag:s23] =	ssyncset.done $0x0  }
0x37: {  	[sflag:s23] =	ssyncadd.s32 $0xFFFFC000  }
0x38: {  	[spmem:s11] =	stream.linear.scatter [tilespmem:s26], [sflag:$0x4], $0x4000, $0x38;
	[tilespmem:$0x1E900] =	vst v63  }
0x39: {  	_ =	swait.ge [sflag:s23], $0x4000  }
0x3a: {  	[sflag:s23] =	ssyncset.done $0x0  }
0x3b: {  	[sflag:s23] =	ssyncadd.s32 $0xFFFFC000  }
0x3c: {  	[spmem:s12] =	stream.linear.scatter [tilespmem:s26], [sflag:$0x4], $0x4000, $0x38;
	[tilespmem:$0x1E900] =	vst v63  }
0x3d: {  	_ =	swait.ge [sflag:s23], $0x4000  }
0x3e: {  	[sflag:s23] =	ssyncset.done $0x0  }
0x3f: {  	[sflag:s23] =	ssyncadd.s32 $0xFFFFC000  }
0x40: {  	[spmem:s13] =	stream.linear.scatter [tilespmem:s26], [sflag:$0x4], $0x4000, $0x38;
	[tilespmem:$0x1E900] =	vst v63  }
0x41: {  	_ =	swait.ge [sflag:s23], $0x4000  }
0x42: {  	[sflag:s23] =	ssyncset.done $0x0  }
0x43: {  	[sflag:s23] =	ssyncadd.s32 $0xFFFFC000  }
0x44: {  	[spmem:s14] =	stream.linear.scatter [tilespmem:s26], [sflag:$0x4], $0x4000, $0x38;
	[tilespmem:$0x1E900] =	vst v63  }
0x45: {  	_ =	swait.ge [sflag:s23], $0x4000  }
0x46: {  	[sflag:s23] =	ssyncset.done $0x0  }
0x47: {  	[sflag:s23] =	ssyncadd.s32 $0xFFFFC000  }
0x48: {  	s7 =	simm.s32 $0x0;
	[bflag:$0x0] =	sbarrier.arrive $0xFFFF  }
.LBB2_4:
0x49: {  	s9 =	sshll.u32 s7, $0x8;
	s8 =	sshllo.u32 s7, $0x1  }
0x4a: {  	[tilespmem:s26], [sflag:$0x1] =	stream.indirect.gather [hbm4b:s5+s28], $0x80, s9, s28, $0xb8;
	[tilespmem:$0x1E900] =	vst v63  }
0x4b: {  	p0 =	sge.u32 s8, s15  }
0x4c: {  	s17 =	sand.u32 @!p0 $0xFFFFFC00, s9;
	s18 =	sshll.u32 @!p0 s8, $0x7  }
0x4d: {  	s17 =	sadd.s32 @!p0 s3, s17;
	s18 =	sand.u32 @!p0 $0x380, s18  }
0x4e: {  	_ =	swait.ge [sflag:s29], $0x4000;
	s17 =	sor.u32 @!p0 s17, s18  }
0x4f: {  	s19 =	simm.s32 @!p0 $0x6880;
	[sflag:s29] =	ssyncset.done $0x0;
	s17 =	sshrl.u32 @!p0 s17, $0x3  }
0x50: {  	[sflag:s29] =	ssyncadd.s32 $0xFFFFC000;
	s18 =	simm.s32 @!p0 $0x0;
	s17 =	sadd.s32 @!p0 s6, s17  }
0x51: {  	[tilespmem:s19], [sflag:$0x3] =	stream.linear.gather @!p0 [hbm4b:s17+s18], $0x80, $0x38;
	[tilespmem:$0x1E900] =	vst v63  }
0x52: {  	_ =	swait.ge [sflag:s30], $0x80  }
0x53: {  	v1 =	vmov s24;
	[sflag:s30] =	ssyncset.done $0x0  }
0x54: {  	s17 =	simm.s32 $0x6940;
	[sflag:s30] =	ssyncadd.s32 $0xFFFFFF80  }
0x55: {  	v5 =	vld [tilespmem:s17+$0x30]  }
0x56: {  	v8 =	vld [tilespmem:s17+$0x10]  }
0x57: {  	v6 =	vld [tilespmem:s17+$0xFFFFFFC0]  }
0x58: {  	v2 =	vld.idx.msk [tilespmem:v1+s25+$0x0], $0xffff  }
0x59: {  	v10 =	vld [tilespmem:s17+$0xFFFFFFE0]  }
0x5a: {  	v1 =	vld [tilespmem:s17+$0xFFFFFFF0]  }
0x5b: {  	v3 =	vld [tilespmem:s17+$0x20]  }
0x5c: {  	v4 =	vld [tilespmem:s17+$0xFFFFFFD0]  }
0x5d: {  	v9 =	vmul.f32 v5, v2;
	v5 =	vld [tilespmem:s17+$0x0]  }
0x5e: {  	v7 =	vmul.f32 v6, v2  }
0x5f: {  	s20 =	simm.s32 $0x6940;
	s18 =	sshll.u32 s7, $0x1;
	s19 =	simm.s32 $0x1;
	v6 =	vmul.f32 v10, v2;
	v8 =	vmul.f32 v8, v2  }
.LBB2_5:
0x60: {  	p0 =	sne.s32 s19, $0x7F  }
0x61: {  	v4 =	vmul.f32 v4, v2;
	v3 =	vmul.f32 v3, v2;
	[tilespmem:s17+$0x30] =	vst v9;
	s20 =	sadd.s32 $0x80, s20;
	s21 =	smov.u32 s19;
	s19 =	sadd.s32 $0x1, s19  }
0x62: {  	[tilespmem:s17+$0xFFFFFFC0] =	vst v7;
	v7 =	vmul.f32 v1, v2;
	v2 =	vmul.f32 v5, v2  }
0x63: {  	[tilespmem:s17+$0x10] =	vst v8  }
0x64: {  	v5 =	vmov s21;
	[tilespmem:s17+$0xFFFFFFE0] =	vst v6  }
0x65: {  	v1 =	vld [tilespmem:s20+$0xFFFFFFF0];
	[tilespmem:s17+$0xFFFFFFF0] =	vst v7  }
0x66: {  	v6 =	vld [tilespmem:s20+$0x30];
	[tilespmem:s17+$0x0] =	vst v2  }
0x67: {  	v8 =	vld [tilespmem:s20+$0x10];
	[tilespmem:s17+$0x20] =	vst v3  }
0x68: {  	v7 =	vld [tilespmem:s20+$0xFFFFFFC0];
	[tilespmem:s17+$0xFFFFFFD0] =	vst v4;
	s17 =	smov.u32 s20  }
0x69: {  	v2 =	vld.idx.msk [tilespmem:v5+s25+$0x0], $0xffff  }
0x6a: {  	v10 =	vld [tilespmem:s20+$0xFFFFFFE0]  }
0x6b: {  	v3 =	vld [tilespmem:s20+$0x20]  }
.Ltmp1:
0x6c: {  	v4 =	vld [tilespmem:s20+$0xFFFFFFD0];
	(pc) =	sbr.rel @p0 .LBB2_5-.Ltmp1, $3  }
0x6d: {  	v5 =	vld [tilespmem:s20+$0x0];
	_ =	sdelay $0x1  }
0x6e: {  	v7 =	vmul.f32 v7, v2;
	v9 =	vmul.f32 v6, v2  }
0x6f: {  	v8 =	vmul.f32 v8, v2;
	v6 =	vmul.f32 v10, v2  }
0x70: {  	[tilespmem:s17+$0x30] =	vst v9  }
0x71: {  	[tilespmem:s17+$0xFFFFFFC0] =	vst v7  }
0x72: {  	v1 =	vmul.f32 v1, v2;
	[tilespmem:s17+$0x10] =	vst v8  }
0x73: {  	v3 =	vmul.f32 v3, v2;
	[tilespmem:s17+$0xFFFFFFE0] =	vst v6  }
0x74: {  	v5 =	vmul.f32 v5, v2;
	[tilespmem:s17+$0xFFFFFFF0] =	vst v1  }
0x75: {  	v1 =	vmul.f32 v4, v2;
	[tilespmem:s17+$0x20] =	vst v3  }
0x76: {  	[tilespmem:s17+$0x0] =	vst v5  }
0x77: {  	s9 =	sadd.s32 $0x3400, s9;
	[tilespmem:s17+$0xFFFFFFD0] =	vst v1  }
0x78: {  	[spmem:s2] =	stream.indirect.scatter.add.f32 [tilespmem:s26], [sflag:$0x4], $0x80, s9, s28, $0xb8;
	[tilespmem:$0x1E900] =	vst v63  }
0x79: {  	s9 =	sadd.s32 $0x2, s18  }
0x7a: {  	_ =	swait.ge [sflag:s23], $0x4000;
	p0 =	sge.u32 s9, s15  }
0x7b: {  	[sflag:s23] =	ssyncset.done $0x0;
	s9 =	sshll.u32 @!p0 s9, $0x7  }
0x7c: {  	s8 =	sshll.u32 s8, $0x7;
	[sflag:s23] =	ssyncadd.s32 $0xFFFFC000;
	s17 =	sand.u32 @!p0 $0x7FFFFC00, s9  }
0x7d: {  	[tilespmem:s26], [sflag:$0x1] =	stream.indirect.gather [hbm4b:s5+s28], $0x80, s8, s28, $0xb8;
	[tilespmem:$0x1E900] =	vst v63  }
0x7e: {  	s9 =	sand.u32 @!p0 $0x300, s9;
	s17 =	sadd.s32 @!p0 s3, s17  }
0x7f: {  	_ =	swait.ge [sflag:s29], $0x4000;
	s9 =	sor.u32 @!p0 s9, s17  }
0x80: {  	s18 =	simm.s32 @!p0 $0x6800;
	[sflag:s29] =	ssyncset.done $0x0;
	s9 =	sshrl.u32 @!p0 s9, $0x3  }
0x81: {  	s17 =	simm.s32 @!p0 $0x0;
	[sflag:s29] =	ssyncadd.s32 $0xFFFFC000;
	s9 =	sadd.s32 @!p0 s6, s9  }
0x82: {  	[tilespmem:s18], [sflag:$0x2] =	stream.linear.gather @!p0 [hbm4b:s9+s17], $0x80, $0x38;
	[tilespmem:$0x1E900] =	vst v63  }
0x83: {  	s21 =	simm.s32 $0x0;
	_ =	swait.ge [sflag:s31], $0x80  }
0x84: {  	v1 =	vmov s21;
	[sflag:s31] =	ssyncset.done $0x0  }
0x85: {  	s9 =	simm.s32 $0x6940;
	[sflag:s31] =	ssyncadd.s32 $0xFFFFFF80  }
0x86: {  	v5 =	vld [tilespmem:s9+$0x30]  }
0x87: {  	v8 =	vld [tilespmem:s9+$0x10]  }
0x88: {  	v6 =	vld [tilespmem:s9+$0xFFFFFFC0]  }
0x89: {  	v2 =	vld.idx.msk [tilespmem:v1+s1+$0x0], $0xffff  }
0x8a: {  	v10 =	vld [tilespmem:s9+$0xFFFFFFE0]  }
0x8b: {  	v1 =	vld [tilespmem:s9+$0xFFFFFFF0]  }
0x8c: {  	v3 =	vld [tilespmem:s9+$0x20]  }
0x8d: {  	v4 =	vld [tilespmem:s9+$0xFFFFFFD0]  }
0x8e: {  	v9 =	vmul.f32 v5, v2;
	v5 =	vld [tilespmem:s9+$0x0]  }
0x8f: {  	v7 =	vmul.f32 v6, v2  }
0x90: {  	s17 =	simm.s32 $0x1;
	s18 =	simm.s32 $0x6940;
	v6 =	vmul.f32 v10, v2;
	v8 =	vmul.f32 v8, v2  }
.LBB2_7:
0x91: {  	p0 =	sne.s32 s17, $0x7F  }
0x92: {  	v4 =	vmul.f32 v4, v2;
	v3 =	vmul.f32 v3, v2;
	[tilespmem:s9+$0x30] =	vst v9;
	s18 =	sadd.s32 $0x80, s18;
	s19 =	smov.u32 s17;
	s17 =	sadd.s32 $0x1, s17  }
0x93: {  	[tilespmem:s9+$0xFFFFFFC0] =	vst v7;
	v7 =	vmul.f32 v1, v2;
	v2 =	vmul.f32 v5, v2  }
0x94: {  	[tilespmem:s9+$0x10] =	vst v8  }
0x95: {  	v5 =	vmov s19;
	[tilespmem:s9+$0xFFFFFFE0] =	vst v6  }
0x96: {  	v1 =	vld [tilespmem:s18+$0xFFFFFFF0];
	[tilespmem:s9+$0xFFFFFFF0] =	vst v7  }
0x97: {  	v6 =	vld [tilespmem:s18+$0x30];
	[tilespmem:s9+$0x0] =	vst v2  }
0x98: {  	v8 =	vld [tilespmem:s18+$0x10];
	[tilespmem:s9+$0x20] =	vst v3  }
0x99: {  	v7 =	vld [tilespmem:s18+$0xFFFFFFC0];
	[tilespmem:s9+$0xFFFFFFD0] =	vst v4;
	s9 =	smov.u32 s18  }
0x9a: {  	v2 =	vld.idx.msk [tilespmem:v5+s1+$0x0], $0xffff  }
0x9b: {  	v10 =	vld [tilespmem:s18+$0xFFFFFFE0]  }
0x9c: {  	v3 =	vld [tilespmem:s18+$0x20]  }
.Ltmp2:
0x9d: {  	v4 =	vld [tilespmem:s18+$0xFFFFFFD0];
	(pc) =	sbr.rel @p0 .LBB2_7-.Ltmp2, $3  }
0x9e: {  	v5 =	vld [tilespmem:s18+$0x0];
	_ =	sdelay $0x1  }
0x9f: {  	v7 =	vmul.f32 v7, v2;
	v9 =	vmul.f32 v6, v2  }
0xa0: {  	v8 =	vmul.f32 v8, v2;
	v6 =	vmul.f32 v10, v2  }
0xa1: {  	[tilespmem:s9+$0x30] =	vst v9  }
0xa2: {  	[tilespmem:s9+$0xFFFFFFC0] =	vst v7  }
0xa3: {  	v1 =	vmul.f32 v1, v2;
	[tilespmem:s9+$0x10] =	vst v8  }
0xa4: {  	v3 =	vmul.f32 v3, v2;
	[tilespmem:s9+$0xFFFFFFE0] =	vst v6  }
0xa5: {  	v5 =	vmul.f32 v5, v2;
	[tilespmem:s9+$0xFFFFFFF0] =	vst v1  }
0xa6: {  	s7 =	sadd.s32 $0x1, s7;
	v1 =	vmul.f32 v4, v2;
	[tilespmem:s9+$0x20] =	vst v3  }
0xa7: {  	p0 =	sne.s32 s7, s16;
	[tilespmem:s9+$0x0] =	vst v5  }
.Ltmp3:
0xa8: {  	s8 =	sadd.s32 $0x3400, s8;
	[tilespmem:s9+$0xFFFFFFD0] =	vst v1;
	(pc) =	sbr.rel @p0 .LBB2_4-.Ltmp3, $4  }
0xa9: {  	[spmem:s2] =	stream.indirect.scatter.add.f32 [tilespmem:s26], [sflag:$0x4], $0x80, s8, s28, $0xb8;
	[tilespmem:$0x1E900] =	vst v63  }
0xaa: {  	_ =	swait.ge [sflag:s23], $0x4000  }
0xab: {  	[sflag:s23] =	ssyncset.done $0x0  }
0xac: {  	[sflag:s23] =	ssyncadd.s32 $0xFFFFC000  }
0xad: {  	s7 =	stileid.u32  }
0xae: {  	[bflag:$0x0] =	sbarrier.arrive $0xFFFF;
	s7 =	sshll.u32 s7, $0x6  }
0xaf: {  	s8 =	sshrl.u32 s10, $0x3;
	s9 =	rddreg [dreg:$0x7];
	s7 =	sor.u32 $0x1C04, s7  }
0xb0: {  	[hbm:s9], [sflag:s7] =	dma.local [spmem:s8], $0x800  }
0xb1: {  	_ =	swait.ge [sflag:s23], $0x800  }
0xb2: {  	[sflag:s23] =	ssyncset.done $0x0  }
0xb3: {  	s20 =	sshrl.u32 s11, $0x3;
	s21 =	rddreg [dreg:$0x8];
	[sflag:s23] =	ssyncadd.s32 $0xFFFFF800  }
0xb4: {  	[hbm:s21], [sflag:s7] =	dma.local [spmem:s20], $0x800  }
0xb5: {  	_ =	swait.ge [sflag:s23], $0x800  }
0xb6: {  	[sflag:s23] =	ssyncset.done $0x0  }
0xb7: {  	s9 =	sshrl.u32 s12, $0x3;
	s17 =	rddreg [dreg:$0x9];
	[sflag:s23] =	ssyncadd.s32 $0xFFFFF800  }
0xb8: {  	[hbm:s17], [sflag:s7] =	dma.local [spmem:s9], $0x800  }
0xb9: {  	_ =	swait.ge [sflag:s23], $0x800  }
0xba: {  	[sflag:s23] =	ssyncset.done $0x0  }
0xbb: {  	s18 =	sshrl.u32 s13, $0x3;
	s19 =	rddreg [dreg:$0xa];
	[sflag:s23] =	ssyncadd.s32 $0xFFFFF800  }
0xbc: {  	[hbm:s19], [sflag:s7] =	dma.local [spmem:s18], $0x800  }
0xbd: {  	s0 =	sadd.s32 $0x1, s0;
	_ =	swait.ge [sflag:s23], $0x800  }
0xbe: {  	p0 =	sne.s32 s0, s22;
	s20 =	sshrl.u32 s14, $0x3;
	[sflag:s23] =	ssyncset.done $0x0  }
.Ltmp4:
0xbf: {  	s21 =	rddreg [dreg:$0xb];
	[sflag:s23] =	ssyncadd.s32 $0xFFFFF800;
	(pc) =	sbr.rel @p0 .LBB2_1-.Ltmp4, $4  }
0xc0: {  	[hbm:s21], [sflag:s7] =	dma.local [spmem:s20], $0x800  }
0xc1: {  	_ =	swait.ge [sflag:s23], $0x800  }
0xc2: {  	[sflag:s23] =	ssyncset.done $0x0  }
0xc3: {  	[sflag:s23] =	ssyncadd.s32 $0xFFFFF800  }
0xc4: {  	_ =	sfence.sel $0x180000  }
0xc5: {  	[bflag:$0x0] =	sbarrier.arrive $0xFFFF  }
0xc6: {  	_ =	strace $0x9000004A  }
0xc7: {  	s0 =	stileid.u32;
	[bflag:$0x2] =	sbarrier.arrive $0xFFFF  }
0xc8: {  	p0 =	sne.s32 s0, $0x0;
	s0 =	rddreg [dreg:$0x3]  }
0xc9: {  	s0 =	sadd.s32 @!p0 $0x100000, s0  }
0xca: {  	[sflag:s0] =	ssyncadd.tile.s32 @!p0 $0x1;
	_ =	shalt  }
.Lfunc_end2:
_tile_overlayer_lowered:
.L_overlay_start_2:
0xcb: {  	(tag) =	ssettag $0x2  }
0xcc: {  	s0 =	rddreg [dreg:$0x0];
	s2 =	stileid.u32  }
0xcd: {  	s1 =	rddreg [dreg:$0x1];
	p0 =	sne.s32 s2, $0x0  }
0xce: {  	s3 =	rddreg [dreg:$0x2];
	[bflag:$0x3] =	sbarrier.arrive $0xFFFF;
	s2 =	simm.s32 @!p0 $0x1C04  }
0xcf: {  	[timem:s3], [sflag:s2] =	dma.local @!p0 [hbm:s0], s1  }
0xd0: {  	s0 =	simm.s32 @!p0 $0x4  }
0xd1: {  	_ =	swait.ge @!p0 [sflag:s0], s1  }
0xd2: {  	s1 =	ssub.s32 @!p0 $0x0, s1;
	[sflag:s0] =	ssyncset.done @!p0 $0x0  }
0xd3: {  	[sflag:s0] =	ssyncadd.s32 @!p0 s1  }
0xd4: {  	[bflag:$0x3] =	sbarrier.arrive $0xFFFF  }
0xd5: {  	_ =	shalt  }

// kernel: kernel.16.cloned.1.call-start
scs
__scs_entry_jumppad:
0x0: {  	(pc) =	sbr.rel $0x88, $3  }
0x1: {  	(tag) =	ssettag $0x0;
	lr =	simm.s32 $0x1  }
0x2: {  	[smem:$0x3F96] =	sst lr;
	_ =	strace $0xD0000000  }
0x3: {  	_ = 	snop  }
0x4: {  	_ = 	snop  }
0x5: {  	_ = 	snop  }
0x6: {  	_ = 	snop  }
0x7: {  	_ = 	snop  }
__scs_overlays_trampoline_lowered:
0x8: {  	[smem:$0x3FA5] =	sst s0  }
0x9: {  	[smem:$0x3FA6] =	sst s1  }
0xa: {  	[smem:$0x3FA7] =	sst s2  }
0xb: {  	[smem:$0x3FA8] =	sst s3  }
0xc: {  	[smem:$0x3FA9] =	sst s4  }
0xd: {  	[smem:$0x3FAA] =	sst s5  }
0xe: {  	[smem:$0x3FAB] =	sst s6  }
0xf: {  	[smem:$0x3FAC] =	sst s7  }
0x10: {  	[smem:$0x3FAD] =	sst s8  }
0x11: {  	[smem:$0x3FAE] =	sst s9;
	s0 =	simm.s32 @!p0 $0x0  }
0x12: {  	s1 =	sld [smem:$0x3F94];
	s0 =	simm.s32 @p0 $0x1  }
0x13: {  	[smem:$0x3FAF] =	sst s0;
	s0 =	simm.s32 @!p1 $0x0  }
0x14: {  	s2 =	sld [smem:$0x3F93];
	s0 =	simm.s32 @p1 $0x1  }
0x15: {  	[smem:$0x3FB0] =	sst s0;
	s0 =	simm.s32 @!p2 $0x0  }
0x16: {  	s3 =	sld [smem:$0x3FDB];
	s0 =	simm.s32 @p2 $0x1  }
0x17: {  	s4 =	simm.s32 $0x1BF5;
	[smem:$0x3FB2] =	sst s0  }
0x18: {  	s0 =	sld [smem:$0x3F95];
	_ =	swait.ge [sflag:s4], $0x0  }
0x19: {  	s7 =	sld [smem:$0x3F96]  }
0x1a: {  	s8 =	sadd.s32 $0xFFFFE003, lr  }
0x1b: {  	s9 =	sadd.s32 $0xFFFFFEF7, lr;
	s5 =	simm.s32 $0xFFFFFFFF;
	p2 =	slt.u32 s8, $0xFFFFF086  }
0x1c: {  	p1 =	slt.u32 s9, $0xF7A;
	s5 =	simm.s32 @!p2 $0x0  }
0x1d: {  	s5 =	simm.s32 @p1 $0x1;
	p0 =	seq.s32 s7, s2  }
0x1e: {  	s7 =	smul.u32 @!p0 $0xF7A, s2;
	p2 =	seq.s32 @!p0 s5, $0x0  }
0x1f: {  	s9 =	smul.u32 $0xF7A, s1;
	s8 =	simm.s32 @!p0 $0x1BF5;
	p2 =	por !p2, p0  }
0x20: {  	[sflag:s8] =	ssyncset.s32 @!p0 $0xFFFFF086;
	s6 =	sadd.s32 @!p0 s3, s7;
	s7 =	simm.s32 @!p0 $0x108  }
0x21: {  	s3 =	sadd.s32 s3, s9;
	s6 =	sadd.s32 @!p0 $0x88, s6;
	s7 =	simm.s32 @p2 $0x1082  }
0x22: {  	[simem:s7], [sflag:s8] =	dma.local @!p0 [hbm:s6], $0xF7A  }
0x23: {  	s9 =	sor.u32 $0xD0000000, s2;
	s6 =	simm.s32 $0x108;
	_ =	swait.ge @!p0 [sflag:s8], $0x0  }
0x24: {  	s3 =	sadd.s32 $0x88, s3;
	s6 =	simm.s32 @!p1 $0x1082;
	[sflag:s4] =	ssyncset.s32 $0xFFFFF086  }
0x25: {  	[simem:s6], [sflag:s4] =	dma.local [hbm:s3], $0xF7A  }
0x26: {  	[smem:$0x3F96] =	sst s1;
	(tag) =	ssettag s2;
	_ =	strace s9  }
0x27: {  	s1 =	sld [smem:$0x3FA6]  }
0x28: {  	s2 =	sld [smem:$0x3FA7]  }
0x29: {  	s4 =	sld [smem:$0x3FA9]  }
0x2a: {  	p0 =	seq.s32 s5, $0x0;
	s5 =	sld [smem:$0x3FAA]  }
0x2b: {  	s6 =	sld [smem:$0x3FAB]  }
0x2c: {  	s7 =	sld [smem:$0x3FAC]  }
0x2d: {  	s3 =	simm.s32 $0x108;
	s8 =	sld [smem:$0x3FAD]  }
0x2e: {  	s3 =	simm.s32 @!p0 $0x1082;
	s9 =	sld [smem:$0x3FAE]  }
0x2f: {  	lr =	sadd.s32 s0, s3;
	s0 =	sld [smem:$0x3FA5]  }
0x30: {  	s3 =	sld [smem:$0x3FA8]  }
0x31: {  	[smem:$0x3FB1] =	sst s10  }
0x32: {  	s10 =	sld [smem:$0x3FAF];
	_ =	sdelay $0x3  }
0x33: {  	p0 =	seq.s32 s10, $0x1;
	s10 =	sld [smem:$0x3FB1];
	_ =	sdelay $0x3  }
0x34: {  	[smem:$0x3FB1] =	sst s10  }
0x35: {  	s10 =	sld [smem:$0x3FB0];
	_ =	sdelay $0x3  }
0x36: {  	p1 =	seq.s32 s10, $0x1;
	s10 =	sld [smem:$0x3FB1];
	_ =	sdelay $0x3  }
0x37: {  	[smem:$0x3FB1] =	sst s10  }
0x38: {  	s10 =	sld [smem:$0x3FB2]  }
0x39: {  	_ = 	snop;
	(pc) =	sbr.ind lr, $3  }
0x3a: {  	_ = 	snop  }
0x3b: {  	_ = 	snop  }
0x3c: {  	p2 =	seq.s32 s10, $0x1;
	s10 =	sld [smem:$0x3FB1]  }
0x3d: {  	_ =	shalt  }
0x3e: {  	_ =	shalt  }
0x3f: {  	_ =	shalt  }
0x40: {  	_ =	shalt  }
0x41: {  	_ =	shalt  }
0x42: {  	_ =	shalt  }
0x43: {  	_ =	shalt  }
0x44: {  	_ =	shalt  }
0x45: {  	_ =	shalt  }
0x46: {  	_ =	shalt  }
0x47: {  	_ =	shalt  }
0x48: {  	_ =	shalt  }
0x49: {  	_ =	shalt  }
0x4a: {  	_ =	shalt  }
0x4b: {  	_ =	shalt  }
0x4c: {  	_ =	shalt  }
0x4d: {  	_ =	shalt  }
0x4e: {  	_ =	shalt  }
0x4f: {  	_ =	shalt  }
0x50: {  	_ =	shalt  }
0x51: {  	_ =	shalt  }
0x52: {  	_ =	shalt  }
0x53: {  	_ =	shalt  }
0x54: {  	_ =	shalt  }
0x55: {  	_ =	shalt  }
0x56: {  	_ =	shalt  }
0x57: {  	_ =	shalt  }
0x58: {  	_ =	shalt  }
0x59: {  	_ =	shalt  }
0x5a: {  	_ =	shalt  }
0x5b: {  	_ =	shalt  }
0x5c: {  	_ =	shalt  }
0x5d: {  	_ =	shalt  }
0x5e: {  	_ =	shalt  }
0x5f: {  	_ =	shalt  }
0x60: {  	_ =	shalt  }
0x61: {  	_ =	shalt  }
0x62: {  	_ =	shalt  }
0x63: {  	_ =	shalt  }
0x64: {  	_ =	shalt  }
0x65: {  	_ =	shalt  }
0x66: {  	_ =	shalt  }
0x67: {  	_ =	shalt  }
0x68: {  	_ =	shalt  }
0x69: {  	_ =	shalt  }
0x6a: {  	_ =	shalt  }
0x6b: {  	_ =	shalt  }
0x6c: {  	_ =	shalt  }
0x6d: {  	_ =	shalt  }
0x6e: {  	_ =	shalt  }
0x6f: {  	_ =	shalt  }
0x70: {  	_ =	shalt  }
0x71: {  	_ =	shalt  }
0x72: {  	_ =	shalt  }
0x73: {  	_ =	shalt  }
0x74: {  	_ =	shalt  }
0x75: {  	_ =	shalt  }
0x76: {  	_ =	shalt  }
0x77: {  	_ =	shalt  }
0x78: {  	_ =	shalt  }
0x79: {  	_ =	shalt  }
0x7a: {  	_ =	shalt  }
0x7b: {  	_ =	shalt  }
0x7c: {  	_ =	shalt  }
0x7d: {  	_ =	shalt  }
0x7e: {  	_ =	shalt  }
0x7f: {  	_ =	shalt  }
0x80: {  	_ =	shalt  }
0x81: {  	_ =	shalt  }
0x82: {  	_ =	shalt  }
0x83: {  	_ =	shalt  }
0x84: {  	_ =	shalt  }
0x85: {  	_ =	shalt  }
0x86: {  	_ =	shalt  }
0x87: {  	_ =	shalt  }
.Lfunc_end0:
.L_simem_size_0:
called_computation.2_lowered:
.L_overlay_start_0:
0x88: {  	s2 =	sld [smem:$0x3FD9]  }
0x89: {  	s3 =	sld [smem:$0x3FFE];
	_ =	sdelay $0x1  }
0x8a: {  	s1 =	srdreg.scid  }
0x8b: {  	s0 =	sand.u32 $0x1, s1  }
0x8c: {  	s17 =	sshll.u32 s0, $0xA;
	s2 =	sadd.s32 s3, s2  }
0x8d: {  	s2 =	sadd.s32 s2, s17  }
0x8e: {  	[smem:$0x3FBD] =	sst s2  }
0x8f: {  	_ = 	snop  }
0x90: {  	s2 =	sld [smem:$0x3FD0];
	(tm) =	ssettm $0x1  }
0x91: {  	s18 =	sld [smem:$0x3FFB];
	_ =	sdelay $0x3  }
0x92: {  	_ =	strace s18  }
0x93: {  	s3 =	sld [smem:$0x3FFC];
	_ =	sdelay $0x3  }
0x94: {  	_ =	strace s3  }
0x95: {  	s3 =	sld [smem:$0x3FFD];
	_ =	sdelay $0x3  }
0x96: {  	_ =	strace s3  }
0x97: {  	_ =	strace $0x8FFFFFFF  }
0x98: {  	s19 =	sld [smem:$0x3FDB];
	_ =	sdelay $0x1  }
0x99: {  	s4 =	simm.s32 $_scs_section_size  }
0x9a: {  	s5 =	simm.s32 $_size__tile_overlayer_lowered;
	s6 =	simm.s32 $_tile_overlayer_lowered  }
0x9b: {  	s22 =	simm.s32 $0x1BFF;
	s21 =	sshll.u32 s6, $0x1;
	s3 =	sadd.s32 s4, s19  }
0x9c: {  	s7 =	simm.s32 $0x0;
	s20 =	sshll.u32 s5, $0x1;
	s5 =	sadd.s32 s21, s3  }
0x9d: {  	[timem:s7], [sflag:s22] =	dma.local [hbm:s5], s20  }
0x9e: {  	_ =	swait.ge [sflag:s22], s20  }
0x9f: {  	s4 =	ssub.s32 $0x0, s20;
	[sflag:s22] =	ssyncset.done $0x0  }
0xa0: {  	[sflag:s22] =	ssyncadd.s32 s4;
	_ =	sdelay $0x1  }
0xa1: {  	s23 =	simm.s32 $0x1B8B  }
0xa2: {  	_ =	swait.ge [sflag:s23], $0x1  }
0xa3: {  	[sflag:s23] =	ssyncset.done $0x0  }
0xa4: {  	s25 =	simm.s32 $0x1B8E;
	s24 =	sld [smem:$0x3FFE];
	[sflag:s23] =	ssyncadd.s32 $0xFFFFFFFF  }
0xa5: {  	s26 =	simm.s32 $execute0_lowered;
	[smem:$0x3FD2] =	sst s25  }
0xa6: {  	s5 =	sshll.u32 s26, $0x1;
	_ =	strace $0x8000004C;
	[dreg:$0x1] =	wrdreg $0xFFFFFFFF  }
0xa7: {  	s28 =	simm.s32 $_size_execute0_lowered;
	s3 =	sadd.s32 s3, s5;
	[dreg:$0x0] =	wrdreg $0x0  }
0xa8: {  	s5 =	sshll.u32 s28, $0x1;
	[dreg:$0x2] =	wrdreg s3  }
0xa9: {  	[dreg:$0x3] =	wrdreg s5  }
0xaa: {  	[dreg:$0x4] =	wrdreg $0xC0  }
0xab: {  	_ =	task [dreg:s7], $0x5FFFF  }
0xac: {  	[dreg:$0x1] =	wrdreg $0xFFFFFFFF  }
0xad: {  	[dreg:$0x0] =	wrdreg $0x60  }
0xae: {  	[dreg:$0x2] =	wrdreg s24  }
0xaf: {  	[dreg:$0x3] =	wrdreg s2  }
0xb0: {  	[dreg:$0x4] =	wrdreg $0xA9000  }
0xb1: {  	[dreg:$0x5] =	wrdreg $0x9  }
0xb2: {  	_ =	task.clear_ibuf [dreg:s7], $0x6FFFF;
	_ =	strace $0x9000004C  }
0xb3: {  	s29 =	simm.s32 $0x9;
	_ =	strace $0x8000004E  }
0xb4: {  	_ =	swait.ge [sflag:s29], $0x1  }
0xb5: {  	[sflag:s29] =	ssyncadd.s32 $0xFFFFFFFF  }
0xb6: {  	_ =	strace $0x9000004E  }
0xb7: {  	_ =	sfence  }
0xb8: {  	s30 =	sld [smem:$0x0];
	_ =	sdelay $0x2  }
0xb9: {  	s31 =	sshll.u32 s1, $0xD;
	s1 =	sshrl.u32 s1, $0x2  }
0xba: {  	s3 =	sand.u32 $0x4000, s31;
	s1 =	sadd.s32 s1, s30  }
0xbb: {  	s0 =	sor.u32 s3, s0;
	s1 =	sshll.u32 s1, $0x11  }
0xbc: {  	s0 =	sor.u32 s1, s0  }
0xbd: {  	s0 =	sadd.s32 $0x8F2B, s0  }
0xbe: {  	[sflag:s0] =	ssyncadd.remote.s32 $0x1  }
0xbf: {  	_ =	sfence.sel $0xFFFF  }
0xc0: {  	[dreg:$0x0] =	wrdreg $0xFFFFFFFF;
	(pc) =	sbr.abs _section_cstart, $3  }
0xc1: {  	[dreg:$0x1] =	wrdreg $0xFFFFFFFF  }
0xc2: {  	_ =	task.clear_ibuf [dreg:s7], $0x2FFFF;
	_ =	strace $0x9FFFFFFF  }
0xc3: {  	(tm) =	ssettm $0x7FFFFFFF  }
tec
execute0_lowered:
.L_overlay_start_1:
0x0: {  	(tag) =	ssettag $0x1  }
0x1: {  	s0 =	srdreg.scid;
	s1 =	rddreg [dreg:$0x0]  }
0x2: {  	s13 =	stileid.u32;
	s7 =	rddreg [dreg:$0x1];
	s4 =	simm.s32 $0x0  }
0x3: {  	s15 =	simm.s32 $0x66;
	s28 =	simm.s32 $0x80;
	s29 =	simm.s32 $0x1  }
0x4: {  	s30 =	simm.s32 $0x2;
	s31 =	simm.s32 $0x3;
	s0 =	sand.u32 $0x1, s0  }
0x5: {  	[smem:$0x7FF] =	sst s4;
	s5 =	sadd.s32 $0x37C00, s1;
	s11 =	smul.u32 $0x50000, s13  }
0x6: {  	s6 =	sadd.s32 $0x2AC00, s1;
	s16 =	smul.u32 $0x14000, s13;
	s2 =	sshll.u32 s0, $0x4  }
0x7: {  	s10 =	ssub.s32 $0x2, s0;
	s19 =	smul.u32 $0x140000, s0;
	p0 =	seq.s32 s0, $0x0  }
0x8: {  	s3 =	sor.u32 s13, s2;
	s2 =	rddreg [dreg:$0x2];
	_ =	strace $0x8000004D  }
0x9: {  	s12 =	sshrl.u32 s10, $0x1;
	s23 =	sshrl.u32 s11, $0x2;
	s24 =	sadd.s32 $0x4000, s16  }
0xa: {  	s25 =	sadd.s32 $0x8000, s16;
	s26 =	sadd.s32 $0xC000, s16;
	s18 =	sadd.s32 $0x10000, s16  }
0xb: {  	s15 =	simm.s32 @!p0 $0x38;
	s3 =	smul.u32 $0x3400, s3;
	s17 =	ssub.s32 s10, s12  }
0xc: {  	s10 =	sadd.s32 s23, s2;
	s11 =	sadd.s32 s24, s2;
	s12 =	sadd.s32 s25, s2  }
0xd: {  	s13 =	sadd.s32 s26, s2;
	s14 =	sadd.s32 s18, s2;
	s20 =	sadd.s32 s16, s19  }
0xe: {  	s16 =	sshrl.u32 s15, $0x1;
	s23 =	sadd.s32 s19, s26;
	s8 =	sshrl.u32 s3, $0x3  }
0xf: {  	s0 =	sshrl.u32 s20, $0x3;
	s9 =	sadd.s32 s8, s1;
	s1 =	sadd.s32 $0x5FC00, s1  }
0x10: {  	s7 =	sadd.s32 s7, s8;
	s22 =	sadd.s32 s6, s8;
	s8 =	sadd.s32 s19, s24  }
0x11: {  	s24 =	sadd.s32 s19, s18;
	s9 =	sadd.s32 $0x1DC00, s9;
	[dreg:$0x5] =	wrdreg s7  }
0x12: {  	[dreg:$0x6] =	wrdreg s22;
	s0 =	sadd.s32 s1, s0;
	s21 =	sshrl.u32 s8, $0x3  }
0x13: {  	s22 =	sadd.s32 s19, s25;
	s7 =	sshrl.u32 s23, $0x3;
	[dreg:$0x4] =	wrdreg s9  }
0x14: {  	s26 =	sshrl.u32 s24, $0x3;
	[dreg:$0x7] =	wrdreg s0;
	s0 =	sadd.s32 s1, s21  }
0x15: {  	s23 =	simm.s32 $0x4;
	s25 =	sadd.s32 s1, s7;
	[dreg:$0x8] =	wrdreg s0  }
0x16: {  	s24 =	simm.s32 $0x0;
	s0 =	sshrl.u32 s22, $0x3;
	[dreg:$0xa] =	wrdreg s25  }
0x17: {  	s22 =	smax.u32 s17, $0x1;
	s25 =	simm.s32 $0x6800;
	s0 =	sadd.s32 s1, s0  }
0x18: {  	[dreg:$0x9] =	wrdreg s0;
	s0 =	sadd.s32 s1, s26;
	s26 =	simm.s32 $0x6900  }
0x19: {  	v0 =	vimm.f32 $0.0e+00;
	s1 =	simm.s32 $0x6880;
	[dreg:$0xb] =	wrdreg s0;
	s0 =	simm.s32 $0x0  }
.LBB2_1:
0x1a: {  	s7 =	rddreg [dreg:$0x4]  }
0x1b: {  	[tilespmem:s4], [sflag:$0x4] =	stream.linear.gather [hbm4b:s7+s4], $0x3300, $0x38;
	[tilespmem:$0x1E900] =	vst v63  }
0x1c: {  	_ =	swait.ge [sflag:s23], $0x3300  }
0x1d: {  	[sflag:s23] =	ssyncset.done $0x0  }
0x1e: {  	s8 =	simm.s32 $0x3400;
	s20 =	rddreg [dreg:$0x5];
	[sflag:s23] =	ssyncadd.s32 $0xFFFFCD00  }
0x1f: {  	[tilespmem:s8], [sflag:$0x4] =	stream.linear.gather [hbm4b:s20+s4], $0x3300, $0x38;
	[tilespmem:$0x1E900] =	vst v63  }
0x20: {  	_ =	swait.ge [sflag:s23], $0x3300  }
0x21: {  	s7 =	simm.s32 $0x0;
	[sflag:s23] =	ssyncset.done $0x0  }
0x22: {  	s8 =	simm.s32 $0x200;
	s21 =	rddreg [dreg:$0x6];
	[sflag:s23] =	ssyncadd.s32 $0xFFFFCD00  }
0x23: {  	[tilespmem:s25], [sflag:$0x2] =	stream.linear.gather [hbm4b:s21+s4], $0x80, $0x38;
	[tilespmem:$0x1E900] =	vst v63  }
.LBB2_2:
0x24: {  	p0 =	sne.s32 s8, $0xFE00;
	[tilespmem:s7+$0x6970] =	vst v0  }
0x25: {  	[tilespmem:s7+$0x6900] =	vst v0  }
0x26: {  	[tilespmem:s7+$0x6910] =	vst v0  }
.Ltmp0:
0x27: {  	[tilespmem:s7+$0x6920] =	vst v0;
	(pc) =	sbr.rel @p0 .LBB2_2-.Ltmp0, $4  }
0x28: {  	[tilespmem:s7+$0x6930] =	vst v0  }
0x29: {  	[tilespmem:s7+$0x6940] =	vst v0  }
0x2a: {  	[tilespmem:s7+$0x6950] =	vst v0  }
0x2b: {  	[tilespmem:s7+$0x6960] =	vst v0;
	s7 =	sshra.s32 s8, $0x2;
	s8 =	sadd.s32 $0x200, s8  }
0x2c: {  	[tilespmem:s7+$0x6970] =	vst v0  }
0x2d: {  	[tilespmem:s7+$0x6900] =	vst v0  }
0x2e: {  	[tilespmem:s7+$0x6910] =	vst v0  }
0x2f: {  	[tilespmem:s7+$0x6920] =	vst v0  }
0x30: {  	[tilespmem:s7+$0x6930] =	vst v0  }
0x31: {  	[tilespmem:s7+$0x6940] =	vst v0  }
0x32: {  	[tilespmem:s7+$0x6950] =	vst v0  }
0x33: {  	[tilespmem:s7+$0x6960] =	vst v0  }
0x34: {  	[spmem:s10] =	stream.linear.scatter [tilespmem:s26], [sflag:$0x4], $0x4000, $0x38;
	[tilespmem:$0x1E900] =	vst v63  }
0x35: {  	_ =	swait.ge [sflag:s23], $0x4000  }
0x36: {  	[sflag:s23] =	ssyncset.done $0x0  }
0x37: {  	[sflag:s23] =	ssyncadd.s32 $0xFFFFC000  }
0x38: {  	[spmem:s11] =	stream.linear.scatter [tilespmem:s26], [sflag:$0x4], $0x4000, $0x38;
	[tilespmem:$0x1E900] =	vst v63  }
0x39: {  	_ =	swait.ge [sflag:s23], $0x4000  }
0x3a: {  	[sflag:s23] =	ssyncset.done $0x0  }
0x3b: {  	[sflag:s23] =	ssyncadd.s32 $0xFFFFC000  }
0x3c: {  	[spmem:s12] =	stream.linear.scatter [tilespmem:s26], [sflag:$0x4], $0x4000, $0x38;
	[tilespmem:$0x1E900] =	vst v63  }
0x3d: {  	_ =	swait.ge [sflag:s23], $0x4000  }
0x3e: {  	[sflag:s23] =	ssyncset.done $0x0  }
0x3f: {  	[sflag:s23] =	ssyncadd.s32 $0xFFFFC000  }
0x40: {  	[spmem:s13] =	stream.linear.scatter [tilespmem:s26], [sflag:$0x4], $0x4000, $0x38;
	[tilespmem:$0x1E900] =	vst v63  }
0x41: {  	_ =	swait.ge [sflag:s23], $0x4000  }
0x42: {  	[sflag:s23] =	ssyncset.done $0x0  }
0x43: {  	[sflag:s23] =	ssyncadd.s32 $0xFFFFC000  }
0x44: {  	[spmem:s14] =	stream.linear.scatter [tilespmem:s26], [sflag:$0x4], $0x4000, $0x38;
	[tilespmem:$0x1E900] =	vst v63  }
0x45: {  	_ =	swait.ge [sflag:s23], $0x4000  }
0x46: {  	[sflag:s23] =	ssyncset.done $0x0  }
0x47: {  	[sflag:s23] =	ssyncadd.s32 $0xFFFFC000  }
0x48: {  	s7 =	simm.s32 $0x0;
	[bflag:$0x0] =	sbarrier.arrive $0xFFFF  }
.LBB2_4:
0x49: {  	s9 =	sshll.u32 s7, $0x8;
	s8 =	sshllo.u32 s7, $0x1  }
0x4a: {  	[tilespmem:s26], [sflag:$0x1] =	stream.indirect.gather [hbm4b:s5+s28], $0x80, s9, s28, $0xb8;
	[tilespmem:$0x1E900] =	vst v63  }
0x4b: {  	p0 =	sge.u32 s8, s15  }
0x4c: {  	s17 =	sand.u32 @!p0 $0xFFFFFC00, s9;
	s18 =	sshll.u32 @!p0 s8, $0x7  }
0x4d: {  	s17 =	sadd.s32 @!p0 s3, s17;
	s18 =	sand.u32 @!p0 $0x380, s18  }
0x4e: {  	_ =	swait.ge [sflag:s29], $0x4000;
	s17 =	sor.u32 @!p0 s17, s18  }
0x4f: {  	s19 =	simm.s32 @!p0 $0x6880;
	[sflag:s29] =	ssyncset.done $0x0;
	s17 =	sshrl.u32 @!p0 s17, $0x3  }
0x50: {  	[sflag:s29] =	ssyncadd.s32 $0xFFFFC000;
	s18 =	simm.s32 @!p0 $0x0;
	s17 =	sadd.s32 @!p0 s6, s17  }
0x51: {  	[tilespmem:s19], [sflag:$0x3] =	stream.linear.gather @!p0 [hbm4b:s17+s18], $0x80, $0x38;
	[tilespmem:$0x1E900] =	vst v63  }
0x52: {  	_ =	swait.ge [sflag:s30], $0x80  }
0x53: {  	v1 =	vmov s24;
	[sflag:s30] =	ssyncset.done $0x0  }
0x54: {  	s17 =	simm.s32 $0x6940;
	[sflag:s30] =	ssyncadd.s32 $0xFFFFFF80  }
0x55: {  	v5 =	vld [tilespmem:s17+$0x30]  }
0x56: {  	v8 =	vld [tilespmem:s17+$0x10]  }
0x57: {  	v6 =	vld [tilespmem:s17+$0xFFFFFFC0]  }
0x58: {  	v2 =	vld.idx.msk [tilespmem:v1+s25+$0x0], $0xffff  }
0x59: {  	v10 =	vld [tilespmem:s17+$0xFFFFFFE0]  }
0x5a: {  	v1 =	vld [tilespmem:s17+$0xFFFFFFF0]  }
0x5b: {  	v3 =	vld [tilespmem:s17+$0x20]  }
0x5c: {  	v4 =	vld [tilespmem:s17+$0xFFFFFFD0]  }
0x5d: {  	v9 =	vmul.f32 v5, v2;
	v5 =	vld [tilespmem:s17+$0x0]  }
0x5e: {  	v7 =	vmul.f32 v6, v2  }
0x5f: {  	s20 =	simm.s32 $0x6940;
	s18 =	sshll.u32 s7, $0x1;
	s19 =	simm.s32 $0x1;
	v6 =	vmul.f32 v10, v2;
	v8 =	vmul.f32 v8, v2  }
.LBB2_5:
0x60: {  	p0 =	sne.s32 s19, $0x7F  }
0x61: {  	v4 =	vmul.f32 v4, v2;
	v3 =	vmul.f32 v3, v2;
	[tilespmem:s17+$0x30] =	vst v9;
	s20 =	sadd.s32 $0x80, s20;
	s21 =	smov.u32 s19;
	s19 =	sadd.s32 $0x1, s19  }
0x62: {  	[tilespmem:s17+$0xFFFFFFC0] =	vst v7;
	v7 =	vmul.f32 v1, v2;
	v2 =	vmul.f32 v5, v2  }
0x63: {  	[tilespmem:s17+$0x10] =	vst v8  }
0x64: {  	v5 =	vmov s21;
	[tilespmem:s17+$0xFFFFFFE0] =	vst v6  }
0x65: {  	v1 =	vld [tilespmem:s20+$0xFFFFFFF0];
	[tilespmem:s17+$0xFFFFFFF0] =	vst v7  }
0x66: {  	v6 =	vld [tilespmem:s20+$0x30];
	[tilespmem:s17+$0x0] =	vst v2  }
0x67: {  	v8 =	vld [tilespmem:s20+$0x10];
	[tilespmem:s17+$0x20] =	vst v3  }
0x68: {  	v7 =	vld [tilespmem:s20+$0xFFFFFFC0];
	[tilespmem:s17+$0xFFFFFFD0] =	vst v4;
	s17 =	smov.u32 s20  }
0x69: {  	v2 =	vld.idx.msk [tilespmem:v5+s25+$0x0], $0xffff  }
0x6a: {  	v10 =	vld [tilespmem:s20+$0xFFFFFFE0]  }
0x6b: {  	v3 =	vld [tilespmem:s20+$0x20]  }
.Ltmp1:
0x6c: {  	v4 =	vld [tilespmem:s20+$0xFFFFFFD0];
	(pc) =	sbr.rel @p0 .LBB2_5-.Ltmp1, $3  }
0x6d: {  	v5 =	vld [tilespmem:s20+$0x0];
	_ =	sdelay $0x1  }
0x6e: {  	v7 =	vmul.f32 v7, v2;
	v9 =	vmul.f32 v6, v2  }
0x6f: {  	v8 =	vmul.f32 v8, v2;
	v6 =	vmul.f32 v10, v2  }
0x70: {  	[tilespmem:s17+$0x30] =	vst v9  }
0x71: {  	[tilespmem:s17+$0xFFFFFFC0] =	vst v7  }
0x72: {  	v1 =	vmul.f32 v1, v2;
	[tilespmem:s17+$0x10] =	vst v8  }
0x73: {  	v3 =	vmul.f32 v3, v2;
	[tilespmem:s17+$0xFFFFFFE0] =	vst v6  }
0x74: {  	v5 =	vmul.f32 v5, v2;
	[tilespmem:s17+$0xFFFFFFF0] =	vst v1  }
0x75: {  	v1 =	vmul.f32 v4, v2;
	[tilespmem:s17+$0x20] =	vst v3  }
0x76: {  	[tilespmem:s17+$0x0] =	vst v5  }
0x77: {  	s9 =	sadd.s32 $0x3400, s9;
	[tilespmem:s17+$0xFFFFFFD0] =	vst v1  }
0x78: {  	[spmem:s2] =	stream.indirect.scatter.add.f32 [tilespmem:s26], [sflag:$0x4], $0x80, s9, s28, $0xb8;
	[tilespmem:$0x1E900] =	vst v63  }
0x79: {  	s9 =	sadd.s32 $0x2, s18  }
0x7a: {  	_ =	swait.ge [sflag:s23], $0x4000;
	p0 =	sge.u32 s9, s15  }
0x7b: {  	[sflag:s23] =	ssyncset.done $0x0;
	s9 =	sshll.u32 @!p0 s9, $0x7  }
0x7c: {  	s8 =	sshll.u32 s8, $0x7;
	[sflag:s23] =	ssyncadd.s32 $0xFFFFC000;
	s17 =	sand.u32 @!p0 $0x7FFFFC00, s9  }
0x7d: {  	[tilespmem:s26], [sflag:$0x1] =	stream.indirect.gather [hbm4b:s5+s28], $0x80, s8, s28, $0xb8;
	[tilespmem:$0x1E900] =	vst v63  }
0x7e: {  	s9 =	sand.u32 @!p0 $0x300, s9;
	s17 =	sadd.s32 @!p0 s3, s17  }
0x7f: {  	_ =	swait.ge [sflag:s29], $0x4000;
	s9 =	sor.u32 @!p0 s9, s17  }
0x80: {  	s18 =	simm.s32 @!p0 $0x6800;
	[sflag:s29] =	ssyncset.done $0x0;
	s9 =	sshrl.u32 @!p0 s9, $0x3  }
0x81: {  	s17 =	simm.s32 @!p0 $0x0;
	[sflag:s29] =	ssyncadd.s32 $0xFFFFC000;
	s9 =	sadd.s32 @!p0 s6, s9  }
0x82: {  	[tilespmem:s18], [sflag:$0x2] =	stream.linear.gather @!p0 [hbm4b:s9+s17], $0x80, $0x38;
	[tilespmem:$0x1E900] =	vst v63  }
0x83: {  	s21 =	simm.s32 $0x0;
	_ =	swait.ge [sflag:s31], $0x80  }
0x84: {  	v1 =	vmov s21;
	[sflag:s31] =	ssyncset.done $0x0  }
0x85: {  	s9 =	simm.s32 $0x6940;
	[sflag:s31] =	ssyncadd.s32 $0xFFFFFF80  }
0x86: {  	v5 =	vld [tilespmem:s9+$0x30]  }
0x87: {  	v8 =	vld [tilespmem:s9+$0x10]  }
0x88: {  	v6 =	vld [tilespmem:s9+$0xFFFFFFC0]  }
0x89: {  	v2 =	vld.idx.msk [tilespmem:v1+s1+$0x0], $0xffff  }
0x8a: {  	v10 =	vld [tilespmem:s9+$0xFFFFFFE0]  }
0x8b: {  	v1 =	vld [tilespmem:s9+$0xFFFFFFF0]  }
0x8c: {  	v3 =	vld [tilespmem:s9+$0x20]  }
0x8d: {  	v4 =	vld [tilespmem:s9+$0xFFFFFFD0]  }
0x8e: {  	v9 =	vmul.f32 v5, v2;
	v5 =	vld [tilespmem:s9+$0x0]  }
0x8f: {  	v7 =	vmul.f32 v6, v2  }
0x90: {  	s17 =	simm.s32 $0x1;
	s18 =	simm.s32 $0x6940;
	v6 =	vmul.f32 v10, v2;
	v8 =	vmul.f32 v8, v2  }
.LBB2_7:
0x91: {  	p0 =	sne.s32 s17, $0x7F  }
0x92: {  	v4 =	vmul.f32 v4, v2;
	v3 =	vmul.f32 v3, v2;
	[tilespmem:s9+$0x30] =	vst v9;
	s18 =	sadd.s32 $0x80, s18;
	s19 =	smov.u32 s17;
	s17 =	sadd.s32 $0x1, s17  }
0x93: {  	[tilespmem:s9+$0xFFFFFFC0] =	vst v7;
	v7 =	vmul.f32 v1, v2;
	v2 =	vmul.f32 v5, v2  }
0x94: {  	[tilespmem:s9+$0x10] =	vst v8  }
0x95: {  	v5 =	vmov s19;
	[tilespmem:s9+$0xFFFFFFE0] =	vst v6  }
0x96: {  	v1 =	vld [tilespmem:s18+$0xFFFFFFF0];
	[tilespmem:s9+$0xFFFFFFF0] =	vst v7  }
0x97: {  	v6 =	vld [tilespmem:s18+$0x30];
	[tilespmem:s9+$0x0] =	vst v2  }
0x98: {  	v8 =	vld [tilespmem:s18+$0x10];
	[tilespmem:s9+$0x20] =	vst v3  }
0x99: {  	v7 =	vld [tilespmem:s18+$0xFFFFFFC0];
	[tilespmem:s9+$0xFFFFFFD0] =	vst v4;
	s9 =	smov.u32 s18  }
0x9a: {  	v2 =	vld.idx.msk [tilespmem:v5+s1+$0x0], $0xffff  }
0x9b: {  	v10 =	vld [tilespmem:s18+$0xFFFFFFE0]  }
0x9c: {  	v3 =	vld [tilespmem:s18+$0x20]  }
.Ltmp2:
0x9d: {  	v4 =	vld [tilespmem:s18+$0xFFFFFFD0];
	(pc) =	sbr.rel @p0 .LBB2_7-.Ltmp2, $3  }
0x9e: {  	v5 =	vld [tilespmem:s18+$0x0];
	_ =	sdelay $0x1  }
0x9f: {  	v7 =	vmul.f32 v7, v2;
	v9 =	vmul.f32 v6, v2  }
0xa0: {  	v8 =	vmul.f32 v8, v2;
	v6 =	vmul.f32 v10, v2  }
0xa1: {  	[tilespmem:s9+$0x30] =	vst v9  }
0xa2: {  	[tilespmem:s9+$0xFFFFFFC0] =	vst v7  }
0xa3: {  	v1 =	vmul.f32 v1, v2;
	[tilespmem:s9+$0x10] =	vst v8  }
0xa4: {  	v3 =	vmul.f32 v3, v2;
	[tilespmem:s9+$0xFFFFFFE0] =	vst v6  }
0xa5: {  	v5 =	vmul.f32 v5, v2;
	[tilespmem:s9+$0xFFFFFFF0] =	vst v1  }
0xa6: {  	s7 =	sadd.s32 $0x1, s7;
	v1 =	vmul.f32 v4, v2;
	[tilespmem:s9+$0x20] =	vst v3  }
0xa7: {  	p0 =	sne.s32 s7, s16;
	[tilespmem:s9+$0x0] =	vst v5  }
.Ltmp3:
0xa8: {  	s8 =	sadd.s32 $0x3400, s8;
	[tilespmem:s9+$0xFFFFFFD0] =	vst v1;
	(pc) =	sbr.rel @p0 .LBB2_4-.Ltmp3, $4  }
0xa9: {  	[spmem:s2] =	stream.indirect.scatter.add.f32 [tilespmem:s26], [sflag:$0x4], $0x80, s8, s28, $0xb8;
	[tilespmem:$0x1E900] =	vst v63  }
0xaa: {  	_ =	swait.ge [sflag:s23], $0x4000  }
0xab: {  	[sflag:s23] =	ssyncset.done $0x0  }
0xac: {  	[sflag:s23] =	ssyncadd.s32 $0xFFFFC000  }
0xad: {  	s7 =	stileid.u32  }
0xae: {  	[bflag:$0x0] =	sbarrier.arrive $0xFFFF;
	s7 =	sshll.u32 s7, $0x6  }
0xaf: {  	s8 =	sshrl.u32 s10, $0x3;
	s9 =	rddreg [dreg:$0x7];
	s7 =	sor.u32 $0x1C04, s7  }
0xb0: {  	[hbm:s9], [sflag:s7] =	dma.local [spmem:s8], $0x800  }
0xb1: {  	_ =	swait.ge [sflag:s23], $0x800  }
0xb2: {  	[sflag:s23] =	ssyncset.done $0x0  }
0xb3: {  	s20 =	sshrl.u32 s11, $0x3;
	s21 =	rddreg [dreg:$0x8];
	[sflag:s23] =	ssyncadd.s32 $0xFFFFF800  }
0xb4: {  	[hbm:s21], [sflag:s7] =	dma.local [spmem:s20], $0x800  }
0xb5: {  	_ =	swait.ge [sflag:s23], $0x800  }
0xb6: {  	[sflag:s23] =	ssyncset.done $0x0  }
0xb7: {  	s9 =	sshrl.u32 s12, $0x3;
	s17 =	rddreg [dreg:$0x9];
	[sflag:s23] =	ssyncadd.s32 $0xFFFFF800  }
0xb8: {  	[hbm:s17], [sflag:s7] =	dma.local [spmem:s9], $0x800  }
0xb9: {  	_ =	swait.ge [sflag:s23], $0x800  }
0xba: {  	[sflag:s23] =	ssyncset.done $0x0  }
0xbb: {  	s18 =	sshrl.u32 s13, $0x3;
	s19 =	rddreg [dreg:$0xa];
	[sflag:s23] =	ssyncadd.s32 $0xFFFFF800  }
0xbc: {  	[hbm:s19], [sflag:s7] =	dma.local [spmem:s18], $0x800  }
0xbd: {  	s0 =	sadd.s32 $0x1, s0;
	_ =	swait.ge [sflag:s23], $0x800  }
0xbe: {  	p0 =	sne.s32 s0, s22;
	s20 =	sshrl.u32 s14, $0x3;
	[sflag:s23] =	ssyncset.done $0x0  }
.Ltmp4:
0xbf: {  	s21 =	rddreg [dreg:$0xb];
	[sflag:s23] =	ssyncadd.s32 $0xFFFFF800;
	(pc) =	sbr.rel @p0 .LBB2_1-.Ltmp4, $4  }
0xc0: {  	[hbm:s21], [sflag:s7] =	dma.local [spmem:s20], $0x800  }
0xc1: {  	_ =	swait.ge [sflag:s23], $0x800  }
0xc2: {  	[sflag:s23] =	ssyncset.done $0x0  }
0xc3: {  	[sflag:s23] =	ssyncadd.s32 $0xFFFFF800  }
0xc4: {  	_ =	sfence.sel $0x180000  }
0xc5: {  	[bflag:$0x0] =	sbarrier.arrive $0xFFFF  }
0xc6: {  	_ =	strace $0x9000004D  }
0xc7: {  	s0 =	stileid.u32;
	[bflag:$0x2] =	sbarrier.arrive $0xFFFF  }
0xc8: {  	p0 =	sne.s32 s0, $0x0;
	s0 =	rddreg [dreg:$0x3]  }
0xc9: {  	s0 =	sadd.s32 @!p0 $0x100000, s0  }
0xca: {  	[sflag:s0] =	ssyncadd.tile.s32 @!p0 $0x1;
	_ =	shalt  }
.Lfunc_end2:
_tile_overlayer_lowered:
.L_overlay_start_2:
0xcb: {  	(tag) =	ssettag $0x2  }
0xcc: {  	s0 =	rddreg [dreg:$0x0];
	s2 =	stileid.u32  }
0xcd: {  	s1 =	rddreg [dreg:$0x1];
	p0 =	sne.s32 s2, $0x0  }
0xce: {  	s3 =	rddreg [dreg:$0x2];
	[bflag:$0x3] =	sbarrier.arrive $0xFFFF;
	s2 =	simm.s32 @!p0 $0x1C04  }
0xcf: {  	[timem:s3], [sflag:s2] =	dma.local @!p0 [hbm:s0], s1  }
0xd0: {  	s0 =	simm.s32 @!p0 $0x4  }
0xd1: {  	_ =	swait.ge @!p0 [sflag:s0], s1  }
0xd2: {  	s1 =	ssub.s32 @!p0 $0x0, s1;
	[sflag:s0] =	ssyncset.done @!p0 $0x0  }
0xd3: {  	[sflag:s0] =	ssyncadd.s32 @!p0 s1  }
0xd4: {  	[bflag:$0x3] =	sbarrier.arrive $0xFFFF  }
0xd5: {  	_ =	shalt  }

// kernel: kernel.19.cloned.1.call-start
scs
__scs_entry_jumppad:
0x0: {  	(pc) =	sbr.rel $0x88, $3  }
0x1: {  	(tag) =	ssettag $0x0;
	lr =	simm.s32 $0x1  }
0x2: {  	[smem:$0x3F96] =	sst lr;
	_ =	strace $0xD0000000  }
0x3: {  	_ = 	snop  }
0x4: {  	_ = 	snop  }
0x5: {  	_ = 	snop  }
0x6: {  	_ = 	snop  }
0x7: {  	_ = 	snop  }
__scs_overlays_trampoline_lowered:
0x8: {  	[smem:$0x3FA5] =	sst s0  }
0x9: {  	[smem:$0x3FA6] =	sst s1  }
0xa: {  	[smem:$0x3FA7] =	sst s2  }
0xb: {  	[smem:$0x3FA8] =	sst s3  }
0xc: {  	[smem:$0x3FA9] =	sst s4  }
0xd: {  	[smem:$0x3FAA] =	sst s5  }
0xe: {  	[smem:$0x3FAB] =	sst s6  }
0xf: {  	[smem:$0x3FAC] =	sst s7  }
0x10: {  	[smem:$0x3FAD] =	sst s8  }
0x11: {  	[smem:$0x3FAE] =	sst s9;
	s0 =	simm.s32 @!p0 $0x0  }
0x12: {  	s1 =	sld [smem:$0x3F94];
	s0 =	simm.s32 @p0 $0x1  }
0x13: {  	[smem:$0x3FAF] =	sst s0;
	s0 =	simm.s32 @!p1 $0x0  }
0x14: {  	s2 =	sld [smem:$0x3F93];
	s0 =	simm.s32 @p1 $0x1  }
0x15: {  	[smem:$0x3FB0] =	sst s0;
	s0 =	simm.s32 @!p2 $0x0  }
0x16: {  	s3 =	sld [smem:$0x3FDB];
	s0 =	simm.s32 @p2 $0x1  }
0x17: {  	s4 =	simm.s32 $0x1BF5;
	[smem:$0x3FB2] =	sst s0  }
0x18: {  	s0 =	sld [smem:$0x3F95];
	_ =	swait.ge [sflag:s4], $0x0  }
0x19: {  	s7 =	sld [smem:$0x3F96]  }
0x1a: {  	s8 =	sadd.s32 $0xFFFFE003, lr  }
0x1b: {  	s9 =	sadd.s32 $0xFFFFFEF7, lr;
	s5 =	simm.s32 $0xFFFFFFFF;
	p2 =	slt.u32 s8, $0xFFFFF086  }
0x1c: {  	p1 =	slt.u32 s9, $0xF7A;
	s5 =	simm.s32 @!p2 $0x0  }
0x1d: {  	s5 =	simm.s32 @p1 $0x1;
	p0 =	seq.s32 s7, s2  }
0x1e: {  	s7 =	smul.u32 @!p0 $0xF7A, s2;
	p2 =	seq.s32 @!p0 s5, $0x0  }
0x1f: {  	s9 =	smul.u32 $0xF7A, s1;
	s8 =	simm.s32 @!p0 $0x1BF5;
	p2 =	por !p2, p0  }
0x20: {  	[sflag:s8] =	ssyncset.s32 @!p0 $0xFFFFF086;
	s6 =	sadd.s32 @!p0 s3, s7;
	s7 =	simm.s32 @!p0 $0x108  }
0x21: {  	s3 =	sadd.s32 s3, s9;
	s6 =	sadd.s32 @!p0 $0x88, s6;
	s7 =	simm.s32 @p2 $0x1082  }
0x22: {  	[simem:s7], [sflag:s8] =	dma.local @!p0 [hbm:s6], $0xF7A  }
0x23: {  	s9 =	sor.u32 $0xD0000000, s2;
	s6 =	simm.s32 $0x108;
	_ =	swait.ge @!p0 [sflag:s8], $0x0  }
0x24: {  	s3 =	sadd.s32 $0x88, s3;
	s6 =	simm.s32 @!p1 $0x1082;
	[sflag:s4] =	ssyncset.s32 $0xFFFFF086  }
0x25: {  	[simem:s6], [sflag:s4] =	dma.local [hbm:s3], $0xF7A  }
0x26: {  	[smem:$0x3F96] =	sst s1;
	(tag) =	ssettag s2;
	_ =	strace s9  }
0x27: {  	s1 =	sld [smem:$0x3FA6]  }
0x28: {  	s2 =	sld [smem:$0x3FA7]  }
0x29: {  	s4 =	sld [smem:$0x3FA9]  }
0x2a: {  	p0 =	seq.s32 s5, $0x0;
	s5 =	sld [smem:$0x3FAA]  }
0x2b: {  	s6 =	sld [smem:$0x3FAB]  }
0x2c: {  	s7 =	sld [smem:$0x3FAC]  }
0x2d: {  	s3 =	simm.s32 $0x108;
	s8 =	sld [smem:$0x3FAD]  }
0x2e: {  	s3 =	simm.s32 @!p0 $0x1082;
	s9 =	sld [smem:$0x3FAE]  }
0x2f: {  	lr =	sadd.s32 s0, s3;
	s0 =	sld [smem:$0x3FA5]  }
0x30: {  	s3 =	sld [smem:$0x3FA8]  }
0x31: {  	[smem:$0x3FB1] =	sst s10  }
0x32: {  	s10 =	sld [smem:$0x3FAF];
	_ =	sdelay $0x3  }
0x33: {  	p0 =	seq.s32 s10, $0x1;
	s10 =	sld [smem:$0x3FB1];
	_ =	sdelay $0x3  }
0x34: {  	[smem:$0x3FB1] =	sst s10  }
0x35: {  	s10 =	sld [smem:$0x3FB0];
	_ =	sdelay $0x3  }
0x36: {  	p1 =	seq.s32 s10, $0x1;
	s10 =	sld [smem:$0x3FB1];
	_ =	sdelay $0x3  }
0x37: {  	[smem:$0x3FB1] =	sst s10  }
0x38: {  	s10 =	sld [smem:$0x3FB2]  }
0x39: {  	_ = 	snop;
	(pc) =	sbr.ind lr, $3  }
0x3a: {  	_ = 	snop  }
0x3b: {  	_ = 	snop  }
0x3c: {  	p2 =	seq.s32 s10, $0x1;
	s10 =	sld [smem:$0x3FB1]  }
0x3d: {  	_ =	shalt  }
0x3e: {  	_ =	shalt  }
0x3f: {  	_ =	shalt  }
0x40: {  	_ =	shalt  }
0x41: {  	_ =	shalt  }
0x42: {  	_ =	shalt  }
0x43: {  	_ =	shalt  }
0x44: {  	_ =	shalt  }
0x45: {  	_ =	shalt  }
0x46: {  	_ =	shalt  }
0x47: {  	_ =	shalt  }
0x48: {  	_ =	shalt  }
0x49: {  	_ =	shalt  }
0x4a: {  	_ =	shalt  }
0x4b: {  	_ =	shalt  }
0x4c: {  	_ =	shalt  }
0x4d: {  	_ =	shalt  }
0x4e: {  	_ =	shalt  }
0x4f: {  	_ =	shalt  }
0x50: {  	_ =	shalt  }
0x51: {  	_ =	shalt  }
0x52: {  	_ =	shalt  }
0x53: {  	_ =	shalt  }
0x54: {  	_ =	shalt  }
0x55: {  	_ =	shalt  }
0x56: {  	_ =	shalt  }
0x57: {  	_ =	shalt  }
0x58: {  	_ =	shalt  }
0x59: {  	_ =	shalt  }
0x5a: {  	_ =	shalt  }
0x5b: {  	_ =	shalt  }
0x5c: {  	_ =	shalt  }
0x5d: {  	_ =	shalt  }
0x5e: {  	_ =	shalt  }
0x5f: {  	_ =	shalt  }
0x60: {  	_ =	shalt  }
0x61: {  	_ =	shalt  }
0x62: {  	_ =	shalt  }
0x63: {  	_ =	shalt  }
0x64: {  	_ =	shalt  }
0x65: {  	_ =	shalt  }
0x66: {  	_ =	shalt  }
0x67: {  	_ =	shalt  }
0x68: {  	_ =	shalt  }
0x69: {  	_ =	shalt  }
0x6a: {  	_ =	shalt  }
0x6b: {  	_ =	shalt  }
0x6c: {  	_ =	shalt  }
0x6d: {  	_ =	shalt  }
0x6e: {  	_ =	shalt  }
0x6f: {  	_ =	shalt  }
0x70: {  	_ =	shalt  }
0x71: {  	_ =	shalt  }
0x72: {  	_ =	shalt  }
0x73: {  	_ =	shalt  }
0x74: {  	_ =	shalt  }
0x75: {  	_ =	shalt  }
0x76: {  	_ =	shalt  }
0x77: {  	_ =	shalt  }
0x78: {  	_ =	shalt  }
0x79: {  	_ =	shalt  }
0x7a: {  	_ =	shalt  }
0x7b: {  	_ =	shalt  }
0x7c: {  	_ =	shalt  }
0x7d: {  	_ =	shalt  }
0x7e: {  	_ =	shalt  }
0x7f: {  	_ =	shalt  }
0x80: {  	_ =	shalt  }
0x81: {  	_ =	shalt  }
0x82: {  	_ =	shalt  }
0x83: {  	_ =	shalt  }
0x84: {  	_ =	shalt  }
0x85: {  	_ =	shalt  }
0x86: {  	_ =	shalt  }
0x87: {  	_ =	shalt  }
.Lfunc_end0:
.L_simem_size_0:
called_computation.3_lowered:
.L_overlay_start_0:
0x88: {  	s2 =	sld [smem:$0x3FD9]  }
0x89: {  	s3 =	sld [smem:$0x3FFE];
	_ =	sdelay $0x1  }
0x8a: {  	s1 =	srdreg.scid  }
0x8b: {  	s0 =	sand.u32 $0x1, s1  }
0x8c: {  	s17 =	sshll.u32 s0, $0xA;
	s2 =	sadd.s32 s3, s2  }
0x8d: {  	s2 =	sadd.s32 s2, s17  }
0x8e: {  	[smem:$0x3FBD] =	sst s2  }
0x8f: {  	_ = 	snop  }
0x90: {  	s2 =	sld [smem:$0x3FD0];
	(tm) =	ssettm $0x1  }
0x91: {  	s18 =	sld [smem:$0x3FFB];
	_ =	sdelay $0x3  }
0x92: {  	_ =	strace s18  }
0x93: {  	s3 =	sld [smem:$0x3FFC];
	_ =	sdelay $0x3  }
0x94: {  	_ =	strace s3  }
0x95: {  	s3 =	sld [smem:$0x3FFD];
	_ =	sdelay $0x3  }
0x96: {  	_ =	strace s3  }
0x97: {  	_ =	strace $0x8FFFFFFF  }
0x98: {  	s19 =	sld [smem:$0x3FDB];
	_ =	sdelay $0x1  }
0x99: {  	s4 =	simm.s32 $_scs_section_size  }
0x9a: {  	s5 =	simm.s32 $_size__tile_overlayer_lowered;
	s6 =	simm.s32 $_tile_overlayer_lowered  }
0x9b: {  	s22 =	simm.s32 $0x1BFF;
	s21 =	sshll.u32 s6, $0x1;
	s3 =	sadd.s32 s4, s19  }
0x9c: {  	s7 =	simm.s32 $0x0;
	s20 =	sshll.u32 s5, $0x1;
	s5 =	sadd.s32 s21, s3  }
0x9d: {  	[timem:s7], [sflag:s22] =	dma.local [hbm:s5], s20  }
0x9e: {  	_ =	swait.ge [sflag:s22], s20  }
0x9f: {  	s4 =	ssub.s32 $0x0, s20;
	[sflag:s22] =	ssyncset.done $0x0  }
0xa0: {  	[sflag:s22] =	ssyncadd.s32 s4;
	_ =	sdelay $0x1  }
0xa1: {  	s23 =	simm.s32 $0x1B8B  }
0xa2: {  	_ =	swait.ge [sflag:s23], $0x1  }
0xa3: {  	[sflag:s23] =	ssyncset.done $0x0  }
0xa4: {  	s25 =	simm.s32 $0x1B8E;
	s24 =	sld [smem:$0x3FFE];
	[sflag:s23] =	ssyncadd.s32 $0xFFFFFFFF  }
0xa5: {  	s26 =	simm.s32 $execute0_lowered;
	[smem:$0x3FD2] =	sst s25  }
0xa6: {  	s5 =	sshll.u32 s26, $0x1;
	_ =	strace $0x8000004F;
	[dreg:$0x1] =	wrdreg $0xFFFFFFFF  }
0xa7: {  	s28 =	simm.s32 $_size_execute0_lowered;
	s3 =	sadd.s32 s3, s5;
	[dreg:$0x0] =	wrdreg $0x0  }
0xa8: {  	s5 =	sshll.u32 s28, $0x1;
	[dreg:$0x2] =	wrdreg s3  }
0xa9: {  	[dreg:$0x3] =	wrdreg s5  }
0xaa: {  	[dreg:$0x4] =	wrdreg $0xC0  }
0xab: {  	_ =	task [dreg:s7], $0x5FFFF  }
0xac: {  	[dreg:$0x1] =	wrdreg $0xFFFFFFFF  }
0xad: {  	[dreg:$0x0] =	wrdreg $0x60  }
0xae: {  	[dreg:$0x2] =	wrdreg s24  }
0xaf: {  	[dreg:$0x3] =	wrdreg s2  }
0xb0: {  	[dreg:$0x4] =	wrdreg $0xA9000  }
0xb1: {  	[dreg:$0x5] =	wrdreg $0x9  }
0xb2: {  	_ =	task.clear_ibuf [dreg:s7], $0x6FFFF;
	_ =	strace $0x9000004F  }
0xb3: {  	s29 =	simm.s32 $0x9;
	_ =	strace $0x80000051  }
0xb4: {  	_ =	swait.ge [sflag:s29], $0x1  }
0xb5: {  	[sflag:s29] =	ssyncadd.s32 $0xFFFFFFFF  }
0xb6: {  	_ =	strace $0x90000051  }
0xb7: {  	_ =	sfence  }
0xb8: {  	s30 =	sld [smem:$0x0];
	_ =	sdelay $0x2  }
0xb9: {  	s31 =	sshll.u32 s1, $0xD;
	s1 =	sshrl.u32 s1, $0x2  }
0xba: {  	s3 =	sand.u32 $0x4000, s31;
	s1 =	sadd.s32 s1, s30  }
0xbb: {  	s0 =	sor.u32 s3, s0;
	s1 =	sshll.u32 s1, $0x11  }
0xbc: {  	s0 =	sor.u32 s1, s0  }
0xbd: {  	s0 =	sadd.s32 $0x8F2B, s0  }
0xbe: {  	[sflag:s0] =	ssyncadd.remote.s32 $0x1  }
0xbf: {  	_ =	sfence.sel $0xFFFF  }
0xc0: {  	[dreg:$0x0] =	wrdreg $0xFFFFFFFF;
	(pc) =	sbr.abs _section_cstart, $3  }
0xc1: {  	[dreg:$0x1] =	wrdreg $0xFFFFFFFF  }
0xc2: {  	_ =	task.clear_ibuf [dreg:s7], $0x2FFFF;
	_ =	strace $0x9FFFFFFF  }
0xc3: {  	(tm) =	ssettm $0x7FFFFFFF  }
tec
execute0_lowered:
.L_overlay_start_1:
0x0: {  	(tag) =	ssettag $0x1  }
0x1: {  	s0 =	srdreg.scid;
	s1 =	rddreg [dreg:$0x0]  }
0x2: {  	s13 =	stileid.u32;
	s7 =	rddreg [dreg:$0x1];
	s4 =	simm.s32 $0x0  }
0x3: {  	s15 =	simm.s32 $0x66;
	s28 =	simm.s32 $0x80;
	s29 =	simm.s32 $0x1  }
0x4: {  	s30 =	simm.s32 $0x2;
	s31 =	simm.s32 $0x3;
	s0 =	sand.u32 $0x1, s0  }
0x5: {  	[smem:$0x7FF] =	sst s4;
	s5 =	sadd.s32 $0x37C00, s1;
	s11 =	smul.u32 $0x50000, s13  }
0x6: {  	s6 =	sadd.s32 $0x2AC00, s1;
	s16 =	smul.u32 $0x14000, s13;
	s2 =	sshll.u32 s0, $0x4  }
0x7: {  	s10 =	ssub.s32 $0x2, s0;
	s19 =	smul.u32 $0x140000, s0;
	p0 =	seq.s32 s0, $0x0  }
0x8: {  	s3 =	sor.u32 s13, s2;
	s2 =	rddreg [dreg:$0x2];
	_ =	strace $0x80000050  }
0x9: {  	s12 =	sshrl.u32 s10, $0x1;
	s23 =	sshrl.u32 s11, $0x2;
	s24 =	sadd.s32 $0x4000, s16  }
0xa: {  	s25 =	sadd.s32 $0x8000, s16;
	s26 =	sadd.s32 $0xC000, s16;
	s18 =	sadd.s32 $0x10000, s16  }
0xb: {  	s15 =	simm.s32 @!p0 $0x38;
	s3 =	smul.u32 $0x3400, s3;
	s17 =	ssub.s32 s10, s12  }
0xc: {  	s10 =	sadd.s32 s23, s2;
	s11 =	sadd.s32 s24, s2;
	s12 =	sadd.s32 s25, s2  }
0xd: {  	s13 =	sadd.s32 s26, s2;
	s14 =	sadd.s32 s18, s2;
	s20 =	sadd.s32 s16, s19  }
0xe: {  	s16 =	sshrl.u32 s15, $0x1;
	s23 =	sadd.s32 s19, s26;
	s8 =	sshrl.u32 s3, $0x3  }
0xf: {  	s0 =	sshrl.u32 s20, $0x3;
	s9 =	sadd.s32 s8, s1;
	s1 =	sadd.s32 $0x5FC00, s1  }
0x10: {  	s7 =	sadd.s32 s7, s8;
	s22 =	sadd.s32 s6, s8;
	s8 =	sadd.s32 s19, s24  }
0x11: {  	s24 =	sadd.s32 s19, s18;
	s9 =	sadd.s32 $0x1DC00, s9;
	[dreg:$0x5] =	wrdreg s7  }
0x12: {  	[dreg:$0x6] =	wrdreg s22;
	s0 =	sadd.s32 s1, s0;
	s21 =	sshrl.u32 s8, $0x3  }
0x13: {  	s22 =	sadd.s32 s19, s25;
	s7 =	sshrl.u32 s23, $0x3;
	[dreg:$0x4] =	wrdreg s9  }
0x14: {  	s26 =	sshrl.u32 s24, $0x3;
	[dreg:$0x7] =	wrdreg s0;
	s0 =	sadd.s32 s1, s21  }
0x15: {  	s23 =	simm.s32 $0x4;
	s25 =	sadd.s32 s1, s7;
	[dreg:$0x8] =	wrdreg s0  }
0x16: {  	s24 =	simm.s32 $0x0;
	s0 =	sshrl.u32 s22, $0x3;
	[dreg:$0xa] =	wrdreg s25  }
0x17: {  	s22 =	smax.u32 s17, $0x1;
	s25 =	simm.s32 $0x6800;
	s0 =	sadd.s32 s1, s0  }
0x18: {  	[dreg:$0x9] =	wrdreg s0;
	s0 =	sadd.s32 s1, s26;
	s26 =	simm.s32 $0x6900  }
0x19: {  	v0 =	vimm.f32 $0.0e+00;
	s1 =	simm.s32 $0x6880;
	[dreg:$0xb] =	wrdreg s0;
	s0 =	simm.s32 $0x0  }
.LBB2_1:
0x1a: {  	s7 =	rddreg [dreg:$0x4]  }
0x1b: {  	[tilespmem:s4], [sflag:$0x4] =	stream.linear.gather [hbm4b:s7+s4], $0x3300, $0x38;
	[tilespmem:$0x1E900] =	vst v63  }
0x1c: {  	_ =	swait.ge [sflag:s23], $0x3300  }
0x1d: {  	[sflag:s23] =	ssyncset.done $0x0  }
0x1e: {  	s8 =	simm.s32 $0x3400;
	s20 =	rddreg [dreg:$0x5];
	[sflag:s23] =	ssyncadd.s32 $0xFFFFCD00  }
0x1f: {  	[tilespmem:s8], [sflag:$0x4] =	stream.linear.gather [hbm4b:s20+s4], $0x3300, $0x38;
	[tilespmem:$0x1E900] =	vst v63  }
0x20: {  	_ =	swait.ge [sflag:s23], $0x3300  }
0x21: {  	s7 =	simm.s32 $0x0;
	[sflag:s23] =	ssyncset.done $0x0  }
0x22: {  	s8 =	simm.s32 $0x200;
	s21 =	rddreg [dreg:$0x6];
	[sflag:s23] =	ssyncadd.s32 $0xFFFFCD00  }
0x23: {  	[tilespmem:s25], [sflag:$0x2] =	stream.linear.gather [hbm4b:s21+s4], $0x80, $0x38;
	[tilespmem:$0x1E900] =	vst v63  }
.LBB2_2:
0x24: {  	p0 =	sne.s32 s8, $0xFE00;
	[tilespmem:s7+$0x6970] =	vst v0  }
0x25: {  	[tilespmem:s7+$0x6900] =	vst v0  }
0x26: {  	[tilespmem:s7+$0x6910] =	vst v0  }
.Ltmp0:
0x27: {  	[tilespmem:s7+$0x6920] =	vst v0;
	(pc) =	sbr.rel @p0 .LBB2_2-.Ltmp0, $4  }
0x28: {  	[tilespmem:s7+$0x6930] =	vst v0  }
0x29: {  	[tilespmem:s7+$0x6940] =	vst v0  }
0x2a: {  	[tilespmem:s7+$0x6950] =	vst v0  }
0x2b: {  	[tilespmem:s7+$0x6960] =	vst v0;
	s7 =	sshra.s32 s8, $0x2;
	s8 =	sadd.s32 $0x200, s8  }
0x2c: {  	[tilespmem:s7+$0x6970] =	vst v0  }
0x2d: {  	[tilespmem:s7+$0x6900] =	vst v0  }
0x2e: {  	[tilespmem:s7+$0x6910] =	vst v0  }
0x2f: {  	[tilespmem:s7+$0x6920] =	vst v0  }
0x30: {  	[tilespmem:s7+$0x6930] =	vst v0  }
0x31: {  	[tilespmem:s7+$0x6940] =	vst v0  }
0x32: {  	[tilespmem:s7+$0x6950] =	vst v0  }
0x33: {  	[tilespmem:s7+$0x6960] =	vst v0  }
0x34: {  	[spmem:s10] =	stream.linear.scatter [tilespmem:s26], [sflag:$0x4], $0x4000, $0x38;
	[tilespmem:$0x1E900] =	vst v63  }
0x35: {  	_ =	swait.ge [sflag:s23], $0x4000  }
0x36: {  	[sflag:s23] =	ssyncset.done $0x0  }
0x37: {  	[sflag:s23] =	ssyncadd.s32 $0xFFFFC000  }
0x38: {  	[spmem:s11] =	stream.linear.scatter [tilespmem:s26], [sflag:$0x4], $0x4000, $0x38;
	[tilespmem:$0x1E900] =	vst v63  }
0x39: {  	_ =	swait.ge [sflag:s23], $0x4000  }
0x3a: {  	[sflag:s23] =	ssyncset.done $0x0  }
0x3b: {  	[sflag:s23] =	ssyncadd.s32 $0xFFFFC000  }
0x3c: {  	[spmem:s12] =	stream.linear.scatter [tilespmem:s26], [sflag:$0x4], $0x4000, $0x38;
	[tilespmem:$0x1E900] =	vst v63  }
0x3d: {  	_ =	swait.ge [sflag:s23], $0x4000  }
0x3e: {  	[sflag:s23] =	ssyncset.done $0x0  }
0x3f: {  	[sflag:s23] =	ssyncadd.s32 $0xFFFFC000  }
0x40: {  	[spmem:s13] =	stream.linear.scatter [tilespmem:s26], [sflag:$0x4], $0x4000, $0x38;
	[tilespmem:$0x1E900] =	vst v63  }
0x41: {  	_ =	swait.ge [sflag:s23], $0x4000  }
0x42: {  	[sflag:s23] =	ssyncset.done $0x0  }
0x43: {  	[sflag:s23] =	ssyncadd.s32 $0xFFFFC000  }
0x44: {  	[spmem:s14] =	stream.linear.scatter [tilespmem:s26], [sflag:$0x4], $0x4000, $0x38;
	[tilespmem:$0x1E900] =	vst v63  }
0x45: {  	_ =	swait.ge [sflag:s23], $0x4000  }
0x46: {  	[sflag:s23] =	ssyncset.done $0x0  }
0x47: {  	[sflag:s23] =	ssyncadd.s32 $0xFFFFC000  }
0x48: {  	s7 =	simm.s32 $0x0;
	[bflag:$0x0] =	sbarrier.arrive $0xFFFF  }
.LBB2_4:
0x49: {  	s9 =	sshll.u32 s7, $0x8;
	s8 =	sshllo.u32 s7, $0x1  }
0x4a: {  	[tilespmem:s26], [sflag:$0x1] =	stream.indirect.gather [hbm4b:s5+s28], $0x80, s9, s28, $0xb8;
	[tilespmem:$0x1E900] =	vst v63  }
0x4b: {  	p0 =	sge.u32 s8, s15  }
0x4c: {  	s17 =	sand.u32 @!p0 $0xFFFFFC00, s9;
	s18 =	sshll.u32 @!p0 s8, $0x7  }
0x4d: {  	s17 =	sadd.s32 @!p0 s3, s17;
	s18 =	sand.u32 @!p0 $0x380, s18  }
0x4e: {  	_ =	swait.ge [sflag:s29], $0x4000;
	s17 =	sor.u32 @!p0 s17, s18  }
0x4f: {  	s19 =	simm.s32 @!p0 $0x6880;
	[sflag:s29] =	ssyncset.done $0x0;
	s17 =	sshrl.u32 @!p0 s17, $0x3  }
0x50: {  	[sflag:s29] =	ssyncadd.s32 $0xFFFFC000;
	s18 =	simm.s32 @!p0 $0x0;
	s17 =	sadd.s32 @!p0 s6, s17  }
0x51: {  	[tilespmem:s19], [sflag:$0x3] =	stream.linear.gather @!p0 [hbm4b:s17+s18], $0x80, $0x38;
	[tilespmem:$0x1E900] =	vst v63  }
0x52: {  	_ =	swait.ge [sflag:s30], $0x80  }
0x53: {  	v1 =	vmov s24;
	[sflag:s30] =	ssyncset.done $0x0  }
0x54: {  	s17 =	simm.s32 $0x6940;
	[sflag:s30] =	ssyncadd.s32 $0xFFFFFF80  }
0x55: {  	v5 =	vld [tilespmem:s17+$0x30]  }
0x56: {  	v8 =	vld [tilespmem:s17+$0x10]  }
0x57: {  	v6 =	vld [tilespmem:s17+$0xFFFFFFC0]  }
0x58: {  	v2 =	vld.idx.msk [tilespmem:v1+s25+$0x0], $0xffff  }
0x59: {  	v10 =	vld [tilespmem:s17+$0xFFFFFFE0]  }
0x5a: {  	v1 =	vld [tilespmem:s17+$0xFFFFFFF0]  }
0x5b: {  	v3 =	vld [tilespmem:s17+$0x20]  }
0x5c: {  	v4 =	vld [tilespmem:s17+$0xFFFFFFD0]  }
0x5d: {  	v9 =	vmul.f32 v5, v2;
	v5 =	vld [tilespmem:s17+$0x0]  }
0x5e: {  	v7 =	vmul.f32 v6, v2  }
0x5f: {  	s20 =	simm.s32 $0x6940;
	s18 =	sshll.u32 s7, $0x1;
	s19 =	simm.s32 $0x1;
	v6 =	vmul.f32 v10, v2;
	v8 =	vmul.f32 v8, v2  }
.LBB2_5:
0x60: {  	p0 =	sne.s32 s19, $0x7F  }
0x61: {  	v4 =	vmul.f32 v4, v2;
	v3 =	vmul.f32 v3, v2;
	[tilespmem:s17+$0x30] =	vst v9;
	s20 =	sadd.s32 $0x80, s20;
	s21 =	smov.u32 s19;
	s19 =	sadd.s32 $0x1, s19  }
0x62: {  	[tilespmem:s17+$0xFFFFFFC0] =	vst v7;
	v7 =	vmul.f32 v1, v2;
	v2 =	vmul.f32 v5, v2  }
0x63: {  	[tilespmem:s17+$0x10] =	vst v8  }
0x64: {  	v5 =	vmov s21;
	[tilespmem:s17+$0xFFFFFFE0] =	vst v6  }
0x65: {  	v1 =	vld [tilespmem:s20+$0xFFFFFFF0];
	[tilespmem:s17+$0xFFFFFFF0] =	vst v7  }
0x66: {  	v6 =	vld [tilespmem:s20+$0x30];
	[tilespmem:s17+$0x0] =	vst v2  }
0x67: {  	v8 =	vld [tilespmem:s20+$0x10];
	[tilespmem:s17+$0x20] =	vst v3  }
0x68: {  	v7 =	vld [tilespmem:s20+$0xFFFFFFC0];
	[tilespmem:s17+$0xFFFFFFD0] =	vst v4;
	s17 =	smov.u32 s20  }
0x69: {  	v2 =	vld.idx.msk [tilespmem:v5+s25+$0x0], $0xffff  }
0x6a: {  	v10 =	vld [tilespmem:s20+$0xFFFFFFE0]  }
0x6b: {  	v3 =	vld [tilespmem:s20+$0x20]  }
.Ltmp1:
0x6c: {  	v4 =	vld [tilespmem:s20+$0xFFFFFFD0];
	(pc) =	sbr.rel @p0 .LBB2_5-.Ltmp1, $3  }
0x6d: {  	v5 =	vld [tilespmem:s20+$0x0];
	_ =	sdelay $0x1  }
0x6e: {  	v7 =	vmul.f32 v7, v2;
	v9 =	vmul.f32 v6, v2  }
0x6f: {  	v8 =	vmul.f32 v8, v2;
	v6 =	vmul.f32 v10, v2  }
0x70: {  	[tilespmem:s17+$0x30] =	vst v9  }
0x71: {  	[tilespmem:s17+$0xFFFFFFC0] =	vst v7  }
0x72: {  	v1 =	vmul.f32 v1, v2;
	[tilespmem:s17+$0x10] =	vst v8  }
0x73: {  	v3 =	vmul.f32 v3, v2;
	[tilespmem:s17+$0xFFFFFFE0] =	vst v6  }
0x74: {  	v5 =	vmul.f32 v5, v2;
	[tilespmem:s17+$0xFFFFFFF0] =	vst v1  }
0x75: {  	v1 =	vmul.f32 v4, v2;
	[tilespmem:s17+$0x20] =	vst v3  }
0x76: {  	[tilespmem:s17+$0x0] =	vst v5  }
0x77: {  	s9 =	sadd.s32 $0x3400, s9;
	[tilespmem:s17+$0xFFFFFFD0] =	vst v1  }
0x78: {  	[spmem:s2] =	stream.indirect.scatter.add.f32 [tilespmem:s26], [sflag:$0x4], $0x80, s9, s28, $0xb8;
	[tilespmem:$0x1E900] =	vst v63  }
0x79: {  	s9 =	sadd.s32 $0x2, s18  }
0x7a: {  	_ =	swait.ge [sflag:s23], $0x4000;
	p0 =	sge.u32 s9, s15  }
0x7b: {  	[sflag:s23] =	ssyncset.done $0x0;
	s9 =	sshll.u32 @!p0 s9, $0x7  }
0x7c: {  	s8 =	sshll.u32 s8, $0x7;
	[sflag:s23] =	ssyncadd.s32 $0xFFFFC000;
	s17 =	sand.u32 @!p0 $0x7FFFFC00, s9  }
0x7d: {  	[tilespmem:s26], [sflag:$0x1] =	stream.indirect.gather [hbm4b:s5+s28], $0x80, s8, s28, $0xb8;
	[tilespmem:$0x1E900] =	vst v63  }
0x7e: {  	s9 =	sand.u32 @!p0 $0x300, s9;
	s17 =	sadd.s32 @!p0 s3, s17  }
0x7f: {  	_ =	swait.ge [sflag:s29], $0x4000;
	s9 =	sor.u32 @!p0 s9, s17  }
0x80: {  	s18 =	simm.s32 @!p0 $0x6800;
	[sflag:s29] =	ssyncset.done $0x0;
	s9 =	sshrl.u32 @!p0 s9, $0x3  }
0x81: {  	s17 =	simm.s32 @!p0 $0x0;
	[sflag:s29] =	ssyncadd.s32 $0xFFFFC000;
	s9 =	sadd.s32 @!p0 s6, s9  }
0x82: {  	[tilespmem:s18], [sflag:$0x2] =	stream.linear.gather @!p0 [hbm4b:s9+s17], $0x80, $0x38;
	[tilespmem:$0x1E900] =	vst v63  }
0x83: {  	s21 =	simm.s32 $0x0;
	_ =	swait.ge [sflag:s31], $0x80  }
0x84: {  	v1 =	vmov s21;
	[sflag:s31] =	ssyncset.done $0x0  }
0x85: {  	s9 =	simm.s32 $0x6940;
	[sflag:s31] =	ssyncadd.s32 $0xFFFFFF80  }
0x86: {  	v5 =	vld [tilespmem:s9+$0x30]  }
0x87: {  	v8 =	vld [tilespmem:s9+$0x10]  }
0x88: {  	v6 =	vld [tilespmem:s9+$0xFFFFFFC0]  }
0x89: {  	v2 =	vld.idx.msk [tilespmem:v1+s1+$0x0], $0xffff  }
0x8a: {  	v10 =	vld [tilespmem:s9+$0xFFFFFFE0]  }
0x8b: {  	v1 =	vld [tilespmem:s9+$0xFFFFFFF0]  }
0x8c: {  	v3 =	vld [tilespmem:s9+$0x20]  }
0x8d: {  	v4 =	vld [tilespmem:s9+$0xFFFFFFD0]  }
0x8e: {  	v9 =	vmul.f32 v5, v2;
	v5 =	vld [tilespmem:s9+$0x0]  }
0x8f: {  	v7 =	vmul.f32 v6, v2  }
0x90: {  	s17 =	simm.s32 $0x1;
	s18 =	simm.s32 $0x6940;
	v6 =	vmul.f32 v10, v2;
	v8 =	vmul.f32 v8, v2  }
.LBB2_7:
0x91: {  	p0 =	sne.s32 s17, $0x7F  }
0x92: {  	v4 =	vmul.f32 v4, v2;
	v3 =	vmul.f32 v3, v2;
	[tilespmem:s9+$0x30] =	vst v9;
	s18 =	sadd.s32 $0x80, s18;
	s19 =	smov.u32 s17;
	s17 =	sadd.s32 $0x1, s17  }
0x93: {  	[tilespmem:s9+$0xFFFFFFC0] =	vst v7;
	v7 =	vmul.f32 v1, v2;
	v2 =	vmul.f32 v5, v2  }
0x94: {  	[tilespmem:s9+$0x10] =	vst v8  }
0x95: {  	v5 =	vmov s19;
	[tilespmem:s9+$0xFFFFFFE0] =	vst v6  }
0x96: {  	v1 =	vld [tilespmem:s18+$0xFFFFFFF0];
	[tilespmem:s9+$0xFFFFFFF0] =	vst v7  }
0x97: {  	v6 =	vld [tilespmem:s18+$0x30];
	[tilespmem:s9+$0x0] =	vst v2  }
0x98: {  	v8 =	vld [tilespmem:s18+$0x10];
	[tilespmem:s9+$0x20] =	vst v3  }
0x99: {  	v7 =	vld [tilespmem:s18+$0xFFFFFFC0];
	[tilespmem:s9+$0xFFFFFFD0] =	vst v4;
	s9 =	smov.u32 s18  }
0x9a: {  	v2 =	vld.idx.msk [tilespmem:v5+s1+$0x0], $0xffff  }
0x9b: {  	v10 =	vld [tilespmem:s18+$0xFFFFFFE0]  }
0x9c: {  	v3 =	vld [tilespmem:s18+$0x20]  }
.Ltmp2:
0x9d: {  	v4 =	vld [tilespmem:s18+$0xFFFFFFD0];
	(pc) =	sbr.rel @p0 .LBB2_7-.Ltmp2, $3  }
0x9e: {  	v5 =	vld [tilespmem:s18+$0x0];
	_ =	sdelay $0x1  }
0x9f: {  	v7 =	vmul.f32 v7, v2;
	v9 =	vmul.f32 v6, v2  }
0xa0: {  	v8 =	vmul.f32 v8, v2;
	v6 =	vmul.f32 v10, v2  }
0xa1: {  	[tilespmem:s9+$0x30] =	vst v9  }
0xa2: {  	[tilespmem:s9+$0xFFFFFFC0] =	vst v7  }
0xa3: {  	v1 =	vmul.f32 v1, v2;
	[tilespmem:s9+$0x10] =	vst v8  }
0xa4: {  	v3 =	vmul.f32 v3, v2;
	[tilespmem:s9+$0xFFFFFFE0] =	vst v6  }
0xa5: {  	v5 =	vmul.f32 v5, v2;
	[tilespmem:s9+$0xFFFFFFF0] =	vst v1  }
0xa6: {  	s7 =	sadd.s32 $0x1, s7;
	v1 =	vmul.f32 v4, v2;
	[tilespmem:s9+$0x20] =	vst v3  }
0xa7: {  	p0 =	sne.s32 s7, s16;
	[tilespmem:s9+$0x0] =	vst v5  }
.Ltmp3:
0xa8: {  	s8 =	sadd.s32 $0x3400, s8;
	[tilespmem:s9+$0xFFFFFFD0] =	vst v1;
	(pc) =	sbr.rel @p0 .LBB2_4-.Ltmp3, $4  }
0xa9: {  	[spmem:s2] =	stream.indirect.scatter.add.f32 [tilespmem:s26], [sflag:$0x4], $0x80, s8, s28, $0xb8;
	[tilespmem:$0x1E900] =	vst v63  }
0xaa: {  	_ =	swait.ge [sflag:s23], $0x4000  }
0xab: {  	[sflag:s23] =	ssyncset.done $0x0  }
0xac: {  	[sflag:s23] =	ssyncadd.s32 $0xFFFFC000  }
0xad: {  	s7 =	stileid.u32  }
0xae: {  	[bflag:$0x0] =	sbarrier.arrive $0xFFFF;
	s7 =	sshll.u32 s7, $0x6  }
0xaf: {  	s8 =	sshrl.u32 s10, $0x3;
	s9 =	rddreg [dreg:$0x7];
	s7 =	sor.u32 $0x1C04, s7  }
0xb0: {  	[hbm:s9], [sflag:s7] =	dma.local [spmem:s8], $0x800  }
0xb1: {  	_ =	swait.ge [sflag:s23], $0x800  }
0xb2: {  	[sflag:s23] =	ssyncset.done $0x0  }
0xb3: {  	s20 =	sshrl.u32 s11, $0x3;
	s21 =	rddreg [dreg:$0x8];
	[sflag:s23] =	ssyncadd.s32 $0xFFFFF800  }
0xb4: {  	[hbm:s21], [sflag:s7] =	dma.local [spmem:s20], $0x800  }
0xb5: {  	_ =	swait.ge [sflag:s23], $0x800  }
0xb6: {  	[sflag:s23] =	ssyncset.done $0x0  }
0xb7: {  	s9 =	sshrl.u32 s12, $0x3;
	s17 =	rddreg [dreg:$0x9];
	[sflag:s23] =	ssyncadd.s32 $0xFFFFF800  }
0xb8: {  	[hbm:s17], [sflag:s7] =	dma.local [spmem:s9], $0x800  }
0xb9: {  	_ =	swait.ge [sflag:s23], $0x800  }
0xba: {  	[sflag:s23] =	ssyncset.done $0x0  }
0xbb: {  	s18 =	sshrl.u32 s13, $0x3;
	s19 =	rddreg [dreg:$0xa];
	[sflag:s23] =	ssyncadd.s32 $0xFFFFF800  }
0xbc: {  	[hbm:s19], [sflag:s7] =	dma.local [spmem:s18], $0x800  }
0xbd: {  	s0 =	sadd.s32 $0x1, s0;
	_ =	swait.ge [sflag:s23], $0x800  }
0xbe: {  	p0 =	sne.s32 s0, s22;
	s20 =	sshrl.u32 s14, $0x3;
	[sflag:s23] =	ssyncset.done $0x0  }
.Ltmp4:
0xbf: {  	s21 =	rddreg [dreg:$0xb];
	[sflag:s23] =	ssyncadd.s32 $0xFFFFF800;
	(pc) =	sbr.rel @p0 .LBB2_1-.Ltmp4, $4  }
0xc0: {  	[hbm:s21], [sflag:s7] =	dma.local [spmem:s20], $0x800  }
0xc1: {  	_ =	swait.ge [sflag:s23], $0x800  }
0xc2: {  	[sflag:s23] =	ssyncset.done $0x0  }
0xc3: {  	[sflag:s23] =	ssyncadd.s32 $0xFFFFF800  }
0xc4: {  	_ =	sfence.sel $0x180000  }
0xc5: {  	[bflag:$0x0] =	sbarrier.arrive $0xFFFF  }
0xc6: {  	_ =	strace $0x90000050  }
0xc7: {  	s0 =	stileid.u32;
	[bflag:$0x2] =	sbarrier.arrive $0xFFFF  }
0xc8: {  	p0 =	sne.s32 s0, $0x0;
	s0 =	rddreg [dreg:$0x3]  }
0xc9: {  	s0 =	sadd.s32 @!p0 $0x100000, s0  }
0xca: {  	[sflag:s0] =	ssyncadd.tile.s32 @!p0 $0x1;
	_ =	shalt  }
.Lfunc_end2:
_tile_overlayer_lowered:
.L_overlay_start_2:
0xcb: {  	(tag) =	ssettag $0x2  }
0xcc: {  	s0 =	rddreg [dreg:$0x0];
	s2 =	stileid.u32  }
0xcd: {  	s1 =	rddreg [dreg:$0x1];
	p0 =	sne.s32 s2, $0x0  }
0xce: {  	s3 =	rddreg [dreg:$0x2];
	[bflag:$0x3] =	sbarrier.arrive $0xFFFF;
	s2 =	simm.s32 @!p0 $0x1C04  }
0xcf: {  	[timem:s3], [sflag:s2] =	dma.local @!p0 [hbm:s0], s1  }
0xd0: {  	s0 =	simm.s32 @!p0 $0x4  }
0xd1: {  	_ =	swait.ge @!p0 [sflag:s0], s1  }
0xd2: {  	s1 =	ssub.s32 @!p0 $0x0, s1;
	[sflag:s0] =	ssyncset.done @!p0 $0x0  }
0xd3: {  	[sflag:s0] =	ssyncadd.s32 @!p0 s1  }
0xd4: {  	[bflag:$0x3] =	sbarrier.arrive $0xFFFF  }
0xd5: {  	_ =	shalt  }

</sc_bundles>
